<compile_context>
chip_gen: v7x
topology: tpu7x:2x2x1
jax: 0.10.2.dev20260603
libtpu: 0.0.44.dev20260713+nightly
codegen_flags: <defaults>
</compile_context>

<pallas_src>
import jax
import jax.numpy as jnp
from jax import lax
from jax.experimental import pallas as pl
from jax.experimental.pallas import tpu as pltpu
from jax.experimental.pallas import tpu_sc as plsc

SC_CORES = 2
SC_SUBCORES = 16
SC_WORKERS = SC_CORES * SC_SUBCORES
SC_LANES = 16

NPF = 4
KNN = 5
F_SRC = 2048
N_PTS = F_SRC * NPF
N_TGT = 4096
BLK_P = 512
BLK_F = BLK_P // NPF
GRID = N_PTS // BLK_P

IDX_BITS = 11
IDX_MASK = (1 << IDX_BITS) - 1


def _dense_body(px_ref, pxb_ref, sb_ref, sbb_ref, pc_ref, py_ref,
                sx_ref, sxbt_ref, ty_ref, tybt_ref, pr_ref, out_ref):
    b = pl.program_id(0)
    px = px_ref[...]
    sb = sb_ref[...]
    pc = pc_ref[...]
    py = py_ref[...]
    pr = pr_ref[...]

    px2 = jnp.zeros((BLK_P, 1), jnp.float32)
    sx2 = jnp.zeros((1, F_SRC), jnp.float32)
    sb2 = jnp.zeros((BLK_F, 1), jnp.float32)
    ty2 = jnp.zeros((1, N_TGT), jnp.float32)
    for c in range(3):
        px2 = px2 + px[:, c:c + 1] * px[:, c:c + 1]
        sxc = sx_ref[c:c + 1, :]
        sx2 = sx2 + sxc * sxc
        sb2 = sb2 + sb[:, c:c + 1] * sb[:, c:c + 1]
        tyc = ty_ref[c:c + 1, :]
        ty2 = ty2 + tyc * tyc

    cross = jnp.dot(pxb_ref[...], sxbt_ref[...],
                    preferred_element_type=jnp.float32)
    d = jnp.maximum(px2 + sx2 - 2.0 * cross, 0.0)

    ii = lax.broadcasted_iota(jnp.int32, (BLK_P, F_SRC), 1)
    key = ((d.view(jnp.int32) & ~IDX_MASK) | ii).view(jnp.float32)
    face_col = (lax.broadcasted_iota(jnp.int32, (BLK_P, 1), 0) + b * BLK_P) // NPF
    tot = jnp.zeros((BLK_P, 1), jnp.float32)
    s_self = jnp.zeros((BLK_P, 1), jnp.float32)
    has_self = jnp.zeros((BLK_P, 1), jnp.bool_)
    last_pd = jnp.zeros((BLK_P, 1), jnp.float32)
    inf = jnp.float32(jnp.inf)
    for i in range(KNN + 1):
        kmin = jnp.min(key, axis=1, keepdims=True)
        oh = key == kmin
        p = jnp.sum(jnp.where(oh, pr, 0.0), axis=1, keepdims=True)
        kbits = kmin.view(jnp.int32)
        dq = (kbits & ~IDX_MASK).view(jnp.float32)
        idx = kbits & IDX_MASK
        pd = p * dq
        tot = tot + pd
        selfhit = idx == face_col
        s_self = s_self + jnp.where(selfhit, pd, 0.0)
        has_self = has_self | selfhit
        if i == KNN:
            last_pd = pd
        else:
            key = jnp.where(oh, inf, key)
    mean_term = jnp.where(has_self, tot - s_self, tot - last_pd) * (1.0 / KNN)

    ct = jnp.dot(pxb_ref[...], tybt_ref[...],
                 preferred_element_type=jnp.float32)
    dt = jnp.maximum(px2 + ty2 - 2.0 * ct, 0.0)
    mt = jnp.min(dt, axis=1, keepdims=True)
    cf = jnp.dot(sbb_ref[...], tybt_ref[...],
                 preferred_element_type=jnp.float32)
    df = jnp.maximum(sb2 + ty2 - 2.0 * cf, 0.0)
    fmin = jnp.min(df, axis=1, keepdims=True)

    rev = jnp.sum(py * mt + (1.0 - py) * mean_term)
    fwd = jnp.sum(pc * fmin)

    @pl.when(b == 0)
    def _():
        out_ref[...] = jnp.zeros((1, 1), jnp.float32)

    out_ref[...] += (rev + fwd).reshape(1, 1)


def _dense_loss(px, pxb, sb_col, sbb, pc_col, py_col, sx_row, sxbt, ty_row,
                tybt, pr_row):
    return pl.pallas_call(
        _dense_body,
        grid=(GRID,),
        in_specs=[
            pl.BlockSpec((BLK_P, 128), lambda b: (b, 0)),
            pl.BlockSpec((BLK_P, 128), lambda b: (b, 0)),
            pl.BlockSpec((BLK_F, 128), lambda b: (b, 0)),
            pl.BlockSpec((BLK_F, 128), lambda b: (b, 0)),
            pl.BlockSpec((BLK_F, 1), lambda b: (b, 0)),
            pl.BlockSpec((BLK_P, 1), lambda b: (b, 0)),
            pl.BlockSpec((8, F_SRC), lambda b: (0, 0)),
            pl.BlockSpec((128, F_SRC), lambda b: (0, 0)),
            pl.BlockSpec((8, N_TGT), lambda b: (0, 0)),
            pl.BlockSpec((128, N_TGT), lambda b: (0, 0)),
            pl.BlockSpec((1, F_SRC), lambda b: (0, 0)),
        ],
        out_specs=pl.BlockSpec((1, 1), lambda b: (0, 0)),
        out_shape=jax.ShapeDtypeStruct((1, 1), jnp.float32),
    )(px, pxb, sb_col, sbb, pc_col, py_col, sx_row, sxbt, ty_row, tybt, pr_row)


def _sc_body(sv_h, tv_h, sf_h, tf_h, w_h, sb_h, pt_h, tb_h,
             sv_v, tv_v, sf_v, tf_v, w_v, bb_v, pp_v, tb_v):
    wid = lax.axis_index("s") * SC_CORES + lax.axis_index("c")
    pltpu.sync_copy(sv_h, sv_v)
    pltpu.sync_copy(tv_h, tv_v)
    pltpu.sync_copy(sf_h, sf_v)
    pltpu.sync_copy(tf_h, tf_v)
    pltpu.sync_copy(w_h, w_v)

    f_per_w = F_SRC // SC_WORKERS
    t_per_w = N_TGT // SC_WORKERS
    base = wid * f_per_w
    third = jnp.float32(1.0 / 3.0)
    for u in range(f_per_w // SC_LANES):
        o = base + u * SC_LANES
        f1 = sf_v[0, pl.ds(o, SC_LANES)]
        f2 = sf_v[1, pl.ds(o, SC_LANES)]
        f3 = sf_v[2, pl.ds(o, SC_LANES)]
        for c in range(3):
            cc = jnp.full((SC_LANES,), c, jnp.int32)
            v1 = plsc.load_gather(sv_v, [f1 * 3 + cc])
            v2 = plsc.load_gather(sv_v, [f2 * 3 + cc])
            v3 = plsc.load_gather(sv_v, [f3 * 3 + cc])
            bb_v[c, pl.ds(u * SC_LANES, SC_LANES)] = (v1 + v2 + v3) * third
            for j in range(NPF):
                w1c = w_v[0, j, pl.ds(o, SC_LANES)]
                w2c = w_v[1, j, pl.ds(o, SC_LANES)]
                w3c = w_v[2, j, pl.ds(o, SC_LANES)]
                pp_v[c, j, pl.ds(u * SC_LANES, SC_LANES)] = (
                    w1c * v1 + w2c * v2 + w3c * v3)
    for c in range(3):
        pltpu.sync_copy(bb_v.at[c], sb_h.at[pl.ds(c * F_SRC + base, f_per_w)])
        for j in range(NPF):
            pltpu.sync_copy(pp_v.at[c, j],
                            pt_h.at[pl.ds((c * NPF + j) * F_SRC + base, f_per_w)])

    tbase = wid * t_per_w
    for u in range(t_per_w // SC_LANES):
        o = tbase + u * SC_LANES
        t1 = tf_v[0, pl.ds(o, SC_LANES)]
        t2 = tf_v[1, pl.ds(o, SC_LANES)]
        t3 = tf_v[2, pl.ds(o, SC_LANES)]
        for c in range(3):
            cc = jnp.full((SC_LANES,), c, jnp.int32)
            g = (plsc.load_gather(tv_v, [t1 * 3 + cc])
                 + plsc.load_gather(tv_v, [t2 * 3 + cc])
                 + plsc.load_gather(tv_v, [t3 * 3 + cc]))
            tb_v[c, pl.ds(u * SC_LANES, SC_LANES)] = g * third
    for c in range(3):
        pltpu.sync_copy(tb_v.at[c], tb_h.at[pl.ds(c * N_TGT + tbase, t_per_w)])


def _sc_gather(svr, tvr, sft, tft, wst):
    n_sv = svr.shape[0]
    n_tv = tvr.shape[0]
    fn = pl.kernel(
        _sc_body,
        out_type=[
            jax.ShapeDtypeStruct((3 * F_SRC,), jnp.float32),
            jax.ShapeDtypeStruct((3 * NPF * F_SRC,), jnp.float32),
            jax.ShapeDtypeStruct((3 * N_TGT,), jnp.float32),
        ],
        mesh=plsc.VectorSubcoreMesh(core_axis_name="c", subcore_axis_name="s"),
        compiler_params=pltpu.CompilerParams(needs_layout_passes=False),
        scratch_types=[
            pltpu.VMEM((n_sv * 3,), jnp.float32),
            pltpu.VMEM((n_tv * 3,), jnp.float32),
            pltpu.VMEM((3, F_SRC), jnp.int32),
            pltpu.VMEM((3, N_TGT), jnp.int32),
            pltpu.VMEM((3, NPF, F_SRC), jnp.float32),
            pltpu.VMEM((3, F_SRC // SC_WORKERS), jnp.float32),
            pltpu.VMEM((3, NPF, F_SRC // SC_WORKERS), jnp.float32),
            pltpu.VMEM((3, N_TGT // SC_WORKERS), jnp.float32),
        ],
    )
    sb_f, pt_f, tb_f = fn(svr.reshape(-1), tvr.reshape(-1), sft, tft, wst)
    return (sb_f.reshape(3, F_SRC), pt_f.reshape(3, NPF, F_SRC),
            tb_f.reshape(3, N_TGT))


def _sample_weights():
    rk = jax.random.key(42)
    r1 = jnp.sqrt(jax.random.uniform(jax.random.fold_in(rk, 0), (F_SRC, NPF), dtype=jnp.float32))
    r2 = jax.random.uniform(jax.random.fold_in(rk, 1), (F_SRC, NPF), dtype=jnp.float32)
    w1 = 1.0 - r1
    w2 = r1 * (1.0 - r2)
    w3 = r1 * r2
    return w1, w2, w3


def kernel(source_vertices, source_faces, target_vertices, target_faces, face_probs):
    sv = source_vertices[0]
    tv = target_vertices[0]
    sf = source_faces.astype(jnp.int32)
    tf = target_faces.astype(jnp.int32)
    w1, w2, w3 = _sample_weights()

    wst = jnp.stack([w1.T, w2.T, w3.T])
    sb_t, pt_t, tb_t = _sc_gather(sv, tv, sf.T, tf, wst)
    points = jnp.transpose(pt_t, (2, 1, 0)).reshape(N_PTS, 3)

    px = jnp.zeros((N_PTS, 128), jnp.float32).at[:, 0:3].set(points)
    sb_col = jnp.zeros((F_SRC, 128), jnp.float32).at[:, 0:3].set(sb_t.T)
    sx_row = jnp.zeros((8, F_SRC), jnp.float32).at[0:3, :].set(sb_t)
    ty_row = jnp.zeros((8, N_TGT), jnp.float32).at[0:3, :].set(tb_t)
    sxbt = jnp.zeros((128, F_SRC), jnp.bfloat16).at[0:3, :].set(
        sb_t.astype(jnp.bfloat16))
    tybt = jnp.zeros((128, N_TGT), jnp.bfloat16).at[0:3, :].set(
        tb_t.astype(jnp.bfloat16))
    pxb = px.astype(jnp.bfloat16)
    sbb = sb_col.astype(jnp.bfloat16)
    pr_row = face_probs[None, :]
    pc_col = face_probs[:, None]
    py_col = jnp.repeat(face_probs, NPF)[:, None]

    loss = _dense_loss(px, pxb, sb_col, sbb, pc_col, py_col, sx_row, sxbt,
                       ty_row, tybt, pr_row)
    return loss[0, 0]

# --- scband reference (transcript-rebuilt; emitter-appended) ---
"""Pipeline reference for scband-probabilistic-surface-distance-16166256902864 (READ-ONLY COPY).

The authoritative reference and input builder live on the scoring server;
editing this copy changes nothing except your own understanding.
"""

import jax, jax.numpy as jnp
import numpy as np

NUM_POINTS_PER_FACE = 4
K = 5


def _sqdist(x, y):
    xx = jnp.sum(x * x, axis=1)[:, None]
    yy = jnp.sum(y * y, axis=1)[None, :]
    d = xx + yy - 2.0 * (x @ y.T)
    return jnp.maximum(d, 0.0)


def setup_inputs(seed: int = 0) -> dict:
    key = jax.random.key(seed)
    ks = jax.random.split(key, 5)
    source_vertices = jax.random.normal(ks[0], (1, 5000, 3), dtype=jnp.float32)
    source_faces = jax.random.randint(ks[1], (2048, 3), 0, 5000)
    target_vertices = jax.random.normal(ks[2], (1, 8192, 3), dtype=jnp.float32)
    target_faces = jax.random.randint(ks[3], (3, 4096), 0, 8192)
    face_probs = jax.random.uniform(ks[4], (2048,), dtype=jnp.float32)
    return {"source_vertices": source_vertices, "source_faces": source_faces,
            "target_vertices": target_vertices, "target_faces": target_faces,
            "face_probs": face_probs}


def reference(source_vertices, source_faces, target_vertices, target_faces, face_probs):
    k = K
    npf = NUM_POINTS_PER_FACE
    sv = source_vertices[0]
    tv = target_vertices[0]
    tf = target_faces.T
    src_bary = sv[source_faces].mean(axis=1)
    tgt_bary = tv[tf].mean(axis=1)
    # forward loss: prob-weighted min squared distance to target barycenters
    D_fwd = _sqdist(src_bary, tgt_bary)
    min_d = jnp.min(D_fwd, axis=1)
    forward_loss = jnp.sum(face_probs * min_d)
    # sample points on source triangles (barycentric sampling)
    F = source_faces.shape[0]
    rk = jax.random.key(42)
    r1 = jnp.sqrt(jax.random.uniform(jax.random.fold_in(rk, 0), (F, npf), dtype=jnp.float32))
    r2 = jax.random.uniform(jax.random.fold_in(rk, 1), (F, npf), dtype=jnp.float32)
    w1 = 1.0 - r1
    w2 = r1 * (1.0 - r2)
    w3 = r1 * r2
    v1 = sv[source_faces[:, 0]]
    v2 = sv[source_faces[:, 1]]
    v3 = sv[source_faces[:, 2]]
    points = (w1[..., None] * v1[:, None, :] + w2[..., None] * v2[:, None, :]
              + w3[..., None] * v3[:, None, :]).reshape(-1, 3)
    point_faces = jnp.repeat(jnp.arange(F), npf)
    py = face_probs[point_faces]
    # k+1 nearest source-triangle barycenters per sampled point
    D_src = _sqdist(points, src_bary)
    neg_d, tri_idx = jax.lax.top_k(-D_src, k + 1)
    tri_d = -neg_d
    mask = tri_idx != point_faces[:, None]
    has_self = jnp.any(~mask, axis=1)
    prod = face_probs[tri_idx] * tri_d
    sum_masked = jnp.sum(prod * mask, axis=1)
    sum_first = jnp.sum(prod[:, :k], axis=1)
    mean_term = jnp.where(has_self, sum_masked, sum_first) / float(k)
    min_tgt = jnp.min(_sqdist(points, tgt_bary), axis=1)
    reverse_loss = jnp.sum(py * min_tgt + (1.0 - py) * mean_term)
    return forward_loss + reverse_loss

if __name__ == "__main__":
    import jax
    _d = setup_inputs()
    print(jax.jit(kernel)(*tuple(_d.values())))

</pallas_src>

<mosaic_0001>
#map = affine_map<(d0, d1) -> (0)>
#map1 = affine_map<(d0, d1) -> (0, 0)>
#map2 = affine_map<(d0, d1) -> (0, 0, 0)>
module attributes {stable_mosaic.version = 14 : i64} {
  func.func @_sc_body(%arg0: i32, %arg1: i32, %arg2: memref<15000xf32, #tpu.memory_space<hbm>>, %arg3: memref<24576xf32, #tpu.memory_space<hbm>>, %arg4: memref<3x2048xi32, #tpu.memory_space<hbm>>, %arg5: memref<3x4096xi32, #tpu.memory_space<hbm>>, %arg6: memref<3x4x2048xf32, #tpu.memory_space<hbm>>, %arg7: memref<6144xf32, #tpu.memory_space<hbm>>, %arg8: memref<24576xf32, #tpu.memory_space<hbm>>, %arg9: memref<12288xf32, #tpu.memory_space<hbm>>, %arg10: memref<15000xf32, #tpu.memory_space<vmem>>, %arg11: memref<24576xf32, #tpu.memory_space<vmem>>, %arg12: memref<3x2048xi32, #tpu.memory_space<vmem>>, %arg13: memref<3x4096xi32, #tpu.memory_space<vmem>>, %arg14: memref<3x4x2048xf32, #tpu.memory_space<vmem>>, %arg15: memref<3x64xf32, #tpu.memory_space<vmem>>, %arg16: memref<3x4x64xf32, #tpu.memory_space<vmem>>, %arg17: memref<3x128xf32, #tpu.memory_space<vmem>>) attributes {dimension_semantics = [#tpu.dimension_semantics<core_parallel>, #tpu.dimension_semantics<subcore_parallel>], iteration_bounds = array<i64: 2, 16>, scalar_prefetch = 0 : i64, scratch_operands = 8 : i64, tpu.core_type = #tpu.core_type<sc_vector_subcore>, window_params = [{transform_indices = #map}, {transform_indices = #map}, {transform_indices = #map1}, {transform_indices = #map1}, {transform_indices = #map2}, {transform_indices = #map}, {transform_indices = #map}, {transform_indices = #map}]} {
    %mul3A = arith.constant 2 : i32
    %mul3A_0 = arith.muli %arg1, %mul3A : i32
    %add3A = arith.addi %mul3A_0, %arg0 : i32
    "tpu.region"() ({
      %run_scoped3A_2562 = tpu.sem_alloc : memref<!tpu.dma_semaphore, #tpu.memory_space<semaphore_mem>>
      tpu.enqueue_dma source(%arg2 : memref<15000xf32, #tpu.memory_space<hbm>>) target(%arg10 : memref<15000xf32, #tpu.memory_space<vmem>>) target_semaphore(%run_scoped3A_2562 : memref<!tpu.dma_semaphore, #tpu.memory_space<semaphore_mem>>)
      tpu.wait_dma2 semaphore(%run_scoped3A_2562 : memref<!tpu.dma_semaphore, #tpu.memory_space<semaphore_mem>>) src(%arg2 : memref<15000xf32, #tpu.memory_space<hbm>>) dst(%arg10 : memref<15000xf32, #tpu.memory_space<vmem>>)
      tpu.yield
    }) : () -> ()
    "tpu.region"() ({
      %run_scoped3A_2562 = tpu.sem_alloc : memref<!tpu.dma_semaphore, #tpu.memory_space<semaphore_mem>>
      tpu.enqueue_dma source(%arg3 : memref<24576xf32, #tpu.memory_space<hbm>>) target(%arg11 : memref<24576xf32, #tpu.memory_space<vmem>>) target_semaphore(%run_scoped3A_2562 : memref<!tpu.dma_semaphore, #tpu.memory_space<semaphore_mem>>)
      tpu.wait_dma2 semaphore(%run_scoped3A_2562 : memref<!tpu.dma_semaphore, #tpu.memory_space<semaphore_mem>>) src(%arg3 : memref<24576xf32, #tpu.memory_space<hbm>>) dst(%arg11 : memref<24576xf32, #tpu.memory_space<vmem>>)
      tpu.yield
    }) : () -> ()
    "tpu.region"() ({
      %run_scoped3A_2562 = tpu.sem_alloc : memref<!tpu.dma_semaphore, #tpu.memory_space<semaphore_mem>>
      tpu.enqueue_dma source(%arg4 : memref<3x2048xi32, #tpu.memory_space<hbm>>) target(%arg12 : memref<3x2048xi32, #tpu.memory_space<vmem>>) target_semaphore(%run_scoped3A_2562 : memref<!tpu.dma_semaphore, #tpu.memory_space<semaphore_mem>>)
      tpu.wait_dma2 semaphore(%run_scoped3A_2562 : memref<!tpu.dma_semaphore, #tpu.memory_space<semaphore_mem>>) src(%arg4 : memref<3x2048xi32, #tpu.memory_space<hbm>>) dst(%arg12 : memref<3x2048xi32, #tpu.memory_space<vmem>>)
      tpu.yield
    }) : () -> ()
    "tpu.region"() ({
      %run_scoped3A_2562 = tpu.sem_alloc : memref<!tpu.dma_semaphore, #tpu.memory_space<semaphore_mem>>
      tpu.enqueue_dma source(%arg5 : memref<3x4096xi32, #tpu.memory_space<hbm>>) target(%arg13 : memref<3x4096xi32, #tpu.memory_space<vmem>>) target_semaphore(%run_scoped3A_2562 : memref<!tpu.dma_semaphore, #tpu.memory_space<semaphore_mem>>)
      tpu.wait_dma2 semaphore(%run_scoped3A_2562 : memref<!tpu.dma_semaphore, #tpu.memory_space<semaphore_mem>>) src(%arg5 : memref<3x4096xi32, #tpu.memory_space<hbm>>) dst(%arg13 : memref<3x4096xi32, #tpu.memory_space<vmem>>)
      tpu.yield
    }) : () -> ()
    "tpu.region"() ({
      %run_scoped3A_2562 = tpu.sem_alloc : memref<!tpu.dma_semaphore, #tpu.memory_space<semaphore_mem>>
      tpu.enqueue_dma source(%arg6 : memref<3x4x2048xf32, #tpu.memory_space<hbm>>) target(%arg14 : memref<3x4x2048xf32, #tpu.memory_space<vmem>>) target_semaphore(%run_scoped3A_2562 : memref<!tpu.dma_semaphore, #tpu.memory_space<semaphore_mem>>)
      tpu.wait_dma2 semaphore(%run_scoped3A_2562 : memref<!tpu.dma_semaphore, #tpu.memory_space<semaphore_mem>>) src(%arg6 : memref<3x4x2048xf32, #tpu.memory_space<hbm>>) dst(%arg14 : memref<3x4x2048xf32, #tpu.memory_space<vmem>>)
      tpu.yield
    }) : () -> ()
    %mul3A_1 = arith.constant 64 : i32
    %mul3A_2 = arith.muli %add3A, %mul3A_1 : i32
    %add3A_3 = arith.constant 0 : i32
    %add3A_4 = arith.addi %mul3A_2, %add3A_3 : i32
    %get3A = arith.constant 0 : i32
    %get3A_5 = arith.index_cast %get3A : i32 to index
    %get3A_6 = arith.index_cast %add3A_4 : i32 to index
    %get3A_7 = tpu.vector_load %arg12[%get3A_5, %get3A_6] {strides = array<i32>} : memref<3x2048xi32, #tpu.memory_space<vmem>>, vector<16xi32>,
    %get3A_8 = arith.constant 1 : i32
    %get3A_9 = arith.index_cast %get3A_8 : i32 to index
    %get3A_10 = arith.index_cast %add3A_4 : i32 to index
    %get3A_11 = tpu.vector_load %arg12[%get3A_9, %get3A_10] {strides = array<i32>} : memref<3x2048xi32, #tpu.memory_space<vmem>>, vector<16xi32>,
    %get3A_12 = arith.constant 2 : i32
    %get3A_13 = arith.index_cast %get3A_12 : i32 to index
    %get3A_14 = arith.index_cast %add3A_4 : i32 to index
    %get3A_15 = tpu.vector_load %arg12[%get3A_13, %get3A_14] {strides = array<i32>} : memref<3x2048xi32, #tpu.memory_space<vmem>>, vector<16xi32>,
    %broadcast_in_dim3A = arith.constant 0 : i32
    %broadcast_in_dim3A_16 = vector.broadcast %broadcast_in_dim3A : i32 to vector<16xi32>
    %mul3A_17 = arith.constant 3 : i32
    %mul3A_18 = vector.broadcast %mul3A_17 : i32 to vector<16xi32>
    %mul3A_19 = arith.muli %get3A_7, %mul3A_18 : vector<16xi32>
    %add3A_20 = arith.addi %mul3A_19, %broadcast_in_dim3A_16 : vector<16xi32>
    %gather3A = tpu.vector_load_idx %arg10[%add3A_20] : memref<15000xf32, #tpu.memory_space<vmem>>[vector<16xi32>], vector<16xf32>,
    %mul3A_21 = arith.constant 3 : i32
    %mul3A_22 = vector.broadcast %mul3A_21 : i32 to vector<16xi32>
    %mul3A_23 = arith.muli %get3A_11, %mul3A_22 : vector<16xi32>
    %add3A_24 = arith.addi %mul3A_23, %broadcast_in_dim3A_16 : vector<16xi32>
    %gather3A_25 = tpu.vector_load_idx %arg10[%add3A_24] : memref<15000xf32, #tpu.memory_space<vmem>>[vector<16xi32>], vector<16xf32>,
    %mul3A_26 = arith.constant 3 : i32
    %mul3A_27 = vector.broadcast %mul3A_26 : i32 to vector<16xi32>
    %mul3A_28 = arith.muli %get3A_15, %mul3A_27 : vector<16xi32>
    %add3A_29 = arith.addi %mul3A_28, %broadcast_in_dim3A_16 : vector<16xi32>
    %gather3A_30 = tpu.vector_load_idx %arg10[%add3A_29] : memref<15000xf32, #tpu.memory_space<vmem>>[vector<16xi32>], vector<16xf32>,
    %add3A_31 = arith.addf %gather3A, %gather3A_25 : vector<16xf32>
    %add3A_32 = arith.addf %add3A_31, %gather3A_30 : vector<16xf32>
    %mul3A_33 = arith.constant 0.333333343 : f32
    %mul3A_34 = vector.broadcast %mul3A_33 : f32 to vector<16xf32>
    %mul3A_35 = arith.mulf %add3A_32, %mul3A_34 : vector<16xf32>
    %swap3A = arith.constant 0 : i32
    %swap3A_36 = arith.index_cast %swap3A : i32 to index
    %swap3A_37 = arith.constant 0 : index
    %swap3A_38 = tpu.vector_load %arg15[%swap3A_36, %swap3A_37] {strides = array<i32>} : memref<3x64xf32, #tpu.memory_space<vmem>>, vector<16xf32>,
    tpu.vector_store %arg15[%swap3A_36, %swap3A_37], %mul3A_35 {strides = array<i32>} : memref<3x64xf32, #tpu.memory_space<vmem>>, vector<16xf32>,
    %get3A_39 = arith.constant 0 : i32
    %get3A_40 = arith.constant 0 : i32
    %get3A_41 = arith.index_cast %get3A_39 : i32 to index
    %get3A_42 = arith.index_cast %get3A_40 : i32 to index
    %get3A_43 = arith.index_cast %add3A_4 : i32 to index
    %get3A_44 = tpu.vector_load %arg14[%get3A_41, %get3A_42, %get3A_43] {strides = array<i32>} : memref<3x4x2048xf32, #tpu.memory_space<vmem>>, vector<16xf32>,
    %get3A_45 = arith.constant 1 : i32
    %get3A_46 = arith.constant 0 : i32
    %get3A_47 = arith.index_cast %get3A_45 : i32 to index
    %get3A_48 = arith.index_cast %get3A_46 : i32 to index
    %get3A_49 = arith.index_cast %add3A_4 : i32 to index
    %get3A_50 = tpu.vector_load %arg14[%get3A_47, %get3A_48, %get3A_49] {strides = array<i32>} : memref<3x4x2048xf32, #tpu.memory_space<vmem>>, vector<16xf32>,
    %get3A_51 = arith.constant 2 : i32
    %get3A_52 = arith.constant 0 : i32
    %get3A_53 = arith.index_cast %get3A_51 : i32 to index
    %get3A_54 = arith.index_cast %get3A_52 : i32 to index
    %get3A_55 = arith.index_cast %add3A_4 : i32 to index
    %get3A_56 = tpu.vector_load %arg14[%get3A_53, %get3A_54, %get3A_55] {strides = array<i32>} : memref<3x4x2048xf32, #tpu.memory_space<vmem>>, vector<16xf32>,
    %mul3A_57 = arith.mulf %get3A_44, %gather3A : vector<16xf32>
    %mul3A_58 = arith.mulf %get3A_50, %gather3A_25 : vector<16xf32>
    %add3A_59 = arith.addf %mul3A_57, %mul3A_58 : vector<16xf32>
    %mul3A_60 = arith.mulf %get3A_56, %gather3A_30 : vector<16xf32>
    %add3A_61 = arith.addf %add3A_59, %mul3A_60 : vector<16xf32>
    %swap3A_62 = arith.constant 0 : i32
    %swap3A_63 = arith.constant 0 : i32
    %swap3A_64 = arith.index_cast %swap3A_62 : i32 to index
    %swap3A_65 = arith.index_cast %swap3A_63 : i32 to index
    %swap3A_66 = arith.constant 0 : index
    %swap3A_67 = tpu.vector_load %arg16[%swap3A_64, %swap3A_65, %swap3A_66] {strides = array<i32>} : memref<3x4x64xf32, #tpu.memory_space<vmem>>, vector<16xf32>,
    tpu.vector_store %arg16[%swap3A_64, %swap3A_65, %swap3A_66], %add3A_61 {strides = array<i32>} : memref<3x4x64xf32, #tpu.memory_space<vmem>>, vector<16xf32>,
    %get3A_68 = arith.constant 0 : i32
    %get3A_69 = arith.constant 1 : i32
    %get3A_70 = arith.index_cast %get3A_68 : i32 to index
    %get3A_71 = arith.index_cast %get3A_69 : i32 to index
    %get3A_72 = arith.index_cast %add3A_4 : i32 to index
    %get3A_73 = tpu.vector_load %arg14[%get3A_70, %get3A_71, %get3A_72] {strides = array<i32>} : memref<3x4x2048xf32, #tpu.memory_space<vmem>>, vector<16xf32>,
    %get3A_74 = arith.constant 1 : i32
    %get3A_75 = arith.constant 1 : i32
    %get3A_76 = arith.index_cast %get3A_74 : i32 to index
    %get3A_77 = arith.index_cast %get3A_75 : i32 to index
    %get3A_78 = arith.index_cast %add3A_4 : i32 to index
    %get3A_79 = tpu.vector_load %arg14[%get3A_76, %get3A_77, %get3A_78] {strides = array<i32>} : memref<3x4x2048xf32, #tpu.memory_space<vmem>>, vector<16xf32>,
    %get3A_80 = arith.constant 2 : i32
    %get3A_81 = arith.constant 1 : i32
    %get3A_82 = arith.index_cast %get3A_80 : i32 to index
    %get3A_83 = arith.index_cast %get3A_81 : i32 to index
    %get3A_84 = arith.index_cast %add3A_4 : i32 to index
    %get3A_85 = tpu.vector_load %arg14[%get3A_82, %get3A_83, %get3A_84] {strides = array<i32>} : memref<3x4x2048xf32, #tpu.memory_space<vmem>>, vector<16xf32>,
    %mul3A_86 = arith.mulf %get3A_73, %gather3A : vector<16xf32>
    %mul3A_87 = arith.mulf %get3A_79, %gather3A_25 : vector<16xf32>
    %add3A_88 = arith.addf %mul3A_86, %mul3A_87 : vector<16xf32>
    %mul3A_89 = arith.mulf %get3A_85, %gather3A_30 : vector<16xf32>
    %add3A_90 = arith.addf %add3A_88, %mul3A_89 : vector<16xf32>
    %swap3A_91 = arith.constant 0 : i32
    %swap3A_92 = arith.constant 1 : i32
    %swap3A_93 = arith.index_cast %swap3A_91 : i32 to index
    %swap3A_94 = arith.index_cast %swap3A_92 : i32 to index
    %swap3A_95 = arith.constant 0 : index
    %swap3A_96 = tpu.vector_load %arg16[%swap3A_93, %swap3A_94, %swap3A_95] {strides = array<i32>} : memref<3x4x64xf32, #tpu.memory_space<vmem>>, vector<16xf32>,
    tpu.vector_store %arg16[%swap3A_93, %swap3A_94, %swap3A_95], %add3A_90 {strides = array<i32>} : memref<3x4x64xf32, #tpu.memory_space<vmem>>, vector<16xf32>,
    %get3A_97 = arith.constant 0 : i32
    %get3A_98 = arith.constant 2 : i32
    %get3A_99 = arith.index_cast %get3A_97 : i32 to index
    %get3A_100 = arith.index_cast %get3A_98 : i32 to index
    %get3A_101 = arith.index_cast %add3A_4 : i32 to index
    %get3A_102 = tpu.vector_load %arg14[%get3A_99, %get3A_100, %get3A_101] {strides = array<i32>} : memref<3x4x2048xf32, #tpu.memory_space<vmem>>, vector<16xf32>,
    %get3A_103 = arith.constant 1 : i32
    %get3A_104 = arith.constant 2 : i32
    %get3A_105 = arith.index_cast %get3A_103 : i32 to index
    %get3A_106 = arith.index_cast %get3A_104 : i32 to index
    %get3A_107 = arith.index_cast %add3A_4 : i32 to index
    %get3A_108 = tpu.vector_load %arg14[%get3A_105, %get3A_106, %get3A_107] {strides = array<i32>} : memref<3x4x2048xf32, #tpu.memory_space<vmem>>, vector<16xf32>,
    %get3A_109 = arith.constant 2 : i32
    %get3A_110 = arith.constant 2 : i32
    %get3A_111 = arith.index_cast %get3A_109 : i32 to index
    %get3A_112 = arith.index_cast %get3A_110 : i32 to index
    %get3A_113 = arith.index_cast %add3A_4 : i32 to index
    %get3A_114 = tpu.vector_load %arg14[%get3A_111, %get3A_112, %get3A_113] {strides = array<i32>} : memref<3x4x2048xf32, #tpu.memory_space<vmem>>, vector<16xf32>,
    %mul3A_115 = arith.mulf %get3A_102, %gather3A : vector<16xf32>
    %mul3A_116 = arith.mulf %get3A_108, %gather3A_25 : vector<16xf32>
    %add3A_117 = arith.addf %mul3A_115, %mul3A_116 : vector<16xf32>
    %mul3A_118 = arith.mulf %get3A_114, %gather3A_30 : vector<16xf32>
    %add3A_119 = arith.addf %add3A_117, %mul3A_118 : vector<16xf32>
    %swap3A_120 = arith.constant 0 : i32
    %swap3A_121 = arith.constant 2 : i32
    %swap3A_122 = arith.index_cast %swap3A_120 : i32 to index
    %swap3A_123 = arith.index_cast %swap3A_121 : i32 to index
    %swap3A_124 = arith.constant 0 : index
    %swap3A_125 = tpu.vector_load %arg16[%swap3A_122, %swap3A_123, %swap3A_124] {strides = array<i32>} : memref<3x4x64xf32, #tpu.memory_space<vmem>>, vector<16xf32>,
    tpu.vector_store %arg16[%swap3A_122, %swap3A_123, %swap3A_124], %add3A_119 {strides = array<i32>} : memref<3x4x64xf32, #tpu.memory_space<vmem>>, vector<16xf32>,
    %get3A_126 = arith.constant 0 : i32
    %get3A_127 = arith.constant 3 : i32
    %get3A_128 = arith.index_cast %get3A_126 : i32 to index
    %get3A_129 = arith.index_cast %get3A_127 : i32 to index
    %get3A_130 = arith.index_cast %add3A_4 : i32 to index
    %get3A_131 = tpu.vector_load %arg14[%get3A_128, %get3A_129, %get3A_130] {strides = array<i32>} : memref<3x4x2048xf32, #tpu.memory_space<vmem>>, vector<16xf32>,
    %get3A_132 = arith.constant 1 : i32
    %get3A_133 = arith.constant 3 : i32
    %get3A_134 = arith.index_cast %get3A_132 : i32 to index
    %get3A_135 = arith.index_cast %get3A_133 : i32 to index
    %get3A_136 = arith.index_cast %add3A_4 : i32 to index
    %get3A_137 = tpu.vector_load %arg14[%get3A_134, %get3A_135, %get3A_136] {strides = array<i32>} : memref<3x4x2048xf32, #tpu.memory_space<vmem>>, vector<16xf32>,
    %get3A_138 = arith.constant 2 : i32
    %get3A_139 = arith.constant 3 : i32
    %get3A_140 = arith.index_cast %get3A_138 : i32 to index
    %get3A_141 = arith.index_cast %get3A_139 : i32 to index
    %get3A_142 = arith.index_cast %add3A_4 : i32 to index
    %get3A_143 = tpu.vector_load %arg14[%get3A_140, %get3A_141, %get3A_142] {strides = array<i32>} : memref<3x4x2048xf32, #tpu.memory_space<vmem>>, vector<16xf32>,
    %mul3A_144 = arith.mulf %get3A_131, %gather3A : vector<16xf32>
    %mul3A_145 = arith.mulf %get3A_137, %gather3A_25 : vector<16xf32>
    %add3A_146 = arith.addf %mul3A_144, %mul3A_145 : vector<16xf32>
    %mul3A_147 = arith.mulf %get3A_143, %gather3A_30 : vector<16xf32>
    %add3A_148 = arith.addf %add3A_146, %mul3A_147 : vector<16xf32>
    %swap3A_149 = arith.constant 0 : i32
    %swap3A_150 = arith.constant 3 : i32
    %swap3A_151 = arith.index_cast %swap3A_149 : i32 to index
    %swap3A_152 = arith.index_cast %swap3A_150 : i32 to index
    %swap3A_153 = arith.constant 0 : index
    %swap3A_154 = tpu.vector_load %arg16[%swap3A_151, %swap3A_152, %swap3A_153] {strides = array<i32>} : memref<3x4x64xf32, #tpu.memory_space<vmem>>, vector<16xf32>,
    tpu.vector_store %arg16[%swap3A_151, %swap3A_152, %swap3A_153], %add3A_148 {strides = array<i32>} : memref<3x4x64xf32, #tpu.memory_space<vmem>>, vector<16xf32>,
    %broadcast_in_dim3A_155 = arith.constant 1 : i32
    %broadcast_in_dim3A_156 = vector.broadcast %broadcast_in_dim3A_155 : i32 to vector<16xi32>
    %mul3A_157 = arith.constant 3 : i32
    %mul3A_158 = vector.broadcast %mul3A_157 : i32 to vector<16xi32>
    %mul3A_159 = arith.muli %get3A_7, %mul3A_158 : vector<16xi32>
    %add3A_160 = arith.addi %mul3A_159, %broadcast_in_dim3A_156 : vector<16xi32>
    %gather3A_161 = tpu.vector_load_idx %arg10[%add3A_160] : memref<15000xf32, #tpu.memory_space<vmem>>[vector<16xi32>], vector<16xf32>,
    %mul3A_162 = arith.constant 3 : i32
    %mul3A_163 = vector.broadcast %mul3A_162 : i32 to vector<16xi32>
    %mul3A_164 = arith.muli %get3A_11, %mul3A_163 : vector<16xi32>
    %add3A_165 = arith.addi %mul3A_164, %broadcast_in_dim3A_156 : vector<16xi32>
    %gather3A_166 = tpu.vector_load_idx %arg10[%add3A_165] : memref<15000xf32, #tpu.memory_space<vmem>>[vector<16xi32>], vector<16xf32>,
    %mul3A_167 = arith.constant 3 : i32
    %mul3A_168 = vector.broadcast %mul3A_167 : i32 to vector<16xi32>
    %mul3A_169 = arith.muli %get3A_15, %mul3A_168 : vector<16xi32>
    %add3A_170 = arith.addi %mul3A_169, %broadcast_in_dim3A_156 : vector<16xi32>
    %gather3A_171 = tpu.vector_load_idx %arg10[%add3A_170] : memref<15000xf32, #tpu.memory_space<vmem>>[vector<16xi32>], vector<16xf32>,
    %add3A_172 = arith.addf %gather3A_161, %gather3A_166 : vector<16xf32>
    %add3A_173 = arith.addf %add3A_172, %gather3A_171 : vector<16xf32>
    %mul3A_174 = arith.constant 0.333333343 : f32
    %mul3A_175 = vector.broadcast %mul3A_174 : f32 to vector<16xf32>
    %mul3A_176 = arith.mulf %add3A_173, %mul3A_175 : vector<16xf32>
    %swap3A_177 = arith.constant 1 : i32
    %swap3A_178 = arith.index_cast %swap3A_177 : i32 to index
    %swap3A_179 = arith.constant 0 : index
    %swap3A_180 = tpu.vector_load %arg15[%swap3A_178, %swap3A_179] {strides = array<i32>} : memref<3x64xf32, #tpu.memory_space<vmem>>, vector<16xf32>,
    tpu.vector_store %arg15[%swap3A_178, %swap3A_179], %mul3A_176 {strides = array<i32>} : memref<3x64xf32, #tpu.memory_space<vmem>>, vector<16xf32>,
    %get3A_181 = arith.constant 0 : i32
    %get3A_182 = arith.constant 0 : i32
    %get3A_183 = arith.index_cast %get3A_181 : i32 to index
    %get3A_184 = arith.index_cast %get3A_182 : i32 to index
    %get3A_185 = arith.index_cast %add3A_4 : i32 to index
    %get3A_186 = tpu.vector_load %arg14[%get3A_183, %get3A_184, %get3A_185] {strides = array<i32>} : memref<3x4x2048xf32, #tpu.memory_space<vmem>>, vector<16xf32>,
    %get3A_187 = arith.constant 1 : i32
    %get3A_188 = arith.constant 0 : i32
    %get3A_189 = arith.index_cast %get3A_187 : i32 to index
    %get3A_190 = arith.index_cast %get3A_188 : i32 to index
    %get3A_191 = arith.index_cast %add3A_4 : i32 to index
    %get3A_192 = tpu.vector_load %arg14[%get3A_189, %get3A_190, %get3A_191] {strides = array<i32>} : memref<3x4x2048xf32, #tpu.memory_space<vmem>>, vector<16xf32>,
    %get3A_193 = arith.constant 2 : i32
    %get3A_194 = arith.constant 0 : i32
    %get3A_195 = arith.index_cast %get3A_193 : i32 to index
    %get3A_196 = arith.index_cast %get3A_194 : i32 to index
    %get3A_197 = arith.index_cast %add3A_4 : i32 to index
    %get3A_198 = tpu.vector_load %arg14[%get3A_195, %get3A_196, %get3A_197] {strides = array<i32>} : memref<3x4x2048xf32, #tpu.memory_space<vmem>>, vector<16xf32>,
    %mul3A_199 = arith.mulf %get3A_186, %gather3A_161 : vector<16xf32>
    %mul3A_200 = arith.mulf %get3A_192, %gather3A_166 : vector<16xf32>
    %add3A_201 = arith.addf %mul3A_199, %mul3A_200 : vector<16xf32>
    %mul3A_202 = arith.mulf %get3A_198, %gather3A_171 : vector<16xf32>
    %add3A_203 = arith.addf %add3A_201, %mul3A_202 : vector<16xf32>
    %swap3A_204 = arith.constant 1 : i32
    %swap3A_205 = arith.constant 0 : i32
    %swap3A_206 = arith.index_cast %swap3A_204 : i32 to index
    %swap3A_207 = arith.index_cast %swap3A_205 : i32 to index
    %swap3A_208 = arith.constant 0 : index
    %swap3A_209 = tpu.vector_load %arg16[%swap3A_206, %swap3A_207, %swap3A_208] {strides = array<i32>} : memref<3x4x64xf32, #tpu.memory_space<vmem>>, vector<16xf32>,
    tpu.vector_store %arg16[%swap3A_206, %swap3A_207, %swap3A_208], %add3A_203 {strides = array<i32>} : memref<3x4x64xf32, #tpu.memory_space<vmem>>, vector<16xf32>,
    %get3A_210 = arith.constant 0 : i32
    %get3A_211 = arith.constant 1 : i32
    %get3A_212 = arith.index_cast %get3A_210 : i32 to index
    %get3A_213 = arith.index_cast %get3A_211 : i32 to index
    %get3A_214 = arith.index_cast %add3A_4 : i32 to index
    %get3A_215 = tpu.vector_load %arg14[%get3A_212, %get3A_213, %get3A_214] {strides = array<i32>} : memref<3x4x2048xf32, #tpu.memory_space<vmem>>, vector<16xf32>,
    %get3A_216 = arith.constant 1 : i32
    %get3A_217 = arith.constant 1 : i32
    %get3A_218 = arith.index_cast %get3A_216 : i32 to index
    %get3A_219 = arith.index_cast %get3A_217 : i32 to index
    %get3A_220 = arith.index_cast %add3A_4 : i32 to index
    %get3A_221 = tpu.vector_load %arg14[%get3A_218, %get3A_219, %get3A_220] {strides = array<i32>} : memref<3x4x2048xf32, #tpu.memory_space<vmem>>, vector<16xf32>,
    %get3A_222 = arith.constant 2 : i32
    %get3A_223 = arith.constant 1 : i32
    %get3A_224 = arith.index_cast %get3A_222 : i32 to index
    %get3A_225 = arith.index_cast %get3A_223 : i32 to index
    %get3A_226 = arith.index_cast %add3A_4 : i32 to index
    %get3A_227 = tpu.vector_load %arg14[%get3A_224, %get3A_225, %get3A_226] {strides = array<i32>} : memref<3x4x2048xf32, #tpu.memory_space<vmem>>, vector<16xf32>,
    %mul3A_228 = arith.mulf %get3A_215, %gather3A_161 : vector<16xf32>
    %mul3A_229 = arith.mulf %get3A_221, %gather3A_166 : vector<16xf32>
    %add3A_230 = arith.addf %mul3A_228, %mul3A_229 : vector<16xf32>
    %mul3A_231 = arith.mulf %get3A_227, %gather3A_171 : vector<16xf32>
    %add3A_232 = arith.addf %add3A_230, %mul3A_231 : vector<16xf32>
    %swap3A_233 = arith.constant 1 : i32
    %swap3A_234 = arith.constant 1 : i32
    %swap3A_235 = arith.index_cast %swap3A_233 : i32 to index
    %swap3A_236 = arith.index_cast %swap3A_234 : i32 to index
    %swap3A_237 = arith.constant 0 : index
    %swap3A_238 = tpu.vector_load %arg16[%swap3A_235, %swap3A_236, %swap3A_237] {strides = array<i32>} : memref<3x4x64xf32, #tpu.memory_space<vmem>>, vector<16xf32>,
    tpu.vector_store %arg16[%swap3A_235, %swap3A_236, %swap3A_237], %add3A_232 {strides = array<i32>} : memref<3x4x64xf32, #tpu.memory_space<vmem>>, vector<16xf32>,
    %get3A_239 = arith.constant 0 : i32
    %get3A_240 = arith.constant 2 : i32
    %get3A_241 = arith.index_cast %get3A_239 : i32 to index
    %get3A_242 = arith.index_cast %get3A_240 : i32 to index
    %get3A_243 = arith.index_cast %add3A_4 : i32 to index
    %get3A_244 = tpu.vector_load %arg14[%get3A_241, %get3A_242, %get3A_243] {strides = array<i32>} : memref<3x4x2048xf32, #tpu.memory_space<vmem>>, vector<16xf32>,
    %get3A_245 = arith.constant 1 : i32
    %get3A_246 = arith.constant 2 : i32
    %get3A_247 = arith.index_cast %get3A_245 : i32 to index
    %get3A_248 = arith.index_cast %get3A_246 : i32 to index
    %get3A_249 = arith.index_cast %add3A_4 : i32 to index
    %get3A_250 = tpu.vector_load %arg14[%get3A_247, %get3A_248, %get3A_249] {strides = array<i32>} : memref<3x4x2048xf32, #tpu.memory_space<vmem>>, vector<16xf32>,
    %get3A_251 = arith.constant 2 : i32
    %get3A_252 = arith.constant 2 : i32
    %get3A_253 = arith.index_cast %get3A_251 : i32 to index
    %get3A_254 = arith.index_cast %get3A_252 : i32 to index
    %get3A_255 = arith.index_cast %add3A_4 : i32 to index
    %get3A_256 = tpu.vector_load %arg14[%get3A_253, %get3A_254, %get3A_255] {strides = array<i32>} : memref<3x4x2048xf32, #tpu.memory_space<vmem>>, vector<16xf32>,
    %mul3A_257 = arith.mulf %get3A_244, %gather3A_161 : vector<16xf32>
    %mul3A_258 = arith.mulf %get3A_250, %gather3A_166 : vector<16xf32>
    %add3A_259 = arith.addf %mul3A_257, %mul3A_258 : vector<16xf32>
    %mul3A_260 = arith.mulf %get3A_256, %gather3A_171 : vector<16xf32>
    %add3A_261 = arith.addf %add3A_259, %mul3A_260 : vector<16xf32>
    %swap3A_262 = arith.constant 1 : i32
    %swap3A_263 = arith.constant 2 : i32
    %swap3A_264 = arith.index_cast %swap3A_262 : i32 to index
    %swap3A_265 = arith.index_cast %swap3A_263 : i32 to index
    %swap3A_266 = arith.constant 0 : index
    %swap3A_267 = tpu.vector_load %arg16[%swap3A_264, %swap3A_265, %swap3A_266] {strides = array<i32>} : memref<3x4x64xf32, #tpu.memory_space<vmem>>, vector<16xf32>,
    tpu.vector_store %arg16[%swap3A_264, %swap3A_265, %swap3A_266], %add3A_261 {strides = array<i32>} : memref<3x4x64xf32, #tpu.memory_space<vmem>>, vector<16xf32>,
    %get3A_268 = arith.constant 0 : i32
    %get3A_269 = arith.constant 3 : i32
    %get3A_270 = arith.index_cast %get3A_268 : i32 to index
    %get3A_271 = arith.index_cast %get3A_269 : i32 to index
    %get3A_272 = arith.index_cast %add3A_4 : i32 to index
    %get3A_273 = tpu.vector_load %arg14[%get3A_270, %get3A_271, %get3A_272] {strides = array<i32>} : memref<3x4x2048xf32, #tpu.memory_space<vmem>>, vector<16xf32>,
    %get3A_274 = arith.constant 1 : i32
    %get3A_275 = arith.constant 3 : i32
    %get3A_276 = arith.index_cast %get3A_274 : i32 to index
    %get3A_277 = arith.index_cast %get3A_275 : i32 to index
    %get3A_278 = arith.index_cast %add3A_4 : i32 to index
    %get3A_279 = tpu.vector_load %arg14[%get3A_276, %get3A_277, %get3A_278] {strides = array<i32>} : memref<3x4x2048xf32, #tpu.memory_space<vmem>>, vector<16xf32>,
    %get3A_280 = arith.constant 2 : i32
    %get3A_281 = arith.constant 3 : i32
    %get3A_282 = arith.index_cast %get3A_280 : i32 to index
    %get3A_283 = arith.index_cast %get3A_281 : i32 to index
    %get3A_284 = arith.index_cast %add3A_4 : i32 to index
    %get3A_285 = tpu.vector_load %arg14[%get3A_282, %get3A_283, %get3A_284] {strides = array<i32>} : memref<3x4x2048xf32, #tpu.memory_space<vmem>>, vector<16xf32>,
    %mul3A_286 = arith.mulf %get3A_273, %gather3A_161 : vector<16xf32>
    %mul3A_287 = arith.mulf %get3A_279, %gather3A_166 : vector<16xf32>
    %add3A_288 = arith.addf %mul3A_286, %mul3A_287 : vector<16xf32>
    %mul3A_289 = arith.mulf %get3A_285, %gather3A_171 : vector<16xf32>
    %add3A_290 = arith.addf %add3A_288, %mul3A_289 : vector<16xf32>
    %swap3A_291 = arith.constant 1 : i32
    %swap3A_292 = arith.constant 3 : i32
    %swap3A_293 = arith.index_cast %swap3A_291 : i32 to index
    %swap3A_294 = arith.index_cast %swap3A_292 : i32 to index
    %swap3A_295 = arith.constant 0 : index
    %swap3A_296 = tpu.vector_load %arg16[%swap3A_293, %swap3A_294, %swap3A_295] {strides = array<i32>} : memref<3x4x64xf32, #tpu.memory_space<vmem>>, vector<16xf32>,
    tpu.vector_store %arg16[%swap3A_293, %swap3A_294, %swap3A_295], %add3A_290 {strides = array<i32>} : memref<3x4x64xf32, #tpu.memory_space<vmem>>, vector<16xf32>,
    %broadcast_in_dim3A_297 = arith.constant 2 : i32
    %broadcast_in_dim3A_298 = vector.broadcast %broadcast_in_dim3A_297 : i32 to vector<16xi32>
    %mul3A_299 = arith.constant 3 : i32
    %mul3A_300 = vector.broadcast %mul3A_299 : i32 to vector<16xi32>
    %mul3A_301 = arith.muli %get3A_7, %mul3A_300 : vector<16xi32>
    %add3A_302 = arith.addi %mul3A_301, %broadcast_in_dim3A_298 : vector<16xi32>
    %gather3A_303 = tpu.vector_load_idx %arg10[%add3A_302] : memref<15000xf32, #tpu.memory_space<vmem>>[vector<16xi32>], vector<16xf32>,
    %mul3A_304 = arith.constant 3 : i32
    %mul3A_305 = vector.broadcast %mul3A_304 : i32 to vector<16xi32>
    %mul3A_306 = arith.muli %get3A_11, %mul3A_305 : vector<16xi32>
    %add3A_307 = arith.addi %mul3A_306, %broadcast_in_dim3A_298 : vector<16xi32>
    %gather3A_308 = tpu.vector_load_idx %arg10[%add3A_307] : memref<15000xf32, #tpu.memory_space<vmem>>[vector<16xi32>], vector<16xf32>,
    %mul3A_309 = arith.constant 3 : i32
    %mul3A_310 = vector.broadcast %mul3A_309 : i32 to vector<16xi32>
    %mul3A_311 = arith.muli %get3A_15, %mul3A_310 : vector<16xi32>
    %add3A_312 = arith.addi %mul3A_311, %broadcast_in_dim3A_298 : vector<16xi32>
    %gather3A_313 = tpu.vector_load_idx %arg10[%add3A_312] : memref<15000xf32, #tpu.memory_space<vmem>>[vector<16xi32>], vector<16xf32>,
    %add3A_314 = arith.addf %gather3A_303, %gather3A_308 : vector<16xf32>
    %add3A_315 = arith.addf %add3A_314, %gather3A_313 : vector<16xf32>
    %mul3A_316 = arith.constant 0.333333343 : f32
    %mul3A_317 = vector.broadcast %mul3A_316 : f32 to vector<16xf32>
    %mul3A_318 = arith.mulf %add3A_315, %mul3A_317 : vector<16xf32>
    %swap3A_319 = arith.constant 2 : i32
    %swap3A_320 = arith.index_cast %swap3A_319 : i32 to index
    %swap3A_321 = arith.constant 0 : index
    %swap3A_322 = tpu.vector_load %arg15[%swap3A_320, %swap3A_321] {strides = array<i32>} : memref<3x64xf32, #tpu.memory_space<vmem>>, vector<16xf32>,
    tpu.vector_store %arg15[%swap3A_320, %swap3A_321], %mul3A_318 {strides = array<i32>} : memref<3x64xf32, #tpu.memory_space<vmem>>, vector<16xf32>,
    %get3A_323 = arith.constant 0 : i32
    %get3A_324 = arith.constant 0 : i32
    %get3A_325 = arith.index_cast %get3A_323 : i32 to index
    %get3A_326 = arith.index_cast %get3A_324 : i32 to index
    %get3A_327 = arith.index_cast %add3A_4 : i32 to index
    %get3A_328 = tpu.vector_load %arg14[%get3A_325, %get3A_326, %get3A_327] {strides = array<i32>} : memref<3x4x2048xf32, #tpu.memory_space<vmem>>, vector<16xf32>,
    %get3A_329 = arith.constant 1 : i32
    %get3A_330 = arith.constant 0 : i32
    %get3A_331 = arith.index_cast %get3A_329 : i32 to index
    %get3A_332 = arith.index_cast %get3A_330 : i32 to index
    %get3A_333 = arith.index_cast %add3A_4 : i32 to index
    %get3A_334 = tpu.vector_load %arg14[%get3A_331, %get3A_332, %get3A_333] {strides = array<i32>} : memref<3x4x2048xf32, #tpu.memory_space<vmem>>, vector<16xf32>,
    %get3A_335 = arith.constant 2 : i32
    %get3A_336 = arith.constant 0 : i32
    %get3A_337 = arith.index_cast %get3A_335 : i32 to index
    %get3A_338 = arith.index_cast %get3A_336 : i32 to index
    %get3A_339 = arith.index_cast %add3A_4 : i32 to index
    %get3A_340 = tpu.vector_load %arg14[%get3A_337, %get3A_338, %get3A_339] {strides = array<i32>} : memref<3x4x2048xf32, #tpu.memory_space<vmem>>, vector<16xf32>,
    %mul3A_341 = arith.mulf %get3A_328, %gather3A_303 : vector<16xf32>
    %mul3A_342 = arith.mulf %get3A_334, %gather3A_308 : vector<16xf32>
    %add3A_343 = arith.addf %mul3A_341, %mul3A_342 : vector<16xf32>
    %mul3A_344 = arith.mulf %get3A_340, %gather3A_313 : vector<16xf32>
    %add3A_345 = arith.addf %add3A_343, %mul3A_344 : vector<16xf32>
    %swap3A_346 = arith.constant 2 : i32
    %swap3A_347 = arith.constant 0 : i32
    %swap3A_348 = arith.index_cast %swap3A_346 : i32 to index
    %swap3A_349 = arith.index_cast %swap3A_347 : i32 to index
    %swap3A_350 = arith.constant 0 : index
    %swap3A_351 = tpu.vector_load %arg16[%swap3A_348, %swap3A_349, %swap3A_350] {strides = array<i32>} : memref<3x4x64xf32, #tpu.memory_space<vmem>>, vector<16xf32>,
    tpu.vector_store %arg16[%swap3A_348, %swap3A_349, %swap3A_350], %add3A_345 {strides = array<i32>} : memref<3x4x64xf32, #tpu.memory_space<vmem>>, vector<16xf32>,
    %get3A_352 = arith.constant 0 : i32
    %get3A_353 = arith.constant 1 : i32
    %get3A_354 = arith.index_cast %get3A_352 : i32 to index
    %get3A_355 = arith.index_cast %get3A_353 : i32 to index
    %get3A_356 = arith.index_cast %add3A_4 : i32 to index
    %get3A_357 = tpu.vector_load %arg14[%get3A_354, %get3A_355, %get3A_356] {strides = array<i32>} : memref<3x4x2048xf32, #tpu.memory_space<vmem>>, vector<16xf32>,
    %get3A_358 = arith.constant 1 : i32
    %get3A_359 = arith.constant 1 : i32
    %get3A_360 = arith.index_cast %get3A_358 : i32 to index
    %get3A_361 = arith.index_cast %get3A_359 : i32 to index
    %get3A_362 = arith.index_cast %add3A_4 : i32 to index
    %get3A_363 = tpu.vector_load %arg14[%get3A_360, %get3A_361, %get3A_362] {strides = array<i32>} : memref<3x4x2048xf32, #tpu.memory_space<vmem>>, vector<16xf32>,
    %get3A_364 = arith.constant 2 : i32
    %get3A_365 = arith.constant 1 : i32
    %get3A_366 = arith.index_cast %get3A_364 : i32 to index
    %get3A_367 = arith.index_cast %get3A_365 : i32 to index
    %get3A_368 = arith.index_cast %add3A_4 : i32 to index
    %get3A_369 = tpu.vector_load %arg14[%get3A_366, %get3A_367, %get3A_368] {strides = array<i32>} : memref<3x4x2048xf32, #tpu.memory_space<vmem>>, vector<16xf32>,
    %mul3A_370 = arith.mulf %get3A_357, %gather3A_303 : vector<16xf32>
    %mul3A_371 = arith.mulf %get3A_363, %gather3A_308 : vector<16xf32>
    %add3A_372 = arith.addf %mul3A_370, %mul3A_371 : vector<16xf32>
    %mul3A_373 = arith.mulf %get3A_369, %gather3A_313 : vector<16xf32>
    %add3A_374 = arith.addf %add3A_372, %mul3A_373 : vector<16xf32>
    %swap3A_375 = arith.constant 2 : i32
    %swap3A_376 = arith.constant 1 : i32
    %swap3A_377 = arith.index_cast %swap3A_375 : i32 to index
    %swap3A_378 = arith.index_cast %swap3A_376 : i32 to index
    %swap3A_379 = arith.constant 0 : index
    %swap3A_380 = tpu.vector_load %arg16[%swap3A_377, %swap3A_378, %swap3A_379] {strides = array<i32>} : memref<3x4x64xf32, #tpu.memory_space<vmem>>, vector<16xf32>,
    tpu.vector_store %arg16[%swap3A_377, %swap3A_378, %swap3A_379], %add3A_374 {strides = array<i32>} : memref<3x4x64xf32, #tpu.memory_space<vmem>>, vector<16xf32>,
    %get3A_381 = arith.constant 0 : i32
    %get3A_382 = arith.constant 2 : i32
    %get3A_383 = arith.index_cast %get3A_381 : i32 to index
    %get3A_384 = arith.index_cast %get3A_382 : i32 to index
    %get3A_385 = arith.index_cast %add3A_4 : i32 to index
    %get3A_386 = tpu.vector_load %arg14[%get3A_383, %get3A_384, %get3A_385] {strides = array<i32>} : memref<3x4x2048xf32, #tpu.memory_space<vmem>>, vector<16xf32>,
    %get3A_387 = arith.constant 1 : i32
    %get3A_388 = arith.constant 2 : i32
    %get3A_389 = arith.index_cast %get3A_387 : i32 to index
    %get3A_390 = arith.index_cast %get3A_388 : i32 to index
    %get3A_391 = arith.index_cast %add3A_4 : i32 to index
    %get3A_392 = tpu.vector_load %arg14[%get3A_389, %get3A_390, %get3A_391] {strides = array<i32>} : memref<3x4x2048xf32, #tpu.memory_space<vmem>>, vector<16xf32>,
    %get3A_393 = arith.constant 2 : i32
    %get3A_394 = arith.constant 2 : i32
    %get3A_395 = arith.index_cast %get3A_393 : i32 to index
    %get3A_396 = arith.index_cast %get3A_394 : i32 to index
    %get3A_397 = arith.index_cast %add3A_4 : i32 to index
    %get3A_398 = tpu.vector_load %arg14[%get3A_395, %get3A_396, %get3A_397] {strides = array<i32>} : memref<3x4x2048xf32, #tpu.memory_space<vmem>>, vector<16xf32>,
    %mul3A_399 = arith.mulf %get3A_386, %gather3A_303 : vector<16xf32>
    %mul3A_400 = arith.mulf %get3A_392, %gather3A_308 : vector<16xf32>
    %add3A_401 = arith.addf %mul3A_399, %mul3A_400 : vector<16xf32>
    %mul3A_402 = arith.mulf %get3A_398, %gather3A_313 : vector<16xf32>
    %add3A_403 = arith.addf %add3A_401, %mul3A_402 : vector<16xf32>
    %swap3A_404 = arith.constant 2 : i32
    %swap3A_405 = arith.constant 2 : i32
    %swap3A_406 = arith.index_cast %swap3A_404 : i32 to index
    %swap3A_407 = arith.index_cast %swap3A_405 : i32 to index
    %swap3A_408 = arith.constant 0 : index
    %swap3A_409 = tpu.vector_load %arg16[%swap3A_406, %swap3A_407, %swap3A_408] {strides = array<i32>} : memref<3x4x64xf32, #tpu.memory_space<vmem>>, vector<16xf32>,
    tpu.vector_store %arg16[%swap3A_406, %swap3A_407, %swap3A_408], %add3A_403 {strides = array<i32>} : memref<3x4x64xf32, #tpu.memory_space<vmem>>, vector<16xf32>,
    %get3A_410 = arith.constant 0 : i32
    %get3A_411 = arith.constant 3 : i32
    %get3A_412 = arith.index_cast %get3A_410 : i32 to index
    %get3A_413 = arith.index_cast %get3A_411 : i32 to index
    %get3A_414 = arith.index_cast %add3A_4 : i32 to index
    %get3A_415 = tpu.vector_load %arg14[%get3A_412, %get3A_413, %get3A_414] {strides = array<i32>} : memref<3x4x2048xf32, #tpu.memory_space<vmem>>, vector<16xf32>,
    %get3A_416 = arith.constant 1 : i32
    %get3A_417 = arith.constant 3 : i32
    %get3A_418 = arith.index_cast %get3A_416 : i32 to index
    %get3A_419 = arith.index_cast %get3A_417 : i32 to index
    %get3A_420 = arith.index_cast %add3A_4 : i32 to index
    %get3A_421 = tpu.vector_load %arg14[%get3A_418, %get3A_419, %get3A_420] {strides = array<i32>} : memref<3x4x2048xf32, #tpu.memory_space<vmem>>, vector<16xf32>,
    %get3A_422 = arith.constant 2 : i32
    %get3A_423 = arith.constant 3 : i32
    %get3A_424 = arith.index_cast %get3A_422 : i32 to index
    %get3A_425 = arith.index_cast %get3A_423 : i32 to index
    %get3A_426 = arith.index_cast %add3A_4 : i32 to index
    %get3A_427 = tpu.vector_load %arg14[%get3A_424, %get3A_425, %get3A_426] {strides = array<i32>} : memref<3x4x2048xf32, #tpu.memory_space<vmem>>, vector<16xf32>,
    %mul3A_428 = arith.mulf %get3A_415, %gather3A_303 : vector<16xf32>
    %mul3A_429 = arith.mulf %get3A_421, %gather3A_308 : vector<16xf32>
    %add3A_430 = arith.addf %mul3A_428, %mul3A_429 : vector<16xf32>
    %mul3A_431 = arith.mulf %get3A_427, %gather3A_313 : vector<16xf32>
    %add3A_432 = arith.addf %add3A_430, %mul3A_431 : vector<16xf32>
    %swap3A_433 = arith.constant 2 : i32
    %swap3A_434 = arith.constant 3 : i32
    %swap3A_435 = arith.index_cast %swap3A_433 : i32 to index
    %swap3A_436 = arith.index_cast %swap3A_434 : i32 to index
    %swap3A_437 = arith.constant 0 : index
    %swap3A_438 = tpu.vector_load %arg16[%swap3A_435, %swap3A_436, %swap3A_437] {strides = array<i32>} : memref<3x4x64xf32, #tpu.memory_space<vmem>>, vector<16xf32>,
    tpu.vector_store %arg16[%swap3A_435, %swap3A_436, %swap3A_437], %add3A_432 {strides = array<i32>} : memref<3x4x64xf32, #tpu.memory_space<vmem>>, vector<16xf32>,
    %add3A_439 = arith.constant 16 : i32
    %add3A_440 = arith.addi %mul3A_2, %add3A_439 : i32
    %get3A_441 = arith.constant 0 : i32
    %get3A_442 = arith.index_cast %get3A_441 : i32 to index
    %get3A_443 = arith.index_cast %add3A_440 : i32 to index
    %get3A_444 = tpu.vector_load %arg12[%get3A_442, %get3A_443] {strides = array<i32>} : memref<3x2048xi32, #tpu.memory_space<vmem>>, vector<16xi32>,
    %get3A_445 = arith.constant 1 : i32
    %get3A_446 = arith.index_cast %get3A_445 : i32 to index
    %get3A_447 = arith.index_cast %add3A_440 : i32 to index
    %get3A_448 = tpu.vector_load %arg12[%get3A_446, %get3A_447] {strides = array<i32>} : memref<3x2048xi32, #tpu.memory_space<vmem>>, vector<16xi32>,
    %get3A_449 = arith.constant 2 : i32
    %get3A_450 = arith.index_cast %get3A_449 : i32 to index
    %get3A_451 = arith.index_cast %add3A_440 : i32 to index
    %get3A_452 = tpu.vector_load %arg12[%get3A_450, %get3A_451] {strides = array<i32>} : memref<3x2048xi32, #tpu.memory_space<vmem>>, vector<16xi32>,
    %broadcast_in_dim3A_453 = arith.constant 0 : i32
    %broadcast_in_dim3A_454 = vector.broadcast %broadcast_in_dim3A_453 : i32 to vector<16xi32>
    %mul3A_455 = arith.constant 3 : i32
    %mul3A_456 = vector.broadcast %mul3A_455 : i32 to vector<16xi32>
    %mul3A_457 = arith.muli %get3A_444, %mul3A_456 : vector<16xi32>
    %add3A_458 = arith.addi %mul3A_457, %broadcast_in_dim3A_454 : vector<16xi32>
    %gather3A_459 = tpu.vector_load_idx %arg10[%add3A_458] : memref<15000xf32, #tpu.memory_space<vmem>>[vector<16xi32>], vector<16xf32>,
    %mul3A_460 = arith.constant 3 : i32
    %mul3A_461 = vector.broadcast %mul3A_460 : i32 to vector<16xi32>
    %mul3A_462 = arith.muli %get3A_448, %mul3A_461 : vector<16xi32>
    %add3A_463 = arith.addi %mul3A_462, %broadcast_in_dim3A_454 : vector<16xi32>
    %gather3A_464 = tpu.vector_load_idx %arg10[%add3A_463] : memref<15000xf32, #tpu.memory_space<vmem>>[vector<16xi32>], vector<16xf32>,
    %mul3A_465 = arith.constant 3 : i32
    %mul3A_466 = vector.broadcast %mul3A_465 : i32 to vector<16xi32>
    %mul3A_467 = arith.muli %get3A_452, %mul3A_466 : vector<16xi32>
    %add3A_468 = arith.addi %mul3A_467, %broadcast_in_dim3A_454 : vector<16xi32>
    %gather3A_469 = tpu.vector_load_idx %arg10[%add3A_468] : memref<15000xf32, #tpu.memory_space<vmem>>[vector<16xi32>], vector<16xf32>,
    %add3A_470 = arith.addf %gather3A_459, %gather3A_464 : vector<16xf32>
    %add3A_471 = arith.addf %add3A_470, %gather3A_469 : vector<16xf32>
    %mul3A_472 = arith.constant 0.333333343 : f32
    %mul3A_473 = vector.broadcast %mul3A_472 : f32 to vector<16xf32>
    %mul3A_474 = arith.mulf %add3A_471, %mul3A_473 : vector<16xf32>
    %swap3A_475 = arith.constant 0 : i32
    %swap3A_476 = arith.index_cast %swap3A_475 : i32 to index
    %swap3A_477 = arith.constant 16 : index
    %swap3A_478 = tpu.vector_load %arg15[%swap3A_476, %swap3A_477] {strides = array<i32>} : memref<3x64xf32, #tpu.memory_space<vmem>>, vector<16xf32>,
    tpu.vector_store %arg15[%swap3A_476, %swap3A_477], %mul3A_474 {strides = array<i32>} : memref<3x64xf32, #tpu.memory_space<vmem>>, vector<16xf32>,
    %get3A_479 = arith.constant 0 : i32
    %get3A_480 = arith.constant 0 : i32
    %get3A_481 = arith.index_cast %get3A_479 : i32 to index
    %get3A_482 = arith.index_cast %get3A_480 : i32 to index
    %get3A_483 = arith.index_cast %add3A_440 : i32 to index
    %get3A_484 = tpu.vector_load %arg14[%get3A_481, %get3A_482, %get3A_483] {strides = array<i32>} : memref<3x4x2048xf32, #tpu.memory_space<vmem>>, vector<16xf32>,
    %get3A_485 = arith.constant 1 : i32
    %get3A_486 = arith.constant 0 : i32
    %get3A_487 = arith.index_cast %get3A_485 : i32 to index
    %get3A_488 = arith.index_cast %get3A_486 : i32 to index
    %get3A_489 = arith.index_cast %add3A_440 : i32 to index
    %get3A_490 = tpu.vector_load %arg14[%get3A_487, %get3A_488, %get3A_489] {strides = array<i32>} : memref<3x4x2048xf32, #tpu.memory_space<vmem>>, vector<16xf32>,
    %get3A_491 = arith.constant 2 : i32
    %get3A_492 = arith.constant 0 : i32
    %get3A_493 = arith.index_cast %get3A_491 : i32 to index
    %get3A_494 = arith.index_cast %get3A_492 : i32 to index
    %get3A_495 = arith.index_cast %add3A_440 : i32 to index
    %get3A_496 = tpu.vector_load %arg14[%get3A_493, %get3A_494, %get3A_495] {strides = array<i32>} : memref<3x4x2048xf32, #tpu.memory_space<vmem>>, vector<16xf32>,
    %mul3A_497 = arith.mulf %get3A_484, %gather3A_459 : vector<16xf32>
    %mul3A_498 = arith.mulf %get3A_490, %gather3A_464 : vector<16xf32>
    %add3A_499 = arith.addf %mul3A_497, %mul3A_498 : vector<16xf32>
    %mul3A_500 = arith.mulf %get3A_496, %gather3A_469 : vector<16xf32>
    %add3A_501 = arith.addf %add3A_499, %mul3A_500 : vector<16xf32>
    %swap3A_502 = arith.constant 0 : i32
    %swap3A_503 = arith.constant 0 : i32
    %swap3A_504 = arith.index_cast %swap3A_502 : i32 to index
    %swap3A_505 = arith.index_cast %swap3A_503 : i32 to index
    %swap3A_506 = arith.constant 16 : index
    %swap3A_507 = tpu.vector_load %arg16[%swap3A_504, %swap3A_505, %swap3A_506] {strides = array<i32>} : memref<3x4x64xf32, #tpu.memory_space<vmem>>, vector<16xf32>,
    tpu.vector_store %arg16[%swap3A_504, %swap3A_505, %swap3A_506], %add3A_501 {strides = array<i32>} : memref<3x4x64xf32, #tpu.memory_space<vmem>>, vector<16xf32>,
    %get3A_508 = arith.constant 0 : i32
    %get3A_509 = arith.constant 1 : i32
    %get3A_510 = arith.index_cast %get3A_508 : i32 to index
    %get3A_511 = arith.index_cast %get3A_509 : i32 to index
    %get3A_512 = arith.index_cast %add3A_440 : i32 to index
    %get3A_513 = tpu.vector_load %arg14[%get3A_510, %get3A_511, %get3A_512] {strides = array<i32>} : memref<3x4x2048xf32, #tpu.memory_space<vmem>>, vector<16xf32>,
    %get3A_514 = arith.constant 1 : i32
    %get3A_515 = arith.constant 1 : i32
    %get3A_516 = arith.index_cast %get3A_514 : i32 to index
    %get3A_517 = arith.index_cast %get3A_515 : i32 to index
    %get3A_518 = arith.index_cast %add3A_440 : i32 to index
    %get3A_519 = tpu.vector_load %arg14[%get3A_516, %get3A_517, %get3A_518] {strides = array<i32>} : memref<3x4x2048xf32, #tpu.memory_space<vmem>>, vector<16xf32>,
    %get3A_520 = arith.constant 2 : i32
    %get3A_521 = arith.constant 1 : i32
    %get3A_522 = arith.index_cast %get3A_520 : i32 to index
    %get3A_523 = arith.index_cast %get3A_521 : i32 to index
    %get3A_524 = arith.index_cast %add3A_440 : i32 to index
    %get3A_525 = tpu.vector_load %arg14[%get3A_522, %get3A_523, %get3A_524] {strides = array<i32>} : memref<3x4x2048xf32, #tpu.memory_space<vmem>>, vector<16xf32>,
    %mul3A_526 = arith.mulf %get3A_513, %gather3A_459 : vector<16xf32>
    %mul3A_527 = arith.mulf %get3A_519, %gather3A_464 : vector<16xf32>
    %add3A_528 = arith.addf %mul3A_526, %mul3A_527 : vector<16xf32>
    %mul3A_529 = arith.mulf %get3A_525, %gather3A_469 : vector<16xf32>
    %add3A_530 = arith.addf %add3A_528, %mul3A_529 : vector<16xf32>
    %swap3A_531 = arith.constant 0 : i32
    %swap3A_532 = arith.constant 1 : i32
    %swap3A_533 = arith.index_cast %swap3A_531 : i32 to index
    %swap3A_534 = arith.index_cast %swap3A_532 : i32 to index
    %swap3A_535 = arith.constant 16 : index
    %swap3A_536 = tpu.vector_load %arg16[%swap3A_533, %swap3A_534, %swap3A_535] {strides = array<i32>} : memref<3x4x64xf32, #tpu.memory_space<vmem>>, vector<16xf32>,
    tpu.vector_store %arg16[%swap3A_533, %swap3A_534, %swap3A_535], %add3A_530 {strides = array<i32>} : memref<3x4x64xf32, #tpu.memory_space<vmem>>, vector<16xf32>,
    %get3A_537 = arith.constant 0 : i32
    %get3A_538 = arith.constant 2 : i32
    %get3A_539 = arith.index_cast %get3A_537 : i32 to index
    %get3A_540 = arith.index_cast %get3A_538 : i32 to index
    %get3A_541 = arith.index_cast %add3A_440 : i32 to index
    %get3A_542 = tpu.vector_load %arg14[%get3A_539, %get3A_540, %get3A_541] {strides = array<i32>} : memref<3x4x2048xf32, #tpu.memory_space<vmem>>, vector<16xf32>,
    %get3A_543 = arith.constant 1 : i32
    %get3A_544 = arith.constant 2 : i32
    %get3A_545 = arith.index_cast %get3A_543 : i32 to index
    %get3A_546 = arith.index_cast %get3A_544 : i32 to index
    %get3A_547 = arith.index_cast %add3A_440 : i32 to index
    %get3A_548 = tpu.vector_load %arg14[%get3A_545, %get3A_546, %get3A_547] {strides = array<i32>} : memref<3x4x2048xf32, #tpu.memory_space<vmem>>, vector<16xf32>,
    %get3A_549 = arith.constant 2 : i32
    %get3A_550 = arith.constant 2 : i32
    %get3A_551 = arith.index_cast %get3A_549 : i32 to index
    %get3A_552 = arith.index_cast %get3A_550 : i32 to index
    %get3A_553 = arith.index_cast %add3A_440 : i32 to index
    %get3A_554 = tpu.vector_load %arg14[%get3A_551, %get3A_552, %get3A_553] {strides = array<i32>} : memref<3x4x2048xf32, #tpu.memory_space<vmem>>, vector<16xf32>,
    %mul3A_555 = arith.mulf %get3A_542, %gather3A_459 : vector<16xf32>
    %mul3A_556 = arith.mulf %get3A_548, %gather3A_464 : vector<16xf32>
    %add3A_557 = arith.addf %mul3A_555, %mul3A_556 : vector<16xf32>
    %mul3A_558 = arith.mulf %get3A_554, %gather3A_469 : vector<16xf32>
    %add3A_559 = arith.addf %add3A_557, %mul3A_558 : vector<16xf32>
    %swap3A_560 = arith.constant 0 : i32
    %swap3A_561 = arith.constant 2 : i32
    %swap3A_562 = arith.index_cast %swap3A_560 : i32 to index
    %swap3A_563 = arith.index_cast %swap3A_561 : i32 to index
    %swap3A_564 = arith.constant 16 : index
    %swap3A_565 = tpu.vector_load %arg16[%swap3A_562, %swap3A_563, %swap3A_564] {strides = array<i32>} : memref<3x4x64xf32, #tpu.memory_space<vmem>>, vector<16xf32>,
    tpu.vector_store %arg16[%swap3A_562, %swap3A_563, %swap3A_564], %add3A_559 {strides = array<i32>} : memref<3x4x64xf32, #tpu.memory_space<vmem>>, vector<16xf32>,
    %get3A_566 = arith.constant 0 : i32
    %get3A_567 = arith.constant 3 : i32
    %get3A_568 = arith.index_cast %get3A_566 : i32 to index
    %get3A_569 = arith.index_cast %get3A_567 : i32 to index
    %get3A_570 = arith.index_cast %add3A_440 : i32 to index
    %get3A_571 = tpu.vector_load %arg14[%get3A_568, %get3A_569, %get3A_570] {strides = array<i32>} : memref<3x4x2048xf32, #tpu.memory_space<vmem>>, vector<16xf32>,
    %get3A_572 = arith.constant 1 : i32
    %get3A_573 = arith.constant 3 : i32
    %get3A_574 = arith.index_cast %get3A_572 : i32 to index
    %get3A_575 = arith.index_cast %get3A_573 : i32 to index
    %get3A_576 = arith.index_cast %add3A_440 : i32 to index
    %get3A_577 = tpu.vector_load %arg14[%get3A_574, %get3A_575, %get3A_576] {strides = array<i32>} : memref<3x4x2048xf32, #tpu.memory_space<vmem>>, vector<16xf32>,
    %get3A_578 = arith.constant 2 : i32
    %get3A_579 = arith.constant 3 : i32
    %get3A_580 = arith.index_cast %get3A_578 : i32 to index
    %get3A_581 = arith.index_cast %get3A_579 : i32 to index
    %get3A_582 = arith.index_cast %add3A_440 : i32 to index
    %get3A_583 = tpu.vector_load %arg14[%get3A_580, %get3A_581, %get3A_582] {strides = array<i32>} : memref<3x4x2048xf32, #tpu.memory_space<vmem>>, vector<16xf32>,
    %mul3A_584 = arith.mulf %get3A_571, %gather3A_459 : vector<16xf32>
    %mul3A_585 = arith.mulf %get3A_577, %gather3A_464 : vector<16xf32>
    %add3A_586 = arith.addf %mul3A_584, %mul3A_585 : vector<16xf32>
    %mul3A_587 = arith.mulf %get3A_583, %gather3A_469 : vector<16xf32>
    %add3A_588 = arith.addf %add3A_586, %mul3A_587 : vector<16xf32>
    %swap3A_589 = arith.constant 0 : i32
    %swap3A_590 = arith.constant 3 : i32
    %swap3A_591 = arith.index_cast %swap3A_589 : i32 to index
    %swap3A_592 = arith.index_cast %swap3A_590 : i32 to index
    %swap3A_593 = arith.constant 16 : index
    %swap3A_594 = tpu.vector_load %arg16[%swap3A_591, %swap3A_592, %swap3A_593] {strides = array<i32>} : memref<3x4x64xf32, #tpu.memory_space<vmem>>, vector<16xf32>,
    tpu.vector_store %arg16[%swap3A_591, %swap3A_592, %swap3A_593], %add3A_588 {strides = array<i32>} : memref<3x4x64xf32, #tpu.memory_space<vmem>>, vector<16xf32>,
    %broadcast_in_dim3A_595 = arith.constant 1 : i32
    %broadcast_in_dim3A_596 = vector.broadcast %broadcast_in_dim3A_595 : i32 to vector<16xi32>
    %mul3A_597 = arith.constant 3 : i32
    %mul3A_598 = vector.broadcast %mul3A_597 : i32 to vector<16xi32>
    %mul3A_599 = arith.muli %get3A_444, %mul3A_598 : vector<16xi32>
    %add3A_600 = arith.addi %mul3A_599, %broadcast_in_dim3A_596 : vector<16xi32>
    %gather3A_601 = tpu.vector_load_idx %arg10[%add3A_600] : memref<15000xf32, #tpu.memory_space<vmem>>[vector<16xi32>], vector<16xf32>,
    %mul3A_602 = arith.constant 3 : i32
    %mul3A_603 = vector.broadcast %mul3A_602 : i32 to vector<16xi32>
    %mul3A_604 = arith.muli %get3A_448, %mul3A_603 : vector<16xi32>
    %add3A_605 = arith.addi %mul3A_604, %broadcast_in_dim3A_596 : vector<16xi32>
    %gather3A_606 = tpu.vector_load_idx %arg10[%add3A_605] : memref<15000xf32, #tpu.memory_space<vmem>>[vector<16xi32>], vector<16xf32>,
    %mul3A_607 = arith.constant 3 : i32
    %mul3A_608 = vector.broadcast %mul3A_607 : i32 to vector<16xi32>
    %mul3A_609 = arith.muli %get3A_452, %mul3A_608 : vector<16xi32>
    %add3A_610 = arith.addi %mul3A_609, %broadcast_in_dim3A_596 : vector<16xi32>
    %gather3A_611 = tpu.vector_load_idx %arg10[%add3A_610] : memref<15000xf32, #tpu.memory_space<vmem>>[vector<16xi32>], vector<16xf32>,
    %add3A_612 = arith.addf %gather3A_601, %gather3A_606 : vector<16xf32>
    %add3A_613 = arith.addf %add3A_612, %gather3A_611 : vector<16xf32>
    %mul3A_614 = arith.constant 0.333333343 : f32
    %mul3A_615 = vector.broadcast %mul3A_614 : f32 to vector<16xf32>
    %mul3A_616 = arith.mulf %add3A_613, %mul3A_615 : vector<16xf32>
    %swap3A_617 = arith.constant 1 : i32
    %swap3A_618 = arith.index_cast %swap3A_617 : i32 to index
    %swap3A_619 = arith.constant 16 : index
    %swap3A_620 = tpu.vector_load %arg15[%swap3A_618, %swap3A_619] {strides = array<i32>} : memref<3x64xf32, #tpu.memory_space<vmem>>, vector<16xf32>,
    tpu.vector_store %arg15[%swap3A_618, %swap3A_619], %mul3A_616 {strides = array<i32>} : memref<3x64xf32, #tpu.memory_space<vmem>>, vector<16xf32>,
    %get3A_621 = arith.constant 0 : i32
    %get3A_622 = arith.constant 0 : i32
    %get3A_623 = arith.index_cast %get3A_621 : i32 to index
    %get3A_624 = arith.index_cast %get3A_622 : i32 to index
    %get3A_625 = arith.index_cast %add3A_440 : i32 to index
    %get3A_626 = tpu.vector_load %arg14[%get3A_623, %get3A_624, %get3A_625] {strides = array<i32>} : memref<3x4x2048xf32, #tpu.memory_space<vmem>>, vector<16xf32>,
    %get3A_627 = arith.constant 1 : i32
    %get3A_628 = arith.constant 0 : i32
    %get3A_629 = arith.index_cast %get3A_627 : i32 to index
    %get3A_630 = arith.index_cast %get3A_628 : i32 to index
    %get3A_631 = arith.index_cast %add3A_440 : i32 to index
    %get3A_632 = tpu.vector_load %arg14[%get3A_629, %get3A_630, %get3A_631] {strides = array<i32>} : memref<3x4x2048xf32, #tpu.memory_space<vmem>>, vector<16xf32>,
    %get3A_633 = arith.constant 2 : i32
    %get3A_634 = arith.constant 0 : i32
    %get3A_635 = arith.index_cast %get3A_633 : i32 to index
    %get3A_636 = arith.index_cast %get3A_634 : i32 to index
    %get3A_637 = arith.index_cast %add3A_440 : i32 to index
    %get3A_638 = tpu.vector_load %arg14[%get3A_635, %get3A_636, %get3A_637] {strides = array<i32>} : memref<3x4x2048xf32, #tpu.memory_space<vmem>>, vector<16xf32>,
    %mul3A_639 = arith.mulf %get3A_626, %gather3A_601 : vector<16xf32>
    %mul3A_640 = arith.mulf %get3A_632, %gather3A_606 : vector<16xf32>
    %add3A_641 = arith.addf %mul3A_639, %mul3A_640 : vector<16xf32>
    %mul3A_642 = arith.mulf %get3A_638, %gather3A_611 : vector<16xf32>
    %add3A_643 = arith.addf %add3A_641, %mul3A_642 : vector<16xf32>
    %swap3A_644 = arith.constant 1 : i32
    %swap3A_645 = arith.constant 0 : i32
    %swap3A_646 = arith.index_cast %swap3A_644 : i32 to index
    %swap3A_647 = arith.index_cast %swap3A_645 : i32 to index
    %swap3A_648 = arith.constant 16 : index
    %swap3A_649 = tpu.vector_load %arg16[%swap3A_646, %swap3A_647, %swap3A_648] {strides = array<i32>} : memref<3x4x64xf32, #tpu.memory_space<vmem>>, vector<16xf32>,
    tpu.vector_store %arg16[%swap3A_646, %swap3A_647, %swap3A_648], %add3A_643 {strides = array<i32>} : memref<3x4x64xf32, #tpu.memory_space<vmem>>, vector<16xf32>,
    %get3A_650 = arith.constant 0 : i32
    %get3A_651 = arith.constant 1 : i32
    %get3A_652 = arith.index_cast %get3A_650 : i32 to index
    %get3A_653 = arith.index_cast %get3A_651 : i32 to index
    %get3A_654 = arith.index_cast %add3A_440 : i32 to index
    %get3A_655 = tpu.vector_load %arg14[%get3A_652, %get3A_653, %get3A_654] {strides = array<i32>} : memref<3x4x2048xf32, #tpu.memory_space<vmem>>, vector<16xf32>,
    %get3A_656 = arith.constant 1 : i32
    %get3A_657 = arith.constant 1 : i32
    %get3A_658 = arith.index_cast %get3A_656 : i32 to index
    %get3A_659 = arith.index_cast %get3A_657 : i32 to index
    %get3A_660 = arith.index_cast %add3A_440 : i32 to index
    %get3A_661 = tpu.vector_load %arg14[%get3A_658, %get3A_659, %get3A_660] {strides = array<i32>} : memref<3x4x2048xf32, #tpu.memory_space<vmem>>, vector<16xf32>,
    %get3A_662 = arith.constant 2 : i32
    %get3A_663 = arith.constant 1 : i32
    %get3A_664 = arith.index_cast %get3A_662 : i32 to index
    %get3A_665 = arith.index_cast %get3A_663 : i32 to index
    %get3A_666 = arith.index_cast %add3A_440 : i32 to index
    %get3A_667 = tpu.vector_load %arg14[%get3A_664, %get3A_665, %get3A_666] {strides = array<i32>} : memref<3x4x2048xf32, #tpu.memory_space<vmem>>, vector<16xf32>,
    %mul3A_668 = arith.mulf %get3A_655, %gather3A_601 : vector<16xf32>
    %mul3A_669 = arith.mulf %get3A_661, %gather3A_606 : vector<16xf32>
    %add3A_670 = arith.addf %mul3A_668, %mul3A_669 : vector<16xf32>
    %mul3A_671 = arith.mulf %get3A_667, %gather3A_611 : vector<16xf32>
    %add3A_672 = arith.addf %add3A_670, %mul3A_671 : vector<16xf32>
    %swap3A_673 = arith.constant 1 : i32
    %swap3A_674 = arith.constant 1 : i32
    %swap3A_675 = arith.index_cast %swap3A_673 : i32 to index
    %swap3A_676 = arith.index_cast %swap3A_674 : i32 to index
    %swap3A_677 = arith.constant 16 : index
    %swap3A_678 = tpu.vector_load %arg16[%swap3A_675, %swap3A_676, %swap3A_677] {strides = array<i32>} : memref<3x4x64xf32, #tpu.memory_space<vmem>>, vector<16xf32>,
    tpu.vector_store %arg16[%swap3A_675, %swap3A_676, %swap3A_677], %add3A_672 {strides = array<i32>} : memref<3x4x64xf32, #tpu.memory_space<vmem>>, vector<16xf32>,
    %get3A_679 = arith.constant 0 : i32
    %get3A_680 = arith.constant 2 : i32
    %get3A_681 = arith.index_cast %get3A_679 : i32 to index
    %get3A_682 = arith.index_cast %get3A_680 : i32 to index
    %get3A_683 = arith.index_cast %add3A_440 : i32 to index
    %get3A_684 = tpu.vector_load %arg14[%get3A_681, %get3A_682, %get3A_683] {strides = array<i32>} : memref<3x4x2048xf32, #tpu.memory_space<vmem>>, vector<16xf32>,
    %get3A_685 = arith.constant 1 : i32
    %get3A_686 = arith.constant 2 : i32
    %get3A_687 = arith.index_cast %get3A_685 : i32 to index
    %get3A_688 = arith.index_cast %get3A_686 : i32 to index
    %get3A_689 = arith.index_cast %add3A_440 : i32 to index
    %get3A_690 = tpu.vector_load %arg14[%get3A_687, %get3A_688, %get3A_689] {strides = array<i32>} : memref<3x4x2048xf32, #tpu.memory_space<vmem>>, vector<16xf32>,
    %get3A_691 = arith.constant 2 : i32
    %get3A_692 = arith.constant 2 : i32
    %get3A_693 = arith.index_cast %get3A_691 : i32 to index
    %get3A_694 = arith.index_cast %get3A_692 : i32 to index
    %get3A_695 = arith.index_cast %add3A_440 : i32 to index
    %get3A_696 = tpu.vector_load %arg14[%get3A_693, %get3A_694, %get3A_695] {strides = array<i32>} : memref<3x4x2048xf32, #tpu.memory_space<vmem>>, vector<16xf32>,
    %mul3A_697 = arith.mulf %get3A_684, %gather3A_601 : vector<16xf32>
    %mul3A_698 = arith.mulf %get3A_690, %gather3A_606 : vector<16xf32>
    %add3A_699 = arith.addf %mul3A_697, %mul3A_698 : vector<16xf32>
    %mul3A_700 = arith.mulf %get3A_696, %gather3A_611 : vector<16xf32>
    %add3A_701 = arith.addf %add3A_699, %mul3A_700 : vector<16xf32>
    %swap3A_702 = arith.constant 1 : i32
    %swap3A_703 = arith.constant 2 : i32
    %swap3A_704 = arith.index_cast %swap3A_702 : i32 to index
    %swap3A_705 = arith.index_cast %swap3A_703 : i32 to index
    %swap3A_706 = arith.constant 16 : index
    %swap3A_707 = tpu.vector_load %arg16[%swap3A_704, %swap3A_705, %swap3A_706] {strides = array<i32>} : memref<3x4x64xf32, #tpu.memory_space<vmem>>, vector<16xf32>,
    tpu.vector_store %arg16[%swap3A_704, %swap3A_705, %swap3A_706], %add3A_701 {strides = array<i32>} : memref<3x4x64xf32, #tpu.memory_space<vmem>>, vector<16xf32>,
    %get3A_708 = arith.constant 0 : i32
    %get3A_709 = arith.constant 3 : i32
    %get3A_710 = arith.index_cast %get3A_708 : i32 to index
    %get3A_711 = arith.index_cast %get3A_709 : i32 to index
    %get3A_712 = arith.index_cast %add3A_440 : i32 to index
    %get3A_713 = tpu.vector_load %arg14[%get3A_710, %get3A_711, %get3A_712] {strides = array<i32>} : memref<3x4x2048xf32, #tpu.memory_space<vmem>>, vector<16xf32>,
    %get3A_714 = arith.constant 1 : i32
    %get3A_715 = arith.constant 3 : i32
    %get3A_716 = arith.index_cast %get3A_714 : i32 to index
    %get3A_717 = arith.index_cast %get3A_715 : i32 to index
    %get3A_718 = arith.index_cast %add3A_440 : i32 to index
    %get3A_719 = tpu.vector_load %arg14[%get3A_716, %get3A_717, %get3A_718] {strides = array<i32>} : memref<3x4x2048xf32, #tpu.memory_space<vmem>>, vector<16xf32>,
    %get3A_720 = arith.constant 2 : i32
    %get3A_721 = arith.constant 3 : i32
    %get3A_722 = arith.index_cast %get3A_720 : i32 to index
    %get3A_723 = arith.index_cast %get3A_721 : i32 to index
    %get3A_724 = arith.index_cast %add3A_440 : i32 to index
    %get3A_725 = tpu.vector_load %arg14[%get3A_722, %get3A_723, %get3A_724] {strides = array<i32>} : memref<3x4x2048xf32, #tpu.memory_space<vmem>>, vector<16xf32>,
    %mul3A_726 = arith.mulf %get3A_713, %gather3A_601 : vector<16xf32>
    %mul3A_727 = arith.mulf %get3A_719, %gather3A_606 : vector<16xf32>
    %add3A_728 = arith.addf %mul3A_726, %mul3A_727 : vector<16xf32>
    %mul3A_729 = arith.mulf %get3A_725, %gather3A_611 : vector<16xf32>
    %add3A_730 = arith.addf %add3A_728, %mul3A_729 : vector<16xf32>
    %swap3A_731 = arith.constant 1 : i32
    %swap3A_732 = arith.constant 3 : i32
    %swap3A_733 = arith.index_cast %swap3A_731 : i32 to index
    %swap3A_734 = arith.index_cast %swap3A_732 : i32 to index
    %swap3A_735 = arith.constant 16 : index
    %swap3A_736 = tpu.vector_load %arg16[%swap3A_733, %swap3A_734, %swap3A_735] {strides = array<i32>} : memref<3x4x64xf32, #tpu.memory_space<vmem>>, vector<16xf32>,
    tpu.vector_store %arg16[%swap3A_733, %swap3A_734, %swap3A_735], %add3A_730 {strides = array<i32>} : memref<3x4x64xf32, #tpu.memory_space<vmem>>, vector<16xf32>,
    %broadcast_in_dim3A_737 = arith.constant 2 : i32
    %broadcast_in_dim3A_738 = vector.broadcast %broadcast_in_dim3A_737 : i32 to vector<16xi32>
    %mul3A_739 = arith.constant 3 : i32
    %mul3A_740 = vector.broadcast %mul3A_739 : i32 to vector<16xi32>
    %mul3A_741 = arith.muli %get3A_444, %mul3A_740 : vector<16xi32>
    %add3A_742 = arith.addi %mul3A_741, %broadcast_in_dim3A_738 : vector<16xi32>
    %gather3A_743 = tpu.vector_load_idx %arg10[%add3A_742] : memref<15000xf32, #tpu.memory_space<vmem>>[vector<16xi32>], vector<16xf32>,
    %mul3A_744 = arith.constant 3 : i32
    %mul3A_745 = vector.broadcast %mul3A_744 : i32 to vector<16xi32>
    %mul3A_746 = arith.muli %get3A_448, %mul3A_745 : vector<16xi32>
    %add3A_747 = arith.addi %mul3A_746, %broadcast_in_dim3A_738 : vector<16xi32>
    %gather3A_748 = tpu.vector_load_idx %arg10[%add3A_747] : memref<15000xf32, #tpu.memory_space<vmem>>[vector<16xi32>], vector<16xf32>,
    %mul3A_749 = arith.constant 3 : i32
    %mul3A_750 = vector.broadcast %mul3A_749 : i32 to vector<16xi32>
    %mul3A_751 = arith.muli %get3A_452, %mul3A_750 : vector<16xi32>
    %add3A_752 = arith.addi %mul3A_751, %broadcast_in_dim3A_738 : vector<16xi32>
    %gather3A_753 = tpu.vector_load_idx %arg10[%add3A_752] : memref<15000xf32, #tpu.memory_space<vmem>>[vector<16xi32>], vector<16xf32>,
    %add3A_754 = arith.addf %gather3A_743, %gather3A_748 : vector<16xf32>
    %add3A_755 = arith.addf %add3A_754, %gather3A_753 : vector<16xf32>
    %mul3A_756 = arith.constant 0.333333343 : f32
    %mul3A_757 = vector.broadcast %mul3A_756 : f32 to vector<16xf32>
    %mul3A_758 = arith.mulf %add3A_755, %mul3A_757 : vector<16xf32>
    %swap3A_759 = arith.constant 2 : i32
    %swap3A_760 = arith.index_cast %swap3A_759 : i32 to index
    %swap3A_761 = arith.constant 16 : index
    %swap3A_762 = tpu.vector_load %arg15[%swap3A_760, %swap3A_761] {strides = array<i32>} : memref<3x64xf32, #tpu.memory_space<vmem>>, vector<16xf32>,
    tpu.vector_store %arg15[%swap3A_760, %swap3A_761], %mul3A_758 {strides = array<i32>} : memref<3x64xf32, #tpu.memory_space<vmem>>, vector<16xf32>,
    %get3A_763 = arith.constant 0 : i32
    %get3A_764 = arith.constant 0 : i32
    %get3A_765 = arith.index_cast %get3A_763 : i32 to index
    %get3A_766 = arith.index_cast %get3A_764 : i32 to index
    %get3A_767 = arith.index_cast %add3A_440 : i32 to index
    %get3A_768 = tpu.vector_load %arg14[%get3A_765, %get3A_766, %get3A_767] {strides = array<i32>} : memref<3x4x2048xf32, #tpu.memory_space<vmem>>, vector<16xf32>,
    %get3A_769 = arith.constant 1 : i32
    %get3A_770 = arith.constant 0 : i32
    %get3A_771 = arith.index_cast %get3A_769 : i32 to index
    %get3A_772 = arith.index_cast %get3A_770 : i32 to index
    %get3A_773 = arith.index_cast %add3A_440 : i32 to index
    %get3A_774 = tpu.vector_load %arg14[%get3A_771, %get3A_772, %get3A_773] {strides = array<i32>} : memref<3x4x2048xf32, #tpu.memory_space<vmem>>, vector<16xf32>,
    %get3A_775 = arith.constant 2 : i32
    %get3A_776 = arith.constant 0 : i32
    %get3A_777 = arith.index_cast %get3A_775 : i32 to index
    %get3A_778 = arith.index_cast %get3A_776 : i32 to index
    %get3A_779 = arith.index_cast %add3A_440 : i32 to index
    %get3A_780 = tpu.vector_load %arg14[%get3A_777, %get3A_778, %get3A_779] {strides = array<i32>} : memref<3x4x2048xf32, #tpu.memory_space<vmem>>, vector<16xf32>,
    %mul3A_781 = arith.mulf %get3A_768, %gather3A_743 : vector<16xf32>
    %mul3A_782 = arith.mulf %get3A_774, %gather3A_748 : vector<16xf32>
    %add3A_783 = arith.addf %mul3A_781, %mul3A_782 : vector<16xf32>
    %mul3A_784 = arith.mulf %get3A_780, %gather3A_753 : vector<16xf32>
    %add3A_785 = arith.addf %add3A_783, %mul3A_784 : vector<16xf32>
    %swap3A_786 = arith.constant 2 : i32
    %swap3A_787 = arith.constant 0 : i32
    %swap3A_788 = arith.index_cast %swap3A_786 : i32 to index
    %swap3A_789 = arith.index_cast %swap3A_787 : i32 to index
    %swap3A_790 = arith.constant 16 : index
    %swap3A_791 = tpu.vector_load %arg16[%swap3A_788, %swap3A_789, %swap3A_790] {strides = array<i32>} : memref<3x4x64xf32, #tpu.memory_space<vmem>>, vector<16xf32>,
    tpu.vector_store %arg16[%swap3A_788, %swap3A_789, %swap3A_790], %add3A_785 {strides = array<i32>} : memref<3x4x64xf32, #tpu.memory_space<vmem>>, vector<16xf32>,
    %get3A_792 = arith.constant 0 : i32
    %get3A_793 = arith.constant 1 : i32
    %get3A_794 = arith.index_cast %get3A_792 : i32 to index
    %get3A_795 = arith.index_cast %get3A_793 : i32 to index
    %get3A_796 = arith.index_cast %add3A_440 : i32 to index
    %get3A_797 = tpu.vector_load %arg14[%get3A_794, %get3A_795, %get3A_796] {strides = array<i32>} : memref<3x4x2048xf32, #tpu.memory_space<vmem>>, vector<16xf32>,
    %get3A_798 = arith.constant 1 : i32
    %get3A_799 = arith.constant 1 : i32
    %get3A_800 = arith.index_cast %get3A_798 : i32 to index
    %get3A_801 = arith.index_cast %get3A_799 : i32 to index
    %get3A_802 = arith.index_cast %add3A_440 : i32 to index
    %get3A_803 = tpu.vector_load %arg14[%get3A_800, %get3A_801, %get3A_802] {strides = array<i32>} : memref<3x4x2048xf32, #tpu.memory_space<vmem>>, vector<16xf32>,
    %get3A_804 = arith.constant 2 : i32
    %get3A_805 = arith.constant 1 : i32
    %get3A_806 = arith.index_cast %get3A_804 : i32 to index
    %get3A_807 = arith.index_cast %get3A_805 : i32 to index
    %get3A_808 = arith.index_cast %add3A_440 : i32 to index
    %get3A_809 = tpu.vector_load %arg14[%get3A_806, %get3A_807, %get3A_808] {strides = array<i32>} : memref<3x4x2048xf32, #tpu.memory_space<vmem>>, vector<16xf32>,
    %mul3A_810 = arith.mulf %get3A_797, %gather3A_743 : vector<16xf32>
    %mul3A_811 = arith.mulf %get3A_803, %gather3A_748 : vector<16xf32>
    %add3A_812 = arith.addf %mul3A_810, %mul3A_811 : vector<16xf32>
    %mul3A_813 = arith.mulf %get3A_809, %gather3A_753 : vector<16xf32>
    %add3A_814 = arith.addf %add3A_812, %mul3A_813 : vector<16xf32>
    %swap3A_815 = arith.constant 2 : i32
    %swap3A_816 = arith.constant 1 : i32
    %swap3A_817 = arith.index_cast %swap3A_815 : i32 to index
    %swap3A_818 = arith.index_cast %swap3A_816 : i32 to index
    %swap3A_819 = arith.constant 16 : index
    %swap3A_820 = tpu.vector_load %arg16[%swap3A_817, %swap3A_818, %swap3A_819] {strides = array<i32>} : memref<3x4x64xf32, #tpu.memory_space<vmem>>, vector<16xf32>,
    tpu.vector_store %arg16[%swap3A_817, %swap3A_818, %swap3A_819], %add3A_814 {strides = array<i32>} : memref<3x4x64xf32, #tpu.memory_space<vmem>>, vector<16xf32>,
    %get3A_821 = arith.constant 0 : i32
    %get3A_822 = arith.constant 2 : i32
    %get3A_823 = arith.index_cast %get3A_821 : i32 to index
    %get3A_824 = arith.index_cast %get3A_822 : i32 to index
    %get3A_825 = arith.index_cast %add3A_440 : i32 to index
    %get3A_826 = tpu.vector_load %arg14[%get3A_823, %get3A_824, %get3A_825] {strides = array<i32>} : memref<3x4x2048xf32, #tpu.memory_space<vmem>>, vector<16xf32>,
    %get3A_827 = arith.constant 1 : i32
    %get3A_828 = arith.constant 2 : i32
    %get3A_829 = arith.index_cast %get3A_827 : i32 to index
    %get3A_830 = arith.index_cast %get3A_828 : i32 to index
    %get3A_831 = arith.index_cast %add3A_440 : i32 to index
    %get3A_832 = tpu.vector_load %arg14[%get3A_829, %get3A_830, %get3A_831] {strides = array<i32>} : memref<3x4x2048xf32, #tpu.memory_space<vmem>>, vector<16xf32>,
    %get3A_833 = arith.constant 2 : i32
    %get3A_834 = arith.constant 2 : i32
    %get3A_835 = arith.index_cast %get3A_833 : i32 to index
    %get3A_836 = arith.index_cast %get3A_834 : i32 to index
    %get3A_837 = arith.index_cast %add3A_440 : i32 to index
    %get3A_838 = tpu.vector_load %arg14[%get3A_835, %get3A_836, %get3A_837] {strides = array<i32>} : memref<3x4x2048xf32, #tpu.memory_space<vmem>>, vector<16xf32>,
    %mul3A_839 = arith.mulf %get3A_826, %gather3A_743 : vector<16xf32>
    %mul3A_840 = arith.mulf %get3A_832, %gather3A_748 : vector<16xf32>
    %add3A_841 = arith.addf %mul3A_839, %mul3A_840 : vector<16xf32>
    %mul3A_842 = arith.mulf %get3A_838, %gather3A_753 : vector<16xf32>
    %add3A_843 = arith.addf %add3A_841, %mul3A_842 : vector<16xf32>
    %swap3A_844 = arith.constant 2 : i32
    %swap3A_845 = arith.constant 2 : i32
    %swap3A_846 = arith.index_cast %swap3A_844 : i32 to index
    %swap3A_847 = arith.index_cast %swap3A_845 : i32 to index
    %swap3A_848 = arith.constant 16 : index
    %swap3A_849 = tpu.vector_load %arg16[%swap3A_846, %swap3A_847, %swap3A_848] {strides = array<i32>} : memref<3x4x64xf32, #tpu.memory_space<vmem>>, vector<16xf32>,
    tpu.vector_store %arg16[%swap3A_846, %swap3A_847, %swap3A_848], %add3A_843 {strides = array<i32>} : memref<3x4x64xf32, #tpu.memory_space<vmem>>, vector<16xf32>,
    %get3A_850 = arith.constant 0 : i32
    %get3A_851 = arith.constant 3 : i32
    %get3A_852 = arith.index_cast %get3A_850 : i32 to index
    %get3A_853 = arith.index_cast %get3A_851 : i32 to index
    %get3A_854 = arith.index_cast %add3A_440 : i32 to index
    %get3A_855 = tpu.vector_load %arg14[%get3A_852, %get3A_853, %get3A_854] {strides = array<i32>} : memref<3x4x2048xf32, #tpu.memory_space<vmem>>, vector<16xf32>,
    %get3A_856 = arith.constant 1 : i32
    %get3A_857 = arith.constant 3 : i32
    %get3A_858 = arith.index_cast %get3A_856 : i32 to index
    %get3A_859 = arith.index_cast %get3A_857 : i32 to index
    %get3A_860 = arith.index_cast %add3A_440 : i32 to index
    %get3A_861 = tpu.vector_load %arg14[%get3A_858, %get3A_859, %get3A_860] {strides = array<i32>} : memref<3x4x2048xf32, #tpu.memory_space<vmem>>, vector<16xf32>,
    %get3A_862 = arith.constant 2 : i32
    %get3A_863 = arith.constant 3 : i32
    %get3A_864 = arith.index_cast %get3A_862 : i32 to index
    %get3A_865 = arith.index_cast %get3A_863 : i32 to index
    %get3A_866 = arith.index_cast %add3A_440 : i32 to index
    %get3A_867 = tpu.vector_load %arg14[%get3A_864, %get3A_865, %get3A_866] {strides = array<i32>} : memref<3x4x2048xf32, #tpu.memory_space<vmem>>, vector<16xf32>,
    %mul3A_868 = arith.mulf %get3A_855, %gather3A_743 : vector<16xf32>
    %mul3A_869 = arith.mulf %get3A_861, %gather3A_748 : vector<16xf32>
    %add3A_870 = arith.addf %mul3A_868, %mul3A_869 : vector<16xf32>
    %mul3A_871 = arith.mulf %get3A_867, %gather3A_753 : vector<16xf32>
    %add3A_872 = arith.addf %add3A_870, %mul3A_871 : vector<16xf32>
    %swap3A_873 = arith.constant 2 : i32
    %swap3A_874 = arith.constant 3 : i32
    %swap3A_875 = arith.index_cast %swap3A_873 : i32 to index
    %swap3A_876 = arith.index_cast %swap3A_874 : i32 to index
    %swap3A_877 = arith.constant 16 : index
    %swap3A_878 = tpu.vector_load %arg16[%swap3A_875, %swap3A_876, %swap3A_877] {strides = array<i32>} : memref<3x4x64xf32, #tpu.memory_space<vmem>>, vector<16xf32>,
    tpu.vector_store %arg16[%swap3A_875, %swap3A_876, %swap3A_877], %add3A_872 {strides = array<i32>} : memref<3x4x64xf32, #tpu.memory_space<vmem>>, vector<16xf32>,
    %add3A_879 = arith.constant 32 : i32
    %add3A_880 = arith.addi %mul3A_2, %add3A_879 : i32
    %get3A_881 = arith.constant 0 : i32
    %get3A_882 = arith.index_cast %get3A_881 : i32 to index
    %get3A_883 = arith.index_cast %add3A_880 : i32 to index
    %get3A_884 = tpu.vector_load %arg12[%get3A_882, %get3A_883] {strides = array<i32>} : memref<3x2048xi32, #tpu.memory_space<vmem>>, vector<16xi32>,
    %get3A_885 = arith.constant 1 : i32
    %get3A_886 = arith.index_cast %get3A_885 : i32 to index
    %get3A_887 = arith.index_cast %add3A_880 : i32 to index
    %get3A_888 = tpu.vector_load %arg12[%get3A_886, %get3A_887] {strides = array<i32>} : memref<3x2048xi32, #tpu.memory_space<vmem>>, vector<16xi32>,
    %get3A_889 = arith.constant 2 : i32
    %get3A_890 = arith.index_cast %get3A_889 : i32 to index
    %get3A_891 = arith.index_cast %add3A_880 : i32 to index
    %get3A_892 = tpu.vector_load %arg12[%get3A_890, %get3A_891] {strides = array<i32>} : memref<3x2048xi32, #tpu.memory_space<vmem>>, vector<16xi32>,
    %broadcast_in_dim3A_893 = arith.constant 0 : i32
    %broadcast_in_dim3A_894 = vector.broadcast %broadcast_in_dim3A_893 : i32 to vector<16xi32>
    %mul3A_895 = arith.constant 3 : i32
    %mul3A_896 = vector.broadcast %mul3A_895 : i32 to vector<16xi32>
    %mul3A_897 = arith.muli %get3A_884, %mul3A_896 : vector<16xi32>
    %add3A_898 = arith.addi %mul3A_897, %broadcast_in_dim3A_894 : vector<16xi32>
    %gather3A_899 = tpu.vector_load_idx %arg10[%add3A_898] : memref<15000xf32, #tpu.memory_space<vmem>>[vector<16xi32>], vector<16xf32>,
    %mul3A_900 = arith.constant 3 : i32
    %mul3A_901 = vector.broadcast %mul3A_900 : i32 to vector<16xi32>
    %mul3A_902 = arith.muli %get3A_888, %mul3A_901 : vector<16xi32>
    %add3A_903 = arith.addi %mul3A_902, %broadcast_in_dim3A_894 : vector<16xi32>
    %gather3A_904 = tpu.vector_load_idx %arg10[%add3A_903] : memref<15000xf32, #tpu.memory_space<vmem>>[vector<16xi32>], vector<16xf32>,
    %mul3A_905 = arith.constant 3 : i32
    %mul3A_906 = vector.broadcast %mul3A_905 : i32 to vector<16xi32>
    %mul3A_907 = arith.muli %get3A_892, %mul3A_906 : vector<16xi32>
    %add3A_908 = arith.addi %mul3A_907, %broadcast_in_dim3A_894 : vector<16xi32>
    %gather3A_909 = tpu.vector_load_idx %arg10[%add3A_908] : memref<15000xf32, #tpu.memory_space<vmem>>[vector<16xi32>], vector<16xf32>,
    %add3A_910 = arith.addf %gather3A_899, %gather3A_904 : vector<16xf32>
    %add3A_911 = arith.addf %add3A_910, %gather3A_909 : vector<16xf32>
    %mul3A_912 = arith.constant 0.333333343 : f32
    %mul3A_913 = vector.broadcast %mul3A_912 : f32 to vector<16xf32>
    %mul3A_914 = arith.mulf %add3A_911, %mul3A_913 : vector<16xf32>
    %swap3A_915 = arith.constant 0 : i32
    %swap3A_916 = arith.index_cast %swap3A_915 : i32 to index
    %swap3A_917 = arith.constant 32 : index
    %swap3A_918 = tpu.vector_load %arg15[%swap3A_916, %swap3A_917] {strides = array<i32>} : memref<3x64xf32, #tpu.memory_space<vmem>>, vector<16xf32>,
    tpu.vector_store %arg15[%swap3A_916, %swap3A_917], %mul3A_914 {strides = array<i32>} : memref<3x64xf32, #tpu.memory_space<vmem>>, vector<16xf32>,
    %get3A_919 = arith.constant 0 : i32
    %get3A_920 = arith.constant 0 : i32
    %get3A_921 = arith.index_cast %get3A_919 : i32 to index
    %get3A_922 = arith.index_cast %get3A_920 : i32 to index
    %get3A_923 = arith.index_cast %add3A_880 : i32 to index
    %get3A_924 = tpu.vector_load %arg14[%get3A_921, %get3A_922, %get3A_923] {strides = array<i32>} : memref<3x4x2048xf32, #tpu.memory_space<vmem>>, vector<16xf32>,
    %get3A_925 = arith.constant 1 : i32
    %get3A_926 = arith.constant 0 : i32
    %get3A_927 = arith.index_cast %get3A_925 : i32 to index
    %get3A_928 = arith.index_cast %get3A_926 : i32 to index
    %get3A_929 = arith.index_cast %add3A_880 : i32 to index
    %get3A_930 = tpu.vector_load %arg14[%get3A_927, %get3A_928, %get3A_929] {strides = array<i32>} : memref<3x4x2048xf32, #tpu.memory_space<vmem>>, vector<16xf32>,
    %get3A_931 = arith.constant 2 : i32
    %get3A_932 = arith.constant 0 : i32
    %get3A_933 = arith.index_cast %get3A_931 : i32 to index
    %get3A_934 = arith.index_cast %get3A_932 : i32 to index
    %get3A_935 = arith.index_cast %add3A_880 : i32 to index
    %get3A_936 = tpu.vector_load %arg14[%get3A_933, %get3A_934, %get3A_935] {strides = array<i32>} : memref<3x4x2048xf32, #tpu.memory_space<vmem>>, vector<16xf32>,
    %mul3A_937 = arith.mulf %get3A_924, %gather3A_899 : vector<16xf32>
    %mul3A_938 = arith.mulf %get3A_930, %gather3A_904 : vector<16xf32>
    %add3A_939 = arith.addf %mul3A_937, %mul3A_938 : vector<16xf32>
    %mul3A_940 = arith.mulf %get3A_936, %gather3A_909 : vector<16xf32>
    %add3A_941 = arith.addf %add3A_939, %mul3A_940 : vector<16xf32>
    %swap3A_942 = arith.constant 0 : i32
    %swap3A_943 = arith.constant 0 : i32
    %swap3A_944 = arith.index_cast %swap3A_942 : i32 to index
    %swap3A_945 = arith.index_cast %swap3A_943 : i32 to index
    %swap3A_946 = arith.constant 32 : index
    %swap3A_947 = tpu.vector_load %arg16[%swap3A_944, %swap3A_945, %swap3A_946] {strides = array<i32>} : memref<3x4x64xf32, #tpu.memory_space<vmem>>, vector<16xf32>,
    tpu.vector_store %arg16[%swap3A_944, %swap3A_945, %swap3A_946], %add3A_941 {strides = array<i32>} : memref<3x4x64xf32, #tpu.memory_space<vmem>>, vector<16xf32>,
    %get3A_948 = arith.constant 0 : i32
    %get3A_949 = arith.constant 1 : i32
    %get3A_950 = arith.index_cast %get3A_948 : i32 to index
    %get3A_951 = arith.index_cast %get3A_949 : i32 to index
    %get3A_952 = arith.index_cast %add3A_880 : i32 to index
    %get3A_953 = tpu.vector_load %arg14[%get3A_950, %get3A_951, %get3A_952] {strides = array<i32>} : memref<3x4x2048xf32, #tpu.memory_space<vmem>>, vector<16xf32>,
    %get3A_954 = arith.constant 1 : i32
    %get3A_955 = arith.constant 1 : i32
    %get3A_956 = arith.index_cast %get3A_954 : i32 to index
    %get3A_957 = arith.index_cast %get3A_955 : i32 to index
    %get3A_958 = arith.index_cast %add3A_880 : i32 to index
    %get3A_959 = tpu.vector_load %arg14[%get3A_956, %get3A_957, %get3A_958] {strides = array<i32>} : memref<3x4x2048xf32, #tpu.memory_space<vmem>>, vector<16xf32>,
    %get3A_960 = arith.constant 2 : i32
    %get3A_961 = arith.constant 1 : i32
    %get3A_962 = arith.index_cast %get3A_960 : i32 to index
    %get3A_963 = arith.index_cast %get3A_961 : i32 to index
    %get3A_964 = arith.index_cast %add3A_880 : i32 to index
    %get3A_965 = tpu.vector_load %arg14[%get3A_962, %get3A_963, %get3A_964] {strides = array<i32>} : memref<3x4x2048xf32, #tpu.memory_space<vmem>>, vector<16xf32>,
    %mul3A_966 = arith.mulf %get3A_953, %gather3A_899 : vector<16xf32>
    %mul3A_967 = arith.mulf %get3A_959, %gather3A_904 : vector<16xf32>
    %add3A_968 = arith.addf %mul3A_966, %mul3A_967 : vector<16xf32>
    %mul3A_969 = arith.mulf %get3A_965, %gather3A_909 : vector<16xf32>
    %add3A_970 = arith.addf %add3A_968, %mul3A_969 : vector<16xf32>
    %swap3A_971 = arith.constant 0 : i32
    %swap3A_972 = arith.constant 1 : i32
    %swap3A_973 = arith.index_cast %swap3A_971 : i32 to index
    %swap3A_974 = arith.index_cast %swap3A_972 : i32 to index
    %swap3A_975 = arith.constant 32 : index
    %swap3A_976 = tpu.vector_load %arg16[%swap3A_973, %swap3A_974, %swap3A_975] {strides = array<i32>} : memref<3x4x64xf32, #tpu.memory_space<vmem>>, vector<16xf32>,
    tpu.vector_store %arg16[%swap3A_973, %swap3A_974, %swap3A_975], %add3A_970 {strides = array<i32>} : memref<3x4x64xf32, #tpu.memory_space<vmem>>, vector<16xf32>,
    %get3A_977 = arith.constant 0 : i32
    %get3A_978 = arith.constant 2 : i32
    %get3A_979 = arith.index_cast %get3A_977 : i32 to index
    %get3A_980 = arith.index_cast %get3A_978 : i32 to index
    %get3A_981 = arith.index_cast %add3A_880 : i32 to index
    %get3A_982 = tpu.vector_load %arg14[%get3A_979, %get3A_980, %get3A_981] {strides = array<i32>} : memref<3x4x2048xf32, #tpu.memory_space<vmem>>, vector<16xf32>,
    %get3A_983 = arith.constant 1 : i32
    %get3A_984 = arith.constant 2 : i32
    %get3A_985 = arith.index_cast %get3A_983 : i32 to index
    %get3A_986 = arith.index_cast %get3A_984 : i32 to index
    %get3A_987 = arith.index_cast %add3A_880 : i32 to index
    %get3A_988 = tpu.vector_load %arg14[%get3A_985, %get3A_986, %get3A_987] {strides = array<i32>} : memref<3x4x2048xf32, #tpu.memory_space<vmem>>, vector<16xf32>,
    %get3A_989 = arith.constant 2 : i32
    %get3A_990 = arith.constant 2 : i32
    %get3A_991 = arith.index_cast %get3A_989 : i32 to index
    %get3A_992 = arith.index_cast %get3A_990 : i32 to index
    %get3A_993 = arith.index_cast %add3A_880 : i32 to index
    %get3A_994 = tpu.vector_load %arg14[%get3A_991, %get3A_992, %get3A_993] {strides = array<i32>} : memref<3x4x2048xf32, #tpu.memory_space<vmem>>, vector<16xf32>,
    %mul3A_995 = arith.mulf %get3A_982, %gather3A_899 : vector<16xf32>
    %mul3A_996 = arith.mulf %get3A_988, %gather3A_904 : vector<16xf32>
    %add3A_997 = arith.addf %mul3A_995, %mul3A_996 : vector<16xf32>
    %mul3A_998 = arith.mulf %get3A_994, %gather3A_909 : vector<16xf32>
    %add3A_999 = arith.addf %add3A_997, %mul3A_998 : vector<16xf32>
    %swap3A_1000 = arith.constant 0 : i32
    %swap3A_1001 = arith.constant 2 : i32
    %swap3A_1002 = arith.index_cast %swap3A_1000 : i32 to index
    %swap3A_1003 = arith.index_cast %swap3A_1001 : i32 to index
    %swap3A_1004 = arith.constant 32 : index
    %swap3A_1005 = tpu.vector_load %arg16[%swap3A_1002, %swap3A_1003, %swap3A_1004] {strides = array<i32>} : memref<3x4x64xf32, #tpu.memory_space<vmem>>, vector<16xf32>,
    tpu.vector_store %arg16[%swap3A_1002, %swap3A_1003, %swap3A_1004], %add3A_999 {strides = array<i32>} : memref<3x4x64xf32, #tpu.memory_space<vmem>>, vector<16xf32>,
    %get3A_1006 = arith.constant 0 : i32
    %get3A_1007 = arith.constant 3 : i32
    %get3A_1008 = arith.index_cast %get3A_1006 : i32 to index
    %get3A_1009 = arith.index_cast %get3A_1007 : i32 to index
    %get3A_1010 = arith.index_cast %add3A_880 : i32 to index
    %get3A_1011 = tpu.vector_load %arg14[%get3A_1008, %get3A_1009, %get3A_1010] {strides = array<i32>} : memref<3x4x2048xf32, #tpu.memory_space<vmem>>, vector<16xf32>,
    %get3A_1012 = arith.constant 1 : i32
    %get3A_1013 = arith.constant 3 : i32
    %get3A_1014 = arith.index_cast %get3A_1012 : i32 to index
    %get3A_1015 = arith.index_cast %get3A_1013 : i32 to index
    %get3A_1016 = arith.index_cast %add3A_880 : i32 to index
    %get3A_1017 = tpu.vector_load %arg14[%get3A_1014, %get3A_1015, %get3A_1016] {strides = array<i32>} : memref<3x4x2048xf32, #tpu.memory_space<vmem>>, vector<16xf32>,
    %get3A_1018 = arith.constant 2 : i32
    %get3A_1019 = arith.constant 3 : i32
    %get3A_1020 = arith.index_cast %get3A_1018 : i32 to index
    %get3A_1021 = arith.index_cast %get3A_1019 : i32 to index
    %get3A_1022 = arith.index_cast %add3A_880 : i32 to index
    %get3A_1023 = tpu.vector_load %arg14[%get3A_1020, %get3A_1021, %get3A_1022] {strides = array<i32>} : memref<3x4x2048xf32, #tpu.memory_space<vmem>>, vector<16xf32>,
    %mul3A_1024 = arith.mulf %get3A_1011, %gather3A_899 : vector<16xf32>
    %mul3A_1025 = arith.mulf %get3A_1017, %gather3A_904 : vector<16xf32>
    %add3A_1026 = arith.addf %mul3A_1024, %mul3A_1025 : vector<16xf32>
    %mul3A_1027 = arith.mulf %get3A_1023, %gather3A_909 : vector<16xf32>
    %add3A_1028 = arith.addf %add3A_1026, %mul3A_1027 : vector<16xf32>
    %swap3A_1029 = arith.constant 0 : i32
    %swap3A_1030 = arith.constant 3 : i32
    %swap3A_1031 = arith.index_cast %swap3A_1029 : i32 to index
    %swap3A_1032 = arith.index_cast %swap3A_1030 : i32 to index
    %swap3A_1033 = arith.constant 32 : index
    %swap3A_1034 = tpu.vector_load %arg16[%swap3A_1031, %swap3A_1032, %swap3A_1033] {strides = array<i32>} : memref<3x4x64xf32, #tpu.memory_space<vmem>>, vector<16xf32>,
    tpu.vector_store %arg16[%swap3A_1031, %swap3A_1032, %swap3A_1033], %add3A_1028 {strides = array<i32>} : memref<3x4x64xf32, #tpu.memory_space<vmem>>, vector<16xf32>,
    %broadcast_in_dim3A_1035 = arith.constant 1 : i32
    %broadcast_in_dim3A_1036 = vector.broadcast %broadcast_in_dim3A_1035 : i32 to vector<16xi32>
    %mul3A_1037 = arith.constant 3 : i32
    %mul3A_1038 = vector.broadcast %mul3A_1037 : i32 to vector<16xi32>
    %mul3A_1039 = arith.muli %get3A_884, %mul3A_1038 : vector<16xi32>
    %add3A_1040 = arith.addi %mul3A_1039, %broadcast_in_dim3A_1036 : vector<16xi32>
    %gather3A_1041 = tpu.vector_load_idx %arg10[%add3A_1040] : memref<15000xf32, #tpu.memory_space<vmem>>[vector<16xi32>], vector<16xf32>,
    %mul3A_1042 = arith.constant 3 : i32
    %mul3A_1043 = vector.broadcast %mul3A_1042 : i32 to vector<16xi32>
    %mul3A_1044 = arith.muli %get3A_888, %mul3A_1043 : vector<16xi32>
    %add3A_1045 = arith.addi %mul3A_1044, %broadcast_in_dim3A_1036 : vector<16xi32>
    %gather3A_1046 = tpu.vector_load_idx %arg10[%add3A_1045] : memref<15000xf32, #tpu.memory_space<vmem>>[vector<16xi32>], vector<16xf32>,
    %mul3A_1047 = arith.constant 3 : i32
    %mul3A_1048 = vector.broadcast %mul3A_1047 : i32 to vector<16xi32>
    %mul3A_1049 = arith.muli %get3A_892, %mul3A_1048 : vector<16xi32>
    %add3A_1050 = arith.addi %mul3A_1049, %broadcast_in_dim3A_1036 : vector<16xi32>
    %gather3A_1051 = tpu.vector_load_idx %arg10[%add3A_1050] : memref<15000xf32, #tpu.memory_space<vmem>>[vector<16xi32>], vector<16xf32>,
    %add3A_1052 = arith.addf %gather3A_1041, %gather3A_1046 : vector<16xf32>
    %add3A_1053 = arith.addf %add3A_1052, %gather3A_1051 : vector<16xf32>
    %mul3A_1054 = arith.constant 0.333333343 : f32
    %mul3A_1055 = vector.broadcast %mul3A_1054 : f32 to vector<16xf32>
    %mul3A_1056 = arith.mulf %add3A_1053, %mul3A_1055 : vector<16xf32>
    %swap3A_1057 = arith.constant 1 : i32
    %swap3A_1058 = arith.index_cast %swap3A_1057 : i32 to index
    %swap3A_1059 = arith.constant 32 : index
    %swap3A_1060 = tpu.vector_load %arg15[%swap3A_1058, %swap3A_1059] {strides = array<i32>} : memref<3x64xf32, #tpu.memory_space<vmem>>, vector<16xf32>,
    tpu.vector_store %arg15[%swap3A_1058, %swap3A_1059], %mul3A_1056 {strides = array<i32>} : memref<3x64xf32, #tpu.memory_space<vmem>>, vector<16xf32>,
    %get3A_1061 = arith.constant 0 : i32
    %get3A_1062 = arith.constant 0 : i32
    %get3A_1063 = arith.index_cast %get3A_1061 : i32 to index
    %get3A_1064 = arith.index_cast %get3A_1062 : i32 to index
    %get3A_1065 = arith.index_cast %add3A_880 : i32 to index
    %get3A_1066 = tpu.vector_load %arg14[%get3A_1063, %get3A_1064, %get3A_1065] {strides = array<i32>} : memref<3x4x2048xf32, #tpu.memory_space<vmem>>, vector<16xf32>,
    %get3A_1067 = arith.constant 1 : i32
    %get3A_1068 = arith.constant 0 : i32
    %get3A_1069 = arith.index_cast %get3A_1067 : i32 to index
    %get3A_1070 = arith.index_cast %get3A_1068 : i32 to index
    %get3A_1071 = arith.index_cast %add3A_880 : i32 to index
    %get3A_1072 = tpu.vector_load %arg14[%get3A_1069, %get3A_1070, %get3A_1071] {strides = array<i32>} : memref<3x4x2048xf32, #tpu.memory_space<vmem>>, vector<16xf32>,
    %get3A_1073 = arith.constant 2 : i32
    %get3A_1074 = arith.constant 0 : i32
    %get3A_1075 = arith.index_cast %get3A_1073 : i32 to index
    %get3A_1076 = arith.index_cast %get3A_1074 : i32 to index
    %get3A_1077 = arith.index_cast %add3A_880 : i32 to index
    %get3A_1078 = tpu.vector_load %arg14[%get3A_1075, %get3A_1076, %get3A_1077] {strides = array<i32>} : memref<3x4x2048xf32, #tpu.memory_space<vmem>>, vector<16xf32>,
    %mul3A_1079 = arith.mulf %get3A_1066, %gather3A_1041 : vector<16xf32>
    %mul3A_1080 = arith.mulf %get3A_1072, %gather3A_1046 : vector<16xf32>
    %add3A_1081 = arith.addf %mul3A_1079, %mul3A_1080 : vector<16xf32>
    %mul3A_1082 = arith.mulf %get3A_1078, %gather3A_1051 : vector<16xf32>
    %add3A_1083 = arith.addf %add3A_1081, %mul3A_1082 : vector<16xf32>
    %swap3A_1084 = arith.constant 1 : i32
    %swap3A_1085 = arith.constant 0 : i32
    %swap3A_1086 = arith.index_cast %swap3A_1084 : i32 to index
    %swap3A_1087 = arith.index_cast %swap3A_1085 : i32 to index
    %swap3A_1088 = arith.constant 32 : index
    %swap3A_1089 = tpu.vector_load %arg16[%swap3A_1086, %swap3A_1087, %swap3A_1088] {strides = array<i32>} : memref<3x4x64xf32, #tpu.memory_space<vmem>>, vector<16xf32>,
    tpu.vector_store %arg16[%swap3A_1086, %swap3A_1087, %swap3A_1088], %add3A_1083 {strides = array<i32>} : memref<3x4x64xf32, #tpu.memory_space<vmem>>, vector<16xf32>,
    %get3A_1090 = arith.constant 0 : i32
    %get3A_1091 = arith.constant 1 : i32
    %get3A_1092 = arith.index_cast %get3A_1090 : i32 to index
    %get3A_1093 = arith.index_cast %get3A_1091 : i32 to index
    %get3A_1094 = arith.index_cast %add3A_880 : i32 to index
    %get3A_1095 = tpu.vector_load %arg14[%get3A_1092, %get3A_1093, %get3A_1094] {strides = array<i32>} : memref<3x4x2048xf32, #tpu.memory_space<vmem>>, vector<16xf32>,
    %get3A_1096 = arith.constant 1 : i32
    %get3A_1097 = arith.constant 1 : i32
    %get3A_1098 = arith.index_cast %get3A_1096 : i32 to index
    %get3A_1099 = arith.index_cast %get3A_1097 : i32 to index
    %get3A_1100 = arith.index_cast %add3A_880 : i32 to index
    %get3A_1101 = tpu.vector_load %arg14[%get3A_1098, %get3A_1099, %get3A_1100] {strides = array<i32>} : memref<3x4x2048xf32, #tpu.memory_space<vmem>>, vector<16xf32>,
    %get3A_1102 = arith.constant 2 : i32
    %get3A_1103 = arith.constant 1 : i32
    %get3A_1104 = arith.index_cast %get3A_1102 : i32 to index
    %get3A_1105 = arith.index_cast %get3A_1103 : i32 to index
    %get3A_1106 = arith.index_cast %add3A_880 : i32 to index
    %get3A_1107 = tpu.vector_load %arg14[%get3A_1104, %get3A_1105, %get3A_1106] {strides = array<i32>} : memref<3x4x2048xf32, #tpu.memory_space<vmem>>, vector<16xf32>,
    %mul3A_1108 = arith.mulf %get3A_1095, %gather3A_1041 : vector<16xf32>
    %mul3A_1109 = arith.mulf %get3A_1101, %gather3A_1046 : vector<16xf32>
    %add3A_1110 = arith.addf %mul3A_1108, %mul3A_1109 : vector<16xf32>
    %mul3A_1111 = arith.mulf %get3A_1107, %gather3A_1051 : vector<16xf32>
    %add3A_1112 = arith.addf %add3A_1110, %mul3A_1111 : vector<16xf32>
    %swap3A_1113 = arith.constant 1 : i32
    %swap3A_1114 = arith.constant 1 : i32
    %swap3A_1115 = arith.index_cast %swap3A_1113 : i32 to index
    %swap3A_1116 = arith.index_cast %swap3A_1114 : i32 to index
    %swap3A_1117 = arith.constant 32 : index
    %swap3A_1118 = tpu.vector_load %arg16[%swap3A_1115, %swap3A_1116, %swap3A_1117] {strides = array<i32>} : memref<3x4x64xf32, #tpu.memory_space<vmem>>, vector<16xf32>,
    tpu.vector_store %arg16[%swap3A_1115, %swap3A_1116, %swap3A_1117], %add3A_1112 {strides = array<i32>} : memref<3x4x64xf32, #tpu.memory_space<vmem>>, vector<16xf32>,
    %get3A_1119 = arith.constant 0 : i32
    %get3A_1120 = arith.constant 2 : i32
    %get3A_1121 = arith.index_cast %get3A_1119 : i32 to index
    %get3A_1122 = arith.index_cast %get3A_1120 : i32 to index
    %get3A_1123 = arith.index_cast %add3A_880 : i32 to index
    %get3A_1124 = tpu.vector_load %arg14[%get3A_1121, %get3A_1122, %get3A_1123] {strides = array<i32>} : memref<3x4x2048xf32, #tpu.memory_space<vmem>>, vector<16xf32>,
    %get3A_1125 = arith.constant 1 : i32
    %get3A_1126 = arith.constant 2 : i32
    %get3A_1127 = arith.index_cast %get3A_1125 : i32 to index
    %get3A_1128 = arith.index_cast %get3A_1126 : i32 to index
    %get3A_1129 = arith.index_cast %add3A_880 : i32 to index
    %get3A_1130 = tpu.vector_load %arg14[%get3A_1127, %get3A_1128, %get3A_1129] {strides = array<i32>} : memref<3x4x2048xf32, #tpu.memory_space<vmem>>, vector<16xf32>,
    %get3A_1131 = arith.constant 2 : i32
    %get3A_1132 = arith.constant 2 : i32
    %get3A_1133 = arith.index_cast %get3A_1131 : i32 to index
    %get3A_1134 = arith.index_cast %get3A_1132 : i32 to index
    %get3A_1135 = arith.index_cast %add3A_880 : i32 to index
    %get3A_1136 = tpu.vector_load %arg14[%get3A_1133, %get3A_1134, %get3A_1135] {strides = array<i32>} : memref<3x4x2048xf32, #tpu.memory_space<vmem>>, vector<16xf32>,
    %mul3A_1137 = arith.mulf %get3A_1124, %gather3A_1041 : vector<16xf32>
    %mul3A_1138 = arith.mulf %get3A_1130, %gather3A_1046 : vector<16xf32>
    %add3A_1139 = arith.addf %mul3A_1137, %mul3A_1138 : vector<16xf32>
    %mul3A_1140 = arith.mulf %get3A_1136, %gather3A_1051 : vector<16xf32>
    %add3A_1141 = arith.addf %add3A_1139, %mul3A_1140 : vector<16xf32>
    %swap3A_1142 = arith.constant 1 : i32
    %swap3A_1143 = arith.constant 2 : i32
    %swap3A_1144 = arith.index_cast %swap3A_1142 : i32 to index
    %swap3A_1145 = arith.index_cast %swap3A_1143 : i32 to index
    %swap3A_1146 = arith.constant 32 : index
    %swap3A_1147 = tpu.vector_load %arg16[%swap3A_1144, %swap3A_1145, %swap3A_1146] {strides = array<i32>} : memref<3x4x64xf32, #tpu.memory_space<vmem>>, vector<16xf32>,
    tpu.vector_store %arg16[%swap3A_1144, %swap3A_1145, %swap3A_1146], %add3A_1141 {strides = array<i32>} : memref<3x4x64xf32, #tpu.memory_space<vmem>>, vector<16xf32>,
    %get3A_1148 = arith.constant 0 : i32
    %get3A_1149 = arith.constant 3 : i32
    %get3A_1150 = arith.index_cast %get3A_1148 : i32 to index
    %get3A_1151 = arith.index_cast %get3A_1149 : i32 to index
    %get3A_1152 = arith.index_cast %add3A_880 : i32 to index
    %get3A_1153 = tpu.vector_load %arg14[%get3A_1150, %get3A_1151, %get3A_1152] {strides = array<i32>} : memref<3x4x2048xf32, #tpu.memory_space<vmem>>, vector<16xf32>,
    %get3A_1154 = arith.constant 1 : i32
    %get3A_1155 = arith.constant 3 : i32
    %get3A_1156 = arith.index_cast %get3A_1154 : i32 to index
    %get3A_1157 = arith.index_cast %get3A_1155 : i32 to index
    %get3A_1158 = arith.index_cast %add3A_880 : i32 to index
    %get3A_1159 = tpu.vector_load %arg14[%get3A_1156, %get3A_1157, %get3A_1158] {strides = array<i32>} : memref<3x4x2048xf32, #tpu.memory_space<vmem>>, vector<16xf32>,
    %get3A_1160 = arith.constant 2 : i32
    %get3A_1161 = arith.constant 3 : i32
    %get3A_1162 = arith.index_cast %get3A_1160 : i32 to index
    %get3A_1163 = arith.index_cast %get3A_1161 : i32 to index
    %get3A_1164 = arith.index_cast %add3A_880 : i32 to index
    %get3A_1165 = tpu.vector_load %arg14[%get3A_1162, %get3A_1163, %get3A_1164] {strides = array<i32>} : memref<3x4x2048xf32, #tpu.memory_space<vmem>>, vector<16xf32>,
    %mul3A_1166 = arith.mulf %get3A_1153, %gather3A_1041 : vector<16xf32>
    %mul3A_1167 = arith.mulf %get3A_1159, %gather3A_1046 : vector<16xf32>
    %add3A_1168 = arith.addf %mul3A_1166, %mul3A_1167 : vector<16xf32>
    %mul3A_1169 = arith.mulf %get3A_1165, %gather3A_1051 : vector<16xf32>
    %add3A_1170 = arith.addf %add3A_1168, %mul3A_1169 : vector<16xf32>
    %swap3A_1171 = arith.constant 1 : i32
    %swap3A_1172 = arith.constant 3 : i32
    %swap3A_1173 = arith.index_cast %swap3A_1171 : i32 to index
    %swap3A_1174 = arith.index_cast %swap3A_1172 : i32 to index
    %swap3A_1175 = arith.constant 32 : index
    %swap3A_1176 = tpu.vector_load %arg16[%swap3A_1173, %swap3A_1174, %swap3A_1175] {strides = array<i32>} : memref<3x4x64xf32, #tpu.memory_space<vmem>>, vector<16xf32>,
    tpu.vector_store %arg16[%swap3A_1173, %swap3A_1174, %swap3A_1175], %add3A_1170 {strides = array<i32>} : memref<3x4x64xf32, #tpu.memory_space<vmem>>, vector<16xf32>,
    %broadcast_in_dim3A_1177 = arith.constant 2 : i32
    %broadcast_in_dim3A_1178 = vector.broadcast %broadcast_in_dim3A_1177 : i32 to vector<16xi32>
    %mul3A_1179 = arith.constant 3 : i32
    %mul3A_1180 = vector.broadcast %mul3A_1179 : i32 to vector<16xi32>
    %mul3A_1181 = arith.muli %get3A_884, %mul3A_1180 : vector<16xi32>
    %add3A_1182 = arith.addi %mul3A_1181, %broadcast_in_dim3A_1178 : vector<16xi32>
    %gather3A_1183 = tpu.vector_load_idx %arg10[%add3A_1182] : memref<15000xf32, #tpu.memory_space<vmem>>[vector<16xi32>], vector<16xf32>,
    %mul3A_1184 = arith.constant 3 : i32
    %mul3A_1185 = vector.broadcast %mul3A_1184 : i32 to vector<16xi32>
    %mul3A_1186 = arith.muli %get3A_888, %mul3A_1185 : vector<16xi32>
    %add3A_1187 = arith.addi %mul3A_1186, %broadcast_in_dim3A_1178 : vector<16xi32>
    %gather3A_1188 = tpu.vector_load_idx %arg10[%add3A_1187] : memref<15000xf32, #tpu.memory_space<vmem>>[vector<16xi32>], vector<16xf32>,
    %mul3A_1189 = arith.constant 3 : i32
    %mul3A_1190 = vector.broadcast %mul3A_1189 : i32 to vector<16xi32>
    %mul3A_1191 = arith.muli %get3A_892, %mul3A_1190 : vector<16xi32>
    %add3A_1192 = arith.addi %mul3A_1191, %broadcast_in_dim3A_1178 : vector<16xi32>
    %gather3A_1193 = tpu.vector_load_idx %arg10[%add3A_1192] : memref<15000xf32, #tpu.memory_space<vmem>>[vector<16xi32>], vector<16xf32>,
    %add3A_1194 = arith.addf %gather3A_1183, %gather3A_1188 : vector<16xf32>
    %add3A_1195 = arith.addf %add3A_1194, %gather3A_1193 : vector<16xf32>
    %mul3A_1196 = arith.constant 0.333333343 : f32
    %mul3A_1197 = vector.broadcast %mul3A_1196 : f32 to vector<16xf32>
    %mul3A_1198 = arith.mulf %add3A_1195, %mul3A_1197 : vector<16xf32>
    %swap3A_1199 = arith.constant 2 : i32
    %swap3A_1200 = arith.index_cast %swap3A_1199 : i32 to index
    %swap3A_1201 = arith.constant 32 : index
    %swap3A_1202 = tpu.vector_load %arg15[%swap3A_1200, %swap3A_1201] {strides = array<i32>} : memref<3x64xf32, #tpu.memory_space<vmem>>, vector<16xf32>,
    tpu.vector_store %arg15[%swap3A_1200, %swap3A_1201], %mul3A_1198 {strides = array<i32>} : memref<3x64xf32, #tpu.memory_space<vmem>>, vector<16xf32>,
    %get3A_1203 = arith.constant 0 : i32
    %get3A_1204 = arith.constant 0 : i32
    %get3A_1205 = arith.index_cast %get3A_1203 : i32 to index
    %get3A_1206 = arith.index_cast %get3A_1204 : i32 to index
    %get3A_1207 = arith.index_cast %add3A_880 : i32 to index
    %get3A_1208 = tpu.vector_load %arg14[%get3A_1205, %get3A_1206, %get3A_1207] {strides = array<i32>} : memref<3x4x2048xf32, #tpu.memory_space<vmem>>, vector<16xf32>,
    %get3A_1209 = arith.constant 1 : i32
    %get3A_1210 = arith.constant 0 : i32
    %get3A_1211 = arith.index_cast %get3A_1209 : i32 to index
    %get3A_1212 = arith.index_cast %get3A_1210 : i32 to index
    %get3A_1213 = arith.index_cast %add3A_880 : i32 to index
    %get3A_1214 = tpu.vector_load %arg14[%get3A_1211, %get3A_1212, %get3A_1213] {strides = array<i32>} : memref<3x4x2048xf32, #tpu.memory_space<vmem>>, vector<16xf32>,
    %get3A_1215 = arith.constant 2 : i32
    %get3A_1216 = arith.constant 0 : i32
    %get3A_1217 = arith.index_cast %get3A_1215 : i32 to index
    %get3A_1218 = arith.index_cast %get3A_1216 : i32 to index
    %get3A_1219 = arith.index_cast %add3A_880 : i32 to index
    %get3A_1220 = tpu.vector_load %arg14[%get3A_1217, %get3A_1218, %get3A_1219] {strides = array<i32>} : memref<3x4x2048xf32, #tpu.memory_space<vmem>>, vector<16xf32>,
    %mul3A_1221 = arith.mulf %get3A_1208, %gather3A_1183 : vector<16xf32>
    %mul3A_1222 = arith.mulf %get3A_1214, %gather3A_1188 : vector<16xf32>
    %add3A_1223 = arith.addf %mul3A_1221, %mul3A_1222 : vector<16xf32>
    %mul3A_1224 = arith.mulf %get3A_1220, %gather3A_1193 : vector<16xf32>
    %add3A_1225 = arith.addf %add3A_1223, %mul3A_1224 : vector<16xf32>
    %swap3A_1226 = arith.constant 2 : i32
    %swap3A_1227 = arith.constant 0 : i32
    %swap3A_1228 = arith.index_cast %swap3A_1226 : i32 to index
    %swap3A_1229 = arith.index_cast %swap3A_1227 : i32 to index
    %swap3A_1230 = arith.constant 32 : index
    %swap3A_1231 = tpu.vector_load %arg16[%swap3A_1228, %swap3A_1229, %swap3A_1230] {strides = array<i32>} : memref<3x4x64xf32, #tpu.memory_space<vmem>>, vector<16xf32>,
    tpu.vector_store %arg16[%swap3A_1228, %swap3A_1229, %swap3A_1230], %add3A_1225 {strides = array<i32>} : memref<3x4x64xf32, #tpu.memory_space<vmem>>, vector<16xf32>,
    %get3A_1232 = arith.constant 0 : i32
    %get3A_1233 = arith.constant 1 : i32
    %get3A_1234 = arith.index_cast %get3A_1232 : i32 to index
    %get3A_1235 = arith.index_cast %get3A_1233 : i32 to index
    %get3A_1236 = arith.index_cast %add3A_880 : i32 to index
    %get3A_1237 = tpu.vector_load %arg14[%get3A_1234, %get3A_1235, %get3A_1236] {strides = array<i32>} : memref<3x4x2048xf32, #tpu.memory_space<vmem>>, vector<16xf32>,
    %get3A_1238 = arith.constant 1 : i32
    %get3A_1239 = arith.constant 1 : i32
    %get3A_1240 = arith.index_cast %get3A_1238 : i32 to index
    %get3A_1241 = arith.index_cast %get3A_1239 : i32 to index
    %get3A_1242 = arith.index_cast %add3A_880 : i32 to index
    %get3A_1243 = tpu.vector_load %arg14[%get3A_1240, %get3A_1241, %get3A_1242] {strides = array<i32>} : memref<3x4x2048xf32, #tpu.memory_space<vmem>>, vector<16xf32>,
    %get3A_1244 = arith.constant 2 : i32
    %get3A_1245 = arith.constant 1 : i32
    %get3A_1246 = arith.index_cast %get3A_1244 : i32 to index
    %get3A_1247 = arith.index_cast %get3A_1245 : i32 to index
    %get3A_1248 = arith.index_cast %add3A_880 : i32 to index
    %get3A_1249 = tpu.vector_load %arg14[%get3A_1246, %get3A_1247, %get3A_1248] {strides = array<i32>} : memref<3x4x2048xf32, #tpu.memory_space<vmem>>, vector<16xf32>,
    %mul3A_1250 = arith.mulf %get3A_1237, %gather3A_1183 : vector<16xf32>
    %mul3A_1251 = arith.mulf %get3A_1243, %gather3A_1188 : vector<16xf32>
    %add3A_1252 = arith.addf %mul3A_1250, %mul3A_1251 : vector<16xf32>
    %mul3A_1253 = arith.mulf %get3A_1249, %gather3A_1193 : vector<16xf32>
    %add3A_1254 = arith.addf %add3A_1252, %mul3A_1253 : vector<16xf32>
    %swap3A_1255 = arith.constant 2 : i32
    %swap3A_1256 = arith.constant 1 : i32
    %swap3A_1257 = arith.index_cast %swap3A_1255 : i32 to index
    %swap3A_1258 = arith.index_cast %swap3A_1256 : i32 to index
    %swap3A_1259 = arith.constant 32 : index
    %swap3A_1260 = tpu.vector_load %arg16[%swap3A_1257, %swap3A_1258, %swap3A_1259] {strides = array<i32>} : memref<3x4x64xf32, #tpu.memory_space<vmem>>, vector<16xf32>,
    tpu.vector_store %arg16[%swap3A_1257, %swap3A_1258, %swap3A_1259], %add3A_1254 {strides = array<i32>} : memref<3x4x64xf32, #tpu.memory_space<vmem>>, vector<16xf32>,
    %get3A_1261 = arith.constant 0 : i32
    %get3A_1262 = arith.constant 2 : i32
    %get3A_1263 = arith.index_cast %get3A_1261 : i32 to index
    %get3A_1264 = arith.index_cast %get3A_1262 : i32 to index
    %get3A_1265 = arith.index_cast %add3A_880 : i32 to index
    %get3A_1266 = tpu.vector_load %arg14[%get3A_1263, %get3A_1264, %get3A_1265] {strides = array<i32>} : memref<3x4x2048xf32, #tpu.memory_space<vmem>>, vector<16xf32>,
    %get3A_1267 = arith.constant 1 : i32
    %get3A_1268 = arith.constant 2 : i32
    %get3A_1269 = arith.index_cast %get3A_1267 : i32 to index
    %get3A_1270 = arith.index_cast %get3A_1268 : i32 to index
    %get3A_1271 = arith.index_cast %add3A_880 : i32 to index
    %get3A_1272 = tpu.vector_load %arg14[%get3A_1269, %get3A_1270, %get3A_1271] {strides = array<i32>} : memref<3x4x2048xf32, #tpu.memory_space<vmem>>, vector<16xf32>,
    %get3A_1273 = arith.constant 2 : i32
    %get3A_1274 = arith.constant 2 : i32
    %get3A_1275 = arith.index_cast %get3A_1273 : i32 to index
    %get3A_1276 = arith.index_cast %get3A_1274 : i32 to index
    %get3A_1277 = arith.index_cast %add3A_880 : i32 to index
    %get3A_1278 = tpu.vector_load %arg14[%get3A_1275, %get3A_1276, %get3A_1277] {strides = array<i32>} : memref<3x4x2048xf32, #tpu.memory_space<vmem>>, vector<16xf32>,
    %mul3A_1279 = arith.mulf %get3A_1266, %gather3A_1183 : vector<16xf32>
    %mul3A_1280 = arith.mulf %get3A_1272, %gather3A_1188 : vector<16xf32>
    %add3A_1281 = arith.addf %mul3A_1279, %mul3A_1280 : vector<16xf32>
    %mul3A_1282 = arith.mulf %get3A_1278, %gather3A_1193 : vector<16xf32>
    %add3A_1283 = arith.addf %add3A_1281, %mul3A_1282 : vector<16xf32>
    %swap3A_1284 = arith.constant 2 : i32
    %swap3A_1285 = arith.constant 2 : i32
    %swap3A_1286 = arith.index_cast %swap3A_1284 : i32 to index
    %swap3A_1287 = arith.index_cast %swap3A_1285 : i32 to index
    %swap3A_1288 = arith.constant 32 : index
    %swap3A_1289 = tpu.vector_load %arg16[%swap3A_1286, %swap3A_1287, %swap3A_1288] {strides = array<i32>} : memref<3x4x64xf32, #tpu.memory_space<vmem>>, vector<16xf32>,
    tpu.vector_store %arg16[%swap3A_1286, %swap3A_1287, %swap3A_1288], %add3A_1283 {strides = array<i32>} : memref<3x4x64xf32, #tpu.memory_space<vmem>>, vector<16xf32>,
    %get3A_1290 = arith.constant 0 : i32
    %get3A_1291 = arith.constant 3 : i32
    %get3A_1292 = arith.index_cast %get3A_1290 : i32 to index
    %get3A_1293 = arith.index_cast %get3A_1291 : i32 to index
    %get3A_1294 = arith.index_cast %add3A_880 : i32 to index
    %get3A_1295 = tpu.vector_load %arg14[%get3A_1292, %get3A_1293, %get3A_1294] {strides = array<i32>} : memref<3x4x2048xf32, #tpu.memory_space<vmem>>, vector<16xf32>,
    %get3A_1296 = arith.constant 1 : i32
    %get3A_1297 = arith.constant 3 : i32
    %get3A_1298 = arith.index_cast %get3A_1296 : i32 to index
    %get3A_1299 = arith.index_cast %get3A_1297 : i32 to index
    %get3A_1300 = arith.index_cast %add3A_880 : i32 to index
    %get3A_1301 = tpu.vector_load %arg14[%get3A_1298, %get3A_1299, %get3A_1300] {strides = array<i32>} : memref<3x4x2048xf32, #tpu.memory_space<vmem>>, vector<16xf32>,
    %get3A_1302 = arith.constant 2 : i32
    %get3A_1303 = arith.constant 3 : i32
    %get3A_1304 = arith.index_cast %get3A_1302 : i32 to index
    %get3A_1305 = arith.index_cast %get3A_1303 : i32 to index
    %get3A_1306 = arith.index_cast %add3A_880 : i32 to index
    %get3A_1307 = tpu.vector_load %arg14[%get3A_1304, %get3A_1305, %get3A_1306] {strides = array<i32>} : memref<3x4x2048xf32, #tpu.memory_space<vmem>>, vector<16xf32>,
    %mul3A_1308 = arith.mulf %get3A_1295, %gather3A_1183 : vector<16xf32>
    %mul3A_1309 = arith.mulf %get3A_1301, %gather3A_1188 : vector<16xf32>
    %add3A_1310 = arith.addf %mul3A_1308, %mul3A_1309 : vector<16xf32>
    %mul3A_1311 = arith.mulf %get3A_1307, %gather3A_1193 : vector<16xf32>
    %add3A_1312 = arith.addf %add3A_1310, %mul3A_1311 : vector<16xf32>
    %swap3A_1313 = arith.constant 2 : i32
    %swap3A_1314 = arith.constant 3 : i32
    %swap3A_1315 = arith.index_cast %swap3A_1313 : i32 to index
    %swap3A_1316 = arith.index_cast %swap3A_1314 : i32 to index
    %swap3A_1317 = arith.constant 32 : index
    %swap3A_1318 = tpu.vector_load %arg16[%swap3A_1315, %swap3A_1316, %swap3A_1317] {strides = array<i32>} : memref<3x4x64xf32, #tpu.memory_space<vmem>>, vector<16xf32>,
    tpu.vector_store %arg16[%swap3A_1315, %swap3A_1316, %swap3A_1317], %add3A_1312 {strides = array<i32>} : memref<3x4x64xf32, #tpu.memory_space<vmem>>, vector<16xf32>,
    %add3A_1319 = arith.constant 48 : i32
    %add3A_1320 = arith.addi %mul3A_2, %add3A_1319 : i32
    %get3A_1321 = arith.constant 0 : i32
    %get3A_1322 = arith.index_cast %get3A_1321 : i32 to index
    %get3A_1323 = arith.index_cast %add3A_1320 : i32 to index
    %get3A_1324 = tpu.vector_load %arg12[%get3A_1322, %get3A_1323] {strides = array<i32>} : memref<3x2048xi32, #tpu.memory_space<vmem>>, vector<16xi32>,
    %get3A_1325 = arith.constant 1 : i32
    %get3A_1326 = arith.index_cast %get3A_1325 : i32 to index
    %get3A_1327 = arith.index_cast %add3A_1320 : i32 to index
    %get3A_1328 = tpu.vector_load %arg12[%get3A_1326, %get3A_1327] {strides = array<i32>} : memref<3x2048xi32, #tpu.memory_space<vmem>>, vector<16xi32>,
    %get3A_1329 = arith.constant 2 : i32
    %get3A_1330 = arith.index_cast %get3A_1329 : i32 to index
    %get3A_1331 = arith.index_cast %add3A_1320 : i32 to index
    %get3A_1332 = tpu.vector_load %arg12[%get3A_1330, %get3A_1331] {strides = array<i32>} : memref<3x2048xi32, #tpu.memory_space<vmem>>, vector<16xi32>,
    %broadcast_in_dim3A_1333 = arith.constant 0 : i32
    %broadcast_in_dim3A_1334 = vector.broadcast %broadcast_in_dim3A_1333 : i32 to vector<16xi32>
    %mul3A_1335 = arith.constant 3 : i32
    %mul3A_1336 = vector.broadcast %mul3A_1335 : i32 to vector<16xi32>
    %mul3A_1337 = arith.muli %get3A_1324, %mul3A_1336 : vector<16xi32>
    %add3A_1338 = arith.addi %mul3A_1337, %broadcast_in_dim3A_1334 : vector<16xi32>
    %gather3A_1339 = tpu.vector_load_idx %arg10[%add3A_1338] : memref<15000xf32, #tpu.memory_space<vmem>>[vector<16xi32>], vector<16xf32>,
    %mul3A_1340 = arith.constant 3 : i32
    %mul3A_1341 = vector.broadcast %mul3A_1340 : i32 to vector<16xi32>
    %mul3A_1342 = arith.muli %get3A_1328, %mul3A_1341 : vector<16xi32>
    %add3A_1343 = arith.addi %mul3A_1342, %broadcast_in_dim3A_1334 : vector<16xi32>
    %gather3A_1344 = tpu.vector_load_idx %arg10[%add3A_1343] : memref<15000xf32, #tpu.memory_space<vmem>>[vector<16xi32>], vector<16xf32>,
    %mul3A_1345 = arith.constant 3 : i32
    %mul3A_1346 = vector.broadcast %mul3A_1345 : i32 to vector<16xi32>
    %mul3A_1347 = arith.muli %get3A_1332, %mul3A_1346 : vector<16xi32>
    %add3A_1348 = arith.addi %mul3A_1347, %broadcast_in_dim3A_1334 : vector<16xi32>
    %gather3A_1349 = tpu.vector_load_idx %arg10[%add3A_1348] : memref<15000xf32, #tpu.memory_space<vmem>>[vector<16xi32>], vector<16xf32>,
    %add3A_1350 = arith.addf %gather3A_1339, %gather3A_1344 : vector<16xf32>
    %add3A_1351 = arith.addf %add3A_1350, %gather3A_1349 : vector<16xf32>
    %mul3A_1352 = arith.constant 0.333333343 : f32
    %mul3A_1353 = vector.broadcast %mul3A_1352 : f32 to vector<16xf32>
    %mul3A_1354 = arith.mulf %add3A_1351, %mul3A_1353 : vector<16xf32>
    %swap3A_1355 = arith.constant 0 : i32
    %swap3A_1356 = arith.index_cast %swap3A_1355 : i32 to index
    %swap3A_1357 = arith.constant 48 : index
    %swap3A_1358 = tpu.vector_load %arg15[%swap3A_1356, %swap3A_1357] {strides = array<i32>} : memref<3x64xf32, #tpu.memory_space<vmem>>, vector<16xf32>,
    tpu.vector_store %arg15[%swap3A_1356, %swap3A_1357], %mul3A_1354 {strides = array<i32>} : memref<3x64xf32, #tpu.memory_space<vmem>>, vector<16xf32>,
    %get3A_1359 = arith.constant 0 : i32
    %get3A_1360 = arith.constant 0 : i32
    %get3A_1361 = arith.index_cast %get3A_1359 : i32 to index
    %get3A_1362 = arith.index_cast %get3A_1360 : i32 to index
    %get3A_1363 = arith.index_cast %add3A_1320 : i32 to index
    %get3A_1364 = tpu.vector_load %arg14[%get3A_1361, %get3A_1362, %get3A_1363] {strides = array<i32>} : memref<3x4x2048xf32, #tpu.memory_space<vmem>>, vector<16xf32>,
    %get3A_1365 = arith.constant 1 : i32
    %get3A_1366 = arith.constant 0 : i32
    %get3A_1367 = arith.index_cast %get3A_1365 : i32 to index
    %get3A_1368 = arith.index_cast %get3A_1366 : i32 to index
    %get3A_1369 = arith.index_cast %add3A_1320 : i32 to index
    %get3A_1370 = tpu.vector_load %arg14[%get3A_1367, %get3A_1368, %get3A_1369] {strides = array<i32>} : memref<3x4x2048xf32, #tpu.memory_space<vmem>>, vector<16xf32>,
    %get3A_1371 = arith.constant 2 : i32
    %get3A_1372 = arith.constant 0 : i32
    %get3A_1373 = arith.index_cast %get3A_1371 : i32 to index
    %get3A_1374 = arith.index_cast %get3A_1372 : i32 to index
    %get3A_1375 = arith.index_cast %add3A_1320 : i32 to index
    %get3A_1376 = tpu.vector_load %arg14[%get3A_1373, %get3A_1374, %get3A_1375] {strides = array<i32>} : memref<3x4x2048xf32, #tpu.memory_space<vmem>>, vector<16xf32>,
    %mul3A_1377 = arith.mulf %get3A_1364, %gather3A_1339 : vector<16xf32>
    %mul3A_1378 = arith.mulf %get3A_1370, %gather3A_1344 : vector<16xf32>
    %add3A_1379 = arith.addf %mul3A_1377, %mul3A_1378 : vector<16xf32>
    %mul3A_1380 = arith.mulf %get3A_1376, %gather3A_1349 : vector<16xf32>
    %add3A_1381 = arith.addf %add3A_1379, %mul3A_1380 : vector<16xf32>
    %swap3A_1382 = arith.constant 0 : i32
    %swap3A_1383 = arith.constant 0 : i32
    %swap3A_1384 = arith.index_cast %swap3A_1382 : i32 to index
    %swap3A_1385 = arith.index_cast %swap3A_1383 : i32 to index
    %swap3A_1386 = arith.constant 48 : index
    %swap3A_1387 = tpu.vector_load %arg16[%swap3A_1384, %swap3A_1385, %swap3A_1386] {strides = array<i32>} : memref<3x4x64xf32, #tpu.memory_space<vmem>>, vector<16xf32>,
    tpu.vector_store %arg16[%swap3A_1384, %swap3A_1385, %swap3A_1386], %add3A_1381 {strides = array<i32>} : memref<3x4x64xf32, #tpu.memory_space<vmem>>, vector<16xf32>,
    %get3A_1388 = arith.constant 0 : i32
    %get3A_1389 = arith.constant 1 : i32
    %get3A_1390 = arith.index_cast %get3A_1388 : i32 to index
    %get3A_1391 = arith.index_cast %get3A_1389 : i32 to index
    %get3A_1392 = arith.index_cast %add3A_1320 : i32 to index
    %get3A_1393 = tpu.vector_load %arg14[%get3A_1390, %get3A_1391, %get3A_1392] {strides = array<i32>} : memref<3x4x2048xf32, #tpu.memory_space<vmem>>, vector<16xf32>,
    %get3A_1394 = arith.constant 1 : i32
    %get3A_1395 = arith.constant 1 : i32
    %get3A_1396 = arith.index_cast %get3A_1394 : i32 to index
    %get3A_1397 = arith.index_cast %get3A_1395 : i32 to index
    %get3A_1398 = arith.index_cast %add3A_1320 : i32 to index
    %get3A_1399 = tpu.vector_load %arg14[%get3A_1396, %get3A_1397, %get3A_1398] {strides = array<i32>} : memref<3x4x2048xf32, #tpu.memory_space<vmem>>, vector<16xf32>,
    %get3A_1400 = arith.constant 2 : i32
    %get3A_1401 = arith.constant 1 : i32
    %get3A_1402 = arith.index_cast %get3A_1400 : i32 to index
    %get3A_1403 = arith.index_cast %get3A_1401 : i32 to index
    %get3A_1404 = arith.index_cast %add3A_1320 : i32 to index
    %get3A_1405 = tpu.vector_load %arg14[%get3A_1402, %get3A_1403, %get3A_1404] {strides = array<i32>} : memref<3x4x2048xf32, #tpu.memory_space<vmem>>, vector<16xf32>,
    %mul3A_1406 = arith.mulf %get3A_1393, %gather3A_1339 : vector<16xf32>
    %mul3A_1407 = arith.mulf %get3A_1399, %gather3A_1344 : vector<16xf32>
    %add3A_1408 = arith.addf %mul3A_1406, %mul3A_1407 : vector<16xf32>
    %mul3A_1409 = arith.mulf %get3A_1405, %gather3A_1349 : vector<16xf32>
    %add3A_1410 = arith.addf %add3A_1408, %mul3A_1409 : vector<16xf32>
    %swap3A_1411 = arith.constant 0 : i32
    %swap3A_1412 = arith.constant 1 : i32
    %swap3A_1413 = arith.index_cast %swap3A_1411 : i32 to index
    %swap3A_1414 = arith.index_cast %swap3A_1412 : i32 to index
    %swap3A_1415 = arith.constant 48 : index
    %swap3A_1416 = tpu.vector_load %arg16[%swap3A_1413, %swap3A_1414, %swap3A_1415] {strides = array<i32>} : memref<3x4x64xf32, #tpu.memory_space<vmem>>, vector<16xf32>,
    tpu.vector_store %arg16[%swap3A_1413, %swap3A_1414, %swap3A_1415], %add3A_1410 {strides = array<i32>} : memref<3x4x64xf32, #tpu.memory_space<vmem>>, vector<16xf32>,
    %get3A_1417 = arith.constant 0 : i32
    %get3A_1418 = arith.constant 2 : i32
    %get3A_1419 = arith.index_cast %get3A_1417 : i32 to index
    %get3A_1420 = arith.index_cast %get3A_1418 : i32 to index
    %get3A_1421 = arith.index_cast %add3A_1320 : i32 to index
    %get3A_1422 = tpu.vector_load %arg14[%get3A_1419, %get3A_1420, %get3A_1421] {strides = array<i32>} : memref<3x4x2048xf32, #tpu.memory_space<vmem>>, vector<16xf32>,
    %get3A_1423 = arith.constant 1 : i32
    %get3A_1424 = arith.constant 2 : i32
    %get3A_1425 = arith.index_cast %get3A_1423 : i32 to index
    %get3A_1426 = arith.index_cast %get3A_1424 : i32 to index
    %get3A_1427 = arith.index_cast %add3A_1320 : i32 to index
    %get3A_1428 = tpu.vector_load %arg14[%get3A_1425, %get3A_1426, %get3A_1427] {strides = array<i32>} : memref<3x4x2048xf32, #tpu.memory_space<vmem>>, vector<16xf32>,
    %get3A_1429 = arith.constant 2 : i32
    %get3A_1430 = arith.constant 2 : i32
    %get3A_1431 = arith.index_cast %get3A_1429 : i32 to index
    %get3A_1432 = arith.index_cast %get3A_1430 : i32 to index
    %get3A_1433 = arith.index_cast %add3A_1320 : i32 to index
    %get3A_1434 = tpu.vector_load %arg14[%get3A_1431, %get3A_1432, %get3A_1433] {strides = array<i32>} : memref<3x4x2048xf32, #tpu.memory_space<vmem>>, vector<16xf32>,
    %mul3A_1435 = arith.mulf %get3A_1422, %gather3A_1339 : vector<16xf32>
    %mul3A_1436 = arith.mulf %get3A_1428, %gather3A_1344 : vector<16xf32>
    %add3A_1437 = arith.addf %mul3A_1435, %mul3A_1436 : vector<16xf32>
    %mul3A_1438 = arith.mulf %get3A_1434, %gather3A_1349 : vector<16xf32>
    %add3A_1439 = arith.addf %add3A_1437, %mul3A_1438 : vector<16xf32>
    %swap3A_1440 = arith.constant 0 : i32
    %swap3A_1441 = arith.constant 2 : i32
    %swap3A_1442 = arith.index_cast %swap3A_1440 : i32 to index
    %swap3A_1443 = arith.index_cast %swap3A_1441 : i32 to index
    %swap3A_1444 = arith.constant 48 : index
    %swap3A_1445 = tpu.vector_load %arg16[%swap3A_1442, %swap3A_1443, %swap3A_1444] {strides = array<i32>} : memref<3x4x64xf32, #tpu.memory_space<vmem>>, vector<16xf32>,
    tpu.vector_store %arg16[%swap3A_1442, %swap3A_1443, %swap3A_1444], %add3A_1439 {strides = array<i32>} : memref<3x4x64xf32, #tpu.memory_space<vmem>>, vector<16xf32>,
    %get3A_1446 = arith.constant 0 : i32
    %get3A_1447 = arith.constant 3 : i32
    %get3A_1448 = arith.index_cast %get3A_1446 : i32 to index
    %get3A_1449 = arith.index_cast %get3A_1447 : i32 to index
    %get3A_1450 = arith.index_cast %add3A_1320 : i32 to index
    %get3A_1451 = tpu.vector_load %arg14[%get3A_1448, %get3A_1449, %get3A_1450] {strides = array<i32>} : memref<3x4x2048xf32, #tpu.memory_space<vmem>>, vector<16xf32>,
    %get3A_1452 = arith.constant 1 : i32
    %get3A_1453 = arith.constant 3 : i32
    %get3A_1454 = arith.index_cast %get3A_1452 : i32 to index
    %get3A_1455 = arith.index_cast %get3A_1453 : i32 to index
    %get3A_1456 = arith.index_cast %add3A_1320 : i32 to index
    %get3A_1457 = tpu.vector_load %arg14[%get3A_1454, %get3A_1455, %get3A_1456] {strides = array<i32>} : memref<3x4x2048xf32, #tpu.memory_space<vmem>>, vector<16xf32>,
    %get3A_1458 = arith.constant 2 : i32
    %get3A_1459 = arith.constant 3 : i32
    %get3A_1460 = arith.index_cast %get3A_1458 : i32 to index
    %get3A_1461 = arith.index_cast %get3A_1459 : i32 to index
    %get3A_1462 = arith.index_cast %add3A_1320 : i32 to index
    %get3A_1463 = tpu.vector_load %arg14[%get3A_1460, %get3A_1461, %get3A_1462] {strides = array<i32>} : memref<3x4x2048xf32, #tpu.memory_space<vmem>>, vector<16xf32>,
    %mul3A_1464 = arith.mulf %get3A_1451, %gather3A_1339 : vector<16xf32>
    %mul3A_1465 = arith.mulf %get3A_1457, %gather3A_1344 : vector<16xf32>
    %add3A_1466 = arith.addf %mul3A_1464, %mul3A_1465 : vector<16xf32>
    %mul3A_1467 = arith.mulf %get3A_1463, %gather3A_1349 : vector<16xf32>
    %add3A_1468 = arith.addf %add3A_1466, %mul3A_1467 : vector<16xf32>
    %swap3A_1469 = arith.constant 0 : i32
    %swap3A_1470 = arith.constant 3 : i32
    %swap3A_1471 = arith.index_cast %swap3A_1469 : i32 to index
    %swap3A_1472 = arith.index_cast %swap3A_1470 : i32 to index
    %swap3A_1473 = arith.constant 48 : index
    %swap3A_1474 = tpu.vector_load %arg16[%swap3A_1471, %swap3A_1472, %swap3A_1473] {strides = array<i32>} : memref<3x4x64xf32, #tpu.memory_space<vmem>>, vector<16xf32>,
    tpu.vector_store %arg16[%swap3A_1471, %swap3A_1472, %swap3A_1473], %add3A_1468 {strides = array<i32>} : memref<3x4x64xf32, #tpu.memory_space<vmem>>, vector<16xf32>,
    %broadcast_in_dim3A_1475 = arith.constant 1 : i32
    %broadcast_in_dim3A_1476 = vector.broadcast %broadcast_in_dim3A_1475 : i32 to vector<16xi32>
    %mul3A_1477 = arith.constant 3 : i32
    %mul3A_1478 = vector.broadcast %mul3A_1477 : i32 to vector<16xi32>
    %mul3A_1479 = arith.muli %get3A_1324, %mul3A_1478 : vector<16xi32>
    %add3A_1480 = arith.addi %mul3A_1479, %broadcast_in_dim3A_1476 : vector<16xi32>
    %gather3A_1481 = tpu.vector_load_idx %arg10[%add3A_1480] : memref<15000xf32, #tpu.memory_space<vmem>>[vector<16xi32>], vector<16xf32>,
    %mul3A_1482 = arith.constant 3 : i32
    %mul3A_1483 = vector.broadcast %mul3A_1482 : i32 to vector<16xi32>
    %mul3A_1484 = arith.muli %get3A_1328, %mul3A_1483 : vector<16xi32>
    %add3A_1485 = arith.addi %mul3A_1484, %broadcast_in_dim3A_1476 : vector<16xi32>
    %gather3A_1486 = tpu.vector_load_idx %arg10[%add3A_1485] : memref<15000xf32, #tpu.memory_space<vmem>>[vector<16xi32>], vector<16xf32>,
    %mul3A_1487 = arith.constant 3 : i32
    %mul3A_1488 = vector.broadcast %mul3A_1487 : i32 to vector<16xi32>
    %mul3A_1489 = arith.muli %get3A_1332, %mul3A_1488 : vector<16xi32>
    %add3A_1490 = arith.addi %mul3A_1489, %broadcast_in_dim3A_1476 : vector<16xi32>
    %gather3A_1491 = tpu.vector_load_idx %arg10[%add3A_1490] : memref<15000xf32, #tpu.memory_space<vmem>>[vector<16xi32>], vector<16xf32>,
    %add3A_1492 = arith.addf %gather3A_1481, %gather3A_1486 : vector<16xf32>
    %add3A_1493 = arith.addf %add3A_1492, %gather3A_1491 : vector<16xf32>
    %mul3A_1494 = arith.constant 0.333333343 : f32
    %mul3A_1495 = vector.broadcast %mul3A_1494 : f32 to vector<16xf32>
    %mul3A_1496 = arith.mulf %add3A_1493, %mul3A_1495 : vector<16xf32>
    %swap3A_1497 = arith.constant 1 : i32
    %swap3A_1498 = arith.index_cast %swap3A_1497 : i32 to index
    %swap3A_1499 = arith.constant 48 : index
    %swap3A_1500 = tpu.vector_load %arg15[%swap3A_1498, %swap3A_1499] {strides = array<i32>} : memref<3x64xf32, #tpu.memory_space<vmem>>, vector<16xf32>,
    tpu.vector_store %arg15[%swap3A_1498, %swap3A_1499], %mul3A_1496 {strides = array<i32>} : memref<3x64xf32, #tpu.memory_space<vmem>>, vector<16xf32>,
    %get3A_1501 = arith.constant 0 : i32
    %get3A_1502 = arith.constant 0 : i32
    %get3A_1503 = arith.index_cast %get3A_1501 : i32 to index
    %get3A_1504 = arith.index_cast %get3A_1502 : i32 to index
    %get3A_1505 = arith.index_cast %add3A_1320 : i32 to index
    %get3A_1506 = tpu.vector_load %arg14[%get3A_1503, %get3A_1504, %get3A_1505] {strides = array<i32>} : memref<3x4x2048xf32, #tpu.memory_space<vmem>>, vector<16xf32>,
    %get3A_1507 = arith.constant 1 : i32
    %get3A_1508 = arith.constant 0 : i32
    %get3A_1509 = arith.index_cast %get3A_1507 : i32 to index
    %get3A_1510 = arith.index_cast %get3A_1508 : i32 to index
    %get3A_1511 = arith.index_cast %add3A_1320 : i32 to index
    %get3A_1512 = tpu.vector_load %arg14[%get3A_1509, %get3A_1510, %get3A_1511] {strides = array<i32>} : memref<3x4x2048xf32, #tpu.memory_space<vmem>>, vector<16xf32>,
    %get3A_1513 = arith.constant 2 : i32
    %get3A_1514 = arith.constant 0 : i32
    %get3A_1515 = arith.index_cast %get3A_1513 : i32 to index
    %get3A_1516 = arith.index_cast %get3A_1514 : i32 to index
    %get3A_1517 = arith.index_cast %add3A_1320 : i32 to index
    %get3A_1518 = tpu.vector_load %arg14[%get3A_1515, %get3A_1516, %get3A_1517] {strides = array<i32>} : memref<3x4x2048xf32, #tpu.memory_space<vmem>>, vector<16xf32>,
    %mul3A_1519 = arith.mulf %get3A_1506, %gather3A_1481 : vector<16xf32>
    %mul3A_1520 = arith.mulf %get3A_1512, %gather3A_1486 : vector<16xf32>
    %add3A_1521 = arith.addf %mul3A_1519, %mul3A_1520 : vector<16xf32>
    %mul3A_1522 = arith.mulf %get3A_1518, %gather3A_1491 : vector<16xf32>
    %add3A_1523 = arith.addf %add3A_1521, %mul3A_1522 : vector<16xf32>
    %swap3A_1524 = arith.constant 1 : i32
    %swap3A_1525 = arith.constant 0 : i32
    %swap3A_1526 = arith.index_cast %swap3A_1524 : i32 to index
    %swap3A_1527 = arith.index_cast %swap3A_1525 : i32 to index
    %swap3A_1528 = arith.constant 48 : index
    %swap3A_1529 = tpu.vector_load %arg16[%swap3A_1526, %swap3A_1527, %swap3A_1528] {strides = array<i32>} : memref<3x4x64xf32, #tpu.memory_space<vmem>>, vector<16xf32>,
    tpu.vector_store %arg16[%swap3A_1526, %swap3A_1527, %swap3A_1528], %add3A_1523 {strides = array<i32>} : memref<3x4x64xf32, #tpu.memory_space<vmem>>, vector<16xf32>,
    %get3A_1530 = arith.constant 0 : i32
    %get3A_1531 = arith.constant 1 : i32
    %get3A_1532 = arith.index_cast %get3A_1530 : i32 to index
    %get3A_1533 = arith.index_cast %get3A_1531 : i32 to index
    %get3A_1534 = arith.index_cast %add3A_1320 : i32 to index
    %get3A_1535 = tpu.vector_load %arg14[%get3A_1532, %get3A_1533, %get3A_1534] {strides = array<i32>} : memref<3x4x2048xf32, #tpu.memory_space<vmem>>, vector<16xf32>,
    %get3A_1536 = arith.constant 1 : i32
    %get3A_1537 = arith.constant 1 : i32
    %get3A_1538 = arith.index_cast %get3A_1536 : i32 to index
    %get3A_1539 = arith.index_cast %get3A_1537 : i32 to index
    %get3A_1540 = arith.index_cast %add3A_1320 : i32 to index
    %get3A_1541 = tpu.vector_load %arg14[%get3A_1538, %get3A_1539, %get3A_1540] {strides = array<i32>} : memref<3x4x2048xf32, #tpu.memory_space<vmem>>, vector<16xf32>,
    %get3A_1542 = arith.constant 2 : i32
    %get3A_1543 = arith.constant 1 : i32
    %get3A_1544 = arith.index_cast %get3A_1542 : i32 to index
    %get3A_1545 = arith.index_cast %get3A_1543 : i32 to index
    %get3A_1546 = arith.index_cast %add3A_1320 : i32 to index
    %get3A_1547 = tpu.vector_load %arg14[%get3A_1544, %get3A_1545, %get3A_1546] {strides = array<i32>} : memref<3x4x2048xf32, #tpu.memory_space<vmem>>, vector<16xf32>,
    %mul3A_1548 = arith.mulf %get3A_1535, %gather3A_1481 : vector<16xf32>
    %mul3A_1549 = arith.mulf %get3A_1541, %gather3A_1486 : vector<16xf32>
    %add3A_1550 = arith.addf %mul3A_1548, %mul3A_1549 : vector<16xf32>
    %mul3A_1551 = arith.mulf %get3A_1547, %gather3A_1491 : vector<16xf32>
    %add3A_1552 = arith.addf %add3A_1550, %mul3A_1551 : vector<16xf32>
    %swap3A_1553 = arith.constant 1 : i32
    %swap3A_1554 = arith.constant 1 : i32
    %swap3A_1555 = arith.index_cast %swap3A_1553 : i32 to index
    %swap3A_1556 = arith.index_cast %swap3A_1554 : i32 to index
    %swap3A_1557 = arith.constant 48 : index
    %swap3A_1558 = tpu.vector_load %arg16[%swap3A_1555, %swap3A_1556, %swap3A_1557] {strides = array<i32>} : memref<3x4x64xf32, #tpu.memory_space<vmem>>, vector<16xf32>,
    tpu.vector_store %arg16[%swap3A_1555, %swap3A_1556, %swap3A_1557], %add3A_1552 {strides = array<i32>} : memref<3x4x64xf32, #tpu.memory_space<vmem>>, vector<16xf32>,
    %get3A_1559 = arith.constant 0 : i32
    %get3A_1560 = arith.constant 2 : i32
    %get3A_1561 = arith.index_cast %get3A_1559 : i32 to index
    %get3A_1562 = arith.index_cast %get3A_1560 : i32 to index
    %get3A_1563 = arith.index_cast %add3A_1320 : i32 to index
    %get3A_1564 = tpu.vector_load %arg14[%get3A_1561, %get3A_1562, %get3A_1563] {strides = array<i32>} : memref<3x4x2048xf32, #tpu.memory_space<vmem>>, vector<16xf32>,
    %get3A_1565 = arith.constant 1 : i32
    %get3A_1566 = arith.constant 2 : i32
    %get3A_1567 = arith.index_cast %get3A_1565 : i32 to index
    %get3A_1568 = arith.index_cast %get3A_1566 : i32 to index
    %get3A_1569 = arith.index_cast %add3A_1320 : i32 to index
    %get3A_1570 = tpu.vector_load %arg14[%get3A_1567, %get3A_1568, %get3A_1569] {strides = array<i32>} : memref<3x4x2048xf32, #tpu.memory_space<vmem>>, vector<16xf32>,
    %get3A_1571 = arith.constant 2 : i32
    %get3A_1572 = arith.constant 2 : i32
    %get3A_1573 = arith.index_cast %get3A_1571 : i32 to index
    %get3A_1574 = arith.index_cast %get3A_1572 : i32 to index
    %get3A_1575 = arith.index_cast %add3A_1320 : i32 to index
    %get3A_1576 = tpu.vector_load %arg14[%get3A_1573, %get3A_1574, %get3A_1575] {strides = array<i32>} : memref<3x4x2048xf32, #tpu.memory_space<vmem>>, vector<16xf32>,
    %mul3A_1577 = arith.mulf %get3A_1564, %gather3A_1481 : vector<16xf32>
    %mul3A_1578 = arith.mulf %get3A_1570, %gather3A_1486 : vector<16xf32>
    %add3A_1579 = arith.addf %mul3A_1577, %mul3A_1578 : vector<16xf32>
    %mul3A_1580 = arith.mulf %get3A_1576, %gather3A_1491 : vector<16xf32>
    %add3A_1581 = arith.addf %add3A_1579, %mul3A_1580 : vector<16xf32>
    %swap3A_1582 = arith.constant 1 : i32
    %swap3A_1583 = arith.constant 2 : i32
    %swap3A_1584 = arith.index_cast %swap3A_1582 : i32 to index
    %swap3A_1585 = arith.index_cast %swap3A_1583 : i32 to index
    %swap3A_1586 = arith.constant 48 : index
    %swap3A_1587 = tpu.vector_load %arg16[%swap3A_1584, %swap3A_1585, %swap3A_1586] {strides = array<i32>} : memref<3x4x64xf32, #tpu.memory_space<vmem>>, vector<16xf32>,
    tpu.vector_store %arg16[%swap3A_1584, %swap3A_1585, %swap3A_1586], %add3A_1581 {strides = array<i32>} : memref<3x4x64xf32, #tpu.memory_space<vmem>>, vector<16xf32>,
    %get3A_1588 = arith.constant 0 : i32
    %get3A_1589 = arith.constant 3 : i32
    %get3A_1590 = arith.index_cast %get3A_1588 : i32 to index
    %get3A_1591 = arith.index_cast %get3A_1589 : i32 to index
    %get3A_1592 = arith.index_cast %add3A_1320 : i32 to index
    %get3A_1593 = tpu.vector_load %arg14[%get3A_1590, %get3A_1591, %get3A_1592] {strides = array<i32>} : memref<3x4x2048xf32, #tpu.memory_space<vmem>>, vector<16xf32>,
    %get3A_1594 = arith.constant 1 : i32
    %get3A_1595 = arith.constant 3 : i32
    %get3A_1596 = arith.index_cast %get3A_1594 : i32 to index
    %get3A_1597 = arith.index_cast %get3A_1595 : i32 to index
    %get3A_1598 = arith.index_cast %add3A_1320 : i32 to index
    %get3A_1599 = tpu.vector_load %arg14[%get3A_1596, %get3A_1597, %get3A_1598] {strides = array<i32>} : memref<3x4x2048xf32, #tpu.memory_space<vmem>>, vector<16xf32>,
    %get3A_1600 = arith.constant 2 : i32
    %get3A_1601 = arith.constant 3 : i32
    %get3A_1602 = arith.index_cast %get3A_1600 : i32 to index
    %get3A_1603 = arith.index_cast %get3A_1601 : i32 to index
    %get3A_1604 = arith.index_cast %add3A_1320 : i32 to index
    %get3A_1605 = tpu.vector_load %arg14[%get3A_1602, %get3A_1603, %get3A_1604] {strides = array<i32>} : memref<3x4x2048xf32, #tpu.memory_space<vmem>>, vector<16xf32>,
    %mul3A_1606 = arith.mulf %get3A_1593, %gather3A_1481 : vector<16xf32>
    %mul3A_1607 = arith.mulf %get3A_1599, %gather3A_1486 : vector<16xf32>
    %add3A_1608 = arith.addf %mul3A_1606, %mul3A_1607 : vector<16xf32>
    %mul3A_1609 = arith.mulf %get3A_1605, %gather3A_1491 : vector<16xf32>
    %add3A_1610 = arith.addf %add3A_1608, %mul3A_1609 : vector<16xf32>
    %swap3A_1611 = arith.constant 1 : i32
    %swap3A_1612 = arith.constant 3 : i32
    %swap3A_1613 = arith.index_cast %swap3A_1611 : i32 to index
    %swap3A_1614 = arith.index_cast %swap3A_1612 : i32 to index
    %swap3A_1615 = arith.constant 48 : index
    %swap3A_1616 = tpu.vector_load %arg16[%swap3A_1613, %swap3A_1614, %swap3A_1615] {strides = array<i32>} : memref<3x4x64xf32, #tpu.memory_space<vmem>>, vector<16xf32>,
    tpu.vector_store %arg16[%swap3A_1613, %swap3A_1614, %swap3A_1615], %add3A_1610 {strides = array<i32>} : memref<3x4x64xf32, #tpu.memory_space<vmem>>, vector<16xf32>,
    %broadcast_in_dim3A_1617 = arith.constant 2 : i32
    %broadcast_in_dim3A_1618 = vector.broadcast %broadcast_in_dim3A_1617 : i32 to vector<16xi32>
    %mul3A_1619 = arith.constant 3 : i32
    %mul3A_1620 = vector.broadcast %mul3A_1619 : i32 to vector<16xi32>
    %mul3A_1621 = arith.muli %get3A_1324, %mul3A_1620 : vector<16xi32>
    %add3A_1622 = arith.addi %mul3A_1621, %broadcast_in_dim3A_1618 : vector<16xi32>
    %gather3A_1623 = tpu.vector_load_idx %arg10[%add3A_1622] : memref<15000xf32, #tpu.memory_space<vmem>>[vector<16xi32>], vector<16xf32>,
    %mul3A_1624 = arith.constant 3 : i32
    %mul3A_1625 = vector.broadcast %mul3A_1624 : i32 to vector<16xi32>
    %mul3A_1626 = arith.muli %get3A_1328, %mul3A_1625 : vector<16xi32>
    %add3A_1627 = arith.addi %mul3A_1626, %broadcast_in_dim3A_1618 : vector<16xi32>
    %gather3A_1628 = tpu.vector_load_idx %arg10[%add3A_1627] : memref<15000xf32, #tpu.memory_space<vmem>>[vector<16xi32>], vector<16xf32>,
    %mul3A_1629 = arith.constant 3 : i32
    %mul3A_1630 = vector.broadcast %mul3A_1629 : i32 to vector<16xi32>
    %mul3A_1631 = arith.muli %get3A_1332, %mul3A_1630 : vector<16xi32>
    %add3A_1632 = arith.addi %mul3A_1631, %broadcast_in_dim3A_1618 : vector<16xi32>
    %gather3A_1633 = tpu.vector_load_idx %arg10[%add3A_1632] : memref<15000xf32, #tpu.memory_space<vmem>>[vector<16xi32>], vector<16xf32>,
    %add3A_1634 = arith.addf %gather3A_1623, %gather3A_1628 : vector<16xf32>
    %add3A_1635 = arith.addf %add3A_1634, %gather3A_1633 : vector<16xf32>
    %mul3A_1636 = arith.constant 0.333333343 : f32
    %mul3A_1637 = vector.broadcast %mul3A_1636 : f32 to vector<16xf32>
    %mul3A_1638 = arith.mulf %add3A_1635, %mul3A_1637 : vector<16xf32>
    %swap3A_1639 = arith.constant 2 : i32
    %swap3A_1640 = arith.index_cast %swap3A_1639 : i32 to index
    %swap3A_1641 = arith.constant 48 : index
    %swap3A_1642 = tpu.vector_load %arg15[%swap3A_1640, %swap3A_1641] {strides = array<i32>} : memref<3x64xf32, #tpu.memory_space<vmem>>, vector<16xf32>,
    tpu.vector_store %arg15[%swap3A_1640, %swap3A_1641], %mul3A_1638 {strides = array<i32>} : memref<3x64xf32, #tpu.memory_space<vmem>>, vector<16xf32>,
    %get3A_1643 = arith.constant 0 : i32
    %get3A_1644 = arith.constant 0 : i32
    %get3A_1645 = arith.index_cast %get3A_1643 : i32 to index
    %get3A_1646 = arith.index_cast %get3A_1644 : i32 to index
    %get3A_1647 = arith.index_cast %add3A_1320 : i32 to index
    %get3A_1648 = tpu.vector_load %arg14[%get3A_1645, %get3A_1646, %get3A_1647] {strides = array<i32>} : memref<3x4x2048xf32, #tpu.memory_space<vmem>>, vector<16xf32>,
    %get3A_1649 = arith.constant 1 : i32
    %get3A_1650 = arith.constant 0 : i32
    %get3A_1651 = arith.index_cast %get3A_1649 : i32 to index
    %get3A_1652 = arith.index_cast %get3A_1650 : i32 to index
    %get3A_1653 = arith.index_cast %add3A_1320 : i32 to index
    %get3A_1654 = tpu.vector_load %arg14[%get3A_1651, %get3A_1652, %get3A_1653] {strides = array<i32>} : memref<3x4x2048xf32, #tpu.memory_space<vmem>>, vector<16xf32>,
    %get3A_1655 = arith.constant 2 : i32
    %get3A_1656 = arith.constant 0 : i32
    %get3A_1657 = arith.index_cast %get3A_1655 : i32 to index
    %get3A_1658 = arith.index_cast %get3A_1656 : i32 to index
    %get3A_1659 = arith.index_cast %add3A_1320 : i32 to index
    %get3A_1660 = tpu.vector_load %arg14[%get3A_1657, %get3A_1658, %get3A_1659] {strides = array<i32>} : memref<3x4x2048xf32, #tpu.memory_space<vmem>>, vector<16xf32>,
    %mul3A_1661 = arith.mulf %get3A_1648, %gather3A_1623 : vector<16xf32>
    %mul3A_1662 = arith.mulf %get3A_1654, %gather3A_1628 : vector<16xf32>
    %add3A_1663 = arith.addf %mul3A_1661, %mul3A_1662 : vector<16xf32>
    %mul3A_1664 = arith.mulf %get3A_1660, %gather3A_1633 : vector<16xf32>
    %add3A_1665 = arith.addf %add3A_1663, %mul3A_1664 : vector<16xf32>
    %swap3A_1666 = arith.constant 2 : i32
    %swap3A_1667 = arith.constant 0 : i32
    %swap3A_1668 = arith.index_cast %swap3A_1666 : i32 to index
    %swap3A_1669 = arith.index_cast %swap3A_1667 : i32 to index
    %swap3A_1670 = arith.constant 48 : index
    %swap3A_1671 = tpu.vector_load %arg16[%swap3A_1668, %swap3A_1669, %swap3A_1670] {strides = array<i32>} : memref<3x4x64xf32, #tpu.memory_space<vmem>>, vector<16xf32>,
    tpu.vector_store %arg16[%swap3A_1668, %swap3A_1669, %swap3A_1670], %add3A_1665 {strides = array<i32>} : memref<3x4x64xf32, #tpu.memory_space<vmem>>, vector<16xf32>,
    %get3A_1672 = arith.constant 0 : i32
    %get3A_1673 = arith.constant 1 : i32
    %get3A_1674 = arith.index_cast %get3A_1672 : i32 to index
    %get3A_1675 = arith.index_cast %get3A_1673 : i32 to index
    %get3A_1676 = arith.index_cast %add3A_1320 : i32 to index
    %get3A_1677 = tpu.vector_load %arg14[%get3A_1674, %get3A_1675, %get3A_1676] {strides = array<i32>} : memref<3x4x2048xf32, #tpu.memory_space<vmem>>, vector<16xf32>,
    %get3A_1678 = arith.constant 1 : i32
    %get3A_1679 = arith.constant 1 : i32
    %get3A_1680 = arith.index_cast %get3A_1678 : i32 to index
    %get3A_1681 = arith.index_cast %get3A_1679 : i32 to index
    %get3A_1682 = arith.index_cast %add3A_1320 : i32 to index
    %get3A_1683 = tpu.vector_load %arg14[%get3A_1680, %get3A_1681, %get3A_1682] {strides = array<i32>} : memref<3x4x2048xf32, #tpu.memory_space<vmem>>, vector<16xf32>,
    %get3A_1684 = arith.constant 2 : i32
    %get3A_1685 = arith.constant 1 : i32
    %get3A_1686 = arith.index_cast %get3A_1684 : i32 to index
    %get3A_1687 = arith.index_cast %get3A_1685 : i32 to index
    %get3A_1688 = arith.index_cast %add3A_1320 : i32 to index
    %get3A_1689 = tpu.vector_load %arg14[%get3A_1686, %get3A_1687, %get3A_1688] {strides = array<i32>} : memref<3x4x2048xf32, #tpu.memory_space<vmem>>, vector<16xf32>,
    %mul3A_1690 = arith.mulf %get3A_1677, %gather3A_1623 : vector<16xf32>
    %mul3A_1691 = arith.mulf %get3A_1683, %gather3A_1628 : vector<16xf32>
    %add3A_1692 = arith.addf %mul3A_1690, %mul3A_1691 : vector<16xf32>
    %mul3A_1693 = arith.mulf %get3A_1689, %gather3A_1633 : vector<16xf32>
    %add3A_1694 = arith.addf %add3A_1692, %mul3A_1693 : vector<16xf32>
    %swap3A_1695 = arith.constant 2 : i32
    %swap3A_1696 = arith.constant 1 : i32
    %swap3A_1697 = arith.index_cast %swap3A_1695 : i32 to index
    %swap3A_1698 = arith.index_cast %swap3A_1696 : i32 to index
    %swap3A_1699 = arith.constant 48 : index
    %swap3A_1700 = tpu.vector_load %arg16[%swap3A_1697, %swap3A_1698, %swap3A_1699] {strides = array<i32>} : memref<3x4x64xf32, #tpu.memory_space<vmem>>, vector<16xf32>,
    tpu.vector_store %arg16[%swap3A_1697, %swap3A_1698, %swap3A_1699], %add3A_1694 {strides = array<i32>} : memref<3x4x64xf32, #tpu.memory_space<vmem>>, vector<16xf32>,
    %get3A_1701 = arith.constant 0 : i32
    %get3A_1702 = arith.constant 2 : i32
    %get3A_1703 = arith.index_cast %get3A_1701 : i32 to index
    %get3A_1704 = arith.index_cast %get3A_1702 : i32 to index
    %get3A_1705 = arith.index_cast %add3A_1320 : i32 to index
    %get3A_1706 = tpu.vector_load %arg14[%get3A_1703, %get3A_1704, %get3A_1705] {strides = array<i32>} : memref<3x4x2048xf32, #tpu.memory_space<vmem>>, vector<16xf32>,
    %get3A_1707 = arith.constant 1 : i32
    %get3A_1708 = arith.constant 2 : i32
    %get3A_1709 = arith.index_cast %get3A_1707 : i32 to index
    %get3A_1710 = arith.index_cast %get3A_1708 : i32 to index
    %get3A_1711 = arith.index_cast %add3A_1320 : i32 to index
    %get3A_1712 = tpu.vector_load %arg14[%get3A_1709, %get3A_1710, %get3A_1711] {strides = array<i32>} : memref<3x4x2048xf32, #tpu.memory_space<vmem>>, vector<16xf32>,
    %get3A_1713 = arith.constant 2 : i32
    %get3A_1714 = arith.constant 2 : i32
    %get3A_1715 = arith.index_cast %get3A_1713 : i32 to index
    %get3A_1716 = arith.index_cast %get3A_1714 : i32 to index
    %get3A_1717 = arith.index_cast %add3A_1320 : i32 to index
    %get3A_1718 = tpu.vector_load %arg14[%get3A_1715, %get3A_1716, %get3A_1717] {strides = array<i32>} : memref<3x4x2048xf32, #tpu.memory_space<vmem>>, vector<16xf32>,
    %mul3A_1719 = arith.mulf %get3A_1706, %gather3A_1623 : vector<16xf32>
    %mul3A_1720 = arith.mulf %get3A_1712, %gather3A_1628 : vector<16xf32>
    %add3A_1721 = arith.addf %mul3A_1719, %mul3A_1720 : vector<16xf32>
    %mul3A_1722 = arith.mulf %get3A_1718, %gather3A_1633 : vector<16xf32>
    %add3A_1723 = arith.addf %add3A_1721, %mul3A_1722 : vector<16xf32>
    %swap3A_1724 = arith.constant 2 : i32
    %swap3A_1725 = arith.constant 2 : i32
    %swap3A_1726 = arith.index_cast %swap3A_1724 : i32 to index
    %swap3A_1727 = arith.index_cast %swap3A_1725 : i32 to index
    %swap3A_1728 = arith.constant 48 : index
    %swap3A_1729 = tpu.vector_load %arg16[%swap3A_1726, %swap3A_1727, %swap3A_1728] {strides = array<i32>} : memref<3x4x64xf32, #tpu.memory_space<vmem>>, vector<16xf32>,
    tpu.vector_store %arg16[%swap3A_1726, %swap3A_1727, %swap3A_1728], %add3A_1723 {strides = array<i32>} : memref<3x4x64xf32, #tpu.memory_space<vmem>>, vector<16xf32>,
    %get3A_1730 = arith.constant 0 : i32
    %get3A_1731 = arith.constant 3 : i32
    %get3A_1732 = arith.index_cast %get3A_1730 : i32 to index
    %get3A_1733 = arith.index_cast %get3A_1731 : i32 to index
    %get3A_1734 = arith.index_cast %add3A_1320 : i32 to index
    %get3A_1735 = tpu.vector_load %arg14[%get3A_1732, %get3A_1733, %get3A_1734] {strides = array<i32>} : memref<3x4x2048xf32, #tpu.memory_space<vmem>>, vector<16xf32>,
    %get3A_1736 = arith.constant 1 : i32
    %get3A_1737 = arith.constant 3 : i32
    %get3A_1738 = arith.index_cast %get3A_1736 : i32 to index
    %get3A_1739 = arith.index_cast %get3A_1737 : i32 to index
    %get3A_1740 = arith.index_cast %add3A_1320 : i32 to index
    %get3A_1741 = tpu.vector_load %arg14[%get3A_1738, %get3A_1739, %get3A_1740] {strides = array<i32>} : memref<3x4x2048xf32, #tpu.memory_space<vmem>>, vector<16xf32>,
    %get3A_1742 = arith.constant 2 : i32
    %get3A_1743 = arith.constant 3 : i32
    %get3A_1744 = arith.index_cast %get3A_1742 : i32 to index
    %get3A_1745 = arith.index_cast %get3A_1743 : i32 to index
    %get3A_1746 = arith.index_cast %add3A_1320 : i32 to index
    %get3A_1747 = tpu.vector_load %arg14[%get3A_1744, %get3A_1745, %get3A_1746] {strides = array<i32>} : memref<3x4x2048xf32, #tpu.memory_space<vmem>>, vector<16xf32>,
    %mul3A_1748 = arith.mulf %get3A_1735, %gather3A_1623 : vector<16xf32>
    %mul3A_1749 = arith.mulf %get3A_1741, %gather3A_1628 : vector<16xf32>
    %add3A_1750 = arith.addf %mul3A_1748, %mul3A_1749 : vector<16xf32>
    %mul3A_1751 = arith.mulf %get3A_1747, %gather3A_1633 : vector<16xf32>
    %add3A_1752 = arith.addf %add3A_1750, %mul3A_1751 : vector<16xf32>
    %swap3A_1753 = arith.constant 2 : i32
    %swap3A_1754 = arith.constant 3 : i32
    %swap3A_1755 = arith.index_cast %swap3A_1753 : i32 to index
    %swap3A_1756 = arith.index_cast %swap3A_1754 : i32 to index
    %swap3A_1757 = arith.constant 48 : index
    %swap3A_1758 = tpu.vector_load %arg16[%swap3A_1755, %swap3A_1756, %swap3A_1757] {strides = array<i32>} : memref<3x4x64xf32, #tpu.memory_space<vmem>>, vector<16xf32>,
    tpu.vector_store %arg16[%swap3A_1755, %swap3A_1756, %swap3A_1757], %add3A_1752 {strides = array<i32>} : memref<3x4x64xf32, #tpu.memory_space<vmem>>, vector<16xf32>,
    %add3A_1759 = arith.constant 0 : i32
    %add3A_1760 = arith.addi %add3A_1759, %mul3A_2 : i32
    %run_scoped3A = arith.constant 0 : i32
    "tpu.region"() ({
      %run_scoped3A_2562 = tpu.sem_alloc : memref<!tpu.dma_semaphore, #tpu.memory_space<semaphore_mem>>
      %dma_start3A = arith.constant 0 : i32
      %dma_start3A_2563 = tpu.memref_slice %arg15[%run_scoped3A, %dma_start3A] : memref<3x64xf32, #tpu.memory_space<vmem>> -> memref<1x64xf32, #tpu.memory_space<vmem>>
      %dma_start3A_2564 = tpu.memref_squeeze %dma_start3A_2563 : memref<1x64xf32, #tpu.memory_space<vmem>> -> memref<64xf32, #tpu.memory_space<vmem>>
      %dma_start3A_2565 = tpu.memref_slice %arg7[%add3A_1760] : memref<6144xf32, #tpu.memory_space<hbm>> -> memref<64xf32, #tpu.memory_space<hbm>>
      %dma_start3A_2566 = tpu.memref_slice %arg7[%add3A_1760] : memref<6144xf32, #tpu.memory_space<hbm>> -> memref<64xf32, #tpu.memory_space<hbm>>
      %dma_start3A_2567 = arith.constant 0 : i32
      %dma_start3A_2568 = tpu.memref_slice %arg15[%run_scoped3A, %dma_start3A_2567] : memref<3x64xf32, #tpu.memory_space<vmem>> -> memref<1x64xf32, #tpu.memory_space<vmem>>
      %dma_start3A_2569 = tpu.memref_squeeze %dma_start3A_2568 : memref<1x64xf32, #tpu.memory_space<vmem>> -> memref<64xf32, #tpu.memory_space<vmem>>
      tpu.enqueue_dma source(%dma_start3A_2569 : memref<64xf32, #tpu.memory_space<vmem>>) target(%dma_start3A_2566 : memref<64xf32, #tpu.memory_space<hbm>>) target_semaphore(%run_scoped3A_2562 : memref<!tpu.dma_semaphore, #tpu.memory_space<semaphore_mem>>)
      %dma_wait3A = arith.constant 0 : i32
      %dma_wait3A_2570 = tpu.memref_slice %arg15[%run_scoped3A, %dma_wait3A] : memref<3x64xf32, #tpu.memory_space<vmem>> -> memref<1x64xf32, #tpu.memory_space<vmem>>
      %dma_wait3A_2571 = tpu.memref_squeeze %dma_wait3A_2570 : memref<1x64xf32, #tpu.memory_space<vmem>> -> memref<64xf32, #tpu.memory_space<vmem>>
      %dma_wait3A_2572 = tpu.memref_slice %arg7[%add3A_1760] : memref<6144xf32, #tpu.memory_space<hbm>> -> memref<64xf32, #tpu.memory_space<hbm>>
      %dma_wait3A_2573 = tpu.memref_slice %arg7[%add3A_1760] : memref<6144xf32, #tpu.memory_space<hbm>> -> memref<64xf32, #tpu.memory_space<hbm>>
      %dma_wait3A_2574 = arith.constant 0 : i32
      %dma_wait3A_2575 = tpu.memref_slice %arg15[%run_scoped3A, %dma_wait3A_2574] : memref<3x64xf32, #tpu.memory_space<vmem>> -> memref<1x64xf32, #tpu.memory_space<vmem>>
      %dma_wait3A_2576 = tpu.memref_squeeze %dma_wait3A_2575 : memref<1x64xf32, #tpu.memory_space<vmem>> -> memref<64xf32, #tpu.memory_space<vmem>>
      tpu.wait_dma2 semaphore(%run_scoped3A_2562 : memref<!tpu.dma_semaphore, #tpu.memory_space<semaphore_mem>>) src(%dma_wait3A_2576 : memref<64xf32, #tpu.memory_space<vmem>>) dst(%dma_wait3A_2573 : memref<64xf32, #tpu.memory_space<hbm>>)
      tpu.yield
    }) : () -> ()
    %add3A_1761 = arith.constant 0 : i32
    %add3A_1762 = arith.addi %add3A_1761, %mul3A_2 : i32
    %run_scoped3A_1763 = arith.constant 0 : i32
    %run_scoped3A_1764 = arith.constant 0 : i32
    "tpu.region"() ({
      %run_scoped3A_2562 = tpu.sem_alloc : memref<!tpu.dma_semaphore, #tpu.memory_space<semaphore_mem>>
      %dma_start3A = arith.constant 0 : i32
      %dma_start3A_2563 = tpu.memref_slice %arg16[%run_scoped3A_1763, %run_scoped3A_1764, %dma_start3A] : memref<3x4x64xf32, #tpu.memory_space<vmem>> -> memref<1x1x64xf32, #tpu.memory_space<vmem>>
      %dma_start3A_2564 = tpu.memref_squeeze %dma_start3A_2563 : memref<1x1x64xf32, #tpu.memory_space<vmem>> -> memref<64xf32, #tpu.memory_space<vmem>>
      %dma_start3A_2565 = tpu.memref_slice %arg8[%add3A_1762] : memref<24576xf32, #tpu.memory_space<hbm>> -> memref<64xf32, #tpu.memory_space<hbm>>
      %dma_start3A_2566 = tpu.memref_slice %arg8[%add3A_1762] : memref<24576xf32, #tpu.memory_space<hbm>> -> memref<64xf32, #tpu.memory_space<hbm>>
      %dma_start3A_2567 = arith.constant 0 : i32
      %dma_start3A_2568 = tpu.memref_slice %arg16[%run_scoped3A_1763, %run_scoped3A_1764, %dma_start3A_2567] : memref<3x4x64xf32, #tpu.memory_space<vmem>> -> memref<1x1x64xf32, #tpu.memory_space<vmem>>
      %dma_start3A_2569 = tpu.memref_squeeze %dma_start3A_2568 : memref<1x1x64xf32, #tpu.memory_space<vmem>> -> memref<64xf32, #tpu.memory_space<vmem>>
      tpu.enqueue_dma source(%dma_start3A_2569 : memref<64xf32, #tpu.memory_space<vmem>>) target(%dma_start3A_2566 : memref<64xf32, #tpu.memory_space<hbm>>) target_semaphore(%run_scoped3A_2562 : memref<!tpu.dma_semaphore, #tpu.memory_space<semaphore_mem>>)
      %dma_wait3A = arith.constant 0 : i32
      %dma_wait3A_2570 = tpu.memref_slice %arg16[%run_scoped3A_1763, %run_scoped3A_1764, %dma_wait3A] : memref<3x4x64xf32, #tpu.memory_space<vmem>> -> memref<1x1x64xf32, #tpu.memory_space<vmem>>
      %dma_wait3A_2571 = tpu.memref_squeeze %dma_wait3A_2570 : memref<1x1x64xf32, #tpu.memory_space<vmem>> -> memref<64xf32, #tpu.memory_space<vmem>>
      %dma_wait3A_2572 = tpu.memref_slice %arg8[%add3A_1762] : memref<24576xf32, #tpu.memory_space<hbm>> -> memref<64xf32, #tpu.memory_space<hbm>>
      %dma_wait3A_2573 = tpu.memref_slice %arg8[%add3A_1762] : memref<24576xf32, #tpu.memory_space<hbm>> -> memref<64xf32, #tpu.memory_space<hbm>>
      %dma_wait3A_2574 = arith.constant 0 : i32
      %dma_wait3A_2575 = tpu.memref_slice %arg16[%run_scoped3A_1763, %run_scoped3A_1764, %dma_wait3A_2574] : memref<3x4x64xf32, #tpu.memory_space<vmem>> -> memref<1x1x64xf32, #tpu.memory_space<vmem>>
      %dma_wait3A_2576 = tpu.memref_squeeze %dma_wait3A_2575 : memref<1x1x64xf32, #tpu.memory_space<vmem>> -> memref<64xf32, #tpu.memory_space<vmem>>
      tpu.wait_dma2 semaphore(%run_scoped3A_2562 : memref<!tpu.dma_semaphore, #tpu.memory_space<semaphore_mem>>) src(%dma_wait3A_2576 : memref<64xf32, #tpu.memory_space<vmem>>) dst(%dma_wait3A_2573 : memref<64xf32, #tpu.memory_space<hbm>>)
      tpu.yield
    }) : () -> ()
    %add3A_1765 = arith.constant 2048 : i32
    %add3A_1766 = arith.addi %add3A_1765, %mul3A_2 : i32
    %run_scoped3A_1767 = arith.constant 0 : i32
    %run_scoped3A_1768 = arith.constant 1 : i32
    "tpu.region"() ({
      %run_scoped3A_2562 = tpu.sem_alloc : memref<!tpu.dma_semaphore, #tpu.memory_space<semaphore_mem>>
      %dma_start3A = arith.constant 0 : i32
      %dma_start3A_2563 = tpu.memref_slice %arg16[%run_scoped3A_1767, %run_scoped3A_1768, %dma_start3A] : memref<3x4x64xf32, #tpu.memory_space<vmem>> -> memref<1x1x64xf32, #tpu.memory_space<vmem>>
      %dma_start3A_2564 = tpu.memref_squeeze %dma_start3A_2563 : memref<1x1x64xf32, #tpu.memory_space<vmem>> -> memref<64xf32, #tpu.memory_space<vmem>>
      %dma_start3A_2565 = tpu.memref_slice %arg8[%add3A_1766] : memref<24576xf32, #tpu.memory_space<hbm>> -> memref<64xf32, #tpu.memory_space<hbm>>
      %dma_start3A_2566 = tpu.memref_slice %arg8[%add3A_1766] : memref<24576xf32, #tpu.memory_space<hbm>> -> memref<64xf32, #tpu.memory_space<hbm>>
      %dma_start3A_2567 = arith.constant 0 : i32
      %dma_start3A_2568 = tpu.memref_slice %arg16[%run_scoped3A_1767, %run_scoped3A_1768, %dma_start3A_2567] : memref<3x4x64xf32, #tpu.memory_space<vmem>> -> memref<1x1x64xf32, #tpu.memory_space<vmem>>
      %dma_start3A_2569 = tpu.memref_squeeze %dma_start3A_2568 : memref<1x1x64xf32, #tpu.memory_space<vmem>> -> memref<64xf32, #tpu.memory_space<vmem>>
      tpu.enqueue_dma source(%dma_start3A_2569 : memref<64xf32, #tpu.memory_space<vmem>>) target(%dma_start3A_2566 : memref<64xf32, #tpu.memory_space<hbm>>) target_semaphore(%run_scoped3A_2562 : memref<!tpu.dma_semaphore, #tpu.memory_space<semaphore_mem>>)
      %dma_wait3A = arith.constant 0 : i32
      %dma_wait3A_2570 = tpu.memref_slice %arg16[%run_scoped3A_1767, %run_scoped3A_1768, %dma_wait3A] : memref<3x4x64xf32, #tpu.memory_space<vmem>> -> memref<1x1x64xf32, #tpu.memory_space<vmem>>
      %dma_wait3A_2571 = tpu.memref_squeeze %dma_wait3A_2570 : memref<1x1x64xf32, #tpu.memory_space<vmem>> -> memref<64xf32, #tpu.memory_space<vmem>>
      %dma_wait3A_2572 = tpu.memref_slice %arg8[%add3A_1766] : memref<24576xf32, #tpu.memory_space<hbm>> -> memref<64xf32, #tpu.memory_space<hbm>>
      %dma_wait3A_2573 = tpu.memref_slice %arg8[%add3A_1766] : memref<24576xf32, #tpu.memory_space<hbm>> -> memref<64xf32, #tpu.memory_space<hbm>>
      %dma_wait3A_2574 = arith.constant 0 : i32
      %dma_wait3A_2575 = tpu.memref_slice %arg16[%run_scoped3A_1767, %run_scoped3A_1768, %dma_wait3A_2574] : memref<3x4x64xf32, #tpu.memory_space<vmem>> -> memref<1x1x64xf32, #tpu.memory_space<vmem>>
      %dma_wait3A_2576 = tpu.memref_squeeze %dma_wait3A_2575 : memref<1x1x64xf32, #tpu.memory_space<vmem>> -> memref<64xf32, #tpu.memory_space<vmem>>
      tpu.wait_dma2 semaphore(%run_scoped3A_2562 : memref<!tpu.dma_semaphore, #tpu.memory_space<semaphore_mem>>) src(%dma_wait3A_2576 : memref<64xf32, #tpu.memory_space<vmem>>) dst(%dma_wait3A_2573 : memref<64xf32, #tpu.memory_space<hbm>>)
      tpu.yield
    }) : () -> ()
    %add3A_1769 = arith.constant 4096 : i32
    %add3A_1770 = arith.addi %add3A_1769, %mul3A_2 : i32
    %run_scoped3A_1771 = arith.constant 0 : i32
    %run_scoped3A_1772 = arith.constant 2 : i32
    "tpu.region"() ({
      %run_scoped3A_2562 = tpu.sem_alloc : memref<!tpu.dma_semaphore, #tpu.memory_space<semaphore_mem>>
      %dma_start3A = arith.constant 0 : i32
      %dma_start3A_2563 = tpu.memref_slice %arg16[%run_scoped3A_1771, %run_scoped3A_1772, %dma_start3A] : memref<3x4x64xf32, #tpu.memory_space<vmem>> -> memref<1x1x64xf32, #tpu.memory_space<vmem>>
      %dma_start3A_2564 = tpu.memref_squeeze %dma_start3A_2563 : memref<1x1x64xf32, #tpu.memory_space<vmem>> -> memref<64xf32, #tpu.memory_space<vmem>>
      %dma_start3A_2565 = tpu.memref_slice %arg8[%add3A_1770] : memref<24576xf32, #tpu.memory_space<hbm>> -> memref<64xf32, #tpu.memory_space<hbm>>
      %dma_start3A_2566 = tpu.memref_slice %arg8[%add3A_1770] : memref<24576xf32, #tpu.memory_space<hbm>> -> memref<64xf32, #tpu.memory_space<hbm>>
      %dma_start3A_2567 = arith.constant 0 : i32
      %dma_start3A_2568 = tpu.memref_slice %arg16[%run_scoped3A_1771, %run_scoped3A_1772, %dma_start3A_2567] : memref<3x4x64xf32, #tpu.memory_space<vmem>> -> memref<1x1x64xf32, #tpu.memory_space<vmem>>
      %dma_start3A_2569 = tpu.memref_squeeze %dma_start3A_2568 : memref<1x1x64xf32, #tpu.memory_space<vmem>> -> memref<64xf32, #tpu.memory_space<vmem>>
      tpu.enqueue_dma source(%dma_start3A_2569 : memref<64xf32, #tpu.memory_space<vmem>>) target(%dma_start3A_2566 : memref<64xf32, #tpu.memory_space<hbm>>) target_semaphore(%run_scoped3A_2562 : memref<!tpu.dma_semaphore, #tpu.memory_space<semaphore_mem>>)
      %dma_wait3A = arith.constant 0 : i32
      %dma_wait3A_2570 = tpu.memref_slice %arg16[%run_scoped3A_1771, %run_scoped3A_1772, %dma_wait3A] : memref<3x4x64xf32, #tpu.memory_space<vmem>> -> memref<1x1x64xf32, #tpu.memory_space<vmem>>
      %dma_wait3A_2571 = tpu.memref_squeeze %dma_wait3A_2570 : memref<1x1x64xf32, #tpu.memory_space<vmem>> -> memref<64xf32, #tpu.memory_space<vmem>>
      %dma_wait3A_2572 = tpu.memref_slice %arg8[%add3A_1770] : memref<24576xf32, #tpu.memory_space<hbm>> -> memref<64xf32, #tpu.memory_space<hbm>>
      %dma_wait3A_2573 = tpu.memref_slice %arg8[%add3A_1770] : memref<24576xf32, #tpu.memory_space<hbm>> -> memref<64xf32, #tpu.memory_space<hbm>>
      %dma_wait3A_2574 = arith.constant 0 : i32
      %dma_wait3A_2575 = tpu.memref_slice %arg16[%run_scoped3A_1771, %run_scoped3A_1772, %dma_wait3A_2574] : memref<3x4x64xf32, #tpu.memory_space<vmem>> -> memref<1x1x64xf32, #tpu.memory_space<vmem>>
      %dma_wait3A_2576 = tpu.memref_squeeze %dma_wait3A_2575 : memref<1x1x64xf32, #tpu.memory_space<vmem>> -> memref<64xf32, #tpu.memory_space<vmem>>
      tpu.wait_dma2 semaphore(%run_scoped3A_2562 : memref<!tpu.dma_semaphore, #tpu.memory_space<semaphore_mem>>) src(%dma_wait3A_2576 : memref<64xf32, #tpu.memory_space<vmem>>) dst(%dma_wait3A_2573 : memref<64xf32, #tpu.memory_space<hbm>>)
      tpu.yield
    }) : () -> ()
    %add3A_1773 = arith.constant 6144 : i32
    %add3A_1774 = arith.addi %add3A_1773, %mul3A_2 : i32
    %run_scoped3A_1775 = arith.constant 0 : i32
    %run_scoped3A_1776 = arith.constant 3 : i32
    "tpu.region"() ({
      %run_scoped3A_2562 = tpu.sem_alloc : memref<!tpu.dma_semaphore, #tpu.memory_space<semaphore_mem>>
      %dma_start3A = arith.constant 0 : i32
      %dma_start3A_2563 = tpu.memref_slice %arg16[%run_scoped3A_1775, %run_scoped3A_1776, %dma_start3A] : memref<3x4x64xf32, #tpu.memory_space<vmem>> -> memref<1x1x64xf32, #tpu.memory_space<vmem>>
      %dma_start3A_2564 = tpu.memref_squeeze %dma_start3A_2563 : memref<1x1x64xf32, #tpu.memory_space<vmem>> -> memref<64xf32, #tpu.memory_space<vmem>>
      %dma_start3A_2565 = tpu.memref_slice %arg8[%add3A_1774] : memref<24576xf32, #tpu.memory_space<hbm>> -> memref<64xf32, #tpu.memory_space<hbm>>
      %dma_start3A_2566 = tpu.memref_slice %arg8[%add3A_1774] : memref<24576xf32, #tpu.memory_space<hbm>> -> memref<64xf32, #tpu.memory_space<hbm>>
      %dma_start3A_2567 = arith.constant 0 : i32
      %dma_start3A_2568 = tpu.memref_slice %arg16[%run_scoped3A_1775, %run_scoped3A_1776, %dma_start3A_2567] : memref<3x4x64xf32, #tpu.memory_space<vmem>> -> memref<1x1x64xf32, #tpu.memory_space<vmem>>
      %dma_start3A_2569 = tpu.memref_squeeze %dma_start3A_2568 : memref<1x1x64xf32, #tpu.memory_space<vmem>> -> memref<64xf32, #tpu.memory_space<vmem>>
      tpu.enqueue_dma source(%dma_start3A_2569 : memref<64xf32, #tpu.memory_space<vmem>>) target(%dma_start3A_2566 : memref<64xf32, #tpu.memory_space<hbm>>) target_semaphore(%run_scoped3A_2562 : memref<!tpu.dma_semaphore, #tpu.memory_space<semaphore_mem>>)
      %dma_wait3A = arith.constant 0 : i32
      %dma_wait3A_2570 = tpu.memref_slice %arg16[%run_scoped3A_1775, %run_scoped3A_1776, %dma_wait3A] : memref<3x4x64xf32, #tpu.memory_space<vmem>> -> memref<1x1x64xf32, #tpu.memory_space<vmem>>
      %dma_wait3A_2571 = tpu.memref_squeeze %dma_wait3A_2570 : memref<1x1x64xf32, #tpu.memory_space<vmem>> -> memref<64xf32, #tpu.memory_space<vmem>>
      %dma_wait3A_2572 = tpu.memref_slice %arg8[%add3A_1774] : memref<24576xf32, #tpu.memory_space<hbm>> -> memref<64xf32, #tpu.memory_space<hbm>>
      %dma_wait3A_2573 = tpu.memref_slice %arg8[%add3A_1774] : memref<24576xf32, #tpu.memory_space<hbm>> -> memref<64xf32, #tpu.memory_space<hbm>>
      %dma_wait3A_2574 = arith.constant 0 : i32
      %dma_wait3A_2575 = tpu.memref_slice %arg16[%run_scoped3A_1775, %run_scoped3A_1776, %dma_wait3A_2574] : memref<3x4x64xf32, #tpu.memory_space<vmem>> -> memref<1x1x64xf32, #tpu.memory_space<vmem>>
      %dma_wait3A_2576 = tpu.memref_squeeze %dma_wait3A_2575 : memref<1x1x64xf32, #tpu.memory_space<vmem>> -> memref<64xf32, #tpu.memory_space<vmem>>
      tpu.wait_dma2 semaphore(%run_scoped3A_2562 : memref<!tpu.dma_semaphore, #tpu.memory_space<semaphore_mem>>) src(%dma_wait3A_2576 : memref<64xf32, #tpu.memory_space<vmem>>) dst(%dma_wait3A_2573 : memref<64xf32, #tpu.memory_space<hbm>>)
      tpu.yield
    }) : () -> ()
    %add3A_1777 = arith.constant 2048 : i32
    %add3A_1778 = arith.addi %add3A_1777, %mul3A_2 : i32
    %run_scoped3A_1779 = arith.constant 1 : i32
    "tpu.region"() ({
      %run_scoped3A_2562 = tpu.sem_alloc : memref<!tpu.dma_semaphore, #tpu.memory_space<semaphore_mem>>
      %dma_start3A = arith.constant 0 : i32
      %dma_start3A_2563 = tpu.memref_slice %arg15[%run_scoped3A_1779, %dma_start3A] : memref<3x64xf32, #tpu.memory_space<vmem>> -> memref<1x64xf32, #tpu.memory_space<vmem>>
      %dma_start3A_2564 = tpu.memref_squeeze %dma_start3A_2563 : memref<1x64xf32, #tpu.memory_space<vmem>> -> memref<64xf32, #tpu.memory_space<vmem>>
      %dma_start3A_2565 = tpu.memref_slice %arg7[%add3A_1778] : memref<6144xf32, #tpu.memory_space<hbm>> -> memref<64xf32, #tpu.memory_space<hbm>>
      %dma_start3A_2566 = tpu.memref_slice %arg7[%add3A_1778] : memref<6144xf32, #tpu.memory_space<hbm>> -> memref<64xf32, #tpu.memory_space<hbm>>
      %dma_start3A_2567 = arith.constant 0 : i32
      %dma_start3A_2568 = tpu.memref_slice %arg15[%run_scoped3A_1779, %dma_start3A_2567] : memref<3x64xf32, #tpu.memory_space<vmem>> -> memref<1x64xf32, #tpu.memory_space<vmem>>
      %dma_start3A_2569 = tpu.memref_squeeze %dma_start3A_2568 : memref<1x64xf32, #tpu.memory_space<vmem>> -> memref<64xf32, #tpu.memory_space<vmem>>
      tpu.enqueue_dma source(%dma_start3A_2569 : memref<64xf32, #tpu.memory_space<vmem>>) target(%dma_start3A_2566 : memref<64xf32, #tpu.memory_space<hbm>>) target_semaphore(%run_scoped3A_2562 : memref<!tpu.dma_semaphore, #tpu.memory_space<semaphore_mem>>)
      %dma_wait3A = arith.constant 0 : i32
      %dma_wait3A_2570 = tpu.memref_slice %arg15[%run_scoped3A_1779, %dma_wait3A] : memref<3x64xf32, #tpu.memory_space<vmem>> -> memref<1x64xf32, #tpu.memory_space<vmem>>
      %dma_wait3A_2571 = tpu.memref_squeeze %dma_wait3A_2570 : memref<1x64xf32, #tpu.memory_space<vmem>> -> memref<64xf32, #tpu.memory_space<vmem>>
      %dma_wait3A_2572 = tpu.memref_slice %arg7[%add3A_1778] : memref<6144xf32, #tpu.memory_space<hbm>> -> memref<64xf32, #tpu.memory_space<hbm>>
      %dma_wait3A_2573 = tpu.memref_slice %arg7[%add3A_1778] : memref<6144xf32, #tpu.memory_space<hbm>> -> memref<64xf32, #tpu.memory_space<hbm>>
      %dma_wait3A_2574 = arith.constant 0 : i32
      %dma_wait3A_2575 = tpu.memref_slice %arg15[%run_scoped3A_1779, %dma_wait3A_2574] : memref<3x64xf32, #tpu.memory_space<vmem>> -> memref<1x64xf32, #tpu.memory_space<vmem>>
      %dma_wait3A_2576 = tpu.memref_squeeze %dma_wait3A_2575 : memref<1x64xf32, #tpu.memory_space<vmem>> -> memref<64xf32, #tpu.memory_space<vmem>>
      tpu.wait_dma2 semaphore(%run_scoped3A_2562 : memref<!tpu.dma_semaphore, #tpu.memory_space<semaphore_mem>>) src(%dma_wait3A_2576 : memref<64xf32, #tpu.memory_space<vmem>>) dst(%dma_wait3A_2573 : memref<64xf32, #tpu.memory_space<hbm>>)
      tpu.yield
    }) : () -> ()
    %add3A_1780 = arith.constant 8192 : i32
    %add3A_1781 = arith.addi %add3A_1780, %mul3A_2 : i32
    %run_scoped3A_1782 = arith.constant 1 : i32
    %run_scoped3A_1783 = arith.constant 0 : i32
    "tpu.region"() ({
      %run_scoped3A_2562 = tpu.sem_alloc : memref<!tpu.dma_semaphore, #tpu.memory_space<semaphore_mem>>
      %dma_start3A = arith.constant 0 : i32
      %dma_start3A_2563 = tpu.memref_slice %arg16[%run_scoped3A_1782, %run_scoped3A_1783, %dma_start3A] : memref<3x4x64xf32, #tpu.memory_space<vmem>> -> memref<1x1x64xf32, #tpu.memory_space<vmem>>
      %dma_start3A_2564 = tpu.memref_squeeze %dma_start3A_2563 : memref<1x1x64xf32, #tpu.memory_space<vmem>> -> memref<64xf32, #tpu.memory_space<vmem>>
      %dma_start3A_2565 = tpu.memref_slice %arg8[%add3A_1781] : memref<24576xf32, #tpu.memory_space<hbm>> -> memref<64xf32, #tpu.memory_space<hbm>>
      %dma_start3A_2566 = tpu.memref_slice %arg8[%add3A_1781] : memref<24576xf32, #tpu.memory_space<hbm>> -> memref<64xf32, #tpu.memory_space<hbm>>
      %dma_start3A_2567 = arith.constant 0 : i32
      %dma_start3A_2568 = tpu.memref_slice %arg16[%run_scoped3A_1782, %run_scoped3A_1783, %dma_start3A_2567] : memref<3x4x64xf32, #tpu.memory_space<vmem>> -> memref<1x1x64xf32, #tpu.memory_space<vmem>>
      %dma_start3A_2569 = tpu.memref_squeeze %dma_start3A_2568 : memref<1x1x64xf32, #tpu.memory_space<vmem>> -> memref<64xf32, #tpu.memory_space<vmem>>
      tpu.enqueue_dma source(%dma_start3A_2569 : memref<64xf32, #tpu.memory_space<vmem>>) target(%dma_start3A_2566 : memref<64xf32, #tpu.memory_space<hbm>>) target_semaphore(%run_scoped3A_2562 : memref<!tpu.dma_semaphore, #tpu.memory_space<semaphore_mem>>)
      %dma_wait3A = arith.constant 0 : i32
      %dma_wait3A_2570 = tpu.memref_slice %arg16[%run_scoped3A_1782, %run_scoped3A_1783, %dma_wait3A] : memref<3x4x64xf32, #tpu.memory_space<vmem>> -> memref<1x1x64xf32, #tpu.memory_space<vmem>>
      %dma_wait3A_2571 = tpu.memref_squeeze %dma_wait3A_2570 : memref<1x1x64xf32, #tpu.memory_space<vmem>> -> memref<64xf32, #tpu.memory_space<vmem>>
      %dma_wait3A_2572 = tpu.memref_slice %arg8[%add3A_1781] : memref<24576xf32, #tpu.memory_space<hbm>> -> memref<64xf32, #tpu.memory_space<hbm>>
      %dma_wait3A_2573 = tpu.memref_slice %arg8[%add3A_1781] : memref<24576xf32, #tpu.memory_space<hbm>> -> memref<64xf32, #tpu.memory_space<hbm>>
      %dma_wait3A_2574 = arith.constant 0 : i32
      %dma_wait3A_2575 = tpu.memref_slice %arg16[%run_scoped3A_1782, %run_scoped3A_1783, %dma_wait3A_2574] : memref<3x4x64xf32, #tpu.memory_space<vmem>> -> memref<1x1x64xf32, #tpu.memory_space<vmem>>
      %dma_wait3A_2576 = tpu.memref_squeeze %dma_wait3A_2575 : memref<1x1x64xf32, #tpu.memory_space<vmem>> -> memref<64xf32, #tpu.memory_space<vmem>>
      tpu.wait_dma2 semaphore(%run_scoped3A_2562 : memref<!tpu.dma_semaphore, #tpu.memory_space<semaphore_mem>>) src(%dma_wait3A_2576 : memref<64xf32, #tpu.memory_space<vmem>>) dst(%dma_wait3A_2573 : memref<64xf32, #tpu.memory_space<hbm>>)
      tpu.yield
    }) : () -> ()
    %add3A_1784 = arith.constant 10240 : i32
    %add3A_1785 = arith.addi %add3A_1784, %mul3A_2 : i32
    %run_scoped3A_1786 = arith.constant 1 : i32
    %run_scoped3A_1787 = arith.constant 1 : i32
    "tpu.region"() ({
      %run_scoped3A_2562 = tpu.sem_alloc : memref<!tpu.dma_semaphore, #tpu.memory_space<semaphore_mem>>
      %dma_start3A = arith.constant 0 : i32
      %dma_start3A_2563 = tpu.memref_slice %arg16[%run_scoped3A_1786, %run_scoped3A_1787, %dma_start3A] : memref<3x4x64xf32, #tpu.memory_space<vmem>> -> memref<1x1x64xf32, #tpu.memory_space<vmem>>
      %dma_start3A_2564 = tpu.memref_squeeze %dma_start3A_2563 : memref<1x1x64xf32, #tpu.memory_space<vmem>> -> memref<64xf32, #tpu.memory_space<vmem>>
      %dma_start3A_2565 = tpu.memref_slice %arg8[%add3A_1785] : memref<24576xf32, #tpu.memory_space<hbm>> -> memref<64xf32, #tpu.memory_space<hbm>>
      %dma_start3A_2566 = tpu.memref_slice %arg8[%add3A_1785] : memref<24576xf32, #tpu.memory_space<hbm>> -> memref<64xf32, #tpu.memory_space<hbm>>
      %dma_start3A_2567 = arith.constant 0 : i32
      %dma_start3A_2568 = tpu.memref_slice %arg16[%run_scoped3A_1786, %run_scoped3A_1787, %dma_start3A_2567] : memref<3x4x64xf32, #tpu.memory_space<vmem>> -> memref<1x1x64xf32, #tpu.memory_space<vmem>>
      %dma_start3A_2569 = tpu.memref_squeeze %dma_start3A_2568 : memref<1x1x64xf32, #tpu.memory_space<vmem>> -> memref<64xf32, #tpu.memory_space<vmem>>
      tpu.enqueue_dma source(%dma_start3A_2569 : memref<64xf32, #tpu.memory_space<vmem>>) target(%dma_start3A_2566 : memref<64xf32, #tpu.memory_space<hbm>>) target_semaphore(%run_scoped3A_2562 : memref<!tpu.dma_semaphore, #tpu.memory_space<semaphore_mem>>)
      %dma_wait3A = arith.constant 0 : i32
      %dma_wait3A_2570 = tpu.memref_slice %arg16[%run_scoped3A_1786, %run_scoped3A_1787, %dma_wait3A] : memref<3x4x64xf32, #tpu.memory_space<vmem>> -> memref<1x1x64xf32, #tpu.memory_space<vmem>>
      %dma_wait3A_2571 = tpu.memref_squeeze %dma_wait3A_2570 : memref<1x1x64xf32, #tpu.memory_space<vmem>> -> memref<64xf32, #tpu.memory_space<vmem>>
      %dma_wait3A_2572 = tpu.memref_slice %arg8[%add3A_1785] : memref<24576xf32, #tpu.memory_space<hbm>> -> memref<64xf32, #tpu.memory_space<hbm>>
      %dma_wait3A_2573 = tpu.memref_slice %arg8[%add3A_1785] : memref<24576xf32, #tpu.memory_space<hbm>> -> memref<64xf32, #tpu.memory_space<hbm>>
      %dma_wait3A_2574 = arith.constant 0 : i32
      %dma_wait3A_2575 = tpu.memref_slice %arg16[%run_scoped3A_1786, %run_scoped3A_1787, %dma_wait3A_2574] : memref<3x4x64xf32, #tpu.memory_space<vmem>> -> memref<1x1x64xf32, #tpu.memory_space<vmem>>
      %dma_wait3A_2576 = tpu.memref_squeeze %dma_wait3A_2575 : memref<1x1x64xf32, #tpu.memory_space<vmem>> -> memref<64xf32, #tpu.memory_space<vmem>>
      tpu.wait_dma2 semaphore(%run_scoped3A_2562 : memref<!tpu.dma_semaphore, #tpu.memory_space<semaphore_mem>>) src(%dma_wait3A_2576 : memref<64xf32, #tpu.memory_space<vmem>>) dst(%dma_wait3A_2573 : memref<64xf32, #tpu.memory_space<hbm>>)
      tpu.yield
    }) : () -> ()
    %add3A_1788 = arith.constant 12288 : i32
    %add3A_1789 = arith.addi %add3A_1788, %mul3A_2 : i32
    %run_scoped3A_1790 = arith.constant 1 : i32
    %run_scoped3A_1791 = arith.constant 2 : i32
    "tpu.region"() ({
      %run_scoped3A_2562 = tpu.sem_alloc : memref<!tpu.dma_semaphore, #tpu.memory_space<semaphore_mem>>
      %dma_start3A = arith.constant 0 : i32
      %dma_start3A_2563 = tpu.memref_slice %arg16[%run_scoped3A_1790, %run_scoped3A_1791, %dma_start3A] : memref<3x4x64xf32, #tpu.memory_space<vmem>> -> memref<1x1x64xf32, #tpu.memory_space<vmem>>
      %dma_start3A_2564 = tpu.memref_squeeze %dma_start3A_2563 : memref<1x1x64xf32, #tpu.memory_space<vmem>> -> memref<64xf32, #tpu.memory_space<vmem>>
      %dma_start3A_2565 = tpu.memref_slice %arg8[%add3A_1789] : memref<24576xf32, #tpu.memory_space<hbm>> -> memref<64xf32, #tpu.memory_space<hbm>>
      %dma_start3A_2566 = tpu.memref_slice %arg8[%add3A_1789] : memref<24576xf32, #tpu.memory_space<hbm>> -> memref<64xf32, #tpu.memory_space<hbm>>
      %dma_start3A_2567 = arith.constant 0 : i32
      %dma_start3A_2568 = tpu.memref_slice %arg16[%run_scoped3A_1790, %run_scoped3A_1791, %dma_start3A_2567] : memref<3x4x64xf32, #tpu.memory_space<vmem>> -> memref<1x1x64xf32, #tpu.memory_space<vmem>>
      %dma_start3A_2569 = tpu.memref_squeeze %dma_start3A_2568 : memref<1x1x64xf32, #tpu.memory_space<vmem>> -> memref<64xf32, #tpu.memory_space<vmem>>
      tpu.enqueue_dma source(%dma_start3A_2569 : memref<64xf32, #tpu.memory_space<vmem>>) target(%dma_start3A_2566 : memref<64xf32, #tpu.memory_space<hbm>>) target_semaphore(%run_scoped3A_2562 : memref<!tpu.dma_semaphore, #tpu.memory_space<semaphore_mem>>)
      %dma_wait3A = arith.constant 0 : i32
      %dma_wait3A_2570 = tpu.memref_slice %arg16[%run_scoped3A_1790, %run_scoped3A_1791, %dma_wait3A] : memref<3x4x64xf32, #tpu.memory_space<vmem>> -> memref<1x1x64xf32, #tpu.memory_space<vmem>>
      %dma_wait3A_2571 = tpu.memref_squeeze %dma_wait3A_2570 : memref<1x1x64xf32, #tpu.memory_space<vmem>> -> memref<64xf32, #tpu.memory_space<vmem>>
      %dma_wait3A_2572 = tpu.memref_slice %arg8[%add3A_1789] : memref<24576xf32, #tpu.memory_space<hbm>> -> memref<64xf32, #tpu.memory_space<hbm>>
      %dma_wait3A_2573 = tpu.memref_slice %arg8[%add3A_1789] : memref<24576xf32, #tpu.memory_space<hbm>> -> memref<64xf32, #tpu.memory_space<hbm>>
      %dma_wait3A_2574 = arith.constant 0 : i32
      %dma_wait3A_2575 = tpu.memref_slice %arg16[%run_scoped3A_1790, %run_scoped3A_1791, %dma_wait3A_2574] : memref<3x4x64xf32, #tpu.memory_space<vmem>> -> memref<1x1x64xf32, #tpu.memory_space<vmem>>
      %dma_wait3A_2576 = tpu.memref_squeeze %dma_wait3A_2575 : memref<1x1x64xf32, #tpu.memory_space<vmem>> -> memref<64xf32, #tpu.memory_space<vmem>>
      tpu.wait_dma2 semaphore(%run_scoped3A_2562 : memref<!tpu.dma_semaphore, #tpu.memory_space<semaphore_mem>>) src(%dma_wait3A_2576 : memref<64xf32, #tpu.memory_space<vmem>>) dst(%dma_wait3A_2573 : memref<64xf32, #tpu.memory_space<hbm>>)
      tpu.yield
    }) : () -> ()
    %add3A_1792 = arith.constant 14336 : i32
    %add3A_1793 = arith.addi %add3A_1792, %mul3A_2 : i32
    %run_scoped3A_1794 = arith.constant 1 : i32
    %run_scoped3A_1795 = arith.constant 3 : i32
    "tpu.region"() ({
      %run_scoped3A_2562 = tpu.sem_alloc : memref<!tpu.dma_semaphore, #tpu.memory_space<semaphore_mem>>
      %dma_start3A = arith.constant 0 : i32
      %dma_start3A_2563 = tpu.memref_slice %arg16[%run_scoped3A_1794, %run_scoped3A_1795, %dma_start3A] : memref<3x4x64xf32, #tpu.memory_space<vmem>> -> memref<1x1x64xf32, #tpu.memory_space<vmem>>
      %dma_start3A_2564 = tpu.memref_squeeze %dma_start3A_2563 : memref<1x1x64xf32, #tpu.memory_space<vmem>> -> memref<64xf32, #tpu.memory_space<vmem>>
      %dma_start3A_2565 = tpu.memref_slice %arg8[%add3A_1793] : memref<24576xf32, #tpu.memory_space<hbm>> -> memref<64xf32, #tpu.memory_space<hbm>>
      %dma_start3A_2566 = tpu.memref_slice %arg8[%add3A_1793] : memref<24576xf32, #tpu.memory_space<hbm>> -> memref<64xf32, #tpu.memory_space<hbm>>
      %dma_start3A_2567 = arith.constant 0 : i32
      %dma_start3A_2568 = tpu.memref_slice %arg16[%run_scoped3A_1794, %run_scoped3A_1795, %dma_start3A_2567] : memref<3x4x64xf32, #tpu.memory_space<vmem>> -> memref<1x1x64xf32, #tpu.memory_space<vmem>>
      %dma_start3A_2569 = tpu.memref_squeeze %dma_start3A_2568 : memref<1x1x64xf32, #tpu.memory_space<vmem>> -> memref<64xf32, #tpu.memory_space<vmem>>
      tpu.enqueue_dma source(%dma_start3A_2569 : memref<64xf32, #tpu.memory_space<vmem>>) target(%dma_start3A_2566 : memref<64xf32, #tpu.memory_space<hbm>>) target_semaphore(%run_scoped3A_2562 : memref<!tpu.dma_semaphore, #tpu.memory_space<semaphore_mem>>)
      %dma_wait3A = arith.constant 0 : i32
      %dma_wait3A_2570 = tpu.memref_slice %arg16[%run_scoped3A_1794, %run_scoped3A_1795, %dma_wait3A] : memref<3x4x64xf32, #tpu.memory_space<vmem>> -> memref<1x1x64xf32, #tpu.memory_space<vmem>>
      %dma_wait3A_2571 = tpu.memref_squeeze %dma_wait3A_2570 : memref<1x1x64xf32, #tpu.memory_space<vmem>> -> memref<64xf32, #tpu.memory_space<vmem>>
      %dma_wait3A_2572 = tpu.memref_slice %arg8[%add3A_1793] : memref<24576xf32, #tpu.memory_space<hbm>> -> memref<64xf32, #tpu.memory_space<hbm>>
      %dma_wait3A_2573 = tpu.memref_slice %arg8[%add3A_1793] : memref<24576xf32, #tpu.memory_space<hbm>> -> memref<64xf32, #tpu.memory_space<hbm>>
      %dma_wait3A_2574 = arith.constant 0 : i32
      %dma_wait3A_2575 = tpu.memref_slice %arg16[%run_scoped3A_1794, %run_scoped3A_1795, %dma_wait3A_2574] : memref<3x4x64xf32, #tpu.memory_space<vmem>> -> memref<1x1x64xf32, #tpu.memory_space<vmem>>
      %dma_wait3A_2576 = tpu.memref_squeeze %dma_wait3A_2575 : memref<1x1x64xf32, #tpu.memory_space<vmem>> -> memref<64xf32, #tpu.memory_space<vmem>>
      tpu.wait_dma2 semaphore(%run_scoped3A_2562 : memref<!tpu.dma_semaphore, #tpu.memory_space<semaphore_mem>>) src(%dma_wait3A_2576 : memref<64xf32, #tpu.memory_space<vmem>>) dst(%dma_wait3A_2573 : memref<64xf32, #tpu.memory_space<hbm>>)
      tpu.yield
    }) : () -> ()
    %add3A_1796 = arith.constant 4096 : i32
    %add3A_1797 = arith.addi %add3A_1796, %mul3A_2 : i32
    %run_scoped3A_1798 = arith.constant 2 : i32
    "tpu.region"() ({
      %run_scoped3A_2562 = tpu.sem_alloc : memref<!tpu.dma_semaphore, #tpu.memory_space<semaphore_mem>>
      %dma_start3A = arith.constant 0 : i32
      %dma_start3A_2563 = tpu.memref_slice %arg15[%run_scoped3A_1798, %dma_start3A] : memref<3x64xf32, #tpu.memory_space<vmem>> -> memref<1x64xf32, #tpu.memory_space<vmem>>
      %dma_start3A_2564 = tpu.memref_squeeze %dma_start3A_2563 : memref<1x64xf32, #tpu.memory_space<vmem>> -> memref<64xf32, #tpu.memory_space<vmem>>
      %dma_start3A_2565 = tpu.memref_slice %arg7[%add3A_1797] : memref<6144xf32, #tpu.memory_space<hbm>> -> memref<64xf32, #tpu.memory_space<hbm>>
      %dma_start3A_2566 = tpu.memref_slice %arg7[%add3A_1797] : memref<6144xf32, #tpu.memory_space<hbm>> -> memref<64xf32, #tpu.memory_space<hbm>>
      %dma_start3A_2567 = arith.constant 0 : i32
      %dma_start3A_2568 = tpu.memref_slice %arg15[%run_scoped3A_1798, %dma_start3A_2567] : memref<3x64xf32, #tpu.memory_space<vmem>> -> memref<1x64xf32, #tpu.memory_space<vmem>>
      %dma_start3A_2569 = tpu.memref_squeeze %dma_start3A_2568 : memref<1x64xf32, #tpu.memory_space<vmem>> -> memref<64xf32, #tpu.memory_space<vmem>>
      tpu.enqueue_dma source(%dma_start3A_2569 : memref<64xf32, #tpu.memory_space<vmem>>) target(%dma_start3A_2566 : memref<64xf32, #tpu.memory_space<hbm>>) target_semaphore(%run_scoped3A_2562 : memref<!tpu.dma_semaphore, #tpu.memory_space<semaphore_mem>>)
      %dma_wait3A = arith.constant 0 : i32
      %dma_wait3A_2570 = tpu.memref_slice %arg15[%run_scoped3A_1798, %dma_wait3A] : memref<3x64xf32, #tpu.memory_space<vmem>> -> memref<1x64xf32, #tpu.memory_space<vmem>>
      %dma_wait3A_2571 = tpu.memref_squeeze %dma_wait3A_2570 : memref<1x64xf32, #tpu.memory_space<vmem>> -> memref<64xf32, #tpu.memory_space<vmem>>
      %dma_wait3A_2572 = tpu.memref_slice %arg7[%add3A_1797] : memref<6144xf32, #tpu.memory_space<hbm>> -> memref<64xf32, #tpu.memory_space<hbm>>
      %dma_wait3A_2573 = tpu.memref_slice %arg7[%add3A_1797] : memref<6144xf32, #tpu.memory_space<hbm>> -> memref<64xf32, #tpu.memory_space<hbm>>
      %dma_wait3A_2574 = arith.constant 0 : i32
      %dma_wait3A_2575 = tpu.memref_slice %arg15[%run_scoped3A_1798, %dma_wait3A_2574] : memref<3x64xf32, #tpu.memory_space<vmem>> -> memref<1x64xf32, #tpu.memory_space<vmem>>
      %dma_wait3A_2576 = tpu.memref_squeeze %dma_wait3A_2575 : memref<1x64xf32, #tpu.memory_space<vmem>> -> memref<64xf32, #tpu.memory_space<vmem>>
      tpu.wait_dma2 semaphore(%run_scoped3A_2562 : memref<!tpu.dma_semaphore, #tpu.memory_space<semaphore_mem>>) src(%dma_wait3A_2576 : memref<64xf32, #tpu.memory_space<vmem>>) dst(%dma_wait3A_2573 : memref<64xf32, #tpu.memory_space<hbm>>)
      tpu.yield
    }) : () -> ()
    %add3A_1799 = arith.constant 16384 : i32
    %add3A_1800 = arith.addi %add3A_1799, %mul3A_2 : i32
    %run_scoped3A_1801 = arith.constant 2 : i32
    %run_scoped3A_1802 = arith.constant 0 : i32
    "tpu.region"() ({
      %run_scoped3A_2562 = tpu.sem_alloc : memref<!tpu.dma_semaphore, #tpu.memory_space<semaphore_mem>>
      %dma_start3A = arith.constant 0 : i32
      %dma_start3A_2563 = tpu.memref_slice %arg16[%run_scoped3A_1801, %run_scoped3A_1802, %dma_start3A] : memref<3x4x64xf32, #tpu.memory_space<vmem>> -> memref<1x1x64xf32, #tpu.memory_space<vmem>>
      %dma_start3A_2564 = tpu.memref_squeeze %dma_start3A_2563 : memref<1x1x64xf32, #tpu.memory_space<vmem>> -> memref<64xf32, #tpu.memory_space<vmem>>
      %dma_start3A_2565 = tpu.memref_slice %arg8[%add3A_1800] : memref<24576xf32, #tpu.memory_space<hbm>> -> memref<64xf32, #tpu.memory_space<hbm>>
      %dma_start3A_2566 = tpu.memref_slice %arg8[%add3A_1800] : memref<24576xf32, #tpu.memory_space<hbm>> -> memref<64xf32, #tpu.memory_space<hbm>>
      %dma_start3A_2567 = arith.constant 0 : i32
      %dma_start3A_2568 = tpu.memref_slice %arg16[%run_scoped3A_1801, %run_scoped3A_1802, %dma_start3A_2567] : memref<3x4x64xf32, #tpu.memory_space<vmem>> -> memref<1x1x64xf32, #tpu.memory_space<vmem>>
      %dma_start3A_2569 = tpu.memref_squeeze %dma_start3A_2568 : memref<1x1x64xf32, #tpu.memory_space<vmem>> -> memref<64xf32, #tpu.memory_space<vmem>>
      tpu.enqueue_dma source(%dma_start3A_2569 : memref<64xf32, #tpu.memory_space<vmem>>) target(%dma_start3A_2566 : memref<64xf32, #tpu.memory_space<hbm>>) target_semaphore(%run_scoped3A_2562 : memref<!tpu.dma_semaphore, #tpu.memory_space<semaphore_mem>>)
      %dma_wait3A = arith.constant 0 : i32
      %dma_wait3A_2570 = tpu.memref_slice %arg16[%run_scoped3A_1801, %run_scoped3A_1802, %dma_wait3A] : memref<3x4x64xf32, #tpu.memory_space<vmem>> -> memref<1x1x64xf32, #tpu.memory_space<vmem>>
      %dma_wait3A_2571 = tpu.memref_squeeze %dma_wait3A_2570 : memref<1x1x64xf32, #tpu.memory_space<vmem>> -> memref<64xf32, #tpu.memory_space<vmem>>
      %dma_wait3A_2572 = tpu.memref_slice %arg8[%add3A_1800] : memref<24576xf32, #tpu.memory_space<hbm>> -> memref<64xf32, #tpu.memory_space<hbm>>
      %dma_wait3A_2573 = tpu.memref_slice %arg8[%add3A_1800] : memref<24576xf32, #tpu.memory_space<hbm>> -> memref<64xf32, #tpu.memory_space<hbm>>
      %dma_wait3A_2574 = arith.constant 0 : i32
      %dma_wait3A_2575 = tpu.memref_slice %arg16[%run_scoped3A_1801, %run_scoped3A_1802, %dma_wait3A_2574] : memref<3x4x64xf32, #tpu.memory_space<vmem>> -> memref<1x1x64xf32, #tpu.memory_space<vmem>>
      %dma_wait3A_2576 = tpu.memref_squeeze %dma_wait3A_2575 : memref<1x1x64xf32, #tpu.memory_space<vmem>> -> memref<64xf32, #tpu.memory_space<vmem>>
      tpu.wait_dma2 semaphore(%run_scoped3A_2562 : memref<!tpu.dma_semaphore, #tpu.memory_space<semaphore_mem>>) src(%dma_wait3A_2576 : memref<64xf32, #tpu.memory_space<vmem>>) dst(%dma_wait3A_2573 : memref<64xf32, #tpu.memory_space<hbm>>)
      tpu.yield
    }) : () -> ()
    %add3A_1803 = arith.constant 18432 : i32
    %add3A_1804 = arith.addi %add3A_1803, %mul3A_2 : i32
    %run_scoped3A_1805 = arith.constant 2 : i32
    %run_scoped3A_1806 = arith.constant 1 : i32
    "tpu.region"() ({
      %run_scoped3A_2562 = tpu.sem_alloc : memref<!tpu.dma_semaphore, #tpu.memory_space<semaphore_mem>>
      %dma_start3A = arith.constant 0 : i32
      %dma_start3A_2563 = tpu.memref_slice %arg16[%run_scoped3A_1805, %run_scoped3A_1806, %dma_start3A] : memref<3x4x64xf32, #tpu.memory_space<vmem>> -> memref<1x1x64xf32, #tpu.memory_space<vmem>>
      %dma_start3A_2564 = tpu.memref_squeeze %dma_start3A_2563 : memref<1x1x64xf32, #tpu.memory_space<vmem>> -> memref<64xf32, #tpu.memory_space<vmem>>
      %dma_start3A_2565 = tpu.memref_slice %arg8[%add3A_1804] : memref<24576xf32, #tpu.memory_space<hbm>> -> memref<64xf32, #tpu.memory_space<hbm>>
      %dma_start3A_2566 = tpu.memref_slice %arg8[%add3A_1804] : memref<24576xf32, #tpu.memory_space<hbm>> -> memref<64xf32, #tpu.memory_space<hbm>>
      %dma_start3A_2567 = arith.constant 0 : i32
      %dma_start3A_2568 = tpu.memref_slice %arg16[%run_scoped3A_1805, %run_scoped3A_1806, %dma_start3A_2567] : memref<3x4x64xf32, #tpu.memory_space<vmem>> -> memref<1x1x64xf32, #tpu.memory_space<vmem>>
      %dma_start3A_2569 = tpu.memref_squeeze %dma_start3A_2568 : memref<1x1x64xf32, #tpu.memory_space<vmem>> -> memref<64xf32, #tpu.memory_space<vmem>>
      tpu.enqueue_dma source(%dma_start3A_2569 : memref<64xf32, #tpu.memory_space<vmem>>) target(%dma_start3A_2566 : memref<64xf32, #tpu.memory_space<hbm>>) target_semaphore(%run_scoped3A_2562 : memref<!tpu.dma_semaphore, #tpu.memory_space<semaphore_mem>>)
      %dma_wait3A = arith.constant 0 : i32
      %dma_wait3A_2570 = tpu.memref_slice %arg16[%run_scoped3A_1805, %run_scoped3A_1806, %dma_wait3A] : memref<3x4x64xf32, #tpu.memory_space<vmem>> -> memref<1x1x64xf32, #tpu.memory_space<vmem>>
      %dma_wait3A_2571 = tpu.memref_squeeze %dma_wait3A_2570 : memref<1x1x64xf32, #tpu.memory_space<vmem>> -> memref<64xf32, #tpu.memory_space<vmem>>
      %dma_wait3A_2572 = tpu.memref_slice %arg8[%add3A_1804] : memref<24576xf32, #tpu.memory_space<hbm>> -> memref<64xf32, #tpu.memory_space<hbm>>
      %dma_wait3A_2573 = tpu.memref_slice %arg8[%add3A_1804] : memref<24576xf32, #tpu.memory_space<hbm>> -> memref<64xf32, #tpu.memory_space<hbm>>
      %dma_wait3A_2574 = arith.constant 0 : i32
      %dma_wait3A_2575 = tpu.memref_slice %arg16[%run_scoped3A_1805, %run_scoped3A_1806, %dma_wait3A_2574] : memref<3x4x64xf32, #tpu.memory_space<vmem>> -> memref<1x1x64xf32, #tpu.memory_space<vmem>>
      %dma_wait3A_2576 = tpu.memref_squeeze %dma_wait3A_2575 : memref<1x1x64xf32, #tpu.memory_space<vmem>> -> memref<64xf32, #tpu.memory_space<vmem>>
      tpu.wait_dma2 semaphore(%run_scoped3A_2562 : memref<!tpu.dma_semaphore, #tpu.memory_space<semaphore_mem>>) src(%dma_wait3A_2576 : memref<64xf32, #tpu.memory_space<vmem>>) dst(%dma_wait3A_2573 : memref<64xf32, #tpu.memory_space<hbm>>)
      tpu.yield
    }) : () -> ()
    %add3A_1807 = arith.constant 20480 : i32
    %add3A_1808 = arith.addi %add3A_1807, %mul3A_2 : i32
    %run_scoped3A_1809 = arith.constant 2 : i32
    %run_scoped3A_1810 = arith.constant 2 : i32
    "tpu.region"() ({
      %run_scoped3A_2562 = tpu.sem_alloc : memref<!tpu.dma_semaphore, #tpu.memory_space<semaphore_mem>>
      %dma_start3A = arith.constant 0 : i32
      %dma_start3A_2563 = tpu.memref_slice %arg16[%run_scoped3A_1809, %run_scoped3A_1810, %dma_start3A] : memref<3x4x64xf32, #tpu.memory_space<vmem>> -> memref<1x1x64xf32, #tpu.memory_space<vmem>>
      %dma_start3A_2564 = tpu.memref_squeeze %dma_start3A_2563 : memref<1x1x64xf32, #tpu.memory_space<vmem>> -> memref<64xf32, #tpu.memory_space<vmem>>
      %dma_start3A_2565 = tpu.memref_slice %arg8[%add3A_1808] : memref<24576xf32, #tpu.memory_space<hbm>> -> memref<64xf32, #tpu.memory_space<hbm>>
      %dma_start3A_2566 = tpu.memref_slice %arg8[%add3A_1808] : memref<24576xf32, #tpu.memory_space<hbm>> -> memref<64xf32, #tpu.memory_space<hbm>>
      %dma_start3A_2567 = arith.constant 0 : i32
      %dma_start3A_2568 = tpu.memref_slice %arg16[%run_scoped3A_1809, %run_scoped3A_1810, %dma_start3A_2567] : memref<3x4x64xf32, #tpu.memory_space<vmem>> -> memref<1x1x64xf32, #tpu.memory_space<vmem>>
      %dma_start3A_2569 = tpu.memref_squeeze %dma_start3A_2568 : memref<1x1x64xf32, #tpu.memory_space<vmem>> -> memref<64xf32, #tpu.memory_space<vmem>>
      tpu.enqueue_dma source(%dma_start3A_2569 : memref<64xf32, #tpu.memory_space<vmem>>) target(%dma_start3A_2566 : memref<64xf32, #tpu.memory_space<hbm>>) target_semaphore(%run_scoped3A_2562 : memref<!tpu.dma_semaphore, #tpu.memory_space<semaphore_mem>>)
      %dma_wait3A = arith.constant 0 : i32
      %dma_wait3A_2570 = tpu.memref_slice %arg16[%run_scoped3A_1809, %run_scoped3A_1810, %dma_wait3A] : memref<3x4x64xf32, #tpu.memory_space<vmem>> -> memref<1x1x64xf32, #tpu.memory_space<vmem>>
      %dma_wait3A_2571 = tpu.memref_squeeze %dma_wait3A_2570 : memref<1x1x64xf32, #tpu.memory_space<vmem>> -> memref<64xf32, #tpu.memory_space<vmem>>
      %dma_wait3A_2572 = tpu.memref_slice %arg8[%add3A_1808] : memref<24576xf32, #tpu.memory_space<hbm>> -> memref<64xf32, #tpu.memory_space<hbm>>
      %dma_wait3A_2573 = tpu.memref_slice %arg8[%add3A_1808] : memref<24576xf32, #tpu.memory_space<hbm>> -> memref<64xf32, #tpu.memory_space<hbm>>
      %dma_wait3A_2574 = arith.constant 0 : i32
      %dma_wait3A_2575 = tpu.memref_slice %arg16[%run_scoped3A_1809, %run_scoped3A_1810, %dma_wait3A_2574] : memref<3x4x64xf32, #tpu.memory_space<vmem>> -> memref<1x1x64xf32, #tpu.memory_space<vmem>>
      %dma_wait3A_2576 = tpu.memref_squeeze %dma_wait3A_2575 : memref<1x1x64xf32, #tpu.memory_space<vmem>> -> memref<64xf32, #tpu.memory_space<vmem>>
      tpu.wait_dma2 semaphore(%run_scoped3A_2562 : memref<!tpu.dma_semaphore, #tpu.memory_space<semaphore_mem>>) src(%dma_wait3A_2576 : memref<64xf32, #tpu.memory_space<vmem>>) dst(%dma_wait3A_2573 : memref<64xf32, #tpu.memory_space<hbm>>)
      tpu.yield
    }) : () -> ()
    %add3A_1811 = arith.constant 22528 : i32
    %add3A_1812 = arith.addi %add3A_1811, %mul3A_2 : i32
    %run_scoped3A_1813 = arith.constant 2 : i32
    %run_scoped3A_1814 = arith.constant 3 : i32
    "tpu.region"() ({
      %run_scoped3A_2562 = tpu.sem_alloc : memref<!tpu.dma_semaphore, #tpu.memory_space<semaphore_mem>>
      %dma_start3A = arith.constant 0 : i32
      %dma_start3A_2563 = tpu.memref_slice %arg16[%run_scoped3A_1813, %run_scoped3A_1814, %dma_start3A] : memref<3x4x64xf32, #tpu.memory_space<vmem>> -> memref<1x1x64xf32, #tpu.memory_space<vmem>>
      %dma_start3A_2564 = tpu.memref_squeeze %dma_start3A_2563 : memref<1x1x64xf32, #tpu.memory_space<vmem>> -> memref<64xf32, #tpu.memory_space<vmem>>
      %dma_start3A_2565 = tpu.memref_slice %arg8[%add3A_1812] : memref<24576xf32, #tpu.memory_space<hbm>> -> memref<64xf32, #tpu.memory_space<hbm>>
      %dma_start3A_2566 = tpu.memref_slice %arg8[%add3A_1812] : memref<24576xf32, #tpu.memory_space<hbm>> -> memref<64xf32, #tpu.memory_space<hbm>>
      %dma_start3A_2567 = arith.constant 0 : i32
      %dma_start3A_2568 = tpu.memref_slice %arg16[%run_scoped3A_1813, %run_scoped3A_1814, %dma_start3A_2567] : memref<3x4x64xf32, #tpu.memory_space<vmem>> -> memref<1x1x64xf32, #tpu.memory_space<vmem>>
      %dma_start3A_2569 = tpu.memref_squeeze %dma_start3A_2568 : memref<1x1x64xf32, #tpu.memory_space<vmem>> -> memref<64xf32, #tpu.memory_space<vmem>>
      tpu.enqueue_dma source(%dma_start3A_2569 : memref<64xf32, #tpu.memory_space<vmem>>) target(%dma_start3A_2566 : memref<64xf32, #tpu.memory_space<hbm>>) target_semaphore(%run_scoped3A_2562 : memref<!tpu.dma_semaphore, #tpu.memory_space<semaphore_mem>>)
      %dma_wait3A = arith.constant 0 : i32
      %dma_wait3A_2570 = tpu.memref_slice %arg16[%run_scoped3A_1813, %run_scoped3A_1814, %dma_wait3A] : memref<3x4x64xf32, #tpu.memory_space<vmem>> -> memref<1x1x64xf32, #tpu.memory_space<vmem>>
      %dma_wait3A_2571 = tpu.memref_squeeze %dma_wait3A_2570 : memref<1x1x64xf32, #tpu.memory_space<vmem>> -> memref<64xf32, #tpu.memory_space<vmem>>
      %dma_wait3A_2572 = tpu.memref_slice %arg8[%add3A_1812] : memref<24576xf32, #tpu.memory_space<hbm>> -> memref<64xf32, #tpu.memory_space<hbm>>
      %dma_wait3A_2573 = tpu.memref_slice %arg8[%add3A_1812] : memref<24576xf32, #tpu.memory_space<hbm>> -> memref<64xf32, #tpu.memory_space<hbm>>
      %dma_wait3A_2574 = arith.constant 0 : i32
      %dma_wait3A_2575 = tpu.memref_slice %arg16[%run_scoped3A_1813, %run_scoped3A_1814, %dma_wait3A_2574] : memref<3x4x64xf32, #tpu.memory_space<vmem>> -> memref<1x1x64xf32, #tpu.memory_space<vmem>>
      %dma_wait3A_2576 = tpu.memref_squeeze %dma_wait3A_2575 : memref<1x1x64xf32, #tpu.memory_space<vmem>> -> memref<64xf32, #tpu.memory_space<vmem>>
      tpu.wait_dma2 semaphore(%run_scoped3A_2562 : memref<!tpu.dma_semaphore, #tpu.memory_space<semaphore_mem>>) src(%dma_wait3A_2576 : memref<64xf32, #tpu.memory_space<vmem>>) dst(%dma_wait3A_2573 : memref<64xf32, #tpu.memory_space<hbm>>)
      tpu.yield
    }) : () -> ()
    %mul3A_1815 = arith.constant 128 : i32
    %mul3A_1816 = arith.muli %add3A, %mul3A_1815 : i32
    %add3A_1817 = arith.constant 0 : i32
    %add3A_1818 = arith.addi %mul3A_1816, %add3A_1817 : i32
    %get3A_1819 = arith.constant 0 : i32
    %get3A_1820 = arith.index_cast %get3A_1819 : i32 to index
    %get3A_1821 = arith.index_cast %add3A_1818 : i32 to index
    %get3A_1822 = tpu.vector_load %arg13[%get3A_1820, %get3A_1821] {strides = array<i32>} : memref<3x4096xi32, #tpu.memory_space<vmem>>, vector<16xi32>,
    %get3A_1823 = arith.constant 1 : i32
    %get3A_1824 = arith.index_cast %get3A_1823 : i32 to index
    %get3A_1825 = arith.index_cast %add3A_1818 : i32 to index
    %get3A_1826 = tpu.vector_load %arg13[%get3A_1824, %get3A_1825] {strides = array<i32>} : memref<3x4096xi32, #tpu.memory_space<vmem>>, vector<16xi32>,
    %get3A_1827 = arith.constant 2 : i32
    %get3A_1828 = arith.index_cast %get3A_1827 : i32 to index
    %get3A_1829 = arith.index_cast %add3A_1818 : i32 to index
    %get3A_1830 = tpu.vector_load %arg13[%get3A_1828, %get3A_1829] {strides = array<i32>} : memref<3x4096xi32, #tpu.memory_space<vmem>>, vector<16xi32>,
    %broadcast_in_dim3A_1831 = arith.constant 0 : i32
    %broadcast_in_dim3A_1832 = vector.broadcast %broadcast_in_dim3A_1831 : i32 to vector<16xi32>
    %mul3A_1833 = arith.constant 3 : i32
    %mul3A_1834 = vector.broadcast %mul3A_1833 : i32 to vector<16xi32>
    %mul3A_1835 = arith.muli %get3A_1822, %mul3A_1834 : vector<16xi32>
    %add3A_1836 = arith.addi %mul3A_1835, %broadcast_in_dim3A_1832 : vector<16xi32>
    %gather3A_1837 = tpu.vector_load_idx %arg11[%add3A_1836] : memref<24576xf32, #tpu.memory_space<vmem>>[vector<16xi32>], vector<16xf32>,
    %mul3A_1838 = arith.constant 3 : i32
    %mul3A_1839 = vector.broadcast %mul3A_1838 : i32 to vector<16xi32>
    %mul3A_1840 = arith.muli %get3A_1826, %mul3A_1839 : vector<16xi32>
    %add3A_1841 = arith.addi %mul3A_1840, %broadcast_in_dim3A_1832 : vector<16xi32>
    %gather3A_1842 = tpu.vector_load_idx %arg11[%add3A_1841] : memref<24576xf32, #tpu.memory_space<vmem>>[vector<16xi32>], vector<16xf32>,
    %add3A_1843 = arith.addf %gather3A_1837, %gather3A_1842 : vector<16xf32>
    %mul3A_1844 = arith.constant 3 : i32
    %mul3A_1845 = vector.broadcast %mul3A_1844 : i32 to vector<16xi32>
    %mul3A_1846 = arith.muli %get3A_1830, %mul3A_1845 : vector<16xi32>
    %add3A_1847 = arith.addi %mul3A_1846, %broadcast_in_dim3A_1832 : vector<16xi32>
    %gather3A_1848 = tpu.vector_load_idx %arg11[%add3A_1847] : memref<24576xf32, #tpu.memory_space<vmem>>[vector<16xi32>], vector<16xf32>,
    %add3A_1849 = arith.addf %add3A_1843, %gather3A_1848 : vector<16xf32>
    %mul3A_1850 = arith.constant 0.333333343 : f32
    %mul3A_1851 = vector.broadcast %mul3A_1850 : f32 to vector<16xf32>
    %mul3A_1852 = arith.mulf %add3A_1849, %mul3A_1851 : vector<16xf32>
    %swap3A_1853 = arith.constant 0 : i32
    %swap3A_1854 = arith.index_cast %swap3A_1853 : i32 to index
    %swap3A_1855 = arith.constant 0 : index
    %swap3A_1856 = tpu.vector_load %arg17[%swap3A_1854, %swap3A_1855] {strides = array<i32>} : memref<3x128xf32, #tpu.memory_space<vmem>>, vector<16xf32>,
    tpu.vector_store %arg17[%swap3A_1854, %swap3A_1855], %mul3A_1852 {strides = array<i32>} : memref<3x128xf32, #tpu.memory_space<vmem>>, vector<16xf32>,
    %broadcast_in_dim3A_1857 = arith.constant 1 : i32
    %broadcast_in_dim3A_1858 = vector.broadcast %broadcast_in_dim3A_1857 : i32 to vector<16xi32>
    %mul3A_1859 = arith.constant 3 : i32
    %mul3A_1860 = vector.broadcast %mul3A_1859 : i32 to vector<16xi32>
    %mul3A_1861 = arith.muli %get3A_1822, %mul3A_1860 : vector<16xi32>
    %add3A_1862 = arith.addi %mul3A_1861, %broadcast_in_dim3A_1858 : vector<16xi32>
    %gather3A_1863 = tpu.vector_load_idx %arg11[%add3A_1862] : memref<24576xf32, #tpu.memory_space<vmem>>[vector<16xi32>], vector<16xf32>,
    %mul3A_1864 = arith.constant 3 : i32
    %mul3A_1865 = vector.broadcast %mul3A_1864 : i32 to vector<16xi32>
    %mul3A_1866 = arith.muli %get3A_1826, %mul3A_1865 : vector<16xi32>
    %add3A_1867 = arith.addi %mul3A_1866, %broadcast_in_dim3A_1858 : vector<16xi32>
    %gather3A_1868 = tpu.vector_load_idx %arg11[%add3A_1867] : memref<24576xf32, #tpu.memory_space<vmem>>[vector<16xi32>], vector<16xf32>,
    %add3A_1869 = arith.addf %gather3A_1863, %gather3A_1868 : vector<16xf32>
    %mul3A_1870 = arith.constant 3 : i32
    %mul3A_1871 = vector.broadcast %mul3A_1870 : i32 to vector<16xi32>
    %mul3A_1872 = arith.muli %get3A_1830, %mul3A_1871 : vector<16xi32>
    %add3A_1873 = arith.addi %mul3A_1872, %broadcast_in_dim3A_1858 : vector<16xi32>
    %gather3A_1874 = tpu.vector_load_idx %arg11[%add3A_1873] : memref<24576xf32, #tpu.memory_space<vmem>>[vector<16xi32>], vector<16xf32>,
    %add3A_1875 = arith.addf %add3A_1869, %gather3A_1874 : vector<16xf32>
    %mul3A_1876 = arith.constant 0.333333343 : f32
    %mul3A_1877 = vector.broadcast %mul3A_1876 : f32 to vector<16xf32>
    %mul3A_1878 = arith.mulf %add3A_1875, %mul3A_1877 : vector<16xf32>
    %swap3A_1879 = arith.constant 1 : i32
    %swap3A_1880 = arith.index_cast %swap3A_1879 : i32 to index
    %swap3A_1881 = arith.constant 0 : index
    %swap3A_1882 = tpu.vector_load %arg17[%swap3A_1880, %swap3A_1881] {strides = array<i32>} : memref<3x128xf32, #tpu.memory_space<vmem>>, vector<16xf32>,
    tpu.vector_store %arg17[%swap3A_1880, %swap3A_1881], %mul3A_1878 {strides = array<i32>} : memref<3x128xf32, #tpu.memory_space<vmem>>, vector<16xf32>,
    %broadcast_in_dim3A_1883 = arith.constant 2 : i32
    %broadcast_in_dim3A_1884 = vector.broadcast %broadcast_in_dim3A_1883 : i32 to vector<16xi32>
    %mul3A_1885 = arith.constant 3 : i32
    %mul3A_1886 = vector.broadcast %mul3A_1885 : i32 to vector<16xi32>
    %mul3A_1887 = arith.muli %get3A_1822, %mul3A_1886 : vector<16xi32>
    %add3A_1888 = arith.addi %mul3A_1887, %broadcast_in_dim3A_1884 : vector<16xi32>
    %gather3A_1889 = tpu.vector_load_idx %arg11[%add3A_1888] : memref<24576xf32, #tpu.memory_space<vmem>>[vector<16xi32>], vector<16xf32>,
    %mul3A_1890 = arith.constant 3 : i32
    %mul3A_1891 = vector.broadcast %mul3A_1890 : i32 to vector<16xi32>
    %mul3A_1892 = arith.muli %get3A_1826, %mul3A_1891 : vector<16xi32>
    %add3A_1893 = arith.addi %mul3A_1892, %broadcast_in_dim3A_1884 : vector<16xi32>
    %gather3A_1894 = tpu.vector_load_idx %arg11[%add3A_1893] : memref<24576xf32, #tpu.memory_space<vmem>>[vector<16xi32>], vector<16xf32>,
    %add3A_1895 = arith.addf %gather3A_1889, %gather3A_1894 : vector<16xf32>
    %mul3A_1896 = arith.constant 3 : i32
    %mul3A_1897 = vector.broadcast %mul3A_1896 : i32 to vector<16xi32>
    %mul3A_1898 = arith.muli %get3A_1830, %mul3A_1897 : vector<16xi32>
    %add3A_1899 = arith.addi %mul3A_1898, %broadcast_in_dim3A_1884 : vector<16xi32>
    %gather3A_1900 = tpu.vector_load_idx %arg11[%add3A_1899] : memref<24576xf32, #tpu.memory_space<vmem>>[vector<16xi32>], vector<16xf32>,
    %add3A_1901 = arith.addf %add3A_1895, %gather3A_1900 : vector<16xf32>
    %mul3A_1902 = arith.constant 0.333333343 : f32
    %mul3A_1903 = vector.broadcast %mul3A_1902 : f32 to vector<16xf32>
    %mul3A_1904 = arith.mulf %add3A_1901, %mul3A_1903 : vector<16xf32>
    %swap3A_1905 = arith.constant 2 : i32
    %swap3A_1906 = arith.index_cast %swap3A_1905 : i32 to index
    %swap3A_1907 = arith.constant 0 : index
    %swap3A_1908 = tpu.vector_load %arg17[%swap3A_1906, %swap3A_1907] {strides = array<i32>} : memref<3x128xf32, #tpu.memory_space<vmem>>, vector<16xf32>,
    tpu.vector_store %arg17[%swap3A_1906, %swap3A_1907], %mul3A_1904 {strides = array<i32>} : memref<3x128xf32, #tpu.memory_space<vmem>>, vector<16xf32>,
    %add3A_1909 = arith.constant 16 : i32
    %add3A_1910 = arith.addi %mul3A_1816, %add3A_1909 : i32
    %get3A_1911 = arith.constant 0 : i32
    %get3A_1912 = arith.index_cast %get3A_1911 : i32 to index
    %get3A_1913 = arith.index_cast %add3A_1910 : i32 to index
    %get3A_1914 = tpu.vector_load %arg13[%get3A_1912, %get3A_1913] {strides = array<i32>} : memref<3x4096xi32, #tpu.memory_space<vmem>>, vector<16xi32>,
    %get3A_1915 = arith.constant 1 : i32
    %get3A_1916 = arith.index_cast %get3A_1915 : i32 to index
    %get3A_1917 = arith.index_cast %add3A_1910 : i32 to index
    %get3A_1918 = tpu.vector_load %arg13[%get3A_1916, %get3A_1917] {strides = array<i32>} : memref<3x4096xi32, #tpu.memory_space<vmem>>, vector<16xi32>,
    %get3A_1919 = arith.constant 2 : i32
    %get3A_1920 = arith.index_cast %get3A_1919 : i32 to index
    %get3A_1921 = arith.index_cast %add3A_1910 : i32 to index
    %get3A_1922 = tpu.vector_load %arg13[%get3A_1920, %get3A_1921] {strides = array<i32>} : memref<3x4096xi32, #tpu.memory_space<vmem>>, vector<16xi32>,
    %broadcast_in_dim3A_1923 = arith.constant 0 : i32
    %broadcast_in_dim3A_1924 = vector.broadcast %broadcast_in_dim3A_1923 : i32 to vector<16xi32>
    %mul3A_1925 = arith.constant 3 : i32
    %mul3A_1926 = vector.broadcast %mul3A_1925 : i32 to vector<16xi32>
    %mul3A_1927 = arith.muli %get3A_1914, %mul3A_1926 : vector<16xi32>
    %add3A_1928 = arith.addi %mul3A_1927, %broadcast_in_dim3A_1924 : vector<16xi32>
    %gather3A_1929 = tpu.vector_load_idx %arg11[%add3A_1928] : memref<24576xf32, #tpu.memory_space<vmem>>[vector<16xi32>], vector<16xf32>,
    %mul3A_1930 = arith.constant 3 : i32
    %mul3A_1931 = vector.broadcast %mul3A_1930 : i32 to vector<16xi32>
    %mul3A_1932 = arith.muli %get3A_1918, %mul3A_1931 : vector<16xi32>
    %add3A_1933 = arith.addi %mul3A_1932, %broadcast_in_dim3A_1924 : vector<16xi32>
    %gather3A_1934 = tpu.vector_load_idx %arg11[%add3A_1933] : memref<24576xf32, #tpu.memory_space<vmem>>[vector<16xi32>], vector<16xf32>,
    %add3A_1935 = arith.addf %gather3A_1929, %gather3A_1934 : vector<16xf32>
    %mul3A_1936 = arith.constant 3 : i32
    %mul3A_1937 = vector.broadcast %mul3A_1936 : i32 to vector<16xi32>
    %mul3A_1938 = arith.muli %get3A_1922, %mul3A_1937 : vector<16xi32>
    %add3A_1939 = arith.addi %mul3A_1938, %broadcast_in_dim3A_1924 : vector<16xi32>
    %gather3A_1940 = tpu.vector_load_idx %arg11[%add3A_1939] : memref<24576xf32, #tpu.memory_space<vmem>>[vector<16xi32>], vector<16xf32>,
    %add3A_1941 = arith.addf %add3A_1935, %gather3A_1940 : vector<16xf32>
    %mul3A_1942 = arith.constant 0.333333343 : f32
    %mul3A_1943 = vector.broadcast %mul3A_1942 : f32 to vector<16xf32>
    %mul3A_1944 = arith.mulf %add3A_1941, %mul3A_1943 : vector<16xf32>
    %swap3A_1945 = arith.constant 0 : i32
    %swap3A_1946 = arith.index_cast %swap3A_1945 : i32 to index
    %swap3A_1947 = arith.constant 16 : index
    %swap3A_1948 = tpu.vector_load %arg17[%swap3A_1946, %swap3A_1947] {strides = array<i32>} : memref<3x128xf32, #tpu.memory_space<vmem>>, vector<16xf32>,
    tpu.vector_store %arg17[%swap3A_1946, %swap3A_1947], %mul3A_1944 {strides = array<i32>} : memref<3x128xf32, #tpu.memory_space<vmem>>, vector<16xf32>,
    %broadcast_in_dim3A_1949 = arith.constant 1 : i32
    %broadcast_in_dim3A_1950 = vector.broadcast %broadcast_in_dim3A_1949 : i32 to vector<16xi32>
    %mul3A_1951 = arith.constant 3 : i32
    %mul3A_1952 = vector.broadcast %mul3A_1951 : i32 to vector<16xi32>
    %mul3A_1953 = arith.muli %get3A_1914, %mul3A_1952 : vector<16xi32>
    %add3A_1954 = arith.addi %mul3A_1953, %broadcast_in_dim3A_1950 : vector<16xi32>
    %gather3A_1955 = tpu.vector_load_idx %arg11[%add3A_1954] : memref<24576xf32, #tpu.memory_space<vmem>>[vector<16xi32>], vector<16xf32>,
    %mul3A_1956 = arith.constant 3 : i32
    %mul3A_1957 = vector.broadcast %mul3A_1956 : i32 to vector<16xi32>
    %mul3A_1958 = arith.muli %get3A_1918, %mul3A_1957 : vector<16xi32>
    %add3A_1959 = arith.addi %mul3A_1958, %broadcast_in_dim3A_1950 : vector<16xi32>
    %gather3A_1960 = tpu.vector_load_idx %arg11[%add3A_1959] : memref<24576xf32, #tpu.memory_space<vmem>>[vector<16xi32>], vector<16xf32>,
    %add3A_1961 = arith.addf %gather3A_1955, %gather3A_1960 : vector<16xf32>
    %mul3A_1962 = arith.constant 3 : i32
    %mul3A_1963 = vector.broadcast %mul3A_1962 : i32 to vector<16xi32>
    %mul3A_1964 = arith.muli %get3A_1922, %mul3A_1963 : vector<16xi32>
    %add3A_1965 = arith.addi %mul3A_1964, %broadcast_in_dim3A_1950 : vector<16xi32>
    %gather3A_1966 = tpu.vector_load_idx %arg11[%add3A_1965] : memref<24576xf32, #tpu.memory_space<vmem>>[vector<16xi32>], vector<16xf32>,
    %add3A_1967 = arith.addf %add3A_1961, %gather3A_1966 : vector<16xf32>
    %mul3A_1968 = arith.constant 0.333333343 : f32
    %mul3A_1969 = vector.broadcast %mul3A_1968 : f32 to vector<16xf32>
    %mul3A_1970 = arith.mulf %add3A_1967, %mul3A_1969 : vector<16xf32>
    %swap3A_1971 = arith.constant 1 : i32
    %swap3A_1972 = arith.index_cast %swap3A_1971 : i32 to index
    %swap3A_1973 = arith.constant 16 : index
    %swap3A_1974 = tpu.vector_load %arg17[%swap3A_1972, %swap3A_1973] {strides = array<i32>} : memref<3x128xf32, #tpu.memory_space<vmem>>, vector<16xf32>,
    tpu.vector_store %arg17[%swap3A_1972, %swap3A_1973], %mul3A_1970 {strides = array<i32>} : memref<3x128xf32, #tpu.memory_space<vmem>>, vector<16xf32>,
    %broadcast_in_dim3A_1975 = arith.constant 2 : i32
    %broadcast_in_dim3A_1976 = vector.broadcast %broadcast_in_dim3A_1975 : i32 to vector<16xi32>
    %mul3A_1977 = arith.constant 3 : i32
    %mul3A_1978 = vector.broadcast %mul3A_1977 : i32 to vector<16xi32>
    %mul3A_1979 = arith.muli %get3A_1914, %mul3A_1978 : vector<16xi32>
    %add3A_1980 = arith.addi %mul3A_1979, %broadcast_in_dim3A_1976 : vector<16xi32>
    %gather3A_1981 = tpu.vector_load_idx %arg11[%add3A_1980] : memref<24576xf32, #tpu.memory_space<vmem>>[vector<16xi32>], vector<16xf32>,
    %mul3A_1982 = arith.constant 3 : i32
    %mul3A_1983 = vector.broadcast %mul3A_1982 : i32 to vector<16xi32>
    %mul3A_1984 = arith.muli %get3A_1918, %mul3A_1983 : vector<16xi32>
    %add3A_1985 = arith.addi %mul3A_1984, %broadcast_in_dim3A_1976 : vector<16xi32>
    %gather3A_1986 = tpu.vector_load_idx %arg11[%add3A_1985] : memref<24576xf32, #tpu.memory_space<vmem>>[vector<16xi32>], vector<16xf32>,
    %add3A_1987 = arith.addf %gather3A_1981, %gather3A_1986 : vector<16xf32>
    %mul3A_1988 = arith.constant 3 : i32
    %mul3A_1989 = vector.broadcast %mul3A_1988 : i32 to vector<16xi32>
    %mul3A_1990 = arith.muli %get3A_1922, %mul3A_1989 : vector<16xi32>
    %add3A_1991 = arith.addi %mul3A_1990, %broadcast_in_dim3A_1976 : vector<16xi32>
    %gather3A_1992 = tpu.vector_load_idx %arg11[%add3A_1991] : memref<24576xf32, #tpu.memory_space<vmem>>[vector<16xi32>], vector<16xf32>,
    %add3A_1993 = arith.addf %add3A_1987, %gather3A_1992 : vector<16xf32>
    %mul3A_1994 = arith.constant 0.333333343 : f32
    %mul3A_1995 = vector.broadcast %mul3A_1994 : f32 to vector<16xf32>
    %mul3A_1996 = arith.mulf %add3A_1993, %mul3A_1995 : vector<16xf32>
    %swap3A_1997 = arith.constant 2 : i32
    %swap3A_1998 = arith.index_cast %swap3A_1997 : i32 to index
    %swap3A_1999 = arith.constant 16 : index
    %swap3A_2000 = tpu.vector_load %arg17[%swap3A_1998, %swap3A_1999] {strides = array<i32>} : memref<3x128xf32, #tpu.memory_space<vmem>>, vector<16xf32>,
    tpu.vector_store %arg17[%swap3A_1998, %swap3A_1999], %mul3A_1996 {strides = array<i32>} : memref<3x128xf32, #tpu.memory_space<vmem>>, vector<16xf32>,
    %add3A_2001 = arith.constant 32 : i32
    %add3A_2002 = arith.addi %mul3A_1816, %add3A_2001 : i32
    %get3A_2003 = arith.constant 0 : i32
    %get3A_2004 = arith.index_cast %get3A_2003 : i32 to index
    %get3A_2005 = arith.index_cast %add3A_2002 : i32 to index
    %get3A_2006 = tpu.vector_load %arg13[%get3A_2004, %get3A_2005] {strides = array<i32>} : memref<3x4096xi32, #tpu.memory_space<vmem>>, vector<16xi32>,
    %get3A_2007 = arith.constant 1 : i32
    %get3A_2008 = arith.index_cast %get3A_2007 : i32 to index
    %get3A_2009 = arith.index_cast %add3A_2002 : i32 to index
    %get3A_2010 = tpu.vector_load %arg13[%get3A_2008, %get3A_2009] {strides = array<i32>} : memref<3x4096xi32, #tpu.memory_space<vmem>>, vector<16xi32>,
    %get3A_2011 = arith.constant 2 : i32
    %get3A_2012 = arith.index_cast %get3A_2011 : i32 to index
    %get3A_2013 = arith.index_cast %add3A_2002 : i32 to index
    %get3A_2014 = tpu.vector_load %arg13[%get3A_2012, %get3A_2013] {strides = array<i32>} : memref<3x4096xi32, #tpu.memory_space<vmem>>, vector<16xi32>,
    %broadcast_in_dim3A_2015 = arith.constant 0 : i32
    %broadcast_in_dim3A_2016 = vector.broadcast %broadcast_in_dim3A_2015 : i32 to vector<16xi32>
    %mul3A_2017 = arith.constant 3 : i32
    %mul3A_2018 = vector.broadcast %mul3A_2017 : i32 to vector<16xi32>
    %mul3A_2019 = arith.muli %get3A_2006, %mul3A_2018 : vector<16xi32>
    %add3A_2020 = arith.addi %mul3A_2019, %broadcast_in_dim3A_2016 : vector<16xi32>
    %gather3A_2021 = tpu.vector_load_idx %arg11[%add3A_2020] : memref<24576xf32, #tpu.memory_space<vmem>>[vector<16xi32>], vector<16xf32>,
    %mul3A_2022 = arith.constant 3 : i32
    %mul3A_2023 = vector.broadcast %mul3A_2022 : i32 to vector<16xi32>
    %mul3A_2024 = arith.muli %get3A_2010, %mul3A_2023 : vector<16xi32>
    %add3A_2025 = arith.addi %mul3A_2024, %broadcast_in_dim3A_2016 : vector<16xi32>
    %gather3A_2026 = tpu.vector_load_idx %arg11[%add3A_2025] : memref<24576xf32, #tpu.memory_space<vmem>>[vector<16xi32>], vector<16xf32>,
    %add3A_2027 = arith.addf %gather3A_2021, %gather3A_2026 : vector<16xf32>
    %mul3A_2028 = arith.constant 3 : i32
    %mul3A_2029 = vector.broadcast %mul3A_2028 : i32 to vector<16xi32>
    %mul3A_2030 = arith.muli %get3A_2014, %mul3A_2029 : vector<16xi32>
    %add3A_2031 = arith.addi %mul3A_2030, %broadcast_in_dim3A_2016 : vector<16xi32>
    %gather3A_2032 = tpu.vector_load_idx %arg11[%add3A_2031] : memref<24576xf32, #tpu.memory_space<vmem>>[vector<16xi32>], vector<16xf32>,
    %add3A_2033 = arith.addf %add3A_2027, %gather3A_2032 : vector<16xf32>
    %mul3A_2034 = arith.constant 0.333333343 : f32
    %mul3A_2035 = vector.broadcast %mul3A_2034 : f32 to vector<16xf32>
    %mul3A_2036 = arith.mulf %add3A_2033, %mul3A_2035 : vector<16xf32>
    %swap3A_2037 = arith.constant 0 : i32
    %swap3A_2038 = arith.index_cast %swap3A_2037 : i32 to index
    %swap3A_2039 = arith.constant 32 : index
    %swap3A_2040 = tpu.vector_load %arg17[%swap3A_2038, %swap3A_2039] {strides = array<i32>} : memref<3x128xf32, #tpu.memory_space<vmem>>, vector<16xf32>,
    tpu.vector_store %arg17[%swap3A_2038, %swap3A_2039], %mul3A_2036 {strides = array<i32>} : memref<3x128xf32, #tpu.memory_space<vmem>>, vector<16xf32>,
    %broadcast_in_dim3A_2041 = arith.constant 1 : i32
    %broadcast_in_dim3A_2042 = vector.broadcast %broadcast_in_dim3A_2041 : i32 to vector<16xi32>
    %mul3A_2043 = arith.constant 3 : i32
    %mul3A_2044 = vector.broadcast %mul3A_2043 : i32 to vector<16xi32>
    %mul3A_2045 = arith.muli %get3A_2006, %mul3A_2044 : vector<16xi32>
    %add3A_2046 = arith.addi %mul3A_2045, %broadcast_in_dim3A_2042 : vector<16xi32>
    %gather3A_2047 = tpu.vector_load_idx %arg11[%add3A_2046] : memref<24576xf32, #tpu.memory_space<vmem>>[vector<16xi32>], vector<16xf32>,
    %mul3A_2048 = arith.constant 3 : i32
    %mul3A_2049 = vector.broadcast %mul3A_2048 : i32 to vector<16xi32>
    %mul3A_2050 = arith.muli %get3A_2010, %mul3A_2049 : vector<16xi32>
    %add3A_2051 = arith.addi %mul3A_2050, %broadcast_in_dim3A_2042 : vector<16xi32>
    %gather3A_2052 = tpu.vector_load_idx %arg11[%add3A_2051] : memref<24576xf32, #tpu.memory_space<vmem>>[vector<16xi32>], vector<16xf32>,
    %add3A_2053 = arith.addf %gather3A_2047, %gather3A_2052 : vector<16xf32>
    %mul3A_2054 = arith.constant 3 : i32
    %mul3A_2055 = vector.broadcast %mul3A_2054 : i32 to vector<16xi32>
    %mul3A_2056 = arith.muli %get3A_2014, %mul3A_2055 : vector<16xi32>
    %add3A_2057 = arith.addi %mul3A_2056, %broadcast_in_dim3A_2042 : vector<16xi32>
    %gather3A_2058 = tpu.vector_load_idx %arg11[%add3A_2057] : memref<24576xf32, #tpu.memory_space<vmem>>[vector<16xi32>], vector<16xf32>,
    %add3A_2059 = arith.addf %add3A_2053, %gather3A_2058 : vector<16xf32>
    %mul3A_2060 = arith.constant 0.333333343 : f32
    %mul3A_2061 = vector.broadcast %mul3A_2060 : f32 to vector<16xf32>
    %mul3A_2062 = arith.mulf %add3A_2059, %mul3A_2061 : vector<16xf32>
    %swap3A_2063 = arith.constant 1 : i32
    %swap3A_2064 = arith.index_cast %swap3A_2063 : i32 to index
    %swap3A_2065 = arith.constant 32 : index
    %swap3A_2066 = tpu.vector_load %arg17[%swap3A_2064, %swap3A_2065] {strides = array<i32>} : memref<3x128xf32, #tpu.memory_space<vmem>>, vector<16xf32>,
    tpu.vector_store %arg17[%swap3A_2064, %swap3A_2065], %mul3A_2062 {strides = array<i32>} : memref<3x128xf32, #tpu.memory_space<vmem>>, vector<16xf32>,
    %broadcast_in_dim3A_2067 = arith.constant 2 : i32
    %broadcast_in_dim3A_2068 = vector.broadcast %broadcast_in_dim3A_2067 : i32 to vector<16xi32>
    %mul3A_2069 = arith.constant 3 : i32
    %mul3A_2070 = vector.broadcast %mul3A_2069 : i32 to vector<16xi32>
    %mul3A_2071 = arith.muli %get3A_2006, %mul3A_2070 : vector<16xi32>
    %add3A_2072 = arith.addi %mul3A_2071, %broadcast_in_dim3A_2068 : vector<16xi32>
    %gather3A_2073 = tpu.vector_load_idx %arg11[%add3A_2072] : memref<24576xf32, #tpu.memory_space<vmem>>[vector<16xi32>], vector<16xf32>,
    %mul3A_2074 = arith.constant 3 : i32
    %mul3A_2075 = vector.broadcast %mul3A_2074 : i32 to vector<16xi32>
    %mul3A_2076 = arith.muli %get3A_2010, %mul3A_2075 : vector<16xi32>
    %add3A_2077 = arith.addi %mul3A_2076, %broadcast_in_dim3A_2068 : vector<16xi32>
    %gather3A_2078 = tpu.vector_load_idx %arg11[%add3A_2077] : memref<24576xf32, #tpu.memory_space<vmem>>[vector<16xi32>], vector<16xf32>,
    %add3A_2079 = arith.addf %gather3A_2073, %gather3A_2078 : vector<16xf32>
    %mul3A_2080 = arith.constant 3 : i32
    %mul3A_2081 = vector.broadcast %mul3A_2080 : i32 to vector<16xi32>
    %mul3A_2082 = arith.muli %get3A_2014, %mul3A_2081 : vector<16xi32>
    %add3A_2083 = arith.addi %mul3A_2082, %broadcast_in_dim3A_2068 : vector<16xi32>
    %gather3A_2084 = tpu.vector_load_idx %arg11[%add3A_2083] : memref<24576xf32, #tpu.memory_space<vmem>>[vector<16xi32>], vector<16xf32>,
    %add3A_2085 = arith.addf %add3A_2079, %gather3A_2084 : vector<16xf32>
    %mul3A_2086 = arith.constant 0.333333343 : f32
    %mul3A_2087 = vector.broadcast %mul3A_2086 : f32 to vector<16xf32>
    %mul3A_2088 = arith.mulf %add3A_2085, %mul3A_2087 : vector<16xf32>
    %swap3A_2089 = arith.constant 2 : i32
    %swap3A_2090 = arith.index_cast %swap3A_2089 : i32 to index
    %swap3A_2091 = arith.constant 32 : index
    %swap3A_2092 = tpu.vector_load %arg17[%swap3A_2090, %swap3A_2091] {strides = array<i32>} : memref<3x128xf32, #tpu.memory_space<vmem>>, vector<16xf32>,
    tpu.vector_store %arg17[%swap3A_2090, %swap3A_2091], %mul3A_2088 {strides = array<i32>} : memref<3x128xf32, #tpu.memory_space<vmem>>, vector<16xf32>,
    %add3A_2093 = arith.constant 48 : i32
    %add3A_2094 = arith.addi %mul3A_1816, %add3A_2093 : i32
    %get3A_2095 = arith.constant 0 : i32
    %get3A_2096 = arith.index_cast %get3A_2095 : i32 to index
    %get3A_2097 = arith.index_cast %add3A_2094 : i32 to index
    %get3A_2098 = tpu.vector_load %arg13[%get3A_2096, %get3A_2097] {strides = array<i32>} : memref<3x4096xi32, #tpu.memory_space<vmem>>, vector<16xi32>,
    %get3A_2099 = arith.constant 1 : i32
    %get3A_2100 = arith.index_cast %get3A_2099 : i32 to index
    %get3A_2101 = arith.index_cast %add3A_2094 : i32 to index
    %get3A_2102 = tpu.vector_load %arg13[%get3A_2100, %get3A_2101] {strides = array<i32>} : memref<3x4096xi32, #tpu.memory_space<vmem>>, vector<16xi32>,
    %get3A_2103 = arith.constant 2 : i32
    %get3A_2104 = arith.index_cast %get3A_2103 : i32 to index
    %get3A_2105 = arith.index_cast %add3A_2094 : i32 to index
    %get3A_2106 = tpu.vector_load %arg13[%get3A_2104, %get3A_2105] {strides = array<i32>} : memref<3x4096xi32, #tpu.memory_space<vmem>>, vector<16xi32>,
    %broadcast_in_dim3A_2107 = arith.constant 0 : i32
    %broadcast_in_dim3A_2108 = vector.broadcast %broadcast_in_dim3A_2107 : i32 to vector<16xi32>
    %mul3A_2109 = arith.constant 3 : i32
    %mul3A_2110 = vector.broadcast %mul3A_2109 : i32 to vector<16xi32>
    %mul3A_2111 = arith.muli %get3A_2098, %mul3A_2110 : vector<16xi32>
    %add3A_2112 = arith.addi %mul3A_2111, %broadcast_in_dim3A_2108 : vector<16xi32>
    %gather3A_2113 = tpu.vector_load_idx %arg11[%add3A_2112] : memref<24576xf32, #tpu.memory_space<vmem>>[vector<16xi32>], vector<16xf32>,
    %mul3A_2114 = arith.constant 3 : i32
    %mul3A_2115 = vector.broadcast %mul3A_2114 : i32 to vector<16xi32>
    %mul3A_2116 = arith.muli %get3A_2102, %mul3A_2115 : vector<16xi32>
    %add3A_2117 = arith.addi %mul3A_2116, %broadcast_in_dim3A_2108 : vector<16xi32>
    %gather3A_2118 = tpu.vector_load_idx %arg11[%add3A_2117] : memref<24576xf32, #tpu.memory_space<vmem>>[vector<16xi32>], vector<16xf32>,
    %add3A_2119 = arith.addf %gather3A_2113, %gather3A_2118 : vector<16xf32>
    %mul3A_2120 = arith.constant 3 : i32
    %mul3A_2121 = vector.broadcast %mul3A_2120 : i32 to vector<16xi32>
    %mul3A_2122 = arith.muli %get3A_2106, %mul3A_2121 : vector<16xi32>
    %add3A_2123 = arith.addi %mul3A_2122, %broadcast_in_dim3A_2108 : vector<16xi32>
    %gather3A_2124 = tpu.vector_load_idx %arg11[%add3A_2123] : memref<24576xf32, #tpu.memory_space<vmem>>[vector<16xi32>], vector<16xf32>,
    %add3A_2125 = arith.addf %add3A_2119, %gather3A_2124 : vector<16xf32>
    %mul3A_2126 = arith.constant 0.333333343 : f32
    %mul3A_2127 = vector.broadcast %mul3A_2126 : f32 to vector<16xf32>
    %mul3A_2128 = arith.mulf %add3A_2125, %mul3A_2127 : vector<16xf32>
    %swap3A_2129 = arith.constant 0 : i32
    %swap3A_2130 = arith.index_cast %swap3A_2129 : i32 to index
    %swap3A_2131 = arith.constant 48 : index
    %swap3A_2132 = tpu.vector_load %arg17[%swap3A_2130, %swap3A_2131] {strides = array<i32>} : memref<3x128xf32, #tpu.memory_space<vmem>>, vector<16xf32>,
    tpu.vector_store %arg17[%swap3A_2130, %swap3A_2131], %mul3A_2128 {strides = array<i32>} : memref<3x128xf32, #tpu.memory_space<vmem>>, vector<16xf32>,
    %broadcast_in_dim3A_2133 = arith.constant 1 : i32
    %broadcast_in_dim3A_2134 = vector.broadcast %broadcast_in_dim3A_2133 : i32 to vector<16xi32>
    %mul3A_2135 = arith.constant 3 : i32
    %mul3A_2136 = vector.broadcast %mul3A_2135 : i32 to vector<16xi32>
    %mul3A_2137 = arith.muli %get3A_2098, %mul3A_2136 : vector<16xi32>
    %add3A_2138 = arith.addi %mul3A_2137, %broadcast_in_dim3A_2134 : vector<16xi32>
    %gather3A_2139 = tpu.vector_load_idx %arg11[%add3A_2138] : memref<24576xf32, #tpu.memory_space<vmem>>[vector<16xi32>], vector<16xf32>,
    %mul3A_2140 = arith.constant 3 : i32
    %mul3A_2141 = vector.broadcast %mul3A_2140 : i32 to vector<16xi32>
    %mul3A_2142 = arith.muli %get3A_2102, %mul3A_2141 : vector<16xi32>
    %add3A_2143 = arith.addi %mul3A_2142, %broadcast_in_dim3A_2134 : vector<16xi32>
    %gather3A_2144 = tpu.vector_load_idx %arg11[%add3A_2143] : memref<24576xf32, #tpu.memory_space<vmem>>[vector<16xi32>], vector<16xf32>,
    %add3A_2145 = arith.addf %gather3A_2139, %gather3A_2144 : vector<16xf32>
    %mul3A_2146 = arith.constant 3 : i32
    %mul3A_2147 = vector.broadcast %mul3A_2146 : i32 to vector<16xi32>
    %mul3A_2148 = arith.muli %get3A_2106, %mul3A_2147 : vector<16xi32>
    %add3A_2149 = arith.addi %mul3A_2148, %broadcast_in_dim3A_2134 : vector<16xi32>
    %gather3A_2150 = tpu.vector_load_idx %arg11[%add3A_2149] : memref<24576xf32, #tpu.memory_space<vmem>>[vector<16xi32>], vector<16xf32>,
    %add3A_2151 = arith.addf %add3A_2145, %gather3A_2150 : vector<16xf32>
    %mul3A_2152 = arith.constant 0.333333343 : f32
    %mul3A_2153 = vector.broadcast %mul3A_2152 : f32 to vector<16xf32>
    %mul3A_2154 = arith.mulf %add3A_2151, %mul3A_2153 : vector<16xf32>
    %swap3A_2155 = arith.constant 1 : i32
    %swap3A_2156 = arith.index_cast %swap3A_2155 : i32 to index
    %swap3A_2157 = arith.constant 48 : index
    %swap3A_2158 = tpu.vector_load %arg17[%swap3A_2156, %swap3A_2157] {strides = array<i32>} : memref<3x128xf32, #tpu.memory_space<vmem>>, vector<16xf32>,
    tpu.vector_store %arg17[%swap3A_2156, %swap3A_2157], %mul3A_2154 {strides = array<i32>} : memref<3x128xf32, #tpu.memory_space<vmem>>, vector<16xf32>,
    %broadcast_in_dim3A_2159 = arith.constant 2 : i32
    %broadcast_in_dim3A_2160 = vector.broadcast %broadcast_in_dim3A_2159 : i32 to vector<16xi32>
    %mul3A_2161 = arith.constant 3 : i32
    %mul3A_2162 = vector.broadcast %mul3A_2161 : i32 to vector<16xi32>
    %mul3A_2163 = arith.muli %get3A_2098, %mul3A_2162 : vector<16xi32>
    %add3A_2164 = arith.addi %mul3A_2163, %broadcast_in_dim3A_2160 : vector<16xi32>
    %gather3A_2165 = tpu.vector_load_idx %arg11[%add3A_2164] : memref<24576xf32, #tpu.memory_space<vmem>>[vector<16xi32>], vector<16xf32>,
    %mul3A_2166 = arith.constant 3 : i32
    %mul3A_2167 = vector.broadcast %mul3A_2166 : i32 to vector<16xi32>
    %mul3A_2168 = arith.muli %get3A_2102, %mul3A_2167 : vector<16xi32>
    %add3A_2169 = arith.addi %mul3A_2168, %broadcast_in_dim3A_2160 : vector<16xi32>
    %gather3A_2170 = tpu.vector_load_idx %arg11[%add3A_2169] : memref<24576xf32, #tpu.memory_space<vmem>>[vector<16xi32>], vector<16xf32>,
    %add3A_2171 = arith.addf %gather3A_2165, %gather3A_2170 : vector<16xf32>
    %mul3A_2172 = arith.constant 3 : i32
    %mul3A_2173 = vector.broadcast %mul3A_2172 : i32 to vector<16xi32>
    %mul3A_2174 = arith.muli %get3A_2106, %mul3A_2173 : vector<16xi32>
    %add3A_2175 = arith.addi %mul3A_2174, %broadcast_in_dim3A_2160 : vector<16xi32>
    %gather3A_2176 = tpu.vector_load_idx %arg11[%add3A_2175] : memref<24576xf32, #tpu.memory_space<vmem>>[vector<16xi32>], vector<16xf32>,
    %add3A_2177 = arith.addf %add3A_2171, %gather3A_2176 : vector<16xf32>
    %mul3A_2178 = arith.constant 0.333333343 : f32
    %mul3A_2179 = vector.broadcast %mul3A_2178 : f32 to vector<16xf32>
    %mul3A_2180 = arith.mulf %add3A_2177, %mul3A_2179 : vector<16xf32>
    %swap3A_2181 = arith.constant 2 : i32
    %swap3A_2182 = arith.index_cast %swap3A_2181 : i32 to index
    %swap3A_2183 = arith.constant 48 : index
    %swap3A_2184 = tpu.vector_load %arg17[%swap3A_2182, %swap3A_2183] {strides = array<i32>} : memref<3x128xf32, #tpu.memory_space<vmem>>, vector<16xf32>,
    tpu.vector_store %arg17[%swap3A_2182, %swap3A_2183], %mul3A_2180 {strides = array<i32>} : memref<3x128xf32, #tpu.memory_space<vmem>>, vector<16xf32>,
    %add3A_2185 = arith.constant 64 : i32
    %add3A_2186 = arith.addi %mul3A_1816, %add3A_2185 : i32
    %get3A_2187 = arith.constant 0 : i32
    %get3A_2188 = arith.index_cast %get3A_2187 : i32 to index
    %get3A_2189 = arith.index_cast %add3A_2186 : i32 to index
    %get3A_2190 = tpu.vector_load %arg13[%get3A_2188, %get3A_2189] {strides = array<i32>} : memref<3x4096xi32, #tpu.memory_space<vmem>>, vector<16xi32>,
    %get3A_2191 = arith.constant 1 : i32
    %get3A_2192 = arith.index_cast %get3A_2191 : i32 to index
    %get3A_2193 = arith.index_cast %add3A_2186 : i32 to index
    %get3A_2194 = tpu.vector_load %arg13[%get3A_2192, %get3A_2193] {strides = array<i32>} : memref<3x4096xi32, #tpu.memory_space<vmem>>, vector<16xi32>,
    %get3A_2195 = arith.constant 2 : i32
    %get3A_2196 = arith.index_cast %get3A_2195 : i32 to index
    %get3A_2197 = arith.index_cast %add3A_2186 : i32 to index
    %get3A_2198 = tpu.vector_load %arg13[%get3A_2196, %get3A_2197] {strides = array<i32>} : memref<3x4096xi32, #tpu.memory_space<vmem>>, vector<16xi32>,
    %broadcast_in_dim3A_2199 = arith.constant 0 : i32
    %broadcast_in_dim3A_2200 = vector.broadcast %broadcast_in_dim3A_2199 : i32 to vector<16xi32>
    %mul3A_2201 = arith.constant 3 : i32
    %mul3A_2202 = vector.broadcast %mul3A_2201 : i32 to vector<16xi32>
    %mul3A_2203 = arith.muli %get3A_2190, %mul3A_2202 : vector<16xi32>
    %add3A_2204 = arith.addi %mul3A_2203, %broadcast_in_dim3A_2200 : vector<16xi32>
    %gather3A_2205 = tpu.vector_load_idx %arg11[%add3A_2204] : memref<24576xf32, #tpu.memory_space<vmem>>[vector<16xi32>], vector<16xf32>,
    %mul3A_2206 = arith.constant 3 : i32
    %mul3A_2207 = vector.broadcast %mul3A_2206 : i32 to vector<16xi32>
    %mul3A_2208 = arith.muli %get3A_2194, %mul3A_2207 : vector<16xi32>
    %add3A_2209 = arith.addi %mul3A_2208, %broadcast_in_dim3A_2200 : vector<16xi32>
    %gather3A_2210 = tpu.vector_load_idx %arg11[%add3A_2209] : memref<24576xf32, #tpu.memory_space<vmem>>[vector<16xi32>], vector<16xf32>,
    %add3A_2211 = arith.addf %gather3A_2205, %gather3A_2210 : vector<16xf32>
    %mul3A_2212 = arith.constant 3 : i32
    %mul3A_2213 = vector.broadcast %mul3A_2212 : i32 to vector<16xi32>
    %mul3A_2214 = arith.muli %get3A_2198, %mul3A_2213 : vector<16xi32>
    %add3A_2215 = arith.addi %mul3A_2214, %broadcast_in_dim3A_2200 : vector<16xi32>
    %gather3A_2216 = tpu.vector_load_idx %arg11[%add3A_2215] : memref<24576xf32, #tpu.memory_space<vmem>>[vector<16xi32>], vector<16xf32>,
    %add3A_2217 = arith.addf %add3A_2211, %gather3A_2216 : vector<16xf32>
    %mul3A_2218 = arith.constant 0.333333343 : f32
    %mul3A_2219 = vector.broadcast %mul3A_2218 : f32 to vector<16xf32>
    %mul3A_2220 = arith.mulf %add3A_2217, %mul3A_2219 : vector<16xf32>
    %swap3A_2221 = arith.constant 0 : i32
    %swap3A_2222 = arith.index_cast %swap3A_2221 : i32 to index
    %swap3A_2223 = arith.constant 64 : index
    %swap3A_2224 = tpu.vector_load %arg17[%swap3A_2222, %swap3A_2223] {strides = array<i32>} : memref<3x128xf32, #tpu.memory_space<vmem>>, vector<16xf32>,
    tpu.vector_store %arg17[%swap3A_2222, %swap3A_2223], %mul3A_2220 {strides = array<i32>} : memref<3x128xf32, #tpu.memory_space<vmem>>, vector<16xf32>,
    %broadcast_in_dim3A_2225 = arith.constant 1 : i32
    %broadcast_in_dim3A_2226 = vector.broadcast %broadcast_in_dim3A_2225 : i32 to vector<16xi32>
    %mul3A_2227 = arith.constant 3 : i32
    %mul3A_2228 = vector.broadcast %mul3A_2227 : i32 to vector<16xi32>
    %mul3A_2229 = arith.muli %get3A_2190, %mul3A_2228 : vector<16xi32>
    %add3A_2230 = arith.addi %mul3A_2229, %broadcast_in_dim3A_2226 : vector<16xi32>
    %gather3A_2231 = tpu.vector_load_idx %arg11[%add3A_2230] : memref<24576xf32, #tpu.memory_space<vmem>>[vector<16xi32>], vector<16xf32>,
    %mul3A_2232 = arith.constant 3 : i32
    %mul3A_2233 = vector.broadcast %mul3A_2232 : i32 to vector<16xi32>
    %mul3A_2234 = arith.muli %get3A_2194, %mul3A_2233 : vector<16xi32>
    %add3A_2235 = arith.addi %mul3A_2234, %broadcast_in_dim3A_2226 : vector<16xi32>
    %gather3A_2236 = tpu.vector_load_idx %arg11[%add3A_2235] : memref<24576xf32, #tpu.memory_space<vmem>>[vector<16xi32>], vector<16xf32>,
    %add3A_2237 = arith.addf %gather3A_2231, %gather3A_2236 : vector<16xf32>
    %mul3A_2238 = arith.constant 3 : i32
    %mul3A_2239 = vector.broadcast %mul3A_2238 : i32 to vector<16xi32>
    %mul3A_2240 = arith.muli %get3A_2198, %mul3A_2239 : vector<16xi32>
    %add3A_2241 = arith.addi %mul3A_2240, %broadcast_in_dim3A_2226 : vector<16xi32>
    %gather3A_2242 = tpu.vector_load_idx %arg11[%add3A_2241] : memref<24576xf32, #tpu.memory_space<vmem>>[vector<16xi32>], vector<16xf32>,
    %add3A_2243 = arith.addf %add3A_2237, %gather3A_2242 : vector<16xf32>
    %mul3A_2244 = arith.constant 0.333333343 : f32
    %mul3A_2245 = vector.broadcast %mul3A_2244 : f32 to vector<16xf32>
    %mul3A_2246 = arith.mulf %add3A_2243, %mul3A_2245 : vector<16xf32>
    %swap3A_2247 = arith.constant 1 : i32
    %swap3A_2248 = arith.index_cast %swap3A_2247 : i32 to index
    %swap3A_2249 = arith.constant 64 : index
    %swap3A_2250 = tpu.vector_load %arg17[%swap3A_2248, %swap3A_2249] {strides = array<i32>} : memref<3x128xf32, #tpu.memory_space<vmem>>, vector<16xf32>,
    tpu.vector_store %arg17[%swap3A_2248, %swap3A_2249], %mul3A_2246 {strides = array<i32>} : memref<3x128xf32, #tpu.memory_space<vmem>>, vector<16xf32>,
    %broadcast_in_dim3A_2251 = arith.constant 2 : i32
    %broadcast_in_dim3A_2252 = vector.broadcast %broadcast_in_dim3A_2251 : i32 to vector<16xi32>
    %mul3A_2253 = arith.constant 3 : i32
    %mul3A_2254 = vector.broadcast %mul3A_2253 : i32 to vector<16xi32>
    %mul3A_2255 = arith.muli %get3A_2190, %mul3A_2254 : vector<16xi32>
    %add3A_2256 = arith.addi %mul3A_2255, %broadcast_in_dim3A_2252 : vector<16xi32>
    %gather3A_2257 = tpu.vector_load_idx %arg11[%add3A_2256] : memref<24576xf32, #tpu.memory_space<vmem>>[vector<16xi32>], vector<16xf32>,
    %mul3A_2258 = arith.constant 3 : i32
    %mul3A_2259 = vector.broadcast %mul3A_2258 : i32 to vector<16xi32>
    %mul3A_2260 = arith.muli %get3A_2194, %mul3A_2259 : vector<16xi32>
    %add3A_2261 = arith.addi %mul3A_2260, %broadcast_in_dim3A_2252 : vector<16xi32>
    %gather3A_2262 = tpu.vector_load_idx %arg11[%add3A_2261] : memref<24576xf32, #tpu.memory_space<vmem>>[vector<16xi32>], vector<16xf32>,
    %add3A_2263 = arith.addf %gather3A_2257, %gather3A_2262 : vector<16xf32>
    %mul3A_2264 = arith.constant 3 : i32
    %mul3A_2265 = vector.broadcast %mul3A_2264 : i32 to vector<16xi32>
    %mul3A_2266 = arith.muli %get3A_2198, %mul3A_2265 : vector<16xi32>
    %add3A_2267 = arith.addi %mul3A_2266, %broadcast_in_dim3A_2252 : vector<16xi32>
    %gather3A_2268 = tpu.vector_load_idx %arg11[%add3A_2267] : memref<24576xf32, #tpu.memory_space<vmem>>[vector<16xi32>], vector<16xf32>,
    %add3A_2269 = arith.addf %add3A_2263, %gather3A_2268 : vector<16xf32>
    %mul3A_2270 = arith.constant 0.333333343 : f32
    %mul3A_2271 = vector.broadcast %mul3A_2270 : f32 to vector<16xf32>
    %mul3A_2272 = arith.mulf %add3A_2269, %mul3A_2271 : vector<16xf32>
    %swap3A_2273 = arith.constant 2 : i32
    %swap3A_2274 = arith.index_cast %swap3A_2273 : i32 to index
    %swap3A_2275 = arith.constant 64 : index
    %swap3A_2276 = tpu.vector_load %arg17[%swap3A_2274, %swap3A_2275] {strides = array<i32>} : memref<3x128xf32, #tpu.memory_space<vmem>>, vector<16xf32>,
    tpu.vector_store %arg17[%swap3A_2274, %swap3A_2275], %mul3A_2272 {strides = array<i32>} : memref<3x128xf32, #tpu.memory_space<vmem>>, vector<16xf32>,
    %add3A_2277 = arith.constant 80 : i32
    %add3A_2278 = arith.addi %mul3A_1816, %add3A_2277 : i32
    %get3A_2279 = arith.constant 0 : i32
    %get3A_2280 = arith.index_cast %get3A_2279 : i32 to index
    %get3A_2281 = arith.index_cast %add3A_2278 : i32 to index
    %get3A_2282 = tpu.vector_load %arg13[%get3A_2280, %get3A_2281] {strides = array<i32>} : memref<3x4096xi32, #tpu.memory_space<vmem>>, vector<16xi32>,
    %get3A_2283 = arith.constant 1 : i32
    %get3A_2284 = arith.index_cast %get3A_2283 : i32 to index
    %get3A_2285 = arith.index_cast %add3A_2278 : i32 to index
    %get3A_2286 = tpu.vector_load %arg13[%get3A_2284, %get3A_2285] {strides = array<i32>} : memref<3x4096xi32, #tpu.memory_space<vmem>>, vector<16xi32>,
    %get3A_2287 = arith.constant 2 : i32
    %get3A_2288 = arith.index_cast %get3A_2287 : i32 to index
    %get3A_2289 = arith.index_cast %add3A_2278 : i32 to index
    %get3A_2290 = tpu.vector_load %arg13[%get3A_2288, %get3A_2289] {strides = array<i32>} : memref<3x4096xi32, #tpu.memory_space<vmem>>, vector<16xi32>,
    %broadcast_in_dim3A_2291 = arith.constant 0 : i32
    %broadcast_in_dim3A_2292 = vector.broadcast %broadcast_in_dim3A_2291 : i32 to vector<16xi32>
    %mul3A_2293 = arith.constant 3 : i32
    %mul3A_2294 = vector.broadcast %mul3A_2293 : i32 to vector<16xi32>
    %mul3A_2295 = arith.muli %get3A_2282, %mul3A_2294 : vector<16xi32>
    %add3A_2296 = arith.addi %mul3A_2295, %broadcast_in_dim3A_2292 : vector<16xi32>
    %gather3A_2297 = tpu.vector_load_idx %arg11[%add3A_2296] : memref<24576xf32, #tpu.memory_space<vmem>>[vector<16xi32>], vector<16xf32>,
    %mul3A_2298 = arith.constant 3 : i32
    %mul3A_2299 = vector.broadcast %mul3A_2298 : i32 to vector<16xi32>
    %mul3A_2300 = arith.muli %get3A_2286, %mul3A_2299 : vector<16xi32>
    %add3A_2301 = arith.addi %mul3A_2300, %broadcast_in_dim3A_2292 : vector<16xi32>
    %gather3A_2302 = tpu.vector_load_idx %arg11[%add3A_2301] : memref<24576xf32, #tpu.memory_space<vmem>>[vector<16xi32>], vector<16xf32>,
    %add3A_2303 = arith.addf %gather3A_2297, %gather3A_2302 : vector<16xf32>
    %mul3A_2304 = arith.constant 3 : i32
    %mul3A_2305 = vector.broadcast %mul3A_2304 : i32 to vector<16xi32>
    %mul3A_2306 = arith.muli %get3A_2290, %mul3A_2305 : vector<16xi32>
    %add3A_2307 = arith.addi %mul3A_2306, %broadcast_in_dim3A_2292 : vector<16xi32>
    %gather3A_2308 = tpu.vector_load_idx %arg11[%add3A_2307] : memref<24576xf32, #tpu.memory_space<vmem>>[vector<16xi32>], vector<16xf32>,
    %add3A_2309 = arith.addf %add3A_2303, %gather3A_2308 : vector<16xf32>
    %mul3A_2310 = arith.constant 0.333333343 : f32
    %mul3A_2311 = vector.broadcast %mul3A_2310 : f32 to vector<16xf32>
    %mul3A_2312 = arith.mulf %add3A_2309, %mul3A_2311 : vector<16xf32>
    %swap3A_2313 = arith.constant 0 : i32
    %swap3A_2314 = arith.index_cast %swap3A_2313 : i32 to index
    %swap3A_2315 = arith.constant 80 : index
    %swap3A_2316 = tpu.vector_load %arg17[%swap3A_2314, %swap3A_2315] {strides = array<i32>} : memref<3x128xf32, #tpu.memory_space<vmem>>, vector<16xf32>,
    tpu.vector_store %arg17[%swap3A_2314, %swap3A_2315], %mul3A_2312 {strides = array<i32>} : memref<3x128xf32, #tpu.memory_space<vmem>>, vector<16xf32>,
    %broadcast_in_dim3A_2317 = arith.constant 1 : i32
    %broadcast_in_dim3A_2318 = vector.broadcast %broadcast_in_dim3A_2317 : i32 to vector<16xi32>
    %mul3A_2319 = arith.constant 3 : i32
    %mul3A_2320 = vector.broadcast %mul3A_2319 : i32 to vector<16xi32>
    %mul3A_2321 = arith.muli %get3A_2282, %mul3A_2320 : vector<16xi32>
    %add3A_2322 = arith.addi %mul3A_2321, %broadcast_in_dim3A_2318 : vector<16xi32>
    %gather3A_2323 = tpu.vector_load_idx %arg11[%add3A_2322] : memref<24576xf32, #tpu.memory_space<vmem>>[vector<16xi32>], vector<16xf32>,
    %mul3A_2324 = arith.constant 3 : i32
    %mul3A_2325 = vector.broadcast %mul3A_2324 : i32 to vector<16xi32>
    %mul3A_2326 = arith.muli %get3A_2286, %mul3A_2325 : vector<16xi32>
    %add3A_2327 = arith.addi %mul3A_2326, %broadcast_in_dim3A_2318 : vector<16xi32>
    %gather3A_2328 = tpu.vector_load_idx %arg11[%add3A_2327] : memref<24576xf32, #tpu.memory_space<vmem>>[vector<16xi32>], vector<16xf32>,
    %add3A_2329 = arith.addf %gather3A_2323, %gather3A_2328 : vector<16xf32>
    %mul3A_2330 = arith.constant 3 : i32
    %mul3A_2331 = vector.broadcast %mul3A_2330 : i32 to vector<16xi32>
    %mul3A_2332 = arith.muli %get3A_2290, %mul3A_2331 : vector<16xi32>
    %add3A_2333 = arith.addi %mul3A_2332, %broadcast_in_dim3A_2318 : vector<16xi32>
    %gather3A_2334 = tpu.vector_load_idx %arg11[%add3A_2333] : memref<24576xf32, #tpu.memory_space<vmem>>[vector<16xi32>], vector<16xf32>,
    %add3A_2335 = arith.addf %add3A_2329, %gather3A_2334 : vector<16xf32>
    %mul3A_2336 = arith.constant 0.333333343 : f32
    %mul3A_2337 = vector.broadcast %mul3A_2336 : f32 to vector<16xf32>
    %mul3A_2338 = arith.mulf %add3A_2335, %mul3A_2337 : vector<16xf32>
    %swap3A_2339 = arith.constant 1 : i32
    %swap3A_2340 = arith.index_cast %swap3A_2339 : i32 to index
    %swap3A_2341 = arith.constant 80 : index
    %swap3A_2342 = tpu.vector_load %arg17[%swap3A_2340, %swap3A_2341] {strides = array<i32>} : memref<3x128xf32, #tpu.memory_space<vmem>>, vector<16xf32>,
    tpu.vector_store %arg17[%swap3A_2340, %swap3A_2341], %mul3A_2338 {strides = array<i32>} : memref<3x128xf32, #tpu.memory_space<vmem>>, vector<16xf32>,
    %broadcast_in_dim3A_2343 = arith.constant 2 : i32
    %broadcast_in_dim3A_2344 = vector.broadcast %broadcast_in_dim3A_2343 : i32 to vector<16xi32>
    %mul3A_2345 = arith.constant 3 : i32
    %mul3A_2346 = vector.broadcast %mul3A_2345 : i32 to vector<16xi32>
    %mul3A_2347 = arith.muli %get3A_2282, %mul3A_2346 : vector<16xi32>
    %add3A_2348 = arith.addi %mul3A_2347, %broadcast_in_dim3A_2344 : vector<16xi32>
    %gather3A_2349 = tpu.vector_load_idx %arg11[%add3A_2348] : memref<24576xf32, #tpu.memory_space<vmem>>[vector<16xi32>], vector<16xf32>,
    %mul3A_2350 = arith.constant 3 : i32
    %mul3A_2351 = vector.broadcast %mul3A_2350 : i32 to vector<16xi32>
    %mul3A_2352 = arith.muli %get3A_2286, %mul3A_2351 : vector<16xi32>
    %add3A_2353 = arith.addi %mul3A_2352, %broadcast_in_dim3A_2344 : vector<16xi32>
    %gather3A_2354 = tpu.vector_load_idx %arg11[%add3A_2353] : memref<24576xf32, #tpu.memory_space<vmem>>[vector<16xi32>], vector<16xf32>,
    %add3A_2355 = arith.addf %gather3A_2349, %gather3A_2354 : vector<16xf32>
    %mul3A_2356 = arith.constant 3 : i32
    %mul3A_2357 = vector.broadcast %mul3A_2356 : i32 to vector<16xi32>
    %mul3A_2358 = arith.muli %get3A_2290, %mul3A_2357 : vector<16xi32>
    %add3A_2359 = arith.addi %mul3A_2358, %broadcast_in_dim3A_2344 : vector<16xi32>
    %gather3A_2360 = tpu.vector_load_idx %arg11[%add3A_2359] : memref<24576xf32, #tpu.memory_space<vmem>>[vector<16xi32>], vector<16xf32>,
    %add3A_2361 = arith.addf %add3A_2355, %gather3A_2360 : vector<16xf32>
    %mul3A_2362 = arith.constant 0.333333343 : f32
    %mul3A_2363 = vector.broadcast %mul3A_2362 : f32 to vector<16xf32>
    %mul3A_2364 = arith.mulf %add3A_2361, %mul3A_2363 : vector<16xf32>
    %swap3A_2365 = arith.constant 2 : i32
    %swap3A_2366 = arith.index_cast %swap3A_2365 : i32 to index
    %swap3A_2367 = arith.constant 80 : index
    %swap3A_2368 = tpu.vector_load %arg17[%swap3A_2366, %swap3A_2367] {strides = array<i32>} : memref<3x128xf32, #tpu.memory_space<vmem>>, vector<16xf32>,
    tpu.vector_store %arg17[%swap3A_2366, %swap3A_2367], %mul3A_2364 {strides = array<i32>} : memref<3x128xf32, #tpu.memory_space<vmem>>, vector<16xf32>,
    %add3A_2369 = arith.constant 96 : i32
    %add3A_2370 = arith.addi %mul3A_1816, %add3A_2369 : i32
    %get3A_2371 = arith.constant 0 : i32
    %get3A_2372 = arith.index_cast %get3A_2371 : i32 to index
    %get3A_2373 = arith.index_cast %add3A_2370 : i32 to index
    %get3A_2374 = tpu.vector_load %arg13[%get3A_2372, %get3A_2373] {strides = array<i32>} : memref<3x4096xi32, #tpu.memory_space<vmem>>, vector<16xi32>,
    %get3A_2375 = arith.constant 1 : i32
    %get3A_2376 = arith.index_cast %get3A_2375 : i32 to index
    %get3A_2377 = arith.index_cast %add3A_2370 : i32 to index
    %get3A_2378 = tpu.vector_load %arg13[%get3A_2376, %get3A_2377] {strides = array<i32>} : memref<3x4096xi32, #tpu.memory_space<vmem>>, vector<16xi32>,
    %get3A_2379 = arith.constant 2 : i32
    %get3A_2380 = arith.index_cast %get3A_2379 : i32 to index
    %get3A_2381 = arith.index_cast %add3A_2370 : i32 to index
    %get3A_2382 = tpu.vector_load %arg13[%get3A_2380, %get3A_2381] {strides = array<i32>} : memref<3x4096xi32, #tpu.memory_space<vmem>>, vector<16xi32>,
    %broadcast_in_dim3A_2383 = arith.constant 0 : i32
    %broadcast_in_dim3A_2384 = vector.broadcast %broadcast_in_dim3A_2383 : i32 to vector<16xi32>
    %mul3A_2385 = arith.constant 3 : i32
    %mul3A_2386 = vector.broadcast %mul3A_2385 : i32 to vector<16xi32>
    %mul3A_2387 = arith.muli %get3A_2374, %mul3A_2386 : vector<16xi32>
    %add3A_2388 = arith.addi %mul3A_2387, %broadcast_in_dim3A_2384 : vector<16xi32>
    %gather3A_2389 = tpu.vector_load_idx %arg11[%add3A_2388] : memref<24576xf32, #tpu.memory_space<vmem>>[vector<16xi32>], vector<16xf32>,
    %mul3A_2390 = arith.constant 3 : i32
    %mul3A_2391 = vector.broadcast %mul3A_2390 : i32 to vector<16xi32>
    %mul3A_2392 = arith.muli %get3A_2378, %mul3A_2391 : vector<16xi32>
    %add3A_2393 = arith.addi %mul3A_2392, %broadcast_in_dim3A_2384 : vector<16xi32>
    %gather3A_2394 = tpu.vector_load_idx %arg11[%add3A_2393] : memref<24576xf32, #tpu.memory_space<vmem>>[vector<16xi32>], vector<16xf32>,
    %add3A_2395 = arith.addf %gather3A_2389, %gather3A_2394 : vector<16xf32>
    %mul3A_2396 = arith.constant 3 : i32
    %mul3A_2397 = vector.broadcast %mul3A_2396 : i32 to vector<16xi32>
    %mul3A_2398 = arith.muli %get3A_2382, %mul3A_2397 : vector<16xi32>
    %add3A_2399 = arith.addi %mul3A_2398, %broadcast_in_dim3A_2384 : vector<16xi32>
    %gather3A_2400 = tpu.vector_load_idx %arg11[%add3A_2399] : memref<24576xf32, #tpu.memory_space<vmem>>[vector<16xi32>], vector<16xf32>,
    %add3A_2401 = arith.addf %add3A_2395, %gather3A_2400 : vector<16xf32>
    %mul3A_2402 = arith.constant 0.333333343 : f32
    %mul3A_2403 = vector.broadcast %mul3A_2402 : f32 to vector<16xf32>
    %mul3A_2404 = arith.mulf %add3A_2401, %mul3A_2403 : vector<16xf32>
    %swap3A_2405 = arith.constant 0 : i32
    %swap3A_2406 = arith.index_cast %swap3A_2405 : i32 to index
    %swap3A_2407 = arith.constant 96 : index
    %swap3A_2408 = tpu.vector_load %arg17[%swap3A_2406, %swap3A_2407] {strides = array<i32>} : memref<3x128xf32, #tpu.memory_space<vmem>>, vector<16xf32>,
    tpu.vector_store %arg17[%swap3A_2406, %swap3A_2407], %mul3A_2404 {strides = array<i32>} : memref<3x128xf32, #tpu.memory_space<vmem>>, vector<16xf32>,
    %broadcast_in_dim3A_2409 = arith.constant 1 : i32
    %broadcast_in_dim3A_2410 = vector.broadcast %broadcast_in_dim3A_2409 : i32 to vector<16xi32>
    %mul3A_2411 = arith.constant 3 : i32
    %mul3A_2412 = vector.broadcast %mul3A_2411 : i32 to vector<16xi32>
    %mul3A_2413 = arith.muli %get3A_2374, %mul3A_2412 : vector<16xi32>
    %add3A_2414 = arith.addi %mul3A_2413, %broadcast_in_dim3A_2410 : vector<16xi32>
    %gather3A_2415 = tpu.vector_load_idx %arg11[%add3A_2414] : memref<24576xf32, #tpu.memory_space<vmem>>[vector<16xi32>], vector<16xf32>,
    %mul3A_2416 = arith.constant 3 : i32
    %mul3A_2417 = vector.broadcast %mul3A_2416 : i32 to vector<16xi32>
    %mul3A_2418 = arith.muli %get3A_2378, %mul3A_2417 : vector<16xi32>
    %add3A_2419 = arith.addi %mul3A_2418, %broadcast_in_dim3A_2410 : vector<16xi32>
    %gather3A_2420 = tpu.vector_load_idx %arg11[%add3A_2419] : memref<24576xf32, #tpu.memory_space<vmem>>[vector<16xi32>], vector<16xf32>,
    %add3A_2421 = arith.addf %gather3A_2415, %gather3A_2420 : vector<16xf32>
    %mul3A_2422 = arith.constant 3 : i32
    %mul3A_2423 = vector.broadcast %mul3A_2422 : i32 to vector<16xi32>
    %mul3A_2424 = arith.muli %get3A_2382, %mul3A_2423 : vector<16xi32>
    %add3A_2425 = arith.addi %mul3A_2424, %broadcast_in_dim3A_2410 : vector<16xi32>
    %gather3A_2426 = tpu.vector_load_idx %arg11[%add3A_2425] : memref<24576xf32, #tpu.memory_space<vmem>>[vector<16xi32>], vector<16xf32>,
    %add3A_2427 = arith.addf %add3A_2421, %gather3A_2426 : vector<16xf32>
    %mul3A_2428 = arith.constant 0.333333343 : f32
    %mul3A_2429 = vector.broadcast %mul3A_2428 : f32 to vector<16xf32>
    %mul3A_2430 = arith.mulf %add3A_2427, %mul3A_2429 : vector<16xf32>
    %swap3A_2431 = arith.constant 1 : i32
    %swap3A_2432 = arith.index_cast %swap3A_2431 : i32 to index
    %swap3A_2433 = arith.constant 96 : index
    %swap3A_2434 = tpu.vector_load %arg17[%swap3A_2432, %swap3A_2433] {strides = array<i32>} : memref<3x128xf32, #tpu.memory_space<vmem>>, vector<16xf32>,
    tpu.vector_store %arg17[%swap3A_2432, %swap3A_2433], %mul3A_2430 {strides = array<i32>} : memref<3x128xf32, #tpu.memory_space<vmem>>, vector<16xf32>,
    %broadcast_in_dim3A_2435 = arith.constant 2 : i32
    %broadcast_in_dim3A_2436 = vector.broadcast %broadcast_in_dim3A_2435 : i32 to vector<16xi32>
    %mul3A_2437 = arith.constant 3 : i32
    %mul3A_2438 = vector.broadcast %mul3A_2437 : i32 to vector<16xi32>
    %mul3A_2439 = arith.muli %get3A_2374, %mul3A_2438 : vector<16xi32>
    %add3A_2440 = arith.addi %mul3A_2439, %broadcast_in_dim3A_2436 : vector<16xi32>
    %gather3A_2441 = tpu.vector_load_idx %arg11[%add3A_2440] : memref<24576xf32, #tpu.memory_space<vmem>>[vector<16xi32>], vector<16xf32>,
    %mul3A_2442 = arith.constant 3 : i32
    %mul3A_2443 = vector.broadcast %mul3A_2442 : i32 to vector<16xi32>
    %mul3A_2444 = arith.muli %get3A_2378, %mul3A_2443 : vector<16xi32>
    %add3A_2445 = arith.addi %mul3A_2444, %broadcast_in_dim3A_2436 : vector<16xi32>
    %gather3A_2446 = tpu.vector_load_idx %arg11[%add3A_2445] : memref<24576xf32, #tpu.memory_space<vmem>>[vector<16xi32>], vector<16xf32>,
    %add3A_2447 = arith.addf %gather3A_2441, %gather3A_2446 : vector<16xf32>
    %mul3A_2448 = arith.constant 3 : i32
    %mul3A_2449 = vector.broadcast %mul3A_2448 : i32 to vector<16xi32>
    %mul3A_2450 = arith.muli %get3A_2382, %mul3A_2449 : vector<16xi32>
    %add3A_2451 = arith.addi %mul3A_2450, %broadcast_in_dim3A_2436 : vector<16xi32>
    %gather3A_2452 = tpu.vector_load_idx %arg11[%add3A_2451] : memref<24576xf32, #tpu.memory_space<vmem>>[vector<16xi32>], vector<16xf32>,
    %add3A_2453 = arith.addf %add3A_2447, %gather3A_2452 : vector<16xf32>
    %mul3A_2454 = arith.constant 0.333333343 : f32
    %mul3A_2455 = vector.broadcast %mul3A_2454 : f32 to vector<16xf32>
    %mul3A_2456 = arith.mulf %add3A_2453, %mul3A_2455 : vector<16xf32>
    %swap3A_2457 = arith.constant 2 : i32
    %swap3A_2458 = arith.index_cast %swap3A_2457 : i32 to index
    %swap3A_2459 = arith.constant 96 : index
    %swap3A_2460 = tpu.vector_load %arg17[%swap3A_2458, %swap3A_2459] {strides = array<i32>} : memref<3x128xf32, #tpu.memory_space<vmem>>, vector<16xf32>,
    tpu.vector_store %arg17[%swap3A_2458, %swap3A_2459], %mul3A_2456 {strides = array<i32>} : memref<3x128xf32, #tpu.memory_space<vmem>>, vector<16xf32>,
    %add3A_2461 = arith.constant 112 : i32
    %add3A_2462 = arith.addi %mul3A_1816, %add3A_2461 : i32
    %get3A_2463 = arith.constant 0 : i32
    %get3A_2464 = arith.index_cast %get3A_2463 : i32 to index
    %get3A_2465 = arith.index_cast %add3A_2462 : i32 to index
    %get3A_2466 = tpu.vector_load %arg13[%get3A_2464, %get3A_2465] {strides = array<i32>} : memref<3x4096xi32, #tpu.memory_space<vmem>>, vector<16xi32>,
    %get3A_2467 = arith.constant 1 : i32
    %get3A_2468 = arith.index_cast %get3A_2467 : i32 to index
    %get3A_2469 = arith.index_cast %add3A_2462 : i32 to index
    %get3A_2470 = tpu.vector_load %arg13[%get3A_2468, %get3A_2469] {strides = array<i32>} : memref<3x4096xi32, #tpu.memory_space<vmem>>, vector<16xi32>,
    %get3A_2471 = arith.constant 2 : i32
    %get3A_2472 = arith.index_cast %get3A_2471 : i32 to index
    %get3A_2473 = arith.index_cast %add3A_2462 : i32 to index
    %get3A_2474 = tpu.vector_load %arg13[%get3A_2472, %get3A_2473] {strides = array<i32>} : memref<3x4096xi32, #tpu.memory_space<vmem>>, vector<16xi32>,
    %broadcast_in_dim3A_2475 = arith.constant 0 : i32
    %broadcast_in_dim3A_2476 = vector.broadcast %broadcast_in_dim3A_2475 : i32 to vector<16xi32>
    %mul3A_2477 = arith.constant 3 : i32
    %mul3A_2478 = vector.broadcast %mul3A_2477 : i32 to vector<16xi32>
    %mul3A_2479 = arith.muli %get3A_2466, %mul3A_2478 : vector<16xi32>
    %add3A_2480 = arith.addi %mul3A_2479, %broadcast_in_dim3A_2476 : vector<16xi32>
    %gather3A_2481 = tpu.vector_load_idx %arg11[%add3A_2480] : memref<24576xf32, #tpu.memory_space<vmem>>[vector<16xi32>], vector<16xf32>,
    %mul3A_2482 = arith.constant 3 : i32
    %mul3A_2483 = vector.broadcast %mul3A_2482 : i32 to vector<16xi32>
    %mul3A_2484 = arith.muli %get3A_2470, %mul3A_2483 : vector<16xi32>
    %add3A_2485 = arith.addi %mul3A_2484, %broadcast_in_dim3A_2476 : vector<16xi32>
    %gather3A_2486 = tpu.vector_load_idx %arg11[%add3A_2485] : memref<24576xf32, #tpu.memory_space<vmem>>[vector<16xi32>], vector<16xf32>,
    %add3A_2487 = arith.addf %gather3A_2481, %gather3A_2486 : vector<16xf32>
    %mul3A_2488 = arith.constant 3 : i32
    %mul3A_2489 = vector.broadcast %mul3A_2488 : i32 to vector<16xi32>
    %mul3A_2490 = arith.muli %get3A_2474, %mul3A_2489 : vector<16xi32>
    %add3A_2491 = arith.addi %mul3A_2490, %broadcast_in_dim3A_2476 : vector<16xi32>
    %gather3A_2492 = tpu.vector_load_idx %arg11[%add3A_2491] : memref<24576xf32, #tpu.memory_space<vmem>>[vector<16xi32>], vector<16xf32>,
    %add3A_2493 = arith.addf %add3A_2487, %gather3A_2492 : vector<16xf32>
    %mul3A_2494 = arith.constant 0.333333343 : f32
    %mul3A_2495 = vector.broadcast %mul3A_2494 : f32 to vector<16xf32>
    %mul3A_2496 = arith.mulf %add3A_2493, %mul3A_2495 : vector<16xf32>
    %swap3A_2497 = arith.constant 0 : i32
    %swap3A_2498 = arith.index_cast %swap3A_2497 : i32 to index
    %swap3A_2499 = arith.constant 112 : index
    %swap3A_2500 = tpu.vector_load %arg17[%swap3A_2498, %swap3A_2499] {strides = array<i32>} : memref<3x128xf32, #tpu.memory_space<vmem>>, vector<16xf32>,
    tpu.vector_store %arg17[%swap3A_2498, %swap3A_2499], %mul3A_2496 {strides = array<i32>} : memref<3x128xf32, #tpu.memory_space<vmem>>, vector<16xf32>,
    %broadcast_in_dim3A_2501 = arith.constant 1 : i32
    %broadcast_in_dim3A_2502 = vector.broadcast %broadcast_in_dim3A_2501 : i32 to vector<16xi32>
    %mul3A_2503 = arith.constant 3 : i32
    %mul3A_2504 = vector.broadcast %mul3A_2503 : i32 to vector<16xi32>
    %mul3A_2505 = arith.muli %get3A_2466, %mul3A_2504 : vector<16xi32>
    %add3A_2506 = arith.addi %mul3A_2505, %broadcast_in_dim3A_2502 : vector<16xi32>
    %gather3A_2507 = tpu.vector_load_idx %arg11[%add3A_2506] : memref<24576xf32, #tpu.memory_space<vmem>>[vector<16xi32>], vector<16xf32>,
    %mul3A_2508 = arith.constant 3 : i32
    %mul3A_2509 = vector.broadcast %mul3A_2508 : i32 to vector<16xi32>
    %mul3A_2510 = arith.muli %get3A_2470, %mul3A_2509 : vector<16xi32>
    %add3A_2511 = arith.addi %mul3A_2510, %broadcast_in_dim3A_2502 : vector<16xi32>
    %gather3A_2512 = tpu.vector_load_idx %arg11[%add3A_2511] : memref<24576xf32, #tpu.memory_space<vmem>>[vector<16xi32>], vector<16xf32>,
    %add3A_2513 = arith.addf %gather3A_2507, %gather3A_2512 : vector<16xf32>
    %mul3A_2514 = arith.constant 3 : i32
    %mul3A_2515 = vector.broadcast %mul3A_2514 : i32 to vector<16xi32>
    %mul3A_2516 = arith.muli %get3A_2474, %mul3A_2515 : vector<16xi32>
    %add3A_2517 = arith.addi %mul3A_2516, %broadcast_in_dim3A_2502 : vector<16xi32>
    %gather3A_2518 = tpu.vector_load_idx %arg11[%add3A_2517] : memref<24576xf32, #tpu.memory_space<vmem>>[vector<16xi32>], vector<16xf32>,
    %add3A_2519 = arith.addf %add3A_2513, %gather3A_2518 : vector<16xf32>
    %mul3A_2520 = arith.constant 0.333333343 : f32
    %mul3A_2521 = vector.broadcast %mul3A_2520 : f32 to vector<16xf32>
    %mul3A_2522 = arith.mulf %add3A_2519, %mul3A_2521 : vector<16xf32>
    %swap3A_2523 = arith.constant 1 : i32
    %swap3A_2524 = arith.index_cast %swap3A_2523 : i32 to index
    %swap3A_2525 = arith.constant 112 : index
    %swap3A_2526 = tpu.vector_load %arg17[%swap3A_2524, %swap3A_2525] {strides = array<i32>} : memref<3x128xf32, #tpu.memory_space<vmem>>, vector<16xf32>,
    tpu.vector_store %arg17[%swap3A_2524, %swap3A_2525], %mul3A_2522 {strides = array<i32>} : memref<3x128xf32, #tpu.memory_space<vmem>>, vector<16xf32>,
    %broadcast_in_dim3A_2527 = arith.constant 2 : i32
    %broadcast_in_dim3A_2528 = vector.broadcast %broadcast_in_dim3A_2527 : i32 to vector<16xi32>
    %mul3A_2529 = arith.constant 3 : i32
    %mul3A_2530 = vector.broadcast %mul3A_2529 : i32 to vector<16xi32>
    %mul3A_2531 = arith.muli %get3A_2466, %mul3A_2530 : vector<16xi32>
    %add3A_2532 = arith.addi %mul3A_2531, %broadcast_in_dim3A_2528 : vector<16xi32>
    %gather3A_2533 = tpu.vector_load_idx %arg11[%add3A_2532] : memref<24576xf32, #tpu.memory_space<vmem>>[vector<16xi32>], vector<16xf32>,
    %mul3A_2534 = arith.constant 3 : i32
    %mul3A_2535 = vector.broadcast %mul3A_2534 : i32 to vector<16xi32>
    %mul3A_2536 = arith.muli %get3A_2470, %mul3A_2535 : vector<16xi32>
    %add3A_2537 = arith.addi %mul3A_2536, %broadcast_in_dim3A_2528 : vector<16xi32>
    %gather3A_2538 = tpu.vector_load_idx %arg11[%add3A_2537] : memref<24576xf32, #tpu.memory_space<vmem>>[vector<16xi32>], vector<16xf32>,
    %add3A_2539 = arith.addf %gather3A_2533, %gather3A_2538 : vector<16xf32>
    %mul3A_2540 = arith.constant 3 : i32
    %mul3A_2541 = vector.broadcast %mul3A_2540 : i32 to vector<16xi32>
    %mul3A_2542 = arith.muli %get3A_2474, %mul3A_2541 : vector<16xi32>
    %add3A_2543 = arith.addi %mul3A_2542, %broadcast_in_dim3A_2528 : vector<16xi32>
    %gather3A_2544 = tpu.vector_load_idx %arg11[%add3A_2543] : memref<24576xf32, #tpu.memory_space<vmem>>[vector<16xi32>], vector<16xf32>,
    %add3A_2545 = arith.addf %add3A_2539, %gather3A_2544 : vector<16xf32>
    %mul3A_2546 = arith.constant 0.333333343 : f32
    %mul3A_2547 = vector.broadcast %mul3A_2546 : f32 to vector<16xf32>
    %mul3A_2548 = arith.mulf %add3A_2545, %mul3A_2547 : vector<16xf32>
    %swap3A_2549 = arith.constant 2 : i32
    %swap3A_2550 = arith.index_cast %swap3A_2549 : i32 to index
    %swap3A_2551 = arith.constant 112 : index
    %swap3A_2552 = tpu.vector_load %arg17[%swap3A_2550, %swap3A_2551] {strides = array<i32>} : memref<3x128xf32, #tpu.memory_space<vmem>>, vector<16xf32>,
    tpu.vector_store %arg17[%swap3A_2550, %swap3A_2551], %mul3A_2548 {strides = array<i32>} : memref<3x128xf32, #tpu.memory_space<vmem>>, vector<16xf32>,
    %add3A_2553 = arith.constant 0 : i32
    %add3A_2554 = arith.addi %add3A_2553, %mul3A_1816 : i32
    %run_scoped3A_2555 = arith.constant 0 : i32
    "tpu.region"() ({
      %run_scoped3A_2562 = tpu.sem_alloc : memref<!tpu.dma_semaphore, #tpu.memory_space<semaphore_mem>>
      %dma_start3A = arith.constant 0 : i32
      %dma_start3A_2563 = tpu.memref_slice %arg17[%run_scoped3A_2555, %dma_start3A] : memref<3x128xf32, #tpu.memory_space<vmem>> -> memref<1x128xf32, #tpu.memory_space<vmem>>
      %dma_start3A_2564 = tpu.memref_squeeze %dma_start3A_2563 : memref<1x128xf32, #tpu.memory_space<vmem>> -> memref<128xf32, #tpu.memory_space<vmem>>
      %dma_start3A_2565 = tpu.memref_slice %arg9[%add3A_2554] : memref<12288xf32, #tpu.memory_space<hbm>> -> memref<128xf32, #tpu.memory_space<hbm>>
      %dma_start3A_2566 = tpu.memref_slice %arg9[%add3A_2554] : memref<12288xf32, #tpu.memory_space<hbm>> -> memref<128xf32, #tpu.memory_space<hbm>>
      %dma_start3A_2567 = arith.constant 0 : i32
      %dma_start3A_2568 = tpu.memref_slice %arg17[%run_scoped3A_2555, %dma_start3A_2567] : memref<3x128xf32, #tpu.memory_space<vmem>> -> memref<1x128xf32, #tpu.memory_space<vmem>>
      %dma_start3A_2569 = tpu.memref_squeeze %dma_start3A_2568 : memref<1x128xf32, #tpu.memory_space<vmem>> -> memref<128xf32, #tpu.memory_space<vmem>>
      tpu.enqueue_dma source(%dma_start3A_2569 : memref<128xf32, #tpu.memory_space<vmem>>) target(%dma_start3A_2566 : memref<128xf32, #tpu.memory_space<hbm>>) target_semaphore(%run_scoped3A_2562 : memref<!tpu.dma_semaphore, #tpu.memory_space<semaphore_mem>>)
      %dma_wait3A = arith.constant 0 : i32
      %dma_wait3A_2570 = tpu.memref_slice %arg17[%run_scoped3A_2555, %dma_wait3A] : memref<3x128xf32, #tpu.memory_space<vmem>> -> memref<1x128xf32, #tpu.memory_space<vmem>>
      %dma_wait3A_2571 = tpu.memref_squeeze %dma_wait3A_2570 : memref<1x128xf32, #tpu.memory_space<vmem>> -> memref<128xf32, #tpu.memory_space<vmem>>
      %dma_wait3A_2572 = tpu.memref_slice %arg9[%add3A_2554] : memref<12288xf32, #tpu.memory_space<hbm>> -> memref<128xf32, #tpu.memory_space<hbm>>
      %dma_wait3A_2573 = tpu.memref_slice %arg9[%add3A_2554] : memref<12288xf32, #tpu.memory_space<hbm>> -> memref<128xf32, #tpu.memory_space<hbm>>
      %dma_wait3A_2574 = arith.constant 0 : i32
      %dma_wait3A_2575 = tpu.memref_slice %arg17[%run_scoped3A_2555, %dma_wait3A_2574] : memref<3x128xf32, #tpu.memory_space<vmem>> -> memref<1x128xf32, #tpu.memory_space<vmem>>
      %dma_wait3A_2576 = tpu.memref_squeeze %dma_wait3A_2575 : memref<1x128xf32, #tpu.memory_space<vmem>> -> memref<128xf32, #tpu.memory_space<vmem>>
      tpu.wait_dma2 semaphore(%run_scoped3A_2562 : memref<!tpu.dma_semaphore, #tpu.memory_space<semaphore_mem>>) src(%dma_wait3A_2576 : memref<128xf32, #tpu.memory_space<vmem>>) dst(%dma_wait3A_2573 : memref<128xf32, #tpu.memory_space<hbm>>)
      tpu.yield
    }) : () -> ()
    %add3A_2556 = arith.constant 4096 : i32
    %add3A_2557 = arith.addi %add3A_2556, %mul3A_1816 : i32
    %run_scoped3A_2558 = arith.constant 1 : i32
    "tpu.region"() ({
      %run_scoped3A_2562 = tpu.sem_alloc : memref<!tpu.dma_semaphore, #tpu.memory_space<semaphore_mem>>
      %dma_start3A = arith.constant 0 : i32
      %dma_start3A_2563 = tpu.memref_slice %arg17[%run_scoped3A_2558, %dma_start3A] : memref<3x128xf32, #tpu.memory_space<vmem>> -> memref<1x128xf32, #tpu.memory_space<vmem>>
      %dma_start3A_2564 = tpu.memref_squeeze %dma_start3A_2563 : memref<1x128xf32, #tpu.memory_space<vmem>> -> memref<128xf32, #tpu.memory_space<vmem>>
      %dma_start3A_2565 = tpu.memref_slice %arg9[%add3A_2557] : memref<12288xf32, #tpu.memory_space<hbm>> -> memref<128xf32, #tpu.memory_space<hbm>>
      %dma_start3A_2566 = tpu.memref_slice %arg9[%add3A_2557] : memref<12288xf32, #tpu.memory_space<hbm>> -> memref<128xf32, #tpu.memory_space<hbm>>
      %dma_start3A_2567 = arith.constant 0 : i32
      %dma_start3A_2568 = tpu.memref_slice %arg17[%run_scoped3A_2558, %dma_start3A_2567] : memref<3x128xf32, #tpu.memory_space<vmem>> -> memref<1x128xf32, #tpu.memory_space<vmem>>
      %dma_start3A_2569 = tpu.memref_squeeze %dma_start3A_2568 : memref<1x128xf32, #tpu.memory_space<vmem>> -> memref<128xf32, #tpu.memory_space<vmem>>
      tpu.enqueue_dma source(%dma_start3A_2569 : memref<128xf32, #tpu.memory_space<vmem>>) target(%dma_start3A_2566 : memref<128xf32, #tpu.memory_space<hbm>>) target_semaphore(%run_scoped3A_2562 : memref<!tpu.dma_semaphore, #tpu.memory_space<semaphore_mem>>)
      %dma_wait3A = arith.constant 0 : i32
      %dma_wait3A_2570 = tpu.memref_slice %arg17[%run_scoped3A_2558, %dma_wait3A] : memref<3x128xf32, #tpu.memory_space<vmem>> -> memref<1x128xf32, #tpu.memory_space<vmem>>
      %dma_wait3A_2571 = tpu.memref_squeeze %dma_wait3A_2570 : memref<1x128xf32, #tpu.memory_space<vmem>> -> memref<128xf32, #tpu.memory_space<vmem>>
      %dma_wait3A_2572 = tpu.memref_slice %arg9[%add3A_2557] : memref<12288xf32, #tpu.memory_space<hbm>> -> memref<128xf32, #tpu.memory_space<hbm>>
      %dma_wait3A_2573 = tpu.memref_slice %arg9[%add3A_2557] : memref<12288xf32, #tpu.memory_space<hbm>> -> memref<128xf32, #tpu.memory_space<hbm>>
      %dma_wait3A_2574 = arith.constant 0 : i32
      %dma_wait3A_2575 = tpu.memref_slice %arg17[%run_scoped3A_2558, %dma_wait3A_2574] : memref<3x128xf32, #tpu.memory_space<vmem>> -> memref<1x128xf32, #tpu.memory_space<vmem>>
      %dma_wait3A_2576 = tpu.memref_squeeze %dma_wait3A_2575 : memref<1x128xf32, #tpu.memory_space<vmem>> -> memref<128xf32, #tpu.memory_space<vmem>>
      tpu.wait_dma2 semaphore(%run_scoped3A_2562 : memref<!tpu.dma_semaphore, #tpu.memory_space<semaphore_mem>>) src(%dma_wait3A_2576 : memref<128xf32, #tpu.memory_space<vmem>>) dst(%dma_wait3A_2573 : memref<128xf32, #tpu.memory_space<hbm>>)
      tpu.yield
    }) : () -> ()
    %add3A_2559 = arith.constant 8192 : i32
    %add3A_2560 = arith.addi %add3A_2559, %mul3A_1816 : i32
    %run_scoped3A_2561 = arith.constant 2 : i32
    "tpu.region"() ({
      %run_scoped3A_2562 = tpu.sem_alloc : memref<!tpu.dma_semaphore, #tpu.memory_space<semaphore_mem>>
      %dma_start3A = arith.constant 0 : i32
      %dma_start3A_2563 = tpu.memref_slice %arg17[%run_scoped3A_2561, %dma_start3A] : memref<3x128xf32, #tpu.memory_space<vmem>> -> memref<1x128xf32, #tpu.memory_space<vmem>>
      %dma_start3A_2564 = tpu.memref_squeeze %dma_start3A_2563 : memref<1x128xf32, #tpu.memory_space<vmem>> -> memref<128xf32, #tpu.memory_space<vmem>>
      %dma_start3A_2565 = tpu.memref_slice %arg9[%add3A_2560] : memref<12288xf32, #tpu.memory_space<hbm>> -> memref<128xf32, #tpu.memory_space<hbm>>
      %dma_start3A_2566 = tpu.memref_slice %arg9[%add3A_2560] : memref<12288xf32, #tpu.memory_space<hbm>> -> memref<128xf32, #tpu.memory_space<hbm>>
      %dma_start3A_2567 = arith.constant 0 : i32
      %dma_start3A_2568 = tpu.memref_slice %arg17[%run_scoped3A_2561, %dma_start3A_2567] : memref<3x128xf32, #tpu.memory_space<vmem>> -> memref<1x128xf32, #tpu.memory_space<vmem>>
      %dma_start3A_2569 = tpu.memref_squeeze %dma_start3A_2568 : memref<1x128xf32, #tpu.memory_space<vmem>> -> memref<128xf32, #tpu.memory_space<vmem>>
      tpu.enqueue_dma source(%dma_start3A_2569 : memref<128xf32, #tpu.memory_space<vmem>>) target(%dma_start3A_2566 : memref<128xf32, #tpu.memory_space<hbm>>) target_semaphore(%run_scoped3A_2562 : memref<!tpu.dma_semaphore, #tpu.memory_space<semaphore_mem>>)
      %dma_wait3A = arith.constant 0 : i32
      %dma_wait3A_2570 = tpu.memref_slice %arg17[%run_scoped3A_2561, %dma_wait3A] : memref<3x128xf32, #tpu.memory_space<vmem>> -> memref<1x128xf32, #tpu.memory_space<vmem>>
      %dma_wait3A_2571 = tpu.memref_squeeze %dma_wait3A_2570 : memref<1x128xf32, #tpu.memory_space<vmem>> -> memref<128xf32, #tpu.memory_space<vmem>>
      %dma_wait3A_2572 = tpu.memref_slice %arg9[%add3A_2560] : memref<12288xf32, #tpu.memory_space<hbm>> -> memref<128xf32, #tpu.memory_space<hbm>>
      %dma_wait3A_2573 = tpu.memref_slice %arg9[%add3A_2560] : memref<12288xf32, #tpu.memory_space<hbm>> -> memref<128xf32, #tpu.memory_space<hbm>>
      %dma_wait3A_2574 = arith.constant 0 : i32
      %dma_wait3A_2575 = tpu.memref_slice %arg17[%run_scoped3A_2561, %dma_wait3A_2574] : memref<3x128xf32, #tpu.memory_space<vmem>> -> memref<1x128xf32, #tpu.memory_space<vmem>>
      %dma_wait3A_2576 = tpu.memref_squeeze %dma_wait3A_2575 : memref<1x128xf32, #tpu.memory_space<vmem>> -> memref<128xf32, #tpu.memory_space<vmem>>
      tpu.wait_dma2 semaphore(%run_scoped3A_2562 : memref<!tpu.dma_semaphore, #tpu.memory_space<semaphore_mem>>) src(%dma_wait3A_2576 : memref<128xf32, #tpu.memory_space<vmem>>) dst(%dma_wait3A_2573 : memref<128xf32, #tpu.memory_space<hbm>>)
      tpu.yield
    }) : () -> ()
    return
  }
}

module attributes {stable_mosaic.version = 14 : i64} {
  func.func @_dense_body(%arg0: i32, %arg1: memref<512x128xf32, #tpu.memory_space<vmem>>, %arg2: memref<512x128xbf16, #tpu.memory_space<vmem>>, %arg3: memref<128x128xf32, #tpu.memory_space<vmem>>, %arg4: memref<128x128xbf16, #tpu.memory_space<vmem>>, %arg5: memref<128x1xf32, #tpu.memory_space<vmem>>, %arg6: memref<512x1xf32, #tpu.memory_space<vmem>>, %arg7: memref<8x2048xf32, #tpu.memory_space<vmem>>, %arg8: memref<128x2048xbf16, #tpu.memory_space<vmem>>, %arg9: memref<8x4096xf32, #tpu.memory_space<vmem>>, %arg10: memref<128x4096xbf16, #tpu.memory_space<vmem>>, %arg11: memref<1x2048xf32, #tpu.memory_space<vmem>>, %arg12: memref<1x1xf32, #tpu.memory_space<vmem>>) attributes {dimension_semantics = [#tpu.dimension_semantics<arbitrary>], iteration_bounds = array<i64: 16>, scalar_prefetch = 0 : i64, scratch_operands = 0 : i64, tpu.core_type = #tpu.core_type<tc>, window_params = [{transform_indices = @transform_0, window_bounds = array<i64: 512, 128>}, {transform_indices = @transform_1, window_bounds = array<i64: 512, 128>}, {transform_indices = @transform_2, window_bounds = array<i64: 128, 128>}, {transform_indices = @transform_3, window_bounds = array<i64: 128, 128>}, {transform_indices = @transform_4, window_bounds = array<i64: 128, 1>}, {transform_indices = @transform_5, window_bounds = array<i64: 512, 1>}, {pipeline_mode = #tpu.pipeline_mode<synchronous>, transform_indices = @transform_6, window_bounds = array<i64: 8, 2048>}, {pipeline_mode = #tpu.pipeline_mode<synchronous>, transform_indices = @transform_7, window_bounds = array<i64: 128, 2048>}, {pipeline_mode = #tpu.pipeline_mode<synchronous>, transform_indices = @transform_8, window_bounds = array<i64: 8, 4096>}, {pipeline_mode = #tpu.pipeline_mode<synchronous>, transform_indices = @transform_9, window_bounds = array<i64: 128, 4096>}, {pipeline_mode = #tpu.pipeline_mode<synchronous>, transform_indices = @transform_10, window_bounds = array<i64: 1, 2048>}, {pipeline_mode = #tpu.pipeline_mode<synchronous>, transform_indices = @transform_11, window_bounds = array<i64: 1, 1>}]} {
    %get3A = arith.constant 0 : index
    %get3A_0 = arith.constant 0 : index
    %get3A_1 = vector.load %arg1[%get3A, %get3A_0] : memref<512x128xf32, #tpu.memory_space<vmem>>, vector<512x128xf32>
    %get3A_2 = arith.constant 0 : index
    %get3A_3 = arith.constant 0 : index
    %get3A_4 = vector.load %arg3[%get3A_2, %get3A_3] : memref<128x128xf32, #tpu.memory_space<vmem>>, vector<128x128xf32>
    %get3A_5 = arith.constant 0 : index
    %get3A_6 = arith.constant 0 : index
    %get3A_7 = vector.load %arg5[%get3A_5, %get3A_6] : memref<128x1xf32, #tpu.memory_space<vmem>>, vector<128x1xf32>
    %get3A_8 = arith.constant 0 : index
    %get3A_9 = arith.constant 0 : index
    %get3A_10 = vector.load %arg6[%get3A_8, %get3A_9] : memref<512x1xf32, #tpu.memory_space<vmem>>, vector<512x1xf32>
    %get3A_11 = arith.constant 0 : index
    %get3A_12 = arith.constant 0 : index
    %get3A_13 = vector.load %arg11[%get3A_11, %get3A_12] : memref<1x2048xf32, #tpu.memory_space<vmem>>, vector<1x2048xf32>
    %broadcast_in_dim3A = arith.constant 0.000000e+00 : f32
    %broadcast_in_dim3A_14 = vector.broadcast %broadcast_in_dim3A : f32 to vector<512x1xf32>
    %broadcast_in_dim3A_15 = arith.constant 0.000000e+00 : f32
    %broadcast_in_dim3A_16 = vector.broadcast %broadcast_in_dim3A_15 : f32 to vector<1x2048xf32>
    %broadcast_in_dim3A_17 = arith.constant 0.000000e+00 : f32
    %broadcast_in_dim3A_18 = vector.broadcast %broadcast_in_dim3A_17 : f32 to vector<128x1xf32>
    %broadcast_in_dim3A_19 = arith.constant 0.000000e+00 : f32
    %broadcast_in_dim3A_20 = vector.broadcast %broadcast_in_dim3A_19 : f32 to vector<1x4096xf32>
    %slice3A = vector.extract_strided_slice %get3A_1 {offsets = [0, 0], sizes = [512, 1], strides = [1, 1]} : vector<512x128xf32> to vector<512x1xf32>
    %slice3A_21 = vector.extract_strided_slice %get3A_1 {offsets = [0, 0], sizes = [512, 1], strides = [1, 1]} : vector<512x128xf32> to vector<512x1xf32>
    %mul3A = arith.mulf %slice3A, %slice3A_21 : vector<512x1xf32>
    %add3A = arith.addf %broadcast_in_dim3A_14, %mul3A : vector<512x1xf32>
    %get3A_22 = arith.constant 0 : index
    %get3A_23 = arith.constant 0 : index
    %get3A_24 = vector.load %arg7[%get3A_22, %get3A_23] : memref<8x2048xf32, #tpu.memory_space<vmem>>, vector<1x2048xf32>
    %mul3A_25 = arith.mulf %get3A_24, %get3A_24 : vector<1x2048xf32>
    %add3A_26 = arith.addf %broadcast_in_dim3A_16, %mul3A_25 : vector<1x2048xf32>
    %slice3A_27 = vector.extract_strided_slice %get3A_4 {offsets = [0, 0], sizes = [128, 1], strides = [1, 1]} : vector<128x128xf32> to vector<128x1xf32>
    %slice3A_28 = vector.extract_strided_slice %get3A_4 {offsets = [0, 0], sizes = [128, 1], strides = [1, 1]} : vector<128x128xf32> to vector<128x1xf32>
    %mul3A_29 = arith.mulf %slice3A_27, %slice3A_28 : vector<128x1xf32>
    %add3A_30 = arith.addf %broadcast_in_dim3A_18, %mul3A_29 : vector<128x1xf32>
    %get3A_31 = arith.constant 0 : index
    %get3A_32 = arith.constant 0 : index
    %get3A_33 = vector.load %arg9[%get3A_31, %get3A_32] : memref<8x4096xf32, #tpu.memory_space<vmem>>, vector<1x4096xf32>
    %mul3A_34 = arith.mulf %get3A_33, %get3A_33 : vector<1x4096xf32>
    %add3A_35 = arith.addf %broadcast_in_dim3A_20, %mul3A_34 : vector<1x4096xf32>
    %slice3A_36 = vector.extract_strided_slice %get3A_1 {offsets = [0, 1], sizes = [512, 1], strides = [1, 1]} : vector<512x128xf32> to vector<512x1xf32>
    %slice3A_37 = vector.extract_strided_slice %get3A_1 {offsets = [0, 1], sizes = [512, 1], strides = [1, 1]} : vector<512x128xf32> to vector<512x1xf32>
    %mul3A_38 = arith.mulf %slice3A_36, %slice3A_37 : vector<512x1xf32>
    %add3A_39 = arith.addf %add3A, %mul3A_38 : vector<512x1xf32>
    %get3A_40 = arith.constant 1 : index
    %get3A_41 = arith.constant 0 : index
    %get3A_42 = vector.load %arg7[%get3A_40, %get3A_41] : memref<8x2048xf32, #tpu.memory_space<vmem>>, vector<1x2048xf32>
    %mul3A_43 = arith.mulf %get3A_42, %get3A_42 : vector<1x2048xf32>
    %add3A_44 = arith.addf %add3A_26, %mul3A_43 : vector<1x2048xf32>
    %slice3A_45 = vector.extract_strided_slice %get3A_4 {offsets = [0, 1], sizes = [128, 1], strides = [1, 1]} : vector<128x128xf32> to vector<128x1xf32>
    %slice3A_46 = vector.extract_strided_slice %get3A_4 {offsets = [0, 1], sizes = [128, 1], strides = [1, 1]} : vector<128x128xf32> to vector<128x1xf32>
    %mul3A_47 = arith.mulf %slice3A_45, %slice3A_46 : vector<128x1xf32>
    %add3A_48 = arith.addf %add3A_30, %mul3A_47 : vector<128x1xf32>
    %get3A_49 = arith.constant 1 : index
    %get3A_50 = arith.constant 0 : index
    %get3A_51 = vector.load %arg9[%get3A_49, %get3A_50] : memref<8x4096xf32, #tpu.memory_space<vmem>>, vector<1x4096xf32>
    %mul3A_52 = arith.mulf %get3A_51, %get3A_51 : vector<1x4096xf32>
    %add3A_53 = arith.addf %add3A_35, %mul3A_52 : vector<1x4096xf32>
    %slice3A_54 = vector.extract_strided_slice %get3A_1 {offsets = [0, 2], sizes = [512, 1], strides = [1, 1]} : vector<512x128xf32> to vector<512x1xf32>
    %slice3A_55 = vector.extract_strided_slice %get3A_1 {offsets = [0, 2], sizes = [512, 1], strides = [1, 1]} : vector<512x128xf32> to vector<512x1xf32>
    %mul3A_56 = arith.mulf %slice3A_54, %slice3A_55 : vector<512x1xf32>
    %add3A_57 = arith.addf %add3A_39, %mul3A_56 : vector<512x1xf32>
    %get3A_58 = arith.constant 2 : index
    %get3A_59 = arith.constant 0 : index
    %get3A_60 = vector.load %arg7[%get3A_58, %get3A_59] : memref<8x2048xf32, #tpu.memory_space<vmem>>, vector<1x2048xf32>
    %mul3A_61 = arith.mulf %get3A_60, %get3A_60 : vector<1x2048xf32>
    %add3A_62 = arith.addf %add3A_44, %mul3A_61 : vector<1x2048xf32>
    %slice3A_63 = vector.extract_strided_slice %get3A_4 {offsets = [0, 2], sizes = [128, 1], strides = [1, 1]} : vector<128x128xf32> to vector<128x1xf32>
    %slice3A_64 = vector.extract_strided_slice %get3A_4 {offsets = [0, 2], sizes = [128, 1], strides = [1, 1]} : vector<128x128xf32> to vector<128x1xf32>
    %mul3A_65 = arith.mulf %slice3A_63, %slice3A_64 : vector<128x1xf32>
    %add3A_66 = arith.addf %add3A_48, %mul3A_65 : vector<128x1xf32>
    %get3A_67 = arith.constant 2 : index
    %get3A_68 = arith.constant 0 : index
    %get3A_69 = vector.load %arg9[%get3A_67, %get3A_68] : memref<8x4096xf32, #tpu.memory_space<vmem>>, vector<1x4096xf32>
    %mul3A_70 = arith.mulf %get3A_69, %get3A_69 : vector<1x4096xf32>
    %add3A_71 = arith.addf %add3A_53, %mul3A_70 : vector<1x4096xf32>
    %get3A_72 = arith.constant 0 : index
    %get3A_73 = arith.constant 0 : index
    %get3A_74 = vector.load %arg2[%get3A_72, %get3A_73] : memref<512x128xbf16, #tpu.memory_space<vmem>>, vector<512x128xbf16>
    %get3A_75 = arith.constant 0 : index
    %get3A_76 = arith.constant 0 : index
    %get3A_77 = vector.load %arg8[%get3A_75, %get3A_76] : memref<128x2048xbf16, #tpu.memory_space<vmem>>, vector<128x2048xbf16>
    %dot_general3A = arith.constant dense<0.000000e+00> : vector<512x2048xf32>
    %dot_general3A_78 = tpu.matmul %get3A_74, %get3A_77, %dot_general3A {dimension_numbers = #tpu.dot_dimension_numbers<[1], [0], [0], [1], [0, 0, 1, 1], [], []>, transpose_lhs_hint = false} : vector<512x128xbf16>, vector<128x2048xbf16>, vector<512x2048xf32> -> vector<512x2048xf32>
    %add3A_79 = vector.broadcast %add3A_57 : vector<512x1xf32> to vector<512x2048xf32>
    %add3A_80 = vector.broadcast %add3A_62 : vector<1x2048xf32> to vector<512x2048xf32>
    %add3A_81 = arith.addf %add3A_79, %add3A_80 : vector<512x2048xf32>
    %mul3A_82 = arith.constant 2.000000e+00 : f32
    %mul3A_83 = vector.broadcast %mul3A_82 : f32 to vector<512x2048xf32>
    %mul3A_84 = arith.mulf %mul3A_83, %dot_general3A_78 : vector<512x2048xf32>
    %sub3A = arith.subf %add3A_81, %mul3A_84 : vector<512x2048xf32>
    %max3A = arith.constant 0.000000e+00 : f32
    %max3A_85 = vector.broadcast %max3A : f32 to vector<512x2048xf32>
    %max3A_86 = arith.maximumf %sub3A, %max3A_85 : vector<512x2048xf32>
    %iota3A = tpu.iota {dimensions = array<i32: 1>} : vector<512x2048xi32>
    %bitcast_convert_type3A = tpu.bitcast %max3A_86 : vector<512x2048xf32> -> vector<512x2048xi32>
    %and3A = arith.constant -2048 : i32
    %and3A_87 = vector.broadcast %and3A : i32 to vector<512x2048xi32>
    %and3A_88 = arith.andi %bitcast_convert_type3A, %and3A_87 : vector<512x2048xi32>
    %or3A = arith.ori %and3A_88, %iota3A : vector<512x2048xi32>
    %bitcast_convert_type3A_89 = tpu.bitcast %or3A : vector<512x2048xi32> -> vector<512x2048xf32>
    %iota3A_90 = tpu.iota {dimensions = array<i32: 0>} : vector<512x1xi32>
    %mul3A_91 = arith.constant 512 : i32
    %mul3A_92 = arith.muli %arg0, %mul3A_91 : i32
    %add3A_93 = vector.broadcast %mul3A_92 : i32 to vector<512x1xi32>
    %add3A_94 = arith.addi %iota3A_90, %add3A_93 : vector<512x1xi32>
    %jit3A = arith.constant 4 : i32
    %div3A = vector.broadcast %jit3A : i32 to vector<512x1xi32>
    %div3A_95 = arith.divsi %add3A_94, %div3A : vector<512x1xi32>
    %sign3A = arith.constant 0 : i32
    %sign3A_96 = vector.broadcast %sign3A : i32 to vector<512x1xi32>
    %sign3A_97 = arith.cmpi sgt, %add3A_94, %sign3A_96 : vector<512x1xi32>
    %sign3A_98 = arith.extui %sign3A_97 : vector<512x1xi1> to vector<512x1xi32>
    %sign3A_99 = arith.constant 0 : i32
    %sign3A_100 = vector.broadcast %sign3A_99 : i32 to vector<512x1xi32>
    %sign3A_101 = arith.cmpi slt, %add3A_94, %sign3A_100 : vector<512x1xi32>
    %sign3A_102 = arith.extui %sign3A_101 : vector<512x1xi1> to vector<512x1xi32>
    %sign3A_103 = arith.subi %sign3A_98, %sign3A_102 : vector<512x1xi32>
    %sign3A_104 = arith.constant 0 : i32
    %sign3A_105 = arith.cmpi sgt, %jit3A, %sign3A_104 : i32
    %sign3A_106 = arith.extui %sign3A_105 : i1 to i32
    %sign3A_107 = arith.constant 0 : i32
    %sign3A_108 = arith.cmpi slt, %jit3A, %sign3A_107 : i32
    %sign3A_109 = arith.extui %sign3A_108 : i1 to i32
    %sign3A_110 = arith.subi %sign3A_106, %sign3A_109 : i32
    %ne3A = vector.broadcast %sign3A_110 : i32 to vector<512x1xi32>
    %ne3A_111 = arith.cmpi ne, %sign3A_103, %ne3A : vector<512x1xi32>
    %rem3A = vector.broadcast %jit3A : i32 to vector<512x1xi32>
    %rem3A_112 = arith.remsi %add3A_94, %rem3A : vector<512x1xi32>
    %ne3A_113 = arith.constant 0 : i32
    %ne3A_114 = vector.broadcast %ne3A_113 : i32 to vector<512x1xi32>
    %ne3A_115 = arith.cmpi ne, %rem3A_112, %ne3A_114 : vector<512x1xi32>
    %and3A_116 = arith.andi %ne3A_111, %ne3A_115 : vector<512x1xi1>
    %sub3A_117 = arith.constant 1 : i32
    %sub3A_118 = vector.broadcast %sub3A_117 : i32 to vector<512x1xi32>
    %sub3A_119 = arith.subi %div3A_95, %sub3A_118 : vector<512x1xi32>
    %select_n3A = arith.select %and3A_116, %sub3A_119, %div3A_95 : vector<512x1xi1>, vector<512x1xi32>
    %broadcast_in_dim3A_120 = arith.constant 0.000000e+00 : f32
    %broadcast_in_dim3A_121 = vector.broadcast %broadcast_in_dim3A_120 : f32 to vector<512x1xf32>
    %broadcast_in_dim3A_122 = arith.constant 0.000000e+00 : f32
    %broadcast_in_dim3A_123 = vector.broadcast %broadcast_in_dim3A_122 : f32 to vector<512x1xf32>
    %broadcast_in_dim3A_124 = arith.constant false
    %broadcast_in_dim3A_125 = vector.broadcast %broadcast_in_dim3A_124 : i1 to vector<512x1xi1>
    %reduce_min3A = arith.constant dense<0x7F800000> : vector<512xf32>
    %reduce_min3A_126 = vector.multi_reduction <minimumf>, %bitcast_convert_type3A_89, %reduce_min3A [1] : vector<512x2048xf32> to vector<512xf32>
    %broadcast_in_dim3A_127 = vector.shape_cast %reduce_min3A_126 : vector<512xf32> to vector<512x1xf32>
    %eq3A = vector.broadcast %broadcast_in_dim3A_127 : vector<512x1xf32> to vector<512x2048xf32>
    %eq3A_128 = arith.cmpf oeq, %bitcast_convert_type3A_89, %eq3A : vector<512x2048xf32>
    %jit3A_129 = arith.constant 0.000000e+00 : f32
    %broadcast_in_dim3A_130 = vector.shape_cast %get3A_13 : vector<1x2048xf32> to vector<1x2048xf32>
    %broadcast_in_dim3A_131 = vector.broadcast %broadcast_in_dim3A_130 : vector<1x2048xf32> to vector<512x2048xf32>
    %broadcast_in_dim3A_132 = vector.broadcast %jit3A_129 : f32 to vector<512x2048xf32>
    %select_n3A_133 = arith.select %eq3A_128, %broadcast_in_dim3A_131, %broadcast_in_dim3A_132 : vector<512x2048xi1>, vector<512x2048xf32>
    %reduce_sum3A = arith.constant dense<0.000000e+00> : vector<512xf32>
    %reduce_sum3A_134 = vector.multi_reduction <add>, %select_n3A_133, %reduce_sum3A [1] : vector<512x2048xf32> to vector<512xf32>
    %broadcast_in_dim3A_135 = vector.shape_cast %reduce_sum3A_134 : vector<512xf32> to vector<512x1xf32>
    %bitcast_convert_type3A_136 = tpu.bitcast %broadcast_in_dim3A_127 : vector<512x1xf32> -> vector<512x1xi32>
    %and3A_137 = arith.constant -2048 : i32
    %and3A_138 = vector.broadcast %and3A_137 : i32 to vector<512x1xi32>
    %and3A_139 = arith.andi %bitcast_convert_type3A_136, %and3A_138 : vector<512x1xi32>
    %bitcast_convert_type3A_140 = tpu.bitcast %and3A_139 : vector<512x1xi32> -> vector<512x1xf32>
    %and3A_141 = arith.constant 2047 : i32
    %and3A_142 = vector.broadcast %and3A_141 : i32 to vector<512x1xi32>
    %and3A_143 = arith.andi %bitcast_convert_type3A_136, %and3A_142 : vector<512x1xi32>
    %mul3A_144 = arith.mulf %broadcast_in_dim3A_135, %bitcast_convert_type3A_140 : vector<512x1xf32>
    %add3A_145 = arith.addf %broadcast_in_dim3A_121, %mul3A_144 : vector<512x1xf32>
    %eq3A_146 = arith.cmpi eq, %and3A_143, %select_n3A : vector<512x1xi32>
    %jit3A_147 = arith.constant 0.000000e+00 : f32
    %broadcast_in_dim3A_148 = vector.broadcast %jit3A_147 : f32 to vector<512x1xf32>
    %select_n3A_149 = arith.select %eq3A_146, %mul3A_144, %broadcast_in_dim3A_148 : vector<512x1xi1>, vector<512x1xf32>
    %add3A_150 = arith.addf %broadcast_in_dim3A_123, %select_n3A_149 : vector<512x1xf32>
    %or3A_151 = arith.ori %broadcast_in_dim3A_125, %eq3A_146 : vector<512x1xi1>
    %jit3A_152 = arith.constant 0x7F800000 : f32
    %broadcast_in_dim3A_153 = vector.broadcast %jit3A_152 : f32 to vector<512x2048xf32>
    %select_n3A_154 = arith.select %eq3A_128, %broadcast_in_dim3A_153, %bitcast_convert_type3A_89 : vector<512x2048xi1>, vector<512x2048xf32>
    %reduce_min3A_155 = arith.constant dense<0x7F800000> : vector<512xf32>
    %reduce_min3A_156 = vector.multi_reduction <minimumf>, %select_n3A_154, %reduce_min3A_155 [1] : vector<512x2048xf32> to vector<512xf32>
    %broadcast_in_dim3A_157 = vector.shape_cast %reduce_min3A_156 : vector<512xf32> to vector<512x1xf32>
    %eq3A_158 = vector.broadcast %broadcast_in_dim3A_157 : vector<512x1xf32> to vector<512x2048xf32>
    %eq3A_159 = arith.cmpf oeq, %select_n3A_154, %eq3A_158 : vector<512x2048xf32>
    %jit3A_160 = arith.constant 0.000000e+00 : f32
    %broadcast_in_dim3A_161 = vector.shape_cast %get3A_13 : vector<1x2048xf32> to vector<1x2048xf32>
    %broadcast_in_dim3A_162 = vector.broadcast %broadcast_in_dim3A_161 : vector<1x2048xf32> to vector<512x2048xf32>
    %broadcast_in_dim3A_163 = vector.broadcast %jit3A_160 : f32 to vector<512x2048xf32>
    %select_n3A_164 = arith.select %eq3A_159, %broadcast_in_dim3A_162, %broadcast_in_dim3A_163 : vector<512x2048xi1>, vector<512x2048xf32>
    %reduce_sum3A_165 = arith.constant dense<0.000000e+00> : vector<512xf32>
    %reduce_sum3A_166 = vector.multi_reduction <add>, %select_n3A_164, %reduce_sum3A_165 [1] : vector<512x2048xf32> to vector<512xf32>
    %broadcast_in_dim3A_167 = vector.shape_cast %reduce_sum3A_166 : vector<512xf32> to vector<512x1xf32>
    %bitcast_convert_type3A_168 = tpu.bitcast %broadcast_in_dim3A_157 : vector<512x1xf32> -> vector<512x1xi32>
    %and3A_169 = arith.constant -2048 : i32
    %and3A_170 = vector.broadcast %and3A_169 : i32 to vector<512x1xi32>
    %and3A_171 = arith.andi %bitcast_convert_type3A_168, %and3A_170 : vector<512x1xi32>
    %bitcast_convert_type3A_172 = tpu.bitcast %and3A_171 : vector<512x1xi32> -> vector<512x1xf32>
    %and3A_173 = arith.constant 2047 : i32
    %and3A_174 = vector.broadcast %and3A_173 : i32 to vector<512x1xi32>
    %and3A_175 = arith.andi %bitcast_convert_type3A_168, %and3A_174 : vector<512x1xi32>
    %mul3A_176 = arith.mulf %broadcast_in_dim3A_167, %bitcast_convert_type3A_172 : vector<512x1xf32>
    %add3A_177 = arith.addf %add3A_145, %mul3A_176 : vector<512x1xf32>
    %eq3A_178 = arith.cmpi eq, %and3A_175, %select_n3A : vector<512x1xi32>
    %jit3A_179 = arith.constant 0.000000e+00 : f32
    %broadcast_in_dim3A_180 = vector.broadcast %jit3A_179 : f32 to vector<512x1xf32>
    %select_n3A_181 = arith.select %eq3A_178, %mul3A_176, %broadcast_in_dim3A_180 : vector<512x1xi1>, vector<512x1xf32>
    %add3A_182 = arith.addf %add3A_150, %select_n3A_181 : vector<512x1xf32>
    %or3A_183 = arith.ori %or3A_151, %eq3A_178 : vector<512x1xi1>
    %jit3A_184 = arith.constant 0x7F800000 : f32
    %broadcast_in_dim3A_185 = vector.broadcast %jit3A_184 : f32 to vector<512x2048xf32>
    %select_n3A_186 = arith.select %eq3A_159, %broadcast_in_dim3A_185, %select_n3A_154 : vector<512x2048xi1>, vector<512x2048xf32>
    %reduce_min3A_187 = arith.constant dense<0x7F800000> : vector<512xf32>
    %reduce_min3A_188 = vector.multi_reduction <minimumf>, %select_n3A_186, %reduce_min3A_187 [1] : vector<512x2048xf32> to vector<512xf32>
    %broadcast_in_dim3A_189 = vector.shape_cast %reduce_min3A_188 : vector<512xf32> to vector<512x1xf32>
    %eq3A_190 = vector.broadcast %broadcast_in_dim3A_189 : vector<512x1xf32> to vector<512x2048xf32>
    %eq3A_191 = arith.cmpf oeq, %select_n3A_186, %eq3A_190 : vector<512x2048xf32>
    %jit3A_192 = arith.constant 0.000000e+00 : f32
    %broadcast_in_dim3A_193 = vector.shape_cast %get3A_13 : vector<1x2048xf32> to vector<1x2048xf32>
    %broadcast_in_dim3A_194 = vector.broadcast %broadcast_in_dim3A_193 : vector<1x2048xf32> to vector<512x2048xf32>
    %broadcast_in_dim3A_195 = vector.broadcast %jit3A_192 : f32 to vector<512x2048xf32>
    %select_n3A_196 = arith.select %eq3A_191, %broadcast_in_dim3A_194, %broadcast_in_dim3A_195 : vector<512x2048xi1>, vector<512x2048xf32>
    %reduce_sum3A_197 = arith.constant dense<0.000000e+00> : vector<512xf32>
    %reduce_sum3A_198 = vector.multi_reduction <add>, %select_n3A_196, %reduce_sum3A_197 [1] : vector<512x2048xf32> to vector<512xf32>
    %broadcast_in_dim3A_199 = vector.shape_cast %reduce_sum3A_198 : vector<512xf32> to vector<512x1xf32>
    %bitcast_convert_type3A_200 = tpu.bitcast %broadcast_in_dim3A_189 : vector<512x1xf32> -> vector<512x1xi32>
    %and3A_201 = arith.constant -2048 : i32
    %and3A_202 = vector.broadcast %and3A_201 : i32 to vector<512x1xi32>
    %and3A_203 = arith.andi %bitcast_convert_type3A_200, %and3A_202 : vector<512x1xi32>
    %bitcast_convert_type3A_204 = tpu.bitcast %and3A_203 : vector<512x1xi32> -> vector<512x1xf32>
    %and3A_205 = arith.constant 2047 : i32
    %and3A_206 = vector.broadcast %and3A_205 : i32 to vector<512x1xi32>
    %and3A_207 = arith.andi %bitcast_convert_type3A_200, %and3A_206 : vector<512x1xi32>
    %mul3A_208 = arith.mulf %broadcast_in_dim3A_199, %bitcast_convert_type3A_204 : vector<512x1xf32>
    %add3A_209 = arith.addf %add3A_177, %mul3A_208 : vector<512x1xf32>
    %eq3A_210 = arith.cmpi eq, %and3A_207, %select_n3A : vector<512x1xi32>
    %jit3A_211 = arith.constant 0.000000e+00 : f32
    %broadcast_in_dim3A_212 = vector.broadcast %jit3A_211 : f32 to vector<512x1xf32>
    %select_n3A_213 = arith.select %eq3A_210, %mul3A_208, %broadcast_in_dim3A_212 : vector<512x1xi1>, vector<512x1xf32>
    %add3A_214 = arith.addf %add3A_182, %select_n3A_213 : vector<512x1xf32>
    %or3A_215 = arith.ori %or3A_183, %eq3A_210 : vector<512x1xi1>
    %jit3A_216 = arith.constant 0x7F800000 : f32
    %broadcast_in_dim3A_217 = vector.broadcast %jit3A_216 : f32 to vector<512x2048xf32>
    %select_n3A_218 = arith.select %eq3A_191, %broadcast_in_dim3A_217, %select_n3A_186 : vector<512x2048xi1>, vector<512x2048xf32>
    %reduce_min3A_219 = arith.constant dense<0x7F800000> : vector<512xf32>
    %reduce_min3A_220 = vector.multi_reduction <minimumf>, %select_n3A_218, %reduce_min3A_219 [1] : vector<512x2048xf32> to vector<512xf32>
    %broadcast_in_dim3A_221 = vector.shape_cast %reduce_min3A_220 : vector<512xf32> to vector<512x1xf32>
    %eq3A_222 = vector.broadcast %broadcast_in_dim3A_221 : vector<512x1xf32> to vector<512x2048xf32>
    %eq3A_223 = arith.cmpf oeq, %select_n3A_218, %eq3A_222 : vector<512x2048xf32>
    %jit3A_224 = arith.constant 0.000000e+00 : f32
    %broadcast_in_dim3A_225 = vector.shape_cast %get3A_13 : vector<1x2048xf32> to vector<1x2048xf32>
    %broadcast_in_dim3A_226 = vector.broadcast %broadcast_in_dim3A_225 : vector<1x2048xf32> to vector<512x2048xf32>
    %broadcast_in_dim3A_227 = vector.broadcast %jit3A_224 : f32 to vector<512x2048xf32>
    %select_n3A_228 = arith.select %eq3A_223, %broadcast_in_dim3A_226, %broadcast_in_dim3A_227 : vector<512x2048xi1>, vector<512x2048xf32>
    %reduce_sum3A_229 = arith.constant dense<0.000000e+00> : vector<512xf32>
    %reduce_sum3A_230 = vector.multi_reduction <add>, %select_n3A_228, %reduce_sum3A_229 [1] : vector<512x2048xf32> to vector<512xf32>
    %broadcast_in_dim3A_231 = vector.shape_cast %reduce_sum3A_230 : vector<512xf32> to vector<512x1xf32>
    %bitcast_convert_type3A_232 = tpu.bitcast %broadcast_in_dim3A_221 : vector<512x1xf32> -> vector<512x1xi32>
    %and3A_233 = arith.constant -2048 : i32
    %and3A_234 = vector.broadcast %and3A_233 : i32 to vector<512x1xi32>
    %and3A_235 = arith.andi %bitcast_convert_type3A_232, %and3A_234 : vector<512x1xi32>
    %bitcast_convert_type3A_236 = tpu.bitcast %and3A_235 : vector<512x1xi32> -> vector<512x1xf32>
    %and3A_237 = arith.constant 2047 : i32
    %and3A_238 = vector.broadcast %and3A_237 : i32 to vector<512x1xi32>
    %and3A_239 = arith.andi %bitcast_convert_type3A_232, %and3A_238 : vector<512x1xi32>
    %mul3A_240 = arith.mulf %broadcast_in_dim3A_231, %bitcast_convert_type3A_236 : vector<512x1xf32>
    %add3A_241 = arith.addf %add3A_209, %mul3A_240 : vector<512x1xf32>
    %eq3A_242 = arith.cmpi eq, %and3A_239, %select_n3A : vector<512x1xi32>
    %jit3A_243 = arith.constant 0.000000e+00 : f32
    %broadcast_in_dim3A_244 = vector.broadcast %jit3A_243 : f32 to vector<512x1xf32>
    %select_n3A_245 = arith.select %eq3A_242, %mul3A_240, %broadcast_in_dim3A_244 : vector<512x1xi1>, vector<512x1xf32>
    %add3A_246 = arith.addf %add3A_214, %select_n3A_245 : vector<512x1xf32>
    %or3A_247 = arith.ori %or3A_215, %eq3A_242 : vector<512x1xi1>
    %jit3A_248 = arith.constant 0x7F800000 : f32
    %broadcast_in_dim3A_249 = vector.broadcast %jit3A_248 : f32 to vector<512x2048xf32>
    %select_n3A_250 = arith.select %eq3A_223, %broadcast_in_dim3A_249, %select_n3A_218 : vector<512x2048xi1>, vector<512x2048xf32>
    %reduce_min3A_251 = arith.constant dense<0x7F800000> : vector<512xf32>
    %reduce_min3A_252 = vector.multi_reduction <minimumf>, %select_n3A_250, %reduce_min3A_251 [1] : vector<512x2048xf32> to vector<512xf32>
    %broadcast_in_dim3A_253 = vector.shape_cast %reduce_min3A_252 : vector<512xf32> to vector<512x1xf32>
    %eq3A_254 = vector.broadcast %broadcast_in_dim3A_253 : vector<512x1xf32> to vector<512x2048xf32>
    %eq3A_255 = arith.cmpf oeq, %select_n3A_250, %eq3A_254 : vector<512x2048xf32>
    %jit3A_256 = arith.constant 0.000000e+00 : f32
    %broadcast_in_dim3A_257 = vector.shape_cast %get3A_13 : vector<1x2048xf32> to vector<1x2048xf32>
    %broadcast_in_dim3A_258 = vector.broadcast %broadcast_in_dim3A_257 : vector<1x2048xf32> to vector<512x2048xf32>
    %broadcast_in_dim3A_259 = vector.broadcast %jit3A_256 : f32 to vector<512x2048xf32>
    %select_n3A_260 = arith.select %eq3A_255, %broadcast_in_dim3A_258, %broadcast_in_dim3A_259 : vector<512x2048xi1>, vector<512x2048xf32>
    %reduce_sum3A_261 = arith.constant dense<0.000000e+00> : vector<512xf32>
    %reduce_sum3A_262 = vector.multi_reduction <add>, %select_n3A_260, %reduce_sum3A_261 [1] : vector<512x2048xf32> to vector<512xf32>
    %broadcast_in_dim3A_263 = vector.shape_cast %reduce_sum3A_262 : vector<512xf32> to vector<512x1xf32>
    %bitcast_convert_type3A_264 = tpu.bitcast %broadcast_in_dim3A_253 : vector<512x1xf32> -> vector<512x1xi32>
    %and3A_265 = arith.constant -2048 : i32
    %and3A_266 = vector.broadcast %and3A_265 : i32 to vector<512x1xi32>
    %and3A_267 = arith.andi %bitcast_convert_type3A_264, %and3A_266 : vector<512x1xi32>
    %bitcast_convert_type3A_268 = tpu.bitcast %and3A_267 : vector<512x1xi32> -> vector<512x1xf32>
    %and3A_269 = arith.constant 2047 : i32
    %and3A_270 = vector.broadcast %and3A_269 : i32 to vector<512x1xi32>
    %and3A_271 = arith.andi %bitcast_convert_type3A_264, %and3A_270 : vector<512x1xi32>
    %mul3A_272 = arith.mulf %broadcast_in_dim3A_263, %bitcast_convert_type3A_268 : vector<512x1xf32>
    %add3A_273 = arith.addf %add3A_241, %mul3A_272 : vector<512x1xf32>
    %eq3A_274 = arith.cmpi eq, %and3A_271, %select_n3A : vector<512x1xi32>
    %jit3A_275 = arith.constant 0.000000e+00 : f32
    %broadcast_in_dim3A_276 = vector.broadcast %jit3A_275 : f32 to vector<512x1xf32>
    %select_n3A_277 = arith.select %eq3A_274, %mul3A_272, %broadcast_in_dim3A_276 : vector<512x1xi1>, vector<512x1xf32>
    %add3A_278 = arith.addf %add3A_246, %select_n3A_277 : vector<512x1xf32>
    %or3A_279 = arith.ori %or3A_247, %eq3A_274 : vector<512x1xi1>
    %jit3A_280 = arith.constant 0x7F800000 : f32
    %broadcast_in_dim3A_281 = vector.broadcast %jit3A_280 : f32 to vector<512x2048xf32>
    %select_n3A_282 = arith.select %eq3A_255, %broadcast_in_dim3A_281, %select_n3A_250 : vector<512x2048xi1>, vector<512x2048xf32>
    %reduce_min3A_283 = arith.constant dense<0x7F800000> : vector<512xf32>
    %reduce_min3A_284 = vector.multi_reduction <minimumf>, %select_n3A_282, %reduce_min3A_283 [1] : vector<512x2048xf32> to vector<512xf32>
    %broadcast_in_dim3A_285 = vector.shape_cast %reduce_min3A_284 : vector<512xf32> to vector<512x1xf32>
    %eq3A_286 = vector.broadcast %broadcast_in_dim3A_285 : vector<512x1xf32> to vector<512x2048xf32>
    %eq3A_287 = arith.cmpf oeq, %select_n3A_282, %eq3A_286 : vector<512x2048xf32>
    %jit3A_288 = arith.constant 0.000000e+00 : f32
    %broadcast_in_dim3A_289 = vector.shape_cast %get3A_13 : vector<1x2048xf32> to vector<1x2048xf32>
    %broadcast_in_dim3A_290 = vector.broadcast %broadcast_in_dim3A_289 : vector<1x2048xf32> to vector<512x2048xf32>
    %broadcast_in_dim3A_291 = vector.broadcast %jit3A_288 : f32 to vector<512x2048xf32>
    %select_n3A_292 = arith.select %eq3A_287, %broadcast_in_dim3A_290, %broadcast_in_dim3A_291 : vector<512x2048xi1>, vector<512x2048xf32>
    %reduce_sum3A_293 = arith.constant dense<0.000000e+00> : vector<512xf32>
    %reduce_sum3A_294 = vector.multi_reduction <add>, %select_n3A_292, %reduce_sum3A_293 [1] : vector<512x2048xf32> to vector<512xf32>
    %broadcast_in_dim3A_295 = vector.shape_cast %reduce_sum3A_294 : vector<512xf32> to vector<512x1xf32>
    %bitcast_convert_type3A_296 = tpu.bitcast %broadcast_in_dim3A_285 : vector<512x1xf32> -> vector<512x1xi32>
    %and3A_297 = arith.constant -2048 : i32
    %and3A_298 = vector.broadcast %and3A_297 : i32 to vector<512x1xi32>
    %and3A_299 = arith.andi %bitcast_convert_type3A_296, %and3A_298 : vector<512x1xi32>
    %bitcast_convert_type3A_300 = tpu.bitcast %and3A_299 : vector<512x1xi32> -> vector<512x1xf32>
    %and3A_301 = arith.constant 2047 : i32
    %and3A_302 = vector.broadcast %and3A_301 : i32 to vector<512x1xi32>
    %and3A_303 = arith.andi %bitcast_convert_type3A_296, %and3A_302 : vector<512x1xi32>
    %mul3A_304 = arith.mulf %broadcast_in_dim3A_295, %bitcast_convert_type3A_300 : vector<512x1xf32>
    %add3A_305 = arith.addf %add3A_273, %mul3A_304 : vector<512x1xf32>
    %eq3A_306 = arith.cmpi eq, %and3A_303, %select_n3A : vector<512x1xi32>
    %jit3A_307 = arith.constant 0.000000e+00 : f32
    %broadcast_in_dim3A_308 = vector.broadcast %jit3A_307 : f32 to vector<512x1xf32>
    %select_n3A_309 = arith.select %eq3A_306, %mul3A_304, %broadcast_in_dim3A_308 : vector<512x1xi1>, vector<512x1xf32>
    %add3A_310 = arith.addf %add3A_278, %select_n3A_309 : vector<512x1xf32>
    %or3A_311 = arith.ori %or3A_279, %eq3A_306 : vector<512x1xi1>
    %sub3A_312 = arith.subf %add3A_305, %add3A_310 : vector<512x1xf32>
    %sub3A_313 = arith.subf %add3A_305, %mul3A_304 : vector<512x1xf32>
    %select_n3A_314 = arith.select %or3A_311, %sub3A_312, %sub3A_313 : vector<512x1xi1>, vector<512x1xf32>
    %mul3A_315 = arith.constant 2.000000e-01 : f32
    %mul3A_316 = vector.broadcast %mul3A_315 : f32 to vector<512x1xf32>
    %mul3A_317 = arith.mulf %select_n3A_314, %mul3A_316 : vector<512x1xf32>
    %get3A_318 = arith.constant 0 : index
    %get3A_319 = arith.constant 0 : index
    %get3A_320 = vector.load %arg2[%get3A_318, %get3A_319] : memref<512x128xbf16, #tpu.memory_space<vmem>>, vector<512x128xbf16>
    %get3A_321 = arith.constant 0 : index
    %get3A_322 = arith.constant 0 : index
    %get3A_323 = vector.load %arg10[%get3A_321, %get3A_322] : memref<128x4096xbf16, #tpu.memory_space<vmem>>, vector<128x4096xbf16>
    %dot_general3A_324 = arith.constant dense<0.000000e+00> : vector<512x4096xf32>
    %dot_general3A_325 = tpu.matmul %get3A_320, %get3A_323, %dot_general3A_324 {dimension_numbers = #tpu.dot_dimension_numbers<[1], [0], [0], [1], [0, 0, 1, 1], [], []>, transpose_lhs_hint = false} : vector<512x128xbf16>, vector<128x4096xbf16>, vector<512x4096xf32> -> vector<512x4096xf32>
    %add3A_326 = vector.broadcast %add3A_57 : vector<512x1xf32> to vector<512x4096xf32>
    %add3A_327 = vector.broadcast %add3A_71 : vector<1x4096xf32> to vector<512x4096xf32>
    %add3A_328 = arith.addf %add3A_326, %add3A_327 : vector<512x4096xf32>
    %mul3A_329 = arith.constant 2.000000e+00 : f32
    %mul3A_330 = vector.broadcast %mul3A_329 : f32 to vector<512x4096xf32>
    %mul3A_331 = arith.mulf %mul3A_330, %dot_general3A_325 : vector<512x4096xf32>
    %sub3A_332 = arith.subf %add3A_328, %mul3A_331 : vector<512x4096xf32>
    %max3A_333 = arith.constant 0.000000e+00 : f32
    %max3A_334 = vector.broadcast %max3A_333 : f32 to vector<512x4096xf32>
    %max3A_335 = arith.maximumf %sub3A_332, %max3A_334 : vector<512x4096xf32>
    %reduce_min3A_336 = arith.constant dense<0x7F800000> : vector<512xf32>
    %reduce_min3A_337 = vector.multi_reduction <minimumf>, %max3A_335, %reduce_min3A_336 [1] : vector<512x4096xf32> to vector<512xf32>
    %broadcast_in_dim3A_338 = vector.shape_cast %reduce_min3A_337 : vector<512xf32> to vector<512x1xf32>
    %get3A_339 = arith.constant 0 : index
    %get3A_340 = arith.constant 0 : index
    %get3A_341 = vector.load %arg4[%get3A_339, %get3A_340] : memref<128x128xbf16, #tpu.memory_space<vmem>>, vector<128x128xbf16>
    %get3A_342 = arith.constant 0 : index
    %get3A_343 = arith.constant 0 : index
    %get3A_344 = vector.load %arg10[%get3A_342, %get3A_343] : memref<128x4096xbf16, #tpu.memory_space<vmem>>, vector<128x4096xbf16>
    %dot_general3A_345 = arith.constant dense<0.000000e+00> : vector<128x4096xf32>
    %dot_general3A_346 = tpu.matmul %get3A_341, %get3A_344, %dot_general3A_345 {dimension_numbers = #tpu.dot_dimension_numbers<[1], [0], [0], [1], [0, 0, 1, 1], [], []>, transpose_lhs_hint = false} : vector<128x128xbf16>, vector<128x4096xbf16>, vector<128x4096xf32> -> vector<128x4096xf32>
    %add3A_347 = vector.broadcast %add3A_66 : vector<128x1xf32> to vector<128x4096xf32>
    %add3A_348 = vector.broadcast %add3A_71 : vector<1x4096xf32> to vector<128x4096xf32>
    %add3A_349 = arith.addf %add3A_347, %add3A_348 : vector<128x4096xf32>
    %mul3A_350 = arith.constant 2.000000e+00 : f32
    %mul3A_351 = vector.broadcast %mul3A_350 : f32 to vector<128x4096xf32>
    %mul3A_352 = arith.mulf %mul3A_351, %dot_general3A_346 : vector<128x4096xf32>
    %sub3A_353 = arith.subf %add3A_349, %mul3A_352 : vector<128x4096xf32>
    %max3A_354 = arith.constant 0.000000e+00 : f32
    %max3A_355 = vector.broadcast %max3A_354 : f32 to vector<128x4096xf32>
    %max3A_356 = arith.maximumf %sub3A_353, %max3A_355 : vector<128x4096xf32>
    %reduce_min3A_357 = arith.constant dense<0x7F800000> : vector<128xf32>
    %reduce_min3A_358 = vector.multi_reduction <minimumf>, %max3A_356, %reduce_min3A_357 [1] : vector<128x4096xf32> to vector<128xf32>
    %broadcast_in_dim3A_359 = vector.shape_cast %reduce_min3A_358 : vector<128xf32> to vector<128x1xf32>
    %mul3A_360 = arith.mulf %get3A_10, %broadcast_in_dim3A_338 : vector<512x1xf32>
    %sub3A_361 = arith.constant 1.000000e+00 : f32
    %sub3A_362 = vector.broadcast %sub3A_361 : f32 to vector<512x1xf32>
    %sub3A_363 = arith.subf %sub3A_362, %get3A_10 : vector<512x1xf32>
    %mul3A_364 = arith.mulf %sub3A_363, %mul3A_317 : vector<512x1xf32>
    %add3A_365 = arith.addf %mul3A_360, %mul3A_364 : vector<512x1xf32>
    %reduce_sum3A_366 = vector.shape_cast %add3A_365 : vector<512x1xf32> to vector<1x512x1xf32>
    %reduce_sum3A_367 = arith.constant dense<0.000000e+00> : vector<1xf32>
    %reduce_sum3A_368 = vector.multi_reduction <add>, %reduce_sum3A_366, %reduce_sum3A_367 [1, 2] : vector<1x512x1xf32> to vector<1xf32>
    %reduce_sum3A_369 = vector.shape_cast %reduce_sum3A_368 : vector<1xf32> to vector<1x1x1xf32>
    %reduce_sum3A_370 = vector.extract %reduce_sum3A_369[0, 0, 0] : f32 from vector<1x1x1xf32>
    %mul3A_371 = arith.mulf %get3A_7, %broadcast_in_dim3A_359 : vector<128x1xf32>
    %reduce_sum3A_372 = vector.shape_cast %mul3A_371 : vector<128x1xf32> to vector<1x128x1xf32>
    %reduce_sum3A_373 = arith.constant dense<0.000000e+00> : vector<1xf32>
    %reduce_sum3A_374 = vector.multi_reduction <add>, %reduce_sum3A_372, %reduce_sum3A_373 [1, 2] : vector<1x128x1xf32> to vector<1xf32>
    %reduce_sum3A_375 = vector.shape_cast %reduce_sum3A_374 : vector<1xf32> to vector<1x1x1xf32>
    %reduce_sum3A_376 = vector.extract %reduce_sum3A_375[0, 0, 0] : f32 from vector<1x1x1xf32>
    %eq3A_377 = arith.constant 0 : i32
    %eq3A_378 = arith.cmpi eq, %arg0, %eq3A_377 : i32
    %convert_element_type3A = arith.extui %eq3A_378 : i1 to i32
    %cond3A = arith.constant 0 : i32
    %cond3A_379 = arith.cmpi ne, %convert_element_type3A, %cond3A : i32
    scf.if %cond3A_379 {
      %broadcast_in_dim3A_387 = arith.constant 0.000000e+00 : f32
      %broadcast_in_dim3A_388 = vector.broadcast %broadcast_in_dim3A_387 : f32 to vector<1x1xf32>
      %swap3A_389 = arith.constant 0 : index
      %swap3A_390 = arith.constant 0 : index
      %swap3A_391 = vector.load %arg12[%swap3A_389, %swap3A_390] : memref<1x1xf32, #tpu.memory_space<vmem>>, vector<1x1xf32>
      tpu.vector_store %arg12[%swap3A_389, %swap3A_390], %broadcast_in_dim3A_388 {strides = array<i32>} : memref<1x1xf32, #tpu.memory_space<vmem>>, vector<1x1xf32>,
    } else {
    }
    %get3A_380 = arith.constant 0 : index
    %get3A_381 = arith.constant 0 : index
    %get3A_382 = vector.load %arg12[%get3A_380, %get3A_381] : memref<1x1xf32, #tpu.memory_space<vmem>>, vector<1x1xf32>
    %add3A_383 = arith.addf %reduce_sum3A_370, %reduce_sum3A_376 : f32
    %reshape3A = vector.broadcast %add3A_383 : f32 to vector<1x1xf32>
    %add3A_384 = arith.addf %get3A_382, %reshape3A : vector<1x1xf32>
    %swap3A = arith.constant 0 : index
    %swap3A_385 = arith.constant 0 : index
    %swap3A_386 = vector.load %arg12[%swap3A, %swap3A_385] : memref<1x1xf32, #tpu.memory_space<vmem>>, vector<1x1xf32>
    tpu.vector_store %arg12[%swap3A, %swap3A_385], %add3A_384 {strides = array<i32>} : memref<1x1xf32, #tpu.memory_space<vmem>>, vector<1x1xf32>,
    return
  }
  func.func @transform_0(%arg0: i32) -> (i32, i32) {
    %c0_i32 = arith.constant 0 : i32
    %c0_i32_0 = arith.constant 0 : i32
    return %arg0, %c0_i32 : i32, i32
  }
  func.func @transform_1(%arg0: i32) -> (i32, i32) {
    %c0_i32 = arith.constant 0 : i32
    %c0_i32_0 = arith.constant 0 : i32
    return %arg0, %c0_i32 : i32, i32
  }
  func.func @transform_2(%arg0: i32) -> (i32, i32) {
    %c0_i32 = arith.constant 0 : i32
    %c0_i32_0 = arith.constant 0 : i32
    return %arg0, %c0_i32 : i32, i32
  }
  func.func @transform_3(%arg0: i32) -> (i32, i32) {
    %c0_i32 = arith.constant 0 : i32
    %c0_i32_0 = arith.constant 0 : i32
    return %arg0, %c0_i32 : i32, i32
  }
  func.func @transform_4(%arg0: i32) -> (i32, i32) {
    %c0_i32 = arith.constant 0 : i32
    %c0_i32_0 = arith.constant 0 : i32
    return %arg0, %c0_i32 : i32, i32
  }
  func.func @transform_5(%arg0: i32) -> (i32, i32) {
    %c0_i32 = arith.constant 0 : i32
    %c0_i32_0 = arith.constant 0 : i32
    return %arg0, %c0_i32 : i32, i32
  }
  func.func @transform_6(%arg0: i32) -> (i32, i32) {
    %c0_i32 = arith.constant 0 : i32
    %c0_i32_0 = arith.constant 0 : i32
    %c0_i32_1 = arith.constant 0 : i32
    return %c0_i32, %c0_i32_0 : i32, i32
  }
  func.func @transform_7(%arg0: i32) -> (i32, i32) {
    %c0_i32 = arith.constant 0 : i32
    %c0_i32_0 = arith.constant 0 : i32
    %c0_i32_1 = arith.constant 0 : i32
    return %c0_i32, %c0_i32_0 : i32, i32
  }
  func.func @transform_8(%arg0: i32) -> (i32, i32) {
    %c0_i32 = arith.constant 0 : i32
    %c0_i32_0 = arith.constant 0 : i32
    %c0_i32_1 = arith.constant 0 : i32
    return %c0_i32, %c0_i32_0 : i32, i32
  }
  func.func @transform_9(%arg0: i32) -> (i32, i32) {
    %c0_i32 = arith.constant 0 : i32
    %c0_i32_0 = arith.constant 0 : i32
    %c0_i32_1 = arith.constant 0 : i32
    return %c0_i32, %c0_i32_0 : i32, i32
  }
  func.func @transform_10(%arg0: i32) -> (i32, i32) {
    %c0_i32 = arith.constant 0 : i32
    %c0_i32_0 = arith.constant 0 : i32
    %c0_i32_1 = arith.constant 0 : i32
    return %c0_i32, %c0_i32_0 : i32, i32
  }
  func.func @transform_11(%arg0: i32) -> (i32, i32) {
    %c0_i32 = arith.constant 0 : i32
    %c0_i32_0 = arith.constant 0 : i32
    %c0_i32_1 = arith.constant 0 : i32
    return %c0_i32, %c0_i32_0 : i32, i32
  }
}

</mosaic_0001>

<sc_bundles>
// kernel: kernel.4.cloned.1.call-start
scs
__scs_entry_jumppad:
0x0: {  	(pc) =	sbr.rel $0x88, $3  }
0x1: {  	(tag) =	ssettag $0x0;
	lr =	simm.s32 $0x1  }
0x2: {  	[smem:$0x3F9C] =	sst lr;
	_ =	strace $0xD0000000  }
0x3: {  	_ = 	snop  }
0x4: {  	_ = 	snop  }
0x5: {  	_ = 	snop  }
0x6: {  	_ = 	snop  }
0x7: {  	_ = 	snop  }
__scs_overlays_trampoline_lowered:
0x8: {  	[smem:$0x3FAB] =	sst s0  }
0x9: {  	[smem:$0x3FAC] =	sst s1  }
0xa: {  	[smem:$0x3FAD] =	sst s2  }
0xb: {  	[smem:$0x3FAE] =	sst s3  }
0xc: {  	[smem:$0x3FAF] =	sst s4  }
0xd: {  	[smem:$0x3FB0] =	sst s5  }
0xe: {  	[smem:$0x3FB1] =	sst s6  }
0xf: {  	[smem:$0x3FB2] =	sst s7  }
0x10: {  	[smem:$0x3FB3] =	sst s8  }
0x11: {  	[smem:$0x3FB4] =	sst s9;
	s0 =	simm.s32 @!p0 $0x0  }
0x12: {  	s1 =	sld [smem:$0x3F9A];
	s0 =	simm.s32 @p0 $0x1  }
0x13: {  	[smem:$0x3FB5] =	sst s0;
	s0 =	simm.s32 @!p1 $0x0  }
0x14: {  	s2 =	sld [smem:$0x3F99];
	s0 =	simm.s32 @p1 $0x1  }
0x15: {  	[smem:$0x3FB6] =	sst s0;
	s0 =	simm.s32 @!p2 $0x0  }
0x16: {  	s3 =	sld [smem:$0x3FDB];
	s0 =	simm.s32 @p2 $0x1  }
0x17: {  	s4 =	simm.s32 $0x1BF5;
	[smem:$0x3FB8] =	sst s0  }
0x18: {  	s0 =	sld [smem:$0x3F9B];
	_ =	swait.ge [sflag:s4], $0x0  }
0x19: {  	s7 =	sld [smem:$0x3F9C]  }
0x1a: {  	s8 =	sadd.s32 $0xFFFFE003, lr  }
0x1b: {  	s9 =	sadd.s32 $0xFFFFFEF7, lr;
	s5 =	simm.s32 $0xFFFFFFFF;
	p2 =	slt.u32 s8, $0xFFFFF086  }
0x1c: {  	p1 =	slt.u32 s9, $0xF7A;
	s5 =	simm.s32 @!p2 $0x0  }
0x1d: {  	s5 =	simm.s32 @p1 $0x1;
	p0 =	seq.s32 s7, s2  }
0x1e: {  	s7 =	smul.u32 @!p0 $0xF7A, s2;
	p2 =	seq.s32 @!p0 s5, $0x0  }
0x1f: {  	s9 =	smul.u32 $0xF7A, s1;
	s8 =	simm.s32 @!p0 $0x1BF5;
	p2 =	por !p2, p0  }
0x20: {  	[sflag:s8] =	ssyncset.s32 @!p0 $0xFFFFF086;
	s6 =	sadd.s32 @!p0 s3, s7;
	s7 =	simm.s32 @!p0 $0x108  }
0x21: {  	s3 =	sadd.s32 s3, s9;
	s6 =	sadd.s32 @!p0 $0x88, s6;
	s7 =	simm.s32 @p2 $0x1082  }
0x22: {  	[simem:s7], [sflag:s8] =	dma.local @!p0 [hbm:s6], $0xF7A  }
0x23: {  	s9 =	sor.u32 $0xD0000000, s2;
	s6 =	simm.s32 $0x108;
	_ =	swait.ge @!p0 [sflag:s8], $0x0  }
0x24: {  	s3 =	sadd.s32 $0x88, s3;
	s6 =	simm.s32 @!p1 $0x1082;
	[sflag:s4] =	ssyncset.s32 $0xFFFFF086  }
0x25: {  	[simem:s6], [sflag:s4] =	dma.local [hbm:s3], $0xF7A  }
0x26: {  	[smem:$0x3F9C] =	sst s1;
	(tag) =	ssettag s2;
	_ =	strace s9  }
0x27: {  	s1 =	sld [smem:$0x3FAC]  }
0x28: {  	s2 =	sld [smem:$0x3FAD]  }
0x29: {  	s4 =	sld [smem:$0x3FAF]  }
0x2a: {  	p0 =	seq.s32 s5, $0x0;
	s5 =	sld [smem:$0x3FB0]  }
0x2b: {  	s6 =	sld [smem:$0x3FB1]  }
0x2c: {  	s7 =	sld [smem:$0x3FB2]  }
0x2d: {  	s3 =	simm.s32 $0x108;
	s8 =	sld [smem:$0x3FB3]  }
0x2e: {  	s3 =	simm.s32 @!p0 $0x1082;
	s9 =	sld [smem:$0x3FB4]  }
0x2f: {  	lr =	sadd.s32 s0, s3;
	s0 =	sld [smem:$0x3FAB]  }
0x30: {  	s3 =	sld [smem:$0x3FAE]  }
0x31: {  	[smem:$0x3FB7] =	sst s10  }
0x32: {  	s10 =	sld [smem:$0x3FB5];
	_ =	sdelay $0x3  }
0x33: {  	p0 =	seq.s32 s10, $0x1;
	s10 =	sld [smem:$0x3FB7];
	_ =	sdelay $0x3  }
0x34: {  	[smem:$0x3FB7] =	sst s10  }
0x35: {  	s10 =	sld [smem:$0x3FB6];
	_ =	sdelay $0x3  }
0x36: {  	p1 =	seq.s32 s10, $0x1;
	s10 =	sld [smem:$0x3FB7];
	_ =	sdelay $0x3  }
0x37: {  	[smem:$0x3FB7] =	sst s10  }
0x38: {  	s10 =	sld [smem:$0x3FB8]  }
0x39: {  	_ = 	snop;
	(pc) =	sbr.ind lr, $3  }
0x3a: {  	_ = 	snop  }
0x3b: {  	_ = 	snop  }
0x3c: {  	p2 =	seq.s32 s10, $0x1;
	s10 =	sld [smem:$0x3FB7]  }
0x3d: {  	_ =	shalt  }
0x3e: {  	_ =	shalt  }
0x3f: {  	_ =	shalt  }
0x40: {  	_ =	shalt  }
0x41: {  	_ =	shalt  }
0x42: {  	_ =	shalt  }
0x43: {  	_ =	shalt  }
0x44: {  	_ =	shalt  }
0x45: {  	_ =	shalt  }
0x46: {  	_ =	shalt  }
0x47: {  	_ =	shalt  }
0x48: {  	_ =	shalt  }
0x49: {  	_ =	shalt  }
0x4a: {  	_ =	shalt  }
0x4b: {  	_ =	shalt  }
0x4c: {  	_ =	shalt  }
0x4d: {  	_ =	shalt  }
0x4e: {  	_ =	shalt  }
0x4f: {  	_ =	shalt  }
0x50: {  	_ =	shalt  }
0x51: {  	_ =	shalt  }
0x52: {  	_ =	shalt  }
0x53: {  	_ =	shalt  }
0x54: {  	_ =	shalt  }
0x55: {  	_ =	shalt  }
0x56: {  	_ =	shalt  }
0x57: {  	_ =	shalt  }
0x58: {  	_ =	shalt  }
0x59: {  	_ =	shalt  }
0x5a: {  	_ =	shalt  }
0x5b: {  	_ =	shalt  }
0x5c: {  	_ =	shalt  }
0x5d: {  	_ =	shalt  }
0x5e: {  	_ =	shalt  }
0x5f: {  	_ =	shalt  }
0x60: {  	_ =	shalt  }
0x61: {  	_ =	shalt  }
0x62: {  	_ =	shalt  }
0x63: {  	_ =	shalt  }
0x64: {  	_ =	shalt  }
0x65: {  	_ =	shalt  }
0x66: {  	_ =	shalt  }
0x67: {  	_ =	shalt  }
0x68: {  	_ =	shalt  }
0x69: {  	_ =	shalt  }
0x6a: {  	_ =	shalt  }
0x6b: {  	_ =	shalt  }
0x6c: {  	_ =	shalt  }
0x6d: {  	_ =	shalt  }
0x6e: {  	_ =	shalt  }
0x6f: {  	_ =	shalt  }
0x70: {  	_ =	shalt  }
0x71: {  	_ =	shalt  }
0x72: {  	_ =	shalt  }
0x73: {  	_ =	shalt  }
0x74: {  	_ =	shalt  }
0x75: {  	_ =	shalt  }
0x76: {  	_ =	shalt  }
0x77: {  	_ =	shalt  }
0x78: {  	_ =	shalt  }
0x79: {  	_ =	shalt  }
0x7a: {  	_ =	shalt  }
0x7b: {  	_ =	shalt  }
0x7c: {  	_ =	shalt  }
0x7d: {  	_ =	shalt  }
0x7e: {  	_ =	shalt  }
0x7f: {  	_ =	shalt  }
0x80: {  	_ =	shalt  }
0x81: {  	_ =	shalt  }
0x82: {  	_ =	shalt  }
0x83: {  	_ =	shalt  }
0x84: {  	_ =	shalt  }
0x85: {  	_ =	shalt  }
0x86: {  	_ =	shalt  }
0x87: {  	_ =	shalt  }
.Lfunc_end0:
.L_simem_size_0:
called_computation_lowered:
.L_overlay_start_0:
0x88: {  	s2 =	sld [smem:$0x3FD9]  }
0x89: {  	s3 =	sld [smem:$0x3FFE];
	_ =	sdelay $0x1  }
0x8a: {  	s1 =	srdreg.scid  }
0x8b: {  	s0 =	sand.u32 $0x1, s1  }
0x8c: {  	s17 =	sshll.u32 s0, $0xA;
	s2 =	sadd.s32 s3, s2  }
0x8d: {  	s2 =	sadd.s32 s2, s17  }
0x8e: {  	[smem:$0x3FC3] =	sst s2  }
0x8f: {  	_ = 	snop  }
0x90: {  	s2 =	sld [smem:$0x3FC8]  }
0x91: {  	s18 =	sld [smem:$0x3FC6];
	(tm) =	ssettm $0x1  }
0x92: {  	s4 =	sld [smem:$0x3FFB];
	_ =	sdelay $0x3  }
0x93: {  	_ =	strace s4  }
0x94: {  	s4 =	sld [smem:$0x3FFC];
	_ =	sdelay $0x3  }
0x95: {  	_ =	strace s4  }
0x96: {  	s4 =	sld [smem:$0x3FFD];
	_ =	sdelay $0x3  }
0x97: {  	_ =	strace s4  }
0x98: {  	_ =	strace $0x8FFFFFFF  }
0x99: {  	s19 =	sld [smem:$0x3FDB];
	_ =	sdelay $0x1  }
0x9a: {  	s5 =	simm.s32 $_scs_section_size  }
0x9b: {  	s6 =	simm.s32 $_size__tile_overlayer_lowered;
	s7 =	simm.s32 $_tile_overlayer_lowered  }
0x9c: {  	s22 =	simm.s32 $0x1BFF;
	s21 =	sshll.u32 s7, $0x1;
	s4 =	sadd.s32 s5, s19  }
0x9d: {  	s8 =	simm.s32 $0x0;
	s20 =	sshll.u32 s6, $0x1;
	s6 =	sadd.s32 s21, s4  }
0x9e: {  	[timem:s8], [sflag:s22] =	dma.local [hbm:s6], s20  }
0x9f: {  	_ =	swait.ge [sflag:s22], s20  }
0xa0: {  	s5 =	ssub.s32 $0x0, s20;
	[sflag:s22] =	ssyncset.done $0x0  }
0xa1: {  	[sflag:s22] =	ssyncadd.s32 s5;
	_ =	sdelay $0x1  }
0xa2: {  	s23 =	simm.s32 $0x1B8B  }
0xa3: {  	_ =	swait.ge [sflag:s23], $0x1  }
0xa4: {  	[sflag:s23] =	ssyncset.done $0x0  }
0xa5: {  	s25 =	simm.s32 $0x1B8E;
	s24 =	sld [smem:$0x3FFE];
	[sflag:s23] =	ssyncadd.s32 $0xFFFFFFFF  }
0xa6: {  	s26 =	simm.s32 $execute0_lowered;
	[smem:$0x3FD2] =	sst s25  }
0xa7: {  	s6 =	sshll.u32 s26, $0x1;
	_ =	strace $0x80000046;
	[dreg:$0x1] =	wrdreg $0xFFFFFFFF  }
0xa8: {  	s28 =	simm.s32 $_size_execute0_lowered;
	s4 =	sadd.s32 s4, s6;
	[dreg:$0x0] =	wrdreg $0x0  }
0xa9: {  	s6 =	sshll.u32 s28, $0x1;
	[dreg:$0x2] =	wrdreg s4  }
0xaa: {  	[dreg:$0x3] =	wrdreg s6  }
0xab: {  	[dreg:$0x4] =	wrdreg $0xC0  }
0xac: {  	_ =	task [dreg:s8], $0x5FFFF  }
0xad: {  	[dreg:$0x1] =	wrdreg $0xFFFFFFFF  }
0xae: {  	[dreg:$0x0] =	wrdreg $0x60  }
0xaf: {  	[dreg:$0x2] =	wrdreg s24  }
0xb0: {  	[dreg:$0x3] =	wrdreg s2  }
0xb1: {  	[dreg:$0x4] =	wrdreg s18  }
0xb2: {  	[dreg:$0x5] =	wrdreg $0x9  }
0xb3: {  	_ =	task.clear_ibuf [dreg:s8], $0x6FFFF;
	_ =	strace $0x90000046  }
0xb4: {  	s29 =	simm.s32 $0x9;
	_ =	strace $0x80000048  }
0xb5: {  	_ =	swait.ge [sflag:s29], $0x1  }
0xb6: {  	[sflag:s29] =	ssyncadd.s32 $0xFFFFFFFF  }
0xb7: {  	_ =	strace $0x90000048  }
0xb8: {  	_ =	sfence  }
0xb9: {  	s30 =	sld [smem:$0x0];
	_ =	sdelay $0x2  }
0xba: {  	s31 =	sshll.u32 s1, $0xD;
	s1 =	sshrl.u32 s1, $0x2  }
0xbb: {  	s3 =	sand.u32 $0x4000, s31;
	s1 =	sadd.s32 s1, s30  }
0xbc: {  	s0 =	sor.u32 s3, s0;
	s1 =	sshll.u32 s1, $0x11  }
0xbd: {  	s0 =	sor.u32 s1, s0  }
0xbe: {  	s0 =	sadd.s32 $0x8F2B, s0  }
0xbf: {  	[sflag:s0] =	ssyncadd.remote.s32 $0x1  }
0xc0: {  	_ =	sfence.sel $0xFFFF  }
0xc1: {  	[dreg:$0x0] =	wrdreg $0xFFFFFFFF;
	(pc) =	sbr.abs _section_cstart, $3  }
0xc2: {  	[dreg:$0x1] =	wrdreg $0xFFFFFFFF  }
0xc3: {  	_ =	task.clear_ibuf [dreg:s8], $0x2FFFF;
	_ =	strace $0x9FFFFFFF  }
0xc4: {  	(tm) =	ssettm $0x7FFFFFFF  }
0xc5: {  	_ =	shalt  }
tec
execute0_lowered:
.L_overlay_start_1:
0x0: {  	(tag) =	ssettag $0x1  }
0x1: {  	s0 =	rddreg [dreg:$0x0]  }
0x2: {  	s1 =	rddreg [dreg:$0x1]  }
0x3: {  	s7 =	rddreg [dreg:$0x2];
	s8 =	srdreg.scid  }
0x4: {  	s4 =	stileid.u32;
	[dreg:$0x6] =	wrdreg s1  }
0x5: {  	[dreg:$0x7] =	wrdreg s7;
	s1 =	simm.s32 $0x0;
	s2 =	sadd.s32 $0x2600, s0  }
0x6: {  	s3 =	sadd.s32 $0x1A00, s0;
	s4 =	sshll.u32 s4, $0x1;
	[smem:$0x7FF] =	sst s1  }
0x7: {  	_ =	strace $0x80000047;
	[dreg:$0x4] =	wrdreg s2;
	s2 =	sand.u32 $0x1, s8  }
0x8: {  	s9 =	sadd.s32 $0x2E00, s0;
	s10 =	sadd.s32 $0x1400, s0;
	s20 =	sor.u32 s2, s4  }
0x9: {  	s5 =	sadd.s32 $0x3A00, s0;
	[dreg:$0x5] =	wrdreg s3;
	s4 =	sshll.u32 s20, $0x3  }
0xa: {  	[dreg:$0x8] =	wrdreg s9;
	s22 =	sshll.u32 s20, $0x4;
	s6 =	sadd.s32 s10, s4  }
0xb: {  	s7 =	sor.u32 $0x100, s4;
	s9 =	sadd.s32 s5, s4;
	[dreg:$0x9] =	wrdreg s6  }
0xc: {  	s8 =	sor.u32 $0x200, s4;
	s4 =	simm.s32 $0xBB00;
	[smem:$0x7D0] =	sst s9  }
0xd: {  	s0 =	sadd.s32 s22, s0;
	s22 =	simm.s32 $0x16200;
	[dreg:$0x1b] =	wrdreg s4  }
0xe: {  	s11 =	sadd.s32 s5, s7;
	[smem:$0x7DE] =	sst s22  }
0xf: {  	s12 =	sadd.s32 s5, s8;
	[dreg:$0xa] =	wrdreg s11  }
0x10: {  	s13 =	sadd.s32 $0x300, s9;
	[dreg:$0xb] =	wrdreg s12  }
0x11: {  	s14 =	sadd.s32 s10, s7;
	[dreg:$0xc] =	wrdreg s13  }
0x12: {  	s15 =	sadd.s32 $0x400, s9;
	[dreg:$0xd] =	wrdreg s14  }
0x13: {  	s16 =	sadd.s32 $0x500, s9;
	[dreg:$0xe] =	wrdreg s15  }
0x14: {  	s17 =	sadd.s32 $0x600, s9;
	[dreg:$0xf] =	wrdreg s16  }
0x15: {  	s18 =	sadd.s32 $0x700, s9;
	[dreg:$0x10] =	wrdreg s17  }
0x16: {  	s3 =	sadd.s32 s10, s8;
	[dreg:$0x11] =	wrdreg s18  }
0x17: {  	s19 =	sadd.s32 $0x800, s9;
	[dreg:$0x12] =	wrdreg s3  }
0x18: {  	s21 =	sadd.s32 $0x900, s9;
	[dreg:$0x13] =	wrdreg s19  }
0x19: {  	s23 =	sadd.s32 $0xA00, s9;
	[dreg:$0x14] =	wrdreg s21  }
0x1a: {  	s24 =	sadd.s32 $0xB00, s9;
	[dreg:$0x15] =	wrdreg s23  }
0x1b: {  	s25 =	sadd.s32 $0x4600, s0;
	[dreg:$0x16] =	wrdreg s24  }
0x1c: {  	s30 =	sadd.s32 $0x4800, s0;
	[dreg:$0x17] =	wrdreg s25  }
0x1d: {  	s0 =	sadd.s32 $0x4A00, s0;
	[dreg:$0x18] =	wrdreg s30  }
0x1e: {  	s5 =	simm.s32 $0xFB00;
	[dreg:$0x19] =	wrdreg s0  }
0x1f: {  	s7 =	simm.s32 $0x15B00;
	[dreg:$0x1c] =	wrdreg s5  }
0x20: {  	s8 =	simm.s32 $0x15D00;
	[dreg:$0x1d] =	wrdreg s7  }
0x21: {  	s9 =	simm.s32 $0x15D80;
	[dreg:$0x1e] =	wrdreg s8  }
0x22: {  	s10 =	simm.s32 $0x15E00;
	[dreg:$0x1f] =	wrdreg s9  }
0x23: {  	s3 =	simm.s32 $0x9B00;
	[smem:$0x7D1] =	sst s10  }
0x24: {  	s11 =	simm.s32 $0x15E80;
	[dreg:$0x1a] =	wrdreg s3  }
0x25: {  	s12 =	simm.s32 $0x15B80;
	[smem:$0x7D2] =	sst s11  }
0x26: {  	s13 =	simm.s32 $0x15F00;
	[smem:$0x7D3] =	sst s12  }
0x27: {  	s14 =	simm.s32 $0x15F80;
	[smem:$0x7D4] =	sst s13  }
0x28: {  	s26 =	ssub.s32 $0x2, s2;
	s15 =	simm.s32 $0x16000;
	[smem:$0x7D5] =	sst s14  }
0x29: {  	s31 =	sshrl.u32 s26, $0x1;
	s16 =	simm.s32 $0x15C00;
	[smem:$0x7D6] =	sst s15  }
0x2a: {  	s6 =	sshll.u32 s2, $0x6;
	s17 =	simm.s32 $0x16100;
	[smem:$0x7D8] =	sst s16  }
0x2b: {  	s2 =	sshll.u32 s20, $0x8;
	s18 =	simm.s32 $0x16180;
	[smem:$0x7DA] =	sst s17  }
0x2c: {  	s21 =	ssub.s32 s26, s31;
	s24 =	simm.s32 $0x16280;
	[smem:$0x7DC] =	sst s18  }
0x2d: {  	s0 =	sand.u32 $0x1E00, s2;
	s26 =	simm.s32 $0x16300;
	[smem:$0x7E0] =	sst s24  }
0x2e: {  	s31 =	simm.s32 $0x16380;
	s3 =	sadd.s32 $0x11B00, s0;
	[smem:$0x7E2] =	sst s26  }
0x2f: {  	s13 =	sor.u32 $0x10, s6;
	s14 =	simm.s32 $0x16080;
	[smem:$0x7E3] =	sst s31  }
0x30: {  	s5 =	sadd.s32 $0x13B00, s0;
	[smem:$0x7D7] =	sst s14;
	s16 =	sor.u32 s13, s3  }
0x31: {  	s7 =	sadd.s32 $0x11B80, s0;
	s19 =	sor.u32 s13, s5;
	[smem:$0x7D9] =	sst s16  }
0x32: {  	s8 =	sadd.s32 $0x13B80, s0;
	s23 =	sor.u32 s13, s7;
	[smem:$0x7DB] =	sst s19  }
0x33: {  	s9 =	sadd.s32 $0x11C00, s0;
	s25 =	sor.u32 s13, s8;
	[smem:$0x7DD] =	sst s23  }
0x34: {  	s11 =	sadd.s32 $0x11C80, s0;
	s30 =	sor.u32 s13, s9;
	[smem:$0x7DF] =	sst s25  }
0x35: {  	s17 =	sor.u32 s13, s11;
	[smem:$0x7E1] =	sst s30  }
0x36: {  	s18 =	sor.u32 s6, s3;
	[smem:$0x7E5] =	sst s17  }
0x37: {  	s22 =	sor.u32 s6, s7;
	[smem:$0x7E7] =	sst s18  }
0x38: {  	s10 =	sadd.s32 $0x13C00, s0;
	s24 =	sor.u32 s6, s9;
	[smem:$0x7E9] =	sst s22  }
0x39: {  	s12 =	sadd.s32 $0x13C80, s0;
	s26 =	sor.u32 s6, s11;
	[smem:$0x7EB] =	sst s24  }
0x3a: {  	s4 =	sor.u32 s13, s0;
	s16 =	sor.u32 s13, s10;
	[smem:$0x7ED] =	sst s26  }
0x3b: {  	s15 =	sor.u32 s13, s2;
	s13 =	sor.u32 s13, s12;
	[smem:$0x7E4] =	sst s16  }
0x3c: {  	s19 =	sor.u32 s6, s5;
	[smem:$0x7E6] =	sst s13  }
0x3d: {  	s28 =	simm.s32 $0x1;
	s23 =	sor.u32 s6, s8;
	[smem:$0x7E8] =	sst s19  }
0x3e: {  	s29 =	simm.s32 $0x3B00;
	s25 =	sor.u32 s6, s10;
	[smem:$0x7EA] =	sst s23  }
0x3f: {  	s30 =	sor.u32 s6, s12;
	[smem:$0x7EC] =	sst s25;
	s16 =	sor.u32 $0x20, s6  }
0x40: {  	s20 =	sshll.u32 s20, $0x9;
	[smem:$0x7EE] =	sst s30;
	s31 =	sor.u32 s16, s3  }
0x41: {  	s21 =	smax.u32 s21, $0x1;
	s19 =	sor.u32 s16, s5;
	[smem:$0x7EF] =	sst s31  }
0x42: {  	s14 =	sor.u32 s6, s2;
	s23 =	sor.u32 s16, s7;
	[smem:$0x7F0] =	sst s19  }
0x43: {  	s17 =	sor.u32 $0x30, s6;
	s24 =	sor.u32 s16, s8;
	[smem:$0x7F1] =	sst s23  }
0x44: {  	s13 =	sor.u32 s6, s0;
	s25 =	sor.u32 s16, s9;
	[smem:$0x7F2] =	sst s24  }
0x45: {  	s22 =	sor.u32 s16, s0;
	s26 =	sor.u32 s16, s10;
	[smem:$0x7F3] =	sst s25  }
0x46: {  	s18 =	sor.u32 s16, s2;
	s30 =	sor.u32 s16, s11;
	[smem:$0x7F4] =	sst s26  }
0x47: {  	s0 =	sor.u32 s17, s0;
	[smem:$0x7F5] =	sst s30;
	s31 =	sor.u32 s16, s12  }
0x48: {  	s19 =	sor.u32 s17, s2;
	s16 =	sor.u32 s17, s3;
	[smem:$0x7F6] =	sst s31  }
0x49: {  	s23 =	sor.u32 s17, s5;
	s24 =	sor.u32 s17, s7;
	[smem:$0x7F7] =	sst s16  }
0x4a: {  	s25 =	sor.u32 s17, s8;
	s26 =	sor.u32 s17, s9;
	[smem:$0x7F8] =	sst s23  }
0x4b: {  	s30 =	sor.u32 s17, s10;
	s9 =	sor.u32 s17, s11;
	[smem:$0x7F9] =	sst s24  }
0x4c: {  	s10 =	sor.u32 s17, s12;
	s11 =	sor.u32 $0x100, s14;
	[smem:$0x7FA] =	sst s25  }
0x4d: {  	s12 =	sor.u32 $0x180, s14;
	s14 =	sor.u32 $0x100, s15;
	[smem:$0x7FB] =	sst s26  }
0x4e: {  	s15 =	sor.u32 $0x180, s15;
	s17 =	sor.u32 $0x180, s18;
	[smem:$0x7FC] =	sst s30  }
0x4f: {  	s31 =	simm.s32 $0x16400;
	s16 =	sor.u32 $0x100, s18;
	s18 =	sor.u32 $0x100, s19  }
0x50: {  	s19 =	sor.u32 $0x180, s19;
	s23 =	sor.u32 $0x80, s13;
	s24 =	sor.u32 $0x80, s4  }
0x51: {  	s25 =	sor.u32 $0x80, s22;
	s26 =	sor.u32 $0x80, s0;
	[smem:$0x7FD] =	sst s31  }
.LBB2_1:
0x52: {  	s30 =	rddreg [dreg:$0x4]  }
0x53: {  	[tilespmem:s1], [sflag:$0x1] =	stream.linear.gather [hbm4b:s30+s1], $0x3B00, $0x38;
	[tilespmem:$0x16500] =	vst v63  }
0x54: {  	_ =	swait.ge [sflag:s28], $0x3B00  }
0x55: {  	[sflag:s28] =	ssyncset.done $0x0  }
0x56: {  	s5 =	rddreg [dreg:$0x5];
	[sflag:s28] =	ssyncadd.s32 $0xFFFFC500  }
0x57: {  	[tilespmem:s29], [sflag:$0x1] =	stream.linear.gather [hbm4b:s5+s1], $0x6000, $0x38;
	[tilespmem:$0x16500] =	vst v63  }
0x58: {  	_ =	swait.ge [sflag:s28], $0x6000  }
0x59: {  	s6 =	rddreg [dreg:$0x6];
	[sflag:s28] =	ssyncset.done $0x0  }
0x5a: {  	s31 =	rddreg [dreg:$0x1a];
	[sflag:s28] =	ssyncadd.s32 $0xFFFFA000  }
0x5b: {  	[tilespmem:s31], [sflag:$0x1] =	stream.linear.gather [hbm4b:s6+s1], $0x2000, $0x38;
	[tilespmem:$0x16500] =	vst v63  }
0x5c: {  	_ =	swait.ge [sflag:s28], $0x2000  }
0x5d: {  	s7 =	rddreg [dreg:$0x7];
	[sflag:s28] =	ssyncset.done $0x0  }
0x5e: {  	s8 =	rddreg [dreg:$0x1b];
	[sflag:s28] =	ssyncadd.s32 $0xFFFFE000  }
0x5f: {  	[tilespmem:s8], [sflag:$0x1] =	stream.linear.gather [hbm4b:s7+s1], $0x4000, $0x38;
	[tilespmem:$0x16500] =	vst v63  }
0x60: {  	_ =	swait.ge [sflag:s28], $0x4000  }
0x61: {  	s2 =	rddreg [dreg:$0x8];
	[sflag:s28] =	ssyncset.done $0x0  }
0x62: {  	s3 =	rddreg [dreg:$0x1c];
	[sflag:s28] =	ssyncadd.s32 $0xFFFFC000  }
0x63: {  	[tilespmem:s3], [sflag:$0x1] =	stream.linear.gather [hbm4b:s2+s1], $0x6000, $0x38;
	[tilespmem:$0x16500] =	vst v63  }
0x64: {  	_ =	swait.ge [sflag:s28], $0x6000  }
0x65: {  	[sflag:s28] =	ssyncset.done $0x0  }
0x66: {  	[sflag:s28] =	ssyncadd.s32 $0xFFFFA000  }
0x67: {  	v0 =	vld [tilespmem:s13+$0x9B00]  }
0x68: {  	v1 =	vld [tilespmem:s23+$0x9B00];
	_ =	sdelay $0x1  }
0x69: {  	v2 =	vld [tilespmem:s11+$0x9B00];
	_ =	sdelay $0x1  }
0x6a: {  	v0 =	vmul.u32 $0x3, v0  }
0x6b: {  	v1 =	vmul.u32 $0x3, v1;
	_ =	sdelay $0x1  }
0x6c: {  	v2 =	vmul.u32 $0x3, v2;
	_ =	sdelay $0x2  }
0x6d: {  	v3 =	vld.idx.msk [tilespmem:v0+s1+$0x0], $0xffff  }
0x6e: {  	v4 =	vld.idx.msk [tilespmem:v1+s1+$0x0], $0xffff;
	_ =	sdelay $0x1  }
0x6f: {  	v5 =	vld.idx.msk [tilespmem:v2+s1+$0x0], $0xffff;
	_ =	sdelay $0x2  }
0x70: {  	v6 =	vadd.f32 v4, v3;
	_ =	sdelay $0x1  }
0x71: {  	v6 =	vadd.f32 v5, v6;
	_ =	sdelay $0x1  }
0x72: {  	v6 =	vmul.f32 $3.333333430e-01, v6  }
0x73: {  	s2 =	sld [smem:$0x7E7]  }
0x74: {  	[tilespmem:$0x15B00] =	vst v6  }
0x75: {  	s3 =	sld [smem:$0x7E8];
	v6 =	vld [tilespmem:s13+$0xFB00]  }
0x76: {  	v7 =	vld [tilespmem:s2+$0x0];
	_ =	sdelay $0x1  }
0x77: {  	v8 =	vld [tilespmem:s3+$0x0];
	_ =	sdelay $0x2  }
0x78: {  	v6 =	vmul.f32 v6, v3;
	v7 =	vmul.f32 v7, v4;
	_ =	sdelay $0x1  }
0x79: {  	v31 =	vmul.f32 v8, v5;
	v6 =	vadd.f32 v7, v6;
	_ =	sdelay $0x1  }
0x7a: {  	v6 =	vadd.f32 v31, v6  }
0x7b: {  	s5 =	sld [smem:$0x7E9]  }
0x7c: {  	[tilespmem:$0x15D00] =	vst v6  }
0x7d: {  	s6 =	sld [smem:$0x7EA];
	v6 =	vld [tilespmem:s23+$0xFB00]  }
0x7e: {  	v32 =	vld [tilespmem:s5+$0x0];
	_ =	sdelay $0x1  }
0x7f: {  	v33 =	vld [tilespmem:s6+$0x0];
	_ =	sdelay $0x2  }
0x80: {  	v6 =	vmul.f32 v6, v3;
	v7 =	vmul.f32 v32, v4;
	_ =	sdelay $0x1  }
0x81: {  	v34 =	vmul.f32 v33, v5;
	v6 =	vadd.f32 v7, v6;
	_ =	sdelay $0x1  }
0x82: {  	v6 =	vadd.f32 v34, v6  }
0x83: {  	s7 =	sld [smem:$0x7EB]  }
0x84: {  	[tilespmem:$0x15D80] =	vst v6  }
0x85: {  	s8 =	sld [smem:$0x7EC];
	v6 =	vld [tilespmem:s11+$0xFB00]  }
0x86: {  	v35 =	vld [tilespmem:s7+$0x0];
	_ =	sdelay $0x1  }
0x87: {  	v36 =	vld [tilespmem:s8+$0x0];
	_ =	sdelay $0x2  }
0x88: {  	v6 =	vmul.f32 v6, v3;
	v7 =	vmul.f32 v35, v4;
	_ =	sdelay $0x1  }
0x89: {  	v37 =	vmul.f32 v36, v5;
	v6 =	vadd.f32 v7, v6;
	_ =	sdelay $0x1  }
0x8a: {  	v6 =	vadd.f32 v37, v6  }
0x8b: {  	s30 =	sld [smem:$0x7ED]  }
0x8c: {  	[tilespmem:$0x15E00] =	vst v6  }
0x8d: {  	s31 =	sld [smem:$0x7EE];
	v6 =	vld [tilespmem:s12+$0xFB00]  }
0x8e: {  	v38 =	vld [tilespmem:s30+$0x0];
	_ =	sdelay $0x1  }
0x8f: {  	v39 =	vld [tilespmem:s31+$0x0];
	_ =	sdelay $0x2  }
0x90: {  	v3 =	vmul.f32 v6, v3;
	v4 =	vmul.f32 v38, v4;
	_ =	sdelay $0x1  }
0x91: {  	v41 =	vadd.s32 $0x1, v0;
	v40 =	vmul.f32 v39, v5;
	v3 =	vadd.f32 v4, v3  }
0x92: {  	v42 =	vadd.s32 $0x1, v1  }
0x93: {  	v3 =	vadd.f32 v40, v3  }
0x94: {  	v43 =	vadd.s32 $0x1, v2  }
0x95: {  	[tilespmem:$0x15E80] =	vst v3  }
0x96: {  	v3 =	vld.idx.msk [tilespmem:v41+s1+$0x0], $0xffff  }
0x97: {  	v44 =	vld.idx.msk [tilespmem:v42+s1+$0x0], $0xffff;
	_ =	sdelay $0x1  }
0x98: {  	v4 =	vld.idx.msk [tilespmem:v43+s1+$0x0], $0xffff;
	_ =	sdelay $0x2  }
0x99: {  	v6 =	vadd.f32 v44, v3;
	_ =	sdelay $0x1  }
0x9a: {  	v6 =	vadd.f32 v4, v6;
	_ =	sdelay $0x1  }
0x9b: {  	v6 =	vmul.f32 $3.333333430e-01, v6;
	_ =	sdelay $0x1  }
0x9c: {  	[tilespmem:$0x15B80] =	vst v6  }
0x9d: {  	v6 =	vld [tilespmem:s13+$0xFB00]  }
0x9e: {  	v45 =	vld [tilespmem:s2+$0x0];
	_ =	sdelay $0x1  }
0x9f: {  	v46 =	vld [tilespmem:s3+$0x0];
	_ =	sdelay $0x2  }
0xa0: {  	v6 =	vmul.f32 v6, v3;
	v7 =	vmul.f32 v45, v44;
	_ =	sdelay $0x1  }
0xa1: {  	v47 =	vmul.f32 v46, v4;
	v6 =	vadd.f32 v7, v6;
	_ =	sdelay $0x1  }
0xa2: {  	v6 =	vadd.f32 v47, v6;
	_ =	sdelay $0x1  }
0xa3: {  	[tilespmem:$0x15F00] =	vst v6  }
0xa4: {  	v6 =	vld [tilespmem:s23+$0xFB00]  }
0xa5: {  	v48 =	vld [tilespmem:s5+$0x0];
	_ =	sdelay $0x1  }
0xa6: {  	v49 =	vld [tilespmem:s6+$0x0];
	_ =	sdelay $0x2  }
0xa7: {  	v6 =	vmul.f32 v6, v3;
	v7 =	vmul.f32 v48, v44;
	_ =	sdelay $0x1  }
0xa8: {  	v50 =	vmul.f32 v49, v4;
	v6 =	vadd.f32 v7, v6;
	_ =	sdelay $0x1  }
0xa9: {  	v6 =	vadd.f32 v50, v6;
	_ =	sdelay $0x1  }
0xaa: {  	[tilespmem:$0x15F80] =	vst v6  }
0xab: {  	v6 =	vld [tilespmem:s11+$0xFB00]  }
0xac: {  	v51 =	vld [tilespmem:s7+$0x0];
	_ =	sdelay $0x1  }
0xad: {  	v52 =	vld [tilespmem:s8+$0x0];
	_ =	sdelay $0x2  }
0xae: {  	v6 =	vmul.f32 v6, v3;
	v7 =	vmul.f32 v51, v44;
	_ =	sdelay $0x1  }
0xaf: {  	v53 =	vmul.f32 v52, v4;
	v6 =	vadd.f32 v7, v6;
	_ =	sdelay $0x1  }
0xb0: {  	v6 =	vadd.f32 v53, v6;
	_ =	sdelay $0x1  }
0xb1: {  	[tilespmem:$0x16000] =	vst v6  }
0xb2: {  	v6 =	vld [tilespmem:s12+$0xFB00]  }
0xb3: {  	v54 =	vld [tilespmem:s30+$0x0];
	_ =	sdelay $0x1  }
0xb4: {  	v55 =	vld [tilespmem:s31+$0x0];
	_ =	sdelay $0x2  }
0xb5: {  	v3 =	vmul.f32 v6, v3;
	v5 =	vmul.f32 v54, v44;
	_ =	sdelay $0x1  }
0xb6: {  	v0 =	vadd.s32 $0x2, v0;
	v4 =	vmul.f32 v55, v4;
	v3 =	vadd.f32 v5, v3  }
0xb7: {  	v1 =	vadd.s32 $0x2, v1  }
0xb8: {  	v3 =	vadd.f32 v4, v3  }
0xb9: {  	v2 =	vadd.s32 $0x2, v2  }
0xba: {  	[tilespmem:$0x16080] =	vst v3  }
0xbb: {  	v0 =	vld.idx.msk [tilespmem:v0+s1+$0x0], $0xffff  }
0xbc: {  	v1 =	vld.idx.msk [tilespmem:v1+s1+$0x0], $0xffff;
	_ =	sdelay $0x1  }
0xbd: {  	v2 =	vld.idx.msk [tilespmem:v2+s1+$0x0], $0xffff;
	_ =	sdelay $0x2  }
0xbe: {  	v56 =	vadd.f32 v1, v0;
	_ =	sdelay $0x1  }
0xbf: {  	v3 =	vadd.f32 v2, v56;
	_ =	sdelay $0x1  }
0xc0: {  	v3 =	vmul.f32 $3.333333430e-01, v3;
	_ =	sdelay $0x1  }
0xc1: {  	[tilespmem:$0x15C00] =	vst v3  }
0xc2: {  	v3 =	vld [tilespmem:s13+$0xFB00]  }
0xc3: {  	v57 =	vld [tilespmem:s2+$0x0];
	_ =	sdelay $0x1  }
0xc4: {  	v58 =	vld [tilespmem:s3+$0x0];
	_ =	sdelay $0x2  }
0xc5: {  	v3 =	vmul.f32 v3, v0;
	v4 =	vmul.f32 v57, v1;
	_ =	sdelay $0x1  }
0xc6: {  	v59 =	vmul.f32 v58, v2;
	v3 =	vadd.f32 v4, v3;
	_ =	sdelay $0x1  }
0xc7: {  	v3 =	vadd.f32 v59, v3;
	_ =	sdelay $0x1  }
0xc8: {  	[tilespmem:$0x16100] =	vst v3  }
0xc9: {  	v3 =	vld [tilespmem:s23+$0xFB00]  }
0xca: {  	v60 =	vld [tilespmem:s5+$0x0];
	_ =	sdelay $0x1  }
0xcb: {  	v61 =	vld [tilespmem:s6+$0x0];
	_ =	sdelay $0x2  }
0xcc: {  	v3 =	vmul.f32 v3, v0;
	v4 =	vmul.f32 v60, v1;
	_ =	sdelay $0x1  }
0xcd: {  	v62 =	vmul.f32 v61, v2;
	v3 =	vadd.f32 v4, v3;
	_ =	sdelay $0x1  }
0xce: {  	v3 =	vadd.f32 v62, v3;
	_ =	sdelay $0x1  }
0xcf: {  	[tilespmem:$0x16180] =	vst v3  }
0xd0: {  	v3 =	vld [tilespmem:s11+$0xFB00]  }
0xd1: {  	v63 =	vld [tilespmem:s7+$0x0];
	_ =	sdelay $0x1  }
0xd2: {  	v8 =	vld [tilespmem:s8+$0x0];
	_ =	sdelay $0x2  }
0xd3: {  	v3 =	vmul.f32 v3, v0;
	v4 =	vmul.f32 v63, v1;
	_ =	sdelay $0x1  }
0xd4: {  	v9 =	vmul.f32 v8, v2;
	v3 =	vadd.f32 v4, v3;
	_ =	sdelay $0x1  }
0xd5: {  	v3 =	vadd.f32 v9, v3;
	_ =	sdelay $0x1  }
0xd6: {  	[tilespmem:$0x16200] =	vst v3  }
0xd7: {  	v3 =	vld [tilespmem:s12+$0xFB00]  }
0xd8: {  	v10 =	vld [tilespmem:s30+$0x0];
	_ =	sdelay $0x1  }
0xd9: {  	v11 =	vld [tilespmem:s31+$0x0];
	_ =	sdelay $0x2  }
0xda: {  	v0 =	vmul.f32 v3, v0;
	v1 =	vmul.f32 v10, v1;
	_ =	sdelay $0x1  }
0xdb: {  	v12 =	vmul.f32 v11, v2;
	v0 =	vadd.f32 v1, v0;
	_ =	sdelay $0x1  }
0xdc: {  	v0 =	vadd.f32 v12, v0;
	_ =	sdelay $0x1  }
0xdd: {  	[tilespmem:$0x16280] =	vst v0  }
0xde: {  	v0 =	vld [tilespmem:s4+$0x9B00]  }
0xdf: {  	v13 =	vld [tilespmem:s24+$0x9B00];
	_ =	sdelay $0x1  }
0xe0: {  	v14 =	vld [tilespmem:s14+$0x9B00];
	_ =	sdelay $0x1  }
0xe1: {  	v0 =	vmul.u32 $0x3, v0  }
0xe2: {  	v1 =	vmul.u32 $0x3, v13;
	_ =	sdelay $0x1  }
0xe3: {  	v2 =	vmul.u32 $0x3, v14;
	_ =	sdelay $0x2  }
0xe4: {  	v15 =	vld.idx.msk [tilespmem:v0+s1+$0x0], $0xffff  }
0xe5: {  	v16 =	vld.idx.msk [tilespmem:v1+s1+$0x0], $0xffff;
	_ =	sdelay $0x1  }
0xe6: {  	v17 =	vld.idx.msk [tilespmem:v2+s1+$0x0], $0xffff;
	_ =	sdelay $0x2  }
0xe7: {  	v18 =	vadd.f32 v16, v15;
	_ =	sdelay $0x1  }
0xe8: {  	v6 =	vadd.f32 v17, v18;
	_ =	sdelay $0x1  }
0xe9: {  	v6 =	vmul.f32 $3.333333430e-01, v6  }
0xea: {  	s30 =	sld [smem:$0x7D9]  }
0xeb: {  	[tilespmem:$0x15B10] =	vst v6  }
0xec: {  	s31 =	sld [smem:$0x7DB];
	v6 =	vld [tilespmem:s4+$0xFB00]  }
0xed: {  	v19 =	vld [tilespmem:s30+$0x0];
	_ =	sdelay $0x1  }
0xee: {  	v20 =	vld [tilespmem:s31+$0x0];
	_ =	sdelay $0x2  }
0xef: {  	v6 =	vmul.f32 v6, v15;
	v7 =	vmul.f32 v19, v16;
	_ =	sdelay $0x1  }
0xf0: {  	v21 =	vmul.f32 v20, v17;
	v6 =	vadd.f32 v7, v6;
	_ =	sdelay $0x1  }
0xf1: {  	v6 =	vadd.f32 v21, v6  }
0xf2: {  	s2 =	sld [smem:$0x7DD]  }
0xf3: {  	[tilespmem:$0x15D10] =	vst v6  }
0xf4: {  	s3 =	sld [smem:$0x7DF];
	v6 =	vld [tilespmem:s24+$0xFB00]  }
0xf5: {  	v22 =	vld [tilespmem:s2+$0x0];
	_ =	sdelay $0x1  }
0xf6: {  	v23 =	vld [tilespmem:s3+$0x0];
	_ =	sdelay $0x2  }
0xf7: {  	v6 =	vmul.f32 v6, v15;
	v7 =	vmul.f32 v22, v16;
	_ =	sdelay $0x1  }
0xf8: {  	v24 =	vmul.f32 v23, v17;
	v6 =	vadd.f32 v7, v6;
	_ =	sdelay $0x1  }
0xf9: {  	v6 =	vadd.f32 v24, v6  }
0xfa: {  	s5 =	sld [smem:$0x7E1]  }
0xfb: {  	[tilespmem:$0x15D90] =	vst v6  }
0xfc: {  	s6 =	sld [smem:$0x7E4];
	v6 =	vld [tilespmem:s14+$0xFB00]  }
0xfd: {  	v25 =	vld [tilespmem:s5+$0x0];
	_ =	sdelay $0x1  }
0xfe: {  	v26 =	vld [tilespmem:s6+$0x0];
	_ =	sdelay $0x2  }
0xff: {  	v6 =	vmul.f32 v6, v15;
	v7 =	vmul.f32 v25, v16;
	_ =	sdelay $0x1  }
0x100: {  	v27 =	vmul.f32 v26, v17;
	v6 =	vadd.f32 v7, v6;
	_ =	sdelay $0x1  }
0x101: {  	v6 =	vadd.f32 v27, v6  }
0x102: {  	s7 =	sld [smem:$0x7E5]  }
0x103: {  	[tilespmem:$0x15E10] =	vst v6  }
0x104: {  	s8 =	sld [smem:$0x7E6];
	v6 =	vld [tilespmem:s15+$0xFB00]  }
0x105: {  	v28 =	vld [tilespmem:s7+$0x0];
	_ =	sdelay $0x1  }
0x106: {  	v29 =	vld [tilespmem:s8+$0x0];
	_ =	sdelay $0x2  }
0x107: {  	v3 =	vmul.f32 v6, v15;
	v4 =	vmul.f32 v28, v16;
	_ =	sdelay $0x1  }
0x108: {  	v31 =	vadd.s32 $0x1, v0;
	v30 =	vmul.f32 v29, v17;
	v3 =	vadd.f32 v4, v3  }
0x109: {  	v32 =	vadd.s32 $0x1, v1  }
0x10a: {  	v3 =	vadd.f32 v30, v3  }
0x10b: {  	v33 =	vadd.s32 $0x1, v2  }
0x10c: {  	[tilespmem:$0x15E90] =	vst v3  }
0x10d: {  	v3 =	vld.idx.msk [tilespmem:v31+s1+$0x0], $0xffff  }
0x10e: {  	v34 =	vld.idx.msk [tilespmem:v32+s1+$0x0], $0xffff;
	_ =	sdelay $0x1  }
0x10f: {  	v4 =	vld.idx.msk [tilespmem:v33+s1+$0x0], $0xffff;
	_ =	sdelay $0x2  }
0x110: {  	v6 =	vadd.f32 v34, v3;
	_ =	sdelay $0x1  }
0x111: {  	v6 =	vadd.f32 v4, v6;
	_ =	sdelay $0x1  }
0x112: {  	v6 =	vmul.f32 $3.333333430e-01, v6;
	_ =	sdelay $0x1  }
0x113: {  	[tilespmem:$0x15B90] =	vst v6  }
0x114: {  	v6 =	vld [tilespmem:s4+$0xFB00]  }
0x115: {  	v35 =	vld [tilespmem:s30+$0x0];
	_ =	sdelay $0x1  }
0x116: {  	v36 =	vld [tilespmem:s31+$0x0];
	_ =	sdelay $0x2  }
0x117: {  	v6 =	vmul.f32 v6, v3;
	v7 =	vmul.f32 v35, v34;
	_ =	sdelay $0x1  }
0x118: {  	v37 =	vmul.f32 v36, v4;
	v6 =	vadd.f32 v7, v6;
	_ =	sdelay $0x1  }
0x119: {  	v6 =	vadd.f32 v37, v6;
	_ =	sdelay $0x1  }
0x11a: {  	[tilespmem:$0x15F10] =	vst v6  }
0x11b: {  	v6 =	vld [tilespmem:s24+$0xFB00]  }
0x11c: {  	v38 =	vld [tilespmem:s2+$0x0];
	_ =	sdelay $0x1  }
0x11d: {  	v39 =	vld [tilespmem:s3+$0x0];
	_ =	sdelay $0x2  }
0x11e: {  	v6 =	vmul.f32 v6, v3;
	v7 =	vmul.f32 v38, v34;
	_ =	sdelay $0x1  }
0x11f: {  	v40 =	vmul.f32 v39, v4;
	v6 =	vadd.f32 v7, v6;
	_ =	sdelay $0x1  }
0x120: {  	v6 =	vadd.f32 v40, v6;
	_ =	sdelay $0x1  }
0x121: {  	[tilespmem:$0x15F90] =	vst v6  }
0x122: {  	v6 =	vld [tilespmem:s14+$0xFB00]  }
0x123: {  	v41 =	vld [tilespmem:s5+$0x0];
	_ =	sdelay $0x1  }
0x124: {  	v42 =	vld [tilespmem:s6+$0x0];
	_ =	sdelay $0x2  }
0x125: {  	v6 =	vmul.f32 v6, v3;
	v7 =	vmul.f32 v41, v34;
	_ =	sdelay $0x1  }
0x126: {  	v43 =	vmul.f32 v42, v4;
	v6 =	vadd.f32 v7, v6;
	_ =	sdelay $0x1  }
0x127: {  	v6 =	vadd.f32 v43, v6;
	_ =	sdelay $0x1  }
0x128: {  	[tilespmem:$0x16010] =	vst v6  }
0x129: {  	v6 =	vld [tilespmem:s15+$0xFB00]  }
0x12a: {  	v44 =	vld [tilespmem:s7+$0x0];
	_ =	sdelay $0x1  }
0x12b: {  	v45 =	vld [tilespmem:s8+$0x0];
	_ =	sdelay $0x2  }
0x12c: {  	v3 =	vmul.f32 v6, v3;
	v5 =	vmul.f32 v44, v34;
	_ =	sdelay $0x1  }
0x12d: {  	v0 =	vadd.s32 $0x2, v0;
	v4 =	vmul.f32 v45, v4;
	v3 =	vadd.f32 v5, v3  }
0x12e: {  	v1 =	vadd.s32 $0x2, v1  }
0x12f: {  	v3 =	vadd.f32 v4, v3  }
0x130: {  	v2 =	vadd.s32 $0x2, v2  }
0x131: {  	[tilespmem:$0x16090] =	vst v3  }
0x132: {  	v0 =	vld.idx.msk [tilespmem:v0+s1+$0x0], $0xffff  }
0x133: {  	v1 =	vld.idx.msk [tilespmem:v1+s1+$0x0], $0xffff;
	_ =	sdelay $0x1  }
0x134: {  	v2 =	vld.idx.msk [tilespmem:v2+s1+$0x0], $0xffff;
	_ =	sdelay $0x2  }
0x135: {  	v46 =	vadd.f32 v1, v0;
	_ =	sdelay $0x1  }
0x136: {  	v3 =	vadd.f32 v2, v46;
	_ =	sdelay $0x1  }
0x137: {  	v3 =	vmul.f32 $3.333333430e-01, v3;
	_ =	sdelay $0x1  }
0x138: {  	[tilespmem:$0x15C10] =	vst v3  }
0x139: {  	v3 =	vld [tilespmem:s4+$0xFB00]  }
0x13a: {  	v47 =	vld [tilespmem:s30+$0x0];
	_ =	sdelay $0x1  }
0x13b: {  	v48 =	vld [tilespmem:s31+$0x0];
	_ =	sdelay $0x2  }
0x13c: {  	v3 =	vmul.f32 v3, v0;
	v4 =	vmul.f32 v47, v1;
	_ =	sdelay $0x1  }
0x13d: {  	v49 =	vmul.f32 v48, v2;
	v3 =	vadd.f32 v4, v3;
	_ =	sdelay $0x1  }
0x13e: {  	v3 =	vadd.f32 v49, v3;
	_ =	sdelay $0x1  }
0x13f: {  	[tilespmem:$0x16110] =	vst v3  }
0x140: {  	v3 =	vld [tilespmem:s24+$0xFB00]  }
0x141: {  	v50 =	vld [tilespmem:s2+$0x0];
	_ =	sdelay $0x1  }
0x142: {  	v51 =	vld [tilespmem:s3+$0x0];
	_ =	sdelay $0x2  }
0x143: {  	v3 =	vmul.f32 v3, v0;
	v4 =	vmul.f32 v50, v1;
	_ =	sdelay $0x1  }
0x144: {  	v52 =	vmul.f32 v51, v2;
	v3 =	vadd.f32 v4, v3;
	_ =	sdelay $0x1  }
0x145: {  	v3 =	vadd.f32 v52, v3;
	_ =	sdelay $0x1  }
0x146: {  	[tilespmem:$0x16190] =	vst v3  }
0x147: {  	v3 =	vld [tilespmem:s14+$0xFB00]  }
0x148: {  	v53 =	vld [tilespmem:s5+$0x0];
	_ =	sdelay $0x1  }
0x149: {  	v54 =	vld [tilespmem:s6+$0x0];
	_ =	sdelay $0x2  }
0x14a: {  	v3 =	vmul.f32 v3, v0;
	v4 =	vmul.f32 v53, v1;
	_ =	sdelay $0x1  }
0x14b: {  	v55 =	vmul.f32 v54, v2;
	v3 =	vadd.f32 v4, v3;
	_ =	sdelay $0x1  }
0x14c: {  	v3 =	vadd.f32 v55, v3;
	_ =	sdelay $0x1  }
0x14d: {  	[tilespmem:$0x16210] =	vst v3  }
0x14e: {  	v3 =	vld [tilespmem:s15+$0xFB00]  }
0x14f: {  	v56 =	vld [tilespmem:s7+$0x0];
	_ =	sdelay $0x1  }
0x150: {  	v57 =	vld [tilespmem:s8+$0x0];
	_ =	sdelay $0x2  }
0x151: {  	v0 =	vmul.f32 v3, v0;
	v1 =	vmul.f32 v56, v1;
	_ =	sdelay $0x1  }
0x152: {  	v58 =	vmul.f32 v57, v2;
	v0 =	vadd.f32 v1, v0;
	_ =	sdelay $0x1  }
0x153: {  	v0 =	vadd.f32 v58, v0;
	_ =	sdelay $0x1  }
0x154: {  	[tilespmem:$0x16290] =	vst v0  }
0x155: {  	v0 =	vld [tilespmem:s22+$0x9B00]  }
0x156: {  	v59 =	vld [tilespmem:s25+$0x9B00];
	_ =	sdelay $0x1  }
0x157: {  	v60 =	vld [tilespmem:s16+$0x9B00];
	_ =	sdelay $0x1  }
0x158: {  	v0 =	vmul.u32 $0x3, v0  }
0x159: {  	v1 =	vmul.u32 $0x3, v59;
	_ =	sdelay $0x1  }
0x15a: {  	v2 =	vmul.u32 $0x3, v60;
	_ =	sdelay $0x2  }
0x15b: {  	v61 =	vld.idx.msk [tilespmem:v0+s1+$0x0], $0xffff  }
0x15c: {  	v62 =	vld.idx.msk [tilespmem:v1+s1+$0x0], $0xffff;
	_ =	sdelay $0x1  }
0x15d: {  	v63 =	vld.idx.msk [tilespmem:v2+s1+$0x0], $0xffff;
	_ =	sdelay $0x2  }
0x15e: {  	v12 =	vadd.f32 v62, v61;
	_ =	sdelay $0x1  }
0x15f: {  	v6 =	vadd.f32 v63, v12;
	_ =	sdelay $0x1  }
0x160: {  	v6 =	vmul.f32 $3.333333430e-01, v6  }
0x161: {  	s2 =	sld [smem:$0x7EF]  }
0x162: {  	[tilespmem:$0x15B20] =	vst v6  }
0x163: {  	s3 =	sld [smem:$0x7F0];
	v6 =	vld [tilespmem:s22+$0xFB00]  }
0x164: {  	v13 =	vld [tilespmem:s2+$0x0];
	_ =	sdelay $0x1  }
0x165: {  	v14 =	vld [tilespmem:s3+$0x0];
	_ =	sdelay $0x2  }
0x166: {  	v6 =	vmul.f32 v6, v61;
	v7 =	vmul.f32 v13, v62;
	_ =	sdelay $0x1  }
0x167: {  	v15 =	vmul.f32 v14, v63;
	v6 =	vadd.f32 v7, v6;
	_ =	sdelay $0x1  }
0x168: {  	v6 =	vadd.f32 v15, v6  }
0x169: {  	s5 =	sld [smem:$0x7F1]  }
0x16a: {  	[tilespmem:$0x15D20] =	vst v6  }
0x16b: {  	s6 =	sld [smem:$0x7F2];
	v6 =	vld [tilespmem:s25+$0xFB00]  }
0x16c: {  	v16 =	vld [tilespmem:s5+$0x0];
	_ =	sdelay $0x1  }
0x16d: {  	v17 =	vld [tilespmem:s6+$0x0];
	_ =	sdelay $0x2  }
0x16e: {  	v6 =	vmul.f32 v6, v61;
	v7 =	vmul.f32 v16, v62;
	_ =	sdelay $0x1  }
0x16f: {  	v18 =	vmul.f32 v17, v63;
	v6 =	vadd.f32 v7, v6;
	_ =	sdelay $0x1  }
0x170: {  	v6 =	vadd.f32 v18, v6  }
0x171: {  	s7 =	sld [smem:$0x7F3]  }
0x172: {  	[tilespmem:$0x15DA0] =	vst v6  }
0x173: {  	s8 =	sld [smem:$0x7F4];
	v6 =	vld [tilespmem:s16+$0xFB00]  }
0x174: {  	v19 =	vld [tilespmem:s7+$0x0];
	_ =	sdelay $0x1  }
0x175: {  	v20 =	vld [tilespmem:s8+$0x0];
	_ =	sdelay $0x2  }
0x176: {  	v6 =	vmul.f32 v6, v61;
	v7 =	vmul.f32 v19, v62;
	_ =	sdelay $0x1  }
0x177: {  	v21 =	vmul.f32 v20, v63;
	v6 =	vadd.f32 v7, v6;
	_ =	sdelay $0x1  }
0x178: {  	v6 =	vadd.f32 v21, v6  }
0x179: {  	s30 =	sld [smem:$0x7F5]  }
0x17a: {  	[tilespmem:$0x15E20] =	vst v6  }
0x17b: {  	s31 =	sld [smem:$0x7F6];
	v6 =	vld [tilespmem:s17+$0xFB00]  }
0x17c: {  	v22 =	vld [tilespmem:s30+$0x0];
	_ =	sdelay $0x1  }
0x17d: {  	v23 =	vld [tilespmem:s31+$0x0];
	_ =	sdelay $0x2  }
0x17e: {  	v3 =	vmul.f32 v6, v61;
	v4 =	vmul.f32 v22, v62;
	_ =	sdelay $0x1  }
0x17f: {  	v25 =	vadd.s32 $0x1, v0;
	v24 =	vmul.f32 v23, v63;
	v3 =	vadd.f32 v4, v3  }
0x180: {  	v26 =	vadd.s32 $0x1, v1  }
0x181: {  	v3 =	vadd.f32 v24, v3  }
0x182: {  	v27 =	vadd.s32 $0x1, v2  }
0x183: {  	[tilespmem:$0x15EA0] =	vst v3  }
0x184: {  	v3 =	vld.idx.msk [tilespmem:v25+s1+$0x0], $0xffff  }
0x185: {  	v28 =	vld.idx.msk [tilespmem:v26+s1+$0x0], $0xffff;
	_ =	sdelay $0x1  }
0x186: {  	v4 =	vld.idx.msk [tilespmem:v27+s1+$0x0], $0xffff;
	_ =	sdelay $0x2  }
0x187: {  	v6 =	vadd.f32 v28, v3;
	_ =	sdelay $0x1  }
0x188: {  	v6 =	vadd.f32 v4, v6;
	_ =	sdelay $0x1  }
0x189: {  	v6 =	vmul.f32 $3.333333430e-01, v6;
	_ =	sdelay $0x1  }
0x18a: {  	[tilespmem:$0x15BA0] =	vst v6  }
0x18b: {  	v6 =	vld [tilespmem:s22+$0xFB00]  }
0x18c: {  	v29 =	vld [tilespmem:s2+$0x0];
	_ =	sdelay $0x1  }
0x18d: {  	v30 =	vld [tilespmem:s3+$0x0];
	_ =	sdelay $0x2  }
0x18e: {  	v6 =	vmul.f32 v6, v3;
	v7 =	vmul.f32 v29, v28;
	_ =	sdelay $0x1  }
0x18f: {  	v31 =	vmul.f32 v30, v4;
	v6 =	vadd.f32 v7, v6;
	_ =	sdelay $0x1  }
0x190: {  	v6 =	vadd.f32 v31, v6;
	_ =	sdelay $0x1  }
0x191: {  	[tilespmem:$0x15F20] =	vst v6  }
0x192: {  	v6 =	vld [tilespmem:s25+$0xFB00]  }
0x193: {  	v32 =	vld [tilespmem:s5+$0x0];
	_ =	sdelay $0x1  }
0x194: {  	v33 =	vld [tilespmem:s6+$0x0];
	_ =	sdelay $0x2  }
0x195: {  	v6 =	vmul.f32 v6, v3;
	v7 =	vmul.f32 v32, v28;
	_ =	sdelay $0x1  }
0x196: {  	v34 =	vmul.f32 v33, v4;
	v6 =	vadd.f32 v7, v6;
	_ =	sdelay $0x1  }
0x197: {  	v6 =	vadd.f32 v34, v6;
	_ =	sdelay $0x1  }
0x198: {  	[tilespmem:$0x15FA0] =	vst v6  }
0x199: {  	v6 =	vld [tilespmem:s16+$0xFB00]  }
0x19a: {  	v35 =	vld [tilespmem:s7+$0x0];
	_ =	sdelay $0x1  }
0x19b: {  	v36 =	vld [tilespmem:s8+$0x0];
	_ =	sdelay $0x2  }
0x19c: {  	v6 =	vmul.f32 v6, v3;
	v7 =	vmul.f32 v35, v28;
	_ =	sdelay $0x1  }
0x19d: {  	v37 =	vmul.f32 v36, v4;
	v6 =	vadd.f32 v7, v6;
	_ =	sdelay $0x1  }
0x19e: {  	v6 =	vadd.f32 v37, v6;
	_ =	sdelay $0x1  }
0x19f: {  	[tilespmem:$0x16020] =	vst v6  }
0x1a0: {  	v6 =	vld [tilespmem:s17+$0xFB00]  }
0x1a1: {  	v38 =	vld [tilespmem:s30+$0x0];
	_ =	sdelay $0x1  }
0x1a2: {  	v39 =	vld [tilespmem:s31+$0x0];
	_ =	sdelay $0x2  }
0x1a3: {  	v3 =	vmul.f32 v6, v3;
	v5 =	vmul.f32 v38, v28;
	_ =	sdelay $0x1  }
0x1a4: {  	v0 =	vadd.s32 $0x2, v0;
	v4 =	vmul.f32 v39, v4;
	v3 =	vadd.f32 v5, v3  }
0x1a5: {  	v1 =	vadd.s32 $0x2, v1  }
0x1a6: {  	v3 =	vadd.f32 v4, v3  }
0x1a7: {  	v2 =	vadd.s32 $0x2, v2  }
0x1a8: {  	[tilespmem:$0x160A0] =	vst v3  }
0x1a9: {  	v0 =	vld.idx.msk [tilespmem:v0+s1+$0x0], $0xffff  }
0x1aa: {  	v1 =	vld.idx.msk [tilespmem:v1+s1+$0x0], $0xffff;
	_ =	sdelay $0x1  }
0x1ab: {  	v2 =	vld.idx.msk [tilespmem:v2+s1+$0x0], $0xffff;
	_ =	sdelay $0x2  }
0x1ac: {  	v40 =	vadd.f32 v1, v0;
	_ =	sdelay $0x1  }
0x1ad: {  	v3 =	vadd.f32 v2, v40;
	_ =	sdelay $0x1  }
0x1ae: {  	v3 =	vmul.f32 $3.333333430e-01, v3;
	_ =	sdelay $0x1  }
0x1af: {  	[tilespmem:$0x15C20] =	vst v3  }
0x1b0: {  	v3 =	vld [tilespmem:s22+$0xFB00]  }
0x1b1: {  	v41 =	vld [tilespmem:s2+$0x0];
	_ =	sdelay $0x1  }
0x1b2: {  	v42 =	vld [tilespmem:s3+$0x0];
	_ =	sdelay $0x2  }
0x1b3: {  	v3 =	vmul.f32 v3, v0;
	v4 =	vmul.f32 v41, v1;
	_ =	sdelay $0x1  }
0x1b4: {  	v43 =	vmul.f32 v42, v2;
	v3 =	vadd.f32 v4, v3;
	_ =	sdelay $0x1  }
0x1b5: {  	v3 =	vadd.f32 v43, v3;
	_ =	sdelay $0x1  }
0x1b6: {  	[tilespmem:$0x16120] =	vst v3  }
0x1b7: {  	v3 =	vld [tilespmem:s25+$0xFB00]  }
0x1b8: {  	v44 =	vld [tilespmem:s5+$0x0];
	_ =	sdelay $0x1  }
0x1b9: {  	v45 =	vld [tilespmem:s6+$0x0];
	_ =	sdelay $0x2  }
0x1ba: {  	v3 =	vmul.f32 v3, v0;
	v4 =	vmul.f32 v44, v1;
	_ =	sdelay $0x1  }
0x1bb: {  	v46 =	vmul.f32 v45, v2;
	v3 =	vadd.f32 v4, v3;
	_ =	sdelay $0x1  }
0x1bc: {  	v3 =	vadd.f32 v46, v3;
	_ =	sdelay $0x1  }
0x1bd: {  	[tilespmem:$0x161A0] =	vst v3  }
0x1be: {  	v3 =	vld [tilespmem:s16+$0xFB00]  }
0x1bf: {  	v47 =	vld [tilespmem:s7+$0x0];
	_ =	sdelay $0x1  }
0x1c0: {  	v48 =	vld [tilespmem:s8+$0x0];
	_ =	sdelay $0x2  }
0x1c1: {  	v3 =	vmul.f32 v3, v0;
	v4 =	vmul.f32 v47, v1;
	_ =	sdelay $0x1  }
0x1c2: {  	v49 =	vmul.f32 v48, v2;
	v3 =	vadd.f32 v4, v3;
	_ =	sdelay $0x1  }
0x1c3: {  	v3 =	vadd.f32 v49, v3;
	_ =	sdelay $0x1  }
0x1c4: {  	[tilespmem:$0x16220] =	vst v3  }
0x1c5: {  	v3 =	vld [tilespmem:s17+$0xFB00]  }
0x1c6: {  	v50 =	vld [tilespmem:s30+$0x0];
	_ =	sdelay $0x1  }
0x1c7: {  	v51 =	vld [tilespmem:s31+$0x0];
	_ =	sdelay $0x2  }
0x1c8: {  	v0 =	vmul.f32 v3, v0;
	v1 =	vmul.f32 v50, v1;
	_ =	sdelay $0x1  }
0x1c9: {  	v52 =	vmul.f32 v51, v2;
	v0 =	vadd.f32 v1, v0;
	_ =	sdelay $0x1  }
0x1ca: {  	v0 =	vadd.f32 v52, v0;
	_ =	sdelay $0x1  }
0x1cb: {  	[tilespmem:$0x162A0] =	vst v0  }
0x1cc: {  	v0 =	vld [tilespmem:s0+$0x9B00]  }
0x1cd: {  	v53 =	vld [tilespmem:s26+$0x9B00];
	_ =	sdelay $0x1  }
0x1ce: {  	v54 =	vld [tilespmem:s18+$0x9B00];
	_ =	sdelay $0x1  }
0x1cf: {  	v0 =	vmul.u32 $0x3, v0  }
0x1d0: {  	v1 =	vmul.u32 $0x3, v53;
	_ =	sdelay $0x1  }
0x1d1: {  	v2 =	vmul.u32 $0x3, v54;
	_ =	sdelay $0x2  }
0x1d2: {  	v55 =	vld.idx.msk [tilespmem:v0+s1+$0x0], $0xffff  }
0x1d3: {  	v56 =	vld.idx.msk [tilespmem:v1+s1+$0x0], $0xffff;
	_ =	sdelay $0x1  }
0x1d4: {  	v57 =	vld.idx.msk [tilespmem:v2+s1+$0x0], $0xffff;
	_ =	sdelay $0x2  }
0x1d5: {  	v58 =	vadd.f32 v56, v55;
	_ =	sdelay $0x1  }
0x1d6: {  	v6 =	vadd.f32 v57, v58;
	_ =	sdelay $0x1  }
0x1d7: {  	v6 =	vmul.f32 $3.333333430e-01, v6  }
0x1d8: {  	s5 =	sld [smem:$0x7F7]  }
0x1d9: {  	[tilespmem:$0x15B30] =	vst v6  }
0x1da: {  	s6 =	sld [smem:$0x7F8];
	v6 =	vld [tilespmem:s0+$0xFB00]  }
0x1db: {  	v59 =	vld [tilespmem:s5+$0x0];
	_ =	sdelay $0x1  }
0x1dc: {  	v60 =	vld [tilespmem:s6+$0x0];
	_ =	sdelay $0x2  }
0x1dd: {  	v6 =	vmul.f32 v6, v55;
	v7 =	vmul.f32 v59, v56;
	_ =	sdelay $0x1  }
0x1de: {  	v61 =	vmul.f32 v60, v57;
	v6 =	vadd.f32 v7, v6;
	_ =	sdelay $0x1  }
0x1df: {  	v6 =	vadd.f32 v61, v6  }
0x1e0: {  	s7 =	sld [smem:$0x7F9]  }
0x1e1: {  	[tilespmem:$0x15D30] =	vst v6  }
0x1e2: {  	s8 =	sld [smem:$0x7FA];
	v6 =	vld [tilespmem:s26+$0xFB00]  }
0x1e3: {  	v62 =	vld [tilespmem:s7+$0x0];
	_ =	sdelay $0x1  }
0x1e4: {  	v63 =	vld [tilespmem:s8+$0x0];
	_ =	sdelay $0x2  }
0x1e5: {  	v6 =	vmul.f32 v6, v55;
	v7 =	vmul.f32 v62, v56;
	_ =	sdelay $0x1  }
0x1e6: {  	v11 =	vmul.f32 v63, v57;
	v6 =	vadd.f32 v7, v6;
	_ =	sdelay $0x1  }
0x1e7: {  	v6 =	vadd.f32 v11, v6  }
0x1e8: {  	s30 =	sld [smem:$0x7FB]  }
0x1e9: {  	[tilespmem:$0x15DB0] =	vst v6  }
0x1ea: {  	s31 =	sld [smem:$0x7FC];
	v6 =	vld [tilespmem:s18+$0xFB00]  }
0x1eb: {  	v12 =	vld [tilespmem:s30+$0x0];
	_ =	sdelay $0x1  }
0x1ec: {  	v13 =	vld [tilespmem:s31+$0x0];
	_ =	sdelay $0x2  }
0x1ed: {  	v6 =	vmul.f32 v6, v55;
	v7 =	vmul.f32 v12, v56;
	_ =	sdelay $0x1  }
0x1ee: {  	v14 =	vmul.f32 v13, v57;
	v6 =	vadd.f32 v7, v6;
	_ =	sdelay $0x1  }
0x1ef: {  	v6 =	vadd.f32 v14, v6;
	_ =	sdelay $0x1  }
0x1f0: {  	[tilespmem:$0x15E30] =	vst v6  }
0x1f1: {  	v6 =	vld [tilespmem:s19+$0xFB00]  }
0x1f2: {  	v15 =	vld [tilespmem:s9+$0x0];
	_ =	sdelay $0x1  }
0x1f3: {  	v16 =	vld [tilespmem:s10+$0x0];
	_ =	sdelay $0x2  }
0x1f4: {  	v3 =	vmul.f32 v6, v55;
	v4 =	vmul.f32 v15, v56;
	_ =	sdelay $0x1  }
0x1f5: {  	v18 =	vadd.s32 $0x1, v0;
	v17 =	vmul.f32 v16, v57;
	v3 =	vadd.f32 v4, v3  }
0x1f6: {  	v19 =	vadd.s32 $0x1, v1  }
0x1f7: {  	v3 =	vadd.f32 v17, v3  }
0x1f8: {  	v20 =	vadd.s32 $0x1, v2  }
0x1f9: {  	[tilespmem:$0x15EB0] =	vst v3  }
0x1fa: {  	v3 =	vld.idx.msk [tilespmem:v18+s1+$0x0], $0xffff  }
0x1fb: {  	v21 =	vld.idx.msk [tilespmem:v19+s1+$0x0], $0xffff;
	_ =	sdelay $0x1  }
0x1fc: {  	v4 =	vld.idx.msk [tilespmem:v20+s1+$0x0], $0xffff;
	_ =	sdelay $0x2  }
0x1fd: {  	v6 =	vadd.f32 v21, v3;
	_ =	sdelay $0x1  }
0x1fe: {  	v6 =	vadd.f32 v4, v6;
	_ =	sdelay $0x1  }
0x1ff: {  	v6 =	vmul.f32 $3.333333430e-01, v6;
	_ =	sdelay $0x1  }
0x200: {  	[tilespmem:$0x15BB0] =	vst v6  }
0x201: {  	v6 =	vld [tilespmem:s0+$0xFB00]  }
0x202: {  	v22 =	vld [tilespmem:s5+$0x0];
	_ =	sdelay $0x1  }
0x203: {  	v23 =	vld [tilespmem:s6+$0x0];
	_ =	sdelay $0x2  }
0x204: {  	v6 =	vmul.f32 v6, v3;
	v7 =	vmul.f32 v22, v21;
	_ =	sdelay $0x1  }
0x205: {  	v24 =	vmul.f32 v23, v4;
	v6 =	vadd.f32 v7, v6;
	_ =	sdelay $0x1  }
0x206: {  	v6 =	vadd.f32 v24, v6;
	_ =	sdelay $0x1  }
0x207: {  	[tilespmem:$0x15F30] =	vst v6  }
0x208: {  	v6 =	vld [tilespmem:s26+$0xFB00]  }
0x209: {  	v25 =	vld [tilespmem:s7+$0x0];
	_ =	sdelay $0x1  }
0x20a: {  	v26 =	vld [tilespmem:s8+$0x0];
	_ =	sdelay $0x2  }
0x20b: {  	v6 =	vmul.f32 v6, v3;
	v7 =	vmul.f32 v25, v21;
	_ =	sdelay $0x1  }
0x20c: {  	v27 =	vmul.f32 v26, v4;
	v6 =	vadd.f32 v7, v6;
	_ =	sdelay $0x1  }
0x20d: {  	v6 =	vadd.f32 v27, v6;
	_ =	sdelay $0x1  }
0x20e: {  	[tilespmem:$0x15FB0] =	vst v6  }
0x20f: {  	v6 =	vld [tilespmem:s18+$0xFB00]  }
0x210: {  	v28 =	vld [tilespmem:s30+$0x0];
	_ =	sdelay $0x1  }
0x211: {  	v29 =	vld [tilespmem:s31+$0x0];
	_ =	sdelay $0x2  }
0x212: {  	v6 =	vmul.f32 v6, v3;
	v7 =	vmul.f32 v28, v21;
	_ =	sdelay $0x1  }
0x213: {  	v30 =	vmul.f32 v29, v4;
	v6 =	vadd.f32 v7, v6;
	_ =	sdelay $0x1  }
0x214: {  	v6 =	vadd.f32 v30, v6;
	_ =	sdelay $0x1  }
0x215: {  	[tilespmem:$0x16030] =	vst v6  }
0x216: {  	v6 =	vld [tilespmem:s19+$0xFB00]  }
0x217: {  	v31 =	vld [tilespmem:s9+$0x0];
	_ =	sdelay $0x1  }
0x218: {  	v32 =	vld [tilespmem:s10+$0x0];
	_ =	sdelay $0x2  }
0x219: {  	v3 =	vmul.f32 v6, v3;
	v5 =	vmul.f32 v31, v21;
	_ =	sdelay $0x1  }
0x21a: {  	v0 =	vadd.s32 $0x2, v0;
	v4 =	vmul.f32 v32, v4;
	v3 =	vadd.f32 v5, v3  }
0x21b: {  	v1 =	vadd.s32 $0x2, v1  }
0x21c: {  	v3 =	vadd.f32 v4, v3  }
0x21d: {  	v2 =	vadd.s32 $0x2, v2  }
0x21e: {  	[tilespmem:$0x160B0] =	vst v3  }
0x21f: {  	v0 =	vld.idx.msk [tilespmem:v0+s1+$0x0], $0xffff  }
0x220: {  	v1 =	vld.idx.msk [tilespmem:v1+s1+$0x0], $0xffff;
	_ =	sdelay $0x1  }
0x221: {  	v2 =	vld.idx.msk [tilespmem:v2+s1+$0x0], $0xffff;
	_ =	sdelay $0x2  }
0x222: {  	v33 =	vadd.f32 v1, v0;
	_ =	sdelay $0x1  }
0x223: {  	v3 =	vadd.f32 v2, v33;
	_ =	sdelay $0x1  }
0x224: {  	v3 =	vmul.f32 $3.333333430e-01, v3;
	_ =	sdelay $0x1  }
0x225: {  	[tilespmem:$0x15C30] =	vst v3  }
0x226: {  	v3 =	vld [tilespmem:s0+$0xFB00]  }
0x227: {  	v34 =	vld [tilespmem:s5+$0x0];
	_ =	sdelay $0x1  }
0x228: {  	v35 =	vld [tilespmem:s6+$0x0];
	_ =	sdelay $0x2  }
0x229: {  	v3 =	vmul.f32 v3, v0;
	v4 =	vmul.f32 v34, v1;
	_ =	sdelay $0x1  }
0x22a: {  	v36 =	vmul.f32 v35, v2;
	v3 =	vadd.f32 v4, v3;
	_ =	sdelay $0x1  }
0x22b: {  	v3 =	vadd.f32 v36, v3;
	_ =	sdelay $0x1  }
0x22c: {  	[tilespmem:$0x16130] =	vst v3  }
0x22d: {  	v3 =	vld [tilespmem:s26+$0xFB00]  }
0x22e: {  	v37 =	vld [tilespmem:s7+$0x0];
	_ =	sdelay $0x1  }
0x22f: {  	v38 =	vld [tilespmem:s8+$0x0];
	_ =	sdelay $0x2  }
0x230: {  	v3 =	vmul.f32 v3, v0;
	v4 =	vmul.f32 v37, v1;
	_ =	sdelay $0x1  }
0x231: {  	v39 =	vmul.f32 v38, v2;
	v3 =	vadd.f32 v4, v3;
	_ =	sdelay $0x1  }
0x232: {  	v3 =	vadd.f32 v39, v3;
	_ =	sdelay $0x1  }
0x233: {  	[tilespmem:$0x161B0] =	vst v3  }
0x234: {  	v3 =	vld [tilespmem:s18+$0xFB00]  }
0x235: {  	v40 =	vld [tilespmem:s30+$0x0];
	_ =	sdelay $0x1  }
0x236: {  	v41 =	vld [tilespmem:s31+$0x0];
	_ =	sdelay $0x2  }
0x237: {  	v3 =	vmul.f32 v3, v0;
	v4 =	vmul.f32 v40, v1;
	_ =	sdelay $0x1  }
0x238: {  	v42 =	vmul.f32 v41, v2;
	v3 =	vadd.f32 v4, v3;
	_ =	sdelay $0x1  }
0x239: {  	v3 =	vadd.f32 v42, v3;
	_ =	sdelay $0x1  }
0x23a: {  	[tilespmem:$0x16230] =	vst v3  }
0x23b: {  	v3 =	vld [tilespmem:s19+$0xFB00]  }
0x23c: {  	v43 =	vld [tilespmem:s9+$0x0];
	_ =	sdelay $0x1  }
0x23d: {  	v44 =	vld [tilespmem:s10+$0x0];
	_ =	sdelay $0x2  }
0x23e: {  	v0 =	vmul.f32 v3, v0;
	v1 =	vmul.f32 v43, v1;
	_ =	sdelay $0x1  }
0x23f: {  	v45 =	vmul.f32 v44, v2;
	v0 =	vadd.f32 v1, v0;
	_ =	sdelay $0x1  }
0x240: {  	v0 =	vadd.f32 v45, v0  }
0x241: {  	s2 =	rddreg [dreg:$0x9]  }
0x242: {  	s3 =	rddreg [dreg:$0x1d];
	[tilespmem:$0x162B0] =	vst v0  }
0x243: {  	[hbm4b:s2+s1] =	stream.linear.scatter [tilespmem:s3], [sflag:$0x1], $0x40, $0x38;
	[tilespmem:$0x16500] =	vst v63  }
0x244: {  	_ =	swait.ge [sflag:s28], $0x40  }
0x245: {  	s6 =	sld [smem:$0x7D0]  }
0x246: {  	[sflag:s28] =	ssyncset.done $0x0  }
0x247: {  	s5 =	rddreg [dreg:$0x1e];
	[sflag:s28] =	ssyncadd.s32 $0xFFFFFFC0  }
0x248: {  	[hbm4b:s6+s1] =	stream.linear.scatter [tilespmem:s5], [sflag:$0x1], $0x40, $0x38;
	[tilespmem:$0x16500] =	vst v63  }
0x249: {  	_ =	swait.ge [sflag:s28], $0x40  }
0x24a: {  	s7 =	rddreg [dreg:$0xa];
	[sflag:s28] =	ssyncset.done $0x0  }
0x24b: {  	s8 =	rddreg [dreg:$0x1f];
	[sflag:s28] =	ssyncadd.s32 $0xFFFFFFC0  }
0x24c: {  	[hbm4b:s7+s1] =	stream.linear.scatter [tilespmem:s8], [sflag:$0x1], $0x40, $0x38;
	[tilespmem:$0x16500] =	vst v63  }
0x24d: {  	_ =	swait.ge [sflag:s28], $0x40  }
0x24e: {  	s3 =	sld [smem:$0x7D1]  }
0x24f: {  	[sflag:s28] =	ssyncset.done $0x0  }
0x250: {  	s2 =	rddreg [dreg:$0xb];
	[sflag:s28] =	ssyncadd.s32 $0xFFFFFFC0  }
0x251: {  	[hbm4b:s2+s1] =	stream.linear.scatter [tilespmem:s3], [sflag:$0x1], $0x40, $0x38;
	[tilespmem:$0x16500] =	vst v63  }
0x252: {  	_ =	swait.ge [sflag:s28], $0x40  }
0x253: {  	s6 =	sld [smem:$0x7D2]  }
0x254: {  	[sflag:s28] =	ssyncset.done $0x0  }
0x255: {  	s5 =	rddreg [dreg:$0xc];
	[sflag:s28] =	ssyncadd.s32 $0xFFFFFFC0  }
0x256: {  	[hbm4b:s5+s1] =	stream.linear.scatter [tilespmem:s6], [sflag:$0x1], $0x40, $0x38;
	[tilespmem:$0x16500] =	vst v63  }
0x257: {  	_ =	swait.ge [sflag:s28], $0x40  }
0x258: {  	s8 =	sld [smem:$0x7D3]  }
0x259: {  	[sflag:s28] =	ssyncset.done $0x0  }
0x25a: {  	s7 =	rddreg [dreg:$0xd];
	[sflag:s28] =	ssyncadd.s32 $0xFFFFFFC0  }
0x25b: {  	[hbm4b:s7+s1] =	stream.linear.scatter [tilespmem:s8], [sflag:$0x1], $0x40, $0x38;
	[tilespmem:$0x16500] =	vst v63  }
0x25c: {  	_ =	swait.ge [sflag:s28], $0x40  }
0x25d: {  	s3 =	sld [smem:$0x7D4]  }
0x25e: {  	[sflag:s28] =	ssyncset.done $0x0  }
0x25f: {  	s2 =	rddreg [dreg:$0xe];
	[sflag:s28] =	ssyncadd.s32 $0xFFFFFFC0  }
0x260: {  	[hbm4b:s2+s1] =	stream.linear.scatter [tilespmem:s3], [sflag:$0x1], $0x40, $0x38;
	[tilespmem:$0x16500] =	vst v63  }
0x261: {  	_ =	swait.ge [sflag:s28], $0x40  }
0x262: {  	s6 =	sld [smem:$0x7D5]  }
0x263: {  	[sflag:s28] =	ssyncset.done $0x0  }
0x264: {  	s5 =	rddreg [dreg:$0xf];
	[sflag:s28] =	ssyncadd.s32 $0xFFFFFFC0  }
0x265: {  	[hbm4b:s5+s1] =	stream.linear.scatter [tilespmem:s6], [sflag:$0x1], $0x40, $0x38;
	[tilespmem:$0x16500] =	vst v63  }
0x266: {  	_ =	swait.ge [sflag:s28], $0x40  }
0x267: {  	s8 =	sld [smem:$0x7D6]  }
0x268: {  	[sflag:s28] =	ssyncset.done $0x0  }
0x269: {  	s7 =	rddreg [dreg:$0x10];
	[sflag:s28] =	ssyncadd.s32 $0xFFFFFFC0  }
0x26a: {  	[hbm4b:s7+s1] =	stream.linear.scatter [tilespmem:s8], [sflag:$0x1], $0x40, $0x38;
	[tilespmem:$0x16500] =	vst v63  }
0x26b: {  	_ =	swait.ge [sflag:s28], $0x40  }
0x26c: {  	s3 =	sld [smem:$0x7D7]  }
0x26d: {  	[sflag:s28] =	ssyncset.done $0x0  }
0x26e: {  	s2 =	rddreg [dreg:$0x11];
	[sflag:s28] =	ssyncadd.s32 $0xFFFFFFC0  }
0x26f: {  	[hbm4b:s2+s1] =	stream.linear.scatter [tilespmem:s3], [sflag:$0x1], $0x40, $0x38;
	[tilespmem:$0x16500] =	vst v63  }
0x270: {  	_ =	swait.ge [sflag:s28], $0x40  }
0x271: {  	s6 =	sld [smem:$0x7D8]  }
0x272: {  	[sflag:s28] =	ssyncset.done $0x0  }
0x273: {  	s5 =	rddreg [dreg:$0x12];
	[sflag:s28] =	ssyncadd.s32 $0xFFFFFFC0  }
0x274: {  	[hbm4b:s5+s1] =	stream.linear.scatter [tilespmem:s6], [sflag:$0x1], $0x40, $0x38;
	[tilespmem:$0x16500] =	vst v63  }
0x275: {  	_ =	swait.ge [sflag:s28], $0x40  }
0x276: {  	s8 =	sld [smem:$0x7DA]  }
0x277: {  	[sflag:s28] =	ssyncset.done $0x0  }
0x278: {  	s7 =	rddreg [dreg:$0x13];
	[sflag:s28] =	ssyncadd.s32 $0xFFFFFFC0  }
0x279: {  	[hbm4b:s7+s1] =	stream.linear.scatter [tilespmem:s8], [sflag:$0x1], $0x40, $0x38;
	[tilespmem:$0x16500] =	vst v63  }
0x27a: {  	_ =	swait.ge [sflag:s28], $0x40  }
0x27b: {  	s3 =	sld [smem:$0x7DC]  }
0x27c: {  	[sflag:s28] =	ssyncset.done $0x0  }
0x27d: {  	s2 =	rddreg [dreg:$0x14];
	[sflag:s28] =	ssyncadd.s32 $0xFFFFFFC0  }
0x27e: {  	[hbm4b:s2+s1] =	stream.linear.scatter [tilespmem:s3], [sflag:$0x1], $0x40, $0x38;
	[tilespmem:$0x16500] =	vst v63  }
0x27f: {  	_ =	swait.ge [sflag:s28], $0x40  }
0x280: {  	s6 =	sld [smem:$0x7DE]  }
0x281: {  	[sflag:s28] =	ssyncset.done $0x0  }
0x282: {  	s5 =	rddreg [dreg:$0x15];
	[sflag:s28] =	ssyncadd.s32 $0xFFFFFFC0  }
0x283: {  	[hbm4b:s5+s1] =	stream.linear.scatter [tilespmem:s6], [sflag:$0x1], $0x40, $0x38;
	[tilespmem:$0x16500] =	vst v63  }
0x284: {  	_ =	swait.ge [sflag:s28], $0x40  }
0x285: {  	s8 =	sld [smem:$0x7E0]  }
0x286: {  	[sflag:s28] =	ssyncset.done $0x0  }
0x287: {  	s7 =	rddreg [dreg:$0x16];
	[sflag:s28] =	ssyncadd.s32 $0xFFFFFFC0  }
0x288: {  	[hbm4b:s7+s1] =	stream.linear.scatter [tilespmem:s8], [sflag:$0x1], $0x40, $0x38;
	[tilespmem:$0x16500] =	vst v63  }
0x289: {  	_ =	swait.ge [sflag:s28], $0x40  }
0x28a: {  	[sflag:s28] =	ssyncset.done $0x0  }
0x28b: {  	[sflag:s28] =	ssyncadd.s32 $0xFFFFFFC0  }
0x28c: {  	v46 =	vld [tilespmem:s20+$0xBB00]  }
0x28d: {  	v47 =	vld [tilespmem:s20+$0xBB80];
	_ =	sdelay $0x1  }
0x28e: {  	v48 =	vld [tilespmem:s20+$0xBC00];
	_ =	sdelay $0x1  }
0x28f: {  	v0 =	vmul.u32 $0x3, v46  }
0x290: {  	v1 =	vmul.u32 $0x3, v47;
	_ =	sdelay $0x1  }
0x291: {  	v2 =	vmul.u32 $0x3, v48;
	_ =	sdelay $0x2  }
0x292: {  	v49 =	vld.idx.msk [tilespmem:v0+s29+$0x0], $0xffff  }
0x293: {  	v50 =	vld.idx.msk [tilespmem:v1+s29+$0x0], $0xffff;
	_ =	sdelay $0x1  }
0x294: {  	v51 =	vld.idx.msk [tilespmem:v2+s29+$0x0], $0xffff;
	_ =	sdelay $0x2  }
0x295: {  	v3 =	vadd.f32 v50, v49;
	_ =	sdelay $0x1  }
0x296: {  	v52 =	vadd.s32 $0x1, v0;
	v3 =	vadd.f32 v51, v3  }
0x297: {  	v53 =	vadd.s32 $0x1, v1  }
0x298: {  	v3 =	vmul.f32 $3.333333430e-01, v3  }
0x299: {  	v54 =	vadd.s32 $0x1, v2  }
0x29a: {  	[tilespmem:$0x16300] =	vst v3  }
0x29b: {  	v3 =	vld.idx.msk [tilespmem:v52+s29+$0x0], $0xffff  }
0x29c: {  	v55 =	vld.idx.msk [tilespmem:v53+s29+$0x0], $0xffff;
	_ =	sdelay $0x1  }
0x29d: {  	v56 =	vld.idx.msk [tilespmem:v54+s29+$0x0], $0xffff;
	_ =	sdelay $0x2  }
0x29e: {  	v3 =	vadd.f32 v55, v3;
	_ =	sdelay $0x1  }
0x29f: {  	v0 =	vadd.s32 $0x2, v0;
	v3 =	vadd.f32 v56, v3  }
0x2a0: {  	v1 =	vadd.s32 $0x2, v1  }
0x2a1: {  	v3 =	vmul.f32 $3.333333430e-01, v3  }
0x2a2: {  	v2 =	vadd.s32 $0x2, v2  }
0x2a3: {  	[tilespmem:$0x16380] =	vst v3  }
0x2a4: {  	v0 =	vld.idx.msk [tilespmem:v0+s29+$0x0], $0xffff  }
0x2a5: {  	v1 =	vld.idx.msk [tilespmem:v1+s29+$0x0], $0xffff;
	_ =	sdelay $0x1  }
0x2a6: {  	v2 =	vld.idx.msk [tilespmem:v2+s29+$0x0], $0xffff;
	_ =	sdelay $0x2  }
0x2a7: {  	v0 =	vadd.f32 v1, v0;
	_ =	sdelay $0x1  }
0x2a8: {  	v0 =	vadd.f32 v2, v0;
	_ =	sdelay $0x1  }
0x2a9: {  	v0 =	vmul.f32 $3.333333430e-01, v0;
	_ =	sdelay $0x1  }
0x2aa: {  	[tilespmem:$0x16400] =	vst v0  }
0x2ab: {  	v0 =	vld [tilespmem:s20+$0xBB10]  }
0x2ac: {  	v57 =	vld [tilespmem:s20+$0xBB90];
	_ =	sdelay $0x1  }
0x2ad: {  	v58 =	vld [tilespmem:s20+$0xBC10];
	_ =	sdelay $0x1  }
0x2ae: {  	v0 =	vmul.u32 $0x3, v0  }
0x2af: {  	v1 =	vmul.u32 $0x3, v57;
	_ =	sdelay $0x1  }
0x2b0: {  	v2 =	vmul.u32 $0x3, v58;
	_ =	sdelay $0x2  }
0x2b1: {  	v3 =	vld.idx.msk [tilespmem:v0+s29+$0x0], $0xffff  }
0x2b2: {  	v59 =	vld.idx.msk [tilespmem:v1+s29+$0x0], $0xffff;
	_ =	sdelay $0x1  }
0x2b3: {  	v60 =	vld.idx.msk [tilespmem:v2+s29+$0x0], $0xffff;
	_ =	sdelay $0x2  }
0x2b4: {  	v3 =	vadd.f32 v59, v3;
	_ =	sdelay $0x1  }
0x2b5: {  	v61 =	vadd.s32 $0x1, v0;
	v3 =	vadd.f32 v60, v3  }
0x2b6: {  	v62 =	vadd.s32 $0x1, v1  }
0x2b7: {  	v3 =	vmul.f32 $3.333333430e-01, v3  }
0x2b8: {  	v63 =	vadd.s32 $0x1, v2  }
0x2b9: {  	[tilespmem:$0x16310] =	vst v3  }
0x2ba: {  	v3 =	vld.idx.msk [tilespmem:v61+s29+$0x0], $0xffff  }
0x2bb: {  	v8 =	vld.idx.msk [tilespmem:v62+s29+$0x0], $0xffff;
	_ =	sdelay $0x1  }
0x2bc: {  	v9 =	vld.idx.msk [tilespmem:v63+s29+$0x0], $0xffff;
	_ =	sdelay $0x2  }
0x2bd: {  	v3 =	vadd.f32 v8, v3;
	_ =	sdelay $0x1  }
0x2be: {  	v0 =	vadd.s32 $0x2, v0;
	v3 =	vadd.f32 v9, v3  }
0x2bf: {  	v1 =	vadd.s32 $0x2, v1  }
0x2c0: {  	v3 =	vmul.f32 $3.333333430e-01, v3  }
0x2c1: {  	v2 =	vadd.s32 $0x2, v2  }
0x2c2: {  	[tilespmem:$0x16390] =	vst v3  }
0x2c3: {  	v0 =	vld.idx.msk [tilespmem:v0+s29+$0x0], $0xffff  }
0x2c4: {  	v1 =	vld.idx.msk [tilespmem:v1+s29+$0x0], $0xffff;
	_ =	sdelay $0x1  }
0x2c5: {  	v2 =	vld.idx.msk [tilespmem:v2+s29+$0x0], $0xffff;
	_ =	sdelay $0x2  }
0x2c6: {  	v0 =	vadd.f32 v1, v0;
	_ =	sdelay $0x1  }
0x2c7: {  	v0 =	vadd.f32 v2, v0;
	_ =	sdelay $0x1  }
0x2c8: {  	v0 =	vmul.f32 $3.333333430e-01, v0;
	_ =	sdelay $0x1  }
0x2c9: {  	[tilespmem:$0x16410] =	vst v0  }
0x2ca: {  	v0 =	vld [tilespmem:s20+$0xBB20]  }
0x2cb: {  	v10 =	vld [tilespmem:s20+$0xBBA0];
	_ =	sdelay $0x1  }
0x2cc: {  	v11 =	vld [tilespmem:s20+$0xBC20];
	_ =	sdelay $0x1  }
0x2cd: {  	v0 =	vmul.u32 $0x3, v0  }
0x2ce: {  	v1 =	vmul.u32 $0x3, v10;
	_ =	sdelay $0x1  }
0x2cf: {  	v2 =	vmul.u32 $0x3, v11;
	_ =	sdelay $0x2  }
0x2d0: {  	v3 =	vld.idx.msk [tilespmem:v0+s29+$0x0], $0xffff  }
0x2d1: {  	v12 =	vld.idx.msk [tilespmem:v1+s29+$0x0], $0xffff;
	_ =	sdelay $0x1  }
0x2d2: {  	v13 =	vld.idx.msk [tilespmem:v2+s29+$0x0], $0xffff;
	_ =	sdelay $0x2  }
0x2d3: {  	v3 =	vadd.f32 v12, v3;
	_ =	sdelay $0x1  }
0x2d4: {  	v14 =	vadd.s32 $0x1, v0;
	v3 =	vadd.f32 v13, v3  }
0x2d5: {  	v15 =	vadd.s32 $0x1, v1  }
0x2d6: {  	v3 =	vmul.f32 $3.333333430e-01, v3  }
0x2d7: {  	v16 =	vadd.s32 $0x1, v2  }
0x2d8: {  	[tilespmem:$0x16320] =	vst v3  }
0x2d9: {  	v3 =	vld.idx.msk [tilespmem:v14+s29+$0x0], $0xffff  }
0x2da: {  	v17 =	vld.idx.msk [tilespmem:v15+s29+$0x0], $0xffff;
	_ =	sdelay $0x1  }
0x2db: {  	v18 =	vld.idx.msk [tilespmem:v16+s29+$0x0], $0xffff;
	_ =	sdelay $0x2  }
0x2dc: {  	v3 =	vadd.f32 v17, v3;
	_ =	sdelay $0x1  }
0x2dd: {  	v0 =	vadd.s32 $0x2, v0;
	v3 =	vadd.f32 v18, v3  }
0x2de: {  	v1 =	vadd.s32 $0x2, v1  }
0x2df: {  	v3 =	vmul.f32 $3.333333430e-01, v3  }
0x2e0: {  	v2 =	vadd.s32 $0x2, v2  }
0x2e1: {  	[tilespmem:$0x163A0] =	vst v3  }
0x2e2: {  	v0 =	vld.idx.msk [tilespmem:v0+s29+$0x0], $0xffff  }
0x2e3: {  	v1 =	vld.idx.msk [tilespmem:v1+s29+$0x0], $0xffff;
	_ =	sdelay $0x1  }
0x2e4: {  	v2 =	vld.idx.msk [tilespmem:v2+s29+$0x0], $0xffff;
	_ =	sdelay $0x2  }
0x2e5: {  	v0 =	vadd.f32 v1, v0;
	_ =	sdelay $0x1  }
0x2e6: {  	v0 =	vadd.f32 v2, v0;
	_ =	sdelay $0x1  }
0x2e7: {  	v0 =	vmul.f32 $3.333333430e-01, v0;
	_ =	sdelay $0x1  }
0x2e8: {  	[tilespmem:$0x16420] =	vst v0  }
0x2e9: {  	v0 =	vld [tilespmem:s20+$0xBB30]  }
0x2ea: {  	v19 =	vld [tilespmem:s20+$0xBBB0];
	_ =	sdelay $0x1  }
0x2eb: {  	v20 =	vld [tilespmem:s20+$0xBC30];
	_ =	sdelay $0x1  }
0x2ec: {  	v0 =	vmul.u32 $0x3, v0  }
0x2ed: {  	v1 =	vmul.u32 $0x3, v19;
	_ =	sdelay $0x1  }
0x2ee: {  	v2 =	vmul.u32 $0x3, v20;
	_ =	sdelay $0x2  }
0x2ef: {  	v3 =	vld.idx.msk [tilespmem:v0+s29+$0x0], $0xffff  }
0x2f0: {  	v21 =	vld.idx.msk [tilespmem:v1+s29+$0x0], $0xffff;
	_ =	sdelay $0x1  }
0x2f1: {  	v22 =	vld.idx.msk [tilespmem:v2+s29+$0x0], $0xffff;
	_ =	sdelay $0x2  }
0x2f2: {  	v3 =	vadd.f32 v21, v3;
	_ =	sdelay $0x1  }
0x2f3: {  	v23 =	vadd.s32 $0x1, v0;
	v3 =	vadd.f32 v22, v3  }
0x2f4: {  	v24 =	vadd.s32 $0x1, v1  }
0x2f5: {  	v3 =	vmul.f32 $3.333333430e-01, v3  }
0x2f6: {  	v25 =	vadd.s32 $0x1, v2  }
0x2f7: {  	[tilespmem:$0x16330] =	vst v3  }
0x2f8: {  	v3 =	vld.idx.msk [tilespmem:v23+s29+$0x0], $0xffff  }
0x2f9: {  	v26 =	vld.idx.msk [tilespmem:v24+s29+$0x0], $0xffff;
	_ =	sdelay $0x1  }
0x2fa: {  	v27 =	vld.idx.msk [tilespmem:v25+s29+$0x0], $0xffff;
	_ =	sdelay $0x2  }
0x2fb: {  	v3 =	vadd.f32 v26, v3;
	_ =	sdelay $0x1  }
0x2fc: {  	v0 =	vadd.s32 $0x2, v0;
	v3 =	vadd.f32 v27, v3  }
0x2fd: {  	v1 =	vadd.s32 $0x2, v1  }
0x2fe: {  	v3 =	vmul.f32 $3.333333430e-01, v3  }
0x2ff: {  	v2 =	vadd.s32 $0x2, v2  }
0x300: {  	[tilespmem:$0x163B0] =	vst v3  }
0x301: {  	v0 =	vld.idx.msk [tilespmem:v0+s29+$0x0], $0xffff  }
0x302: {  	v1 =	vld.idx.msk [tilespmem:v1+s29+$0x0], $0xffff;
	_ =	sdelay $0x1  }
0x303: {  	v2 =	vld.idx.msk [tilespmem:v2+s29+$0x0], $0xffff;
	_ =	sdelay $0x2  }
0x304: {  	v0 =	vadd.f32 v1, v0;
	_ =	sdelay $0x1  }
0x305: {  	v0 =	vadd.f32 v2, v0;
	_ =	sdelay $0x1  }
0x306: {  	v0 =	vmul.f32 $3.333333430e-01, v0;
	_ =	sdelay $0x1  }
0x307: {  	[tilespmem:$0x16430] =	vst v0  }
0x308: {  	v0 =	vld [tilespmem:s20+$0xBB40]  }
0x309: {  	v28 =	vld [tilespmem:s20+$0xBBC0];
	_ =	sdelay $0x1  }
0x30a: {  	v29 =	vld [tilespmem:s20+$0xBC40];
	_ =	sdelay $0x1  }
0x30b: {  	v0 =	vmul.u32 $0x3, v0  }
0x30c: {  	v1 =	vmul.u32 $0x3, v28;
	_ =	sdelay $0x1  }
0x30d: {  	v2 =	vmul.u32 $0x3, v29;
	_ =	sdelay $0x2  }
0x30e: {  	v3 =	vld.idx.msk [tilespmem:v0+s29+$0x0], $0xffff  }
0x30f: {  	v30 =	vld.idx.msk [tilespmem:v1+s29+$0x0], $0xffff;
	_ =	sdelay $0x1  }
0x310: {  	v31 =	vld.idx.msk [tilespmem:v2+s29+$0x0], $0xffff;
	_ =	sdelay $0x2  }
0x311: {  	v3 =	vadd.f32 v30, v3;
	_ =	sdelay $0x1  }
0x312: {  	v32 =	vadd.s32 $0x1, v0;
	v3 =	vadd.f32 v31, v3  }
0x313: {  	v33 =	vadd.s32 $0x1, v1  }
0x314: {  	v3 =	vmul.f32 $3.333333430e-01, v3  }
0x315: {  	v34 =	vadd.s32 $0x1, v2  }
0x316: {  	[tilespmem:$0x16340] =	vst v3  }
0x317: {  	v3 =	vld.idx.msk [tilespmem:v32+s29+$0x0], $0xffff  }
0x318: {  	v35 =	vld.idx.msk [tilespmem:v33+s29+$0x0], $0xffff;
	_ =	sdelay $0x1  }
0x319: {  	v36 =	vld.idx.msk [tilespmem:v34+s29+$0x0], $0xffff;
	_ =	sdelay $0x2  }
0x31a: {  	v3 =	vadd.f32 v35, v3;
	_ =	sdelay $0x1  }
0x31b: {  	v0 =	vadd.s32 $0x2, v0;
	v3 =	vadd.f32 v36, v3  }
0x31c: {  	v1 =	vadd.s32 $0x2, v1  }
0x31d: {  	v3 =	vmul.f32 $3.333333430e-01, v3  }
0x31e: {  	v2 =	vadd.s32 $0x2, v2  }
0x31f: {  	[tilespmem:$0x163C0] =	vst v3  }
0x320: {  	v0 =	vld.idx.msk [tilespmem:v0+s29+$0x0], $0xffff  }
0x321: {  	v1 =	vld.idx.msk [tilespmem:v1+s29+$0x0], $0xffff;
	_ =	sdelay $0x1  }
0x322: {  	v2 =	vld.idx.msk [tilespmem:v2+s29+$0x0], $0xffff;
	_ =	sdelay $0x2  }
0x323: {  	v0 =	vadd.f32 v1, v0;
	_ =	sdelay $0x1  }
0x324: {  	v0 =	vadd.f32 v2, v0;
	_ =	sdelay $0x1  }
0x325: {  	v0 =	vmul.f32 $3.333333430e-01, v0;
	_ =	sdelay $0x1  }
0x326: {  	[tilespmem:$0x16440] =	vst v0  }
0x327: {  	v0 =	vld [tilespmem:s20+$0xBB50]  }
0x328: {  	v37 =	vld [tilespmem:s20+$0xBBD0];
	_ =	sdelay $0x1  }
0x329: {  	v38 =	vld [tilespmem:s20+$0xBC50];
	_ =	sdelay $0x1  }
0x32a: {  	v0 =	vmul.u32 $0x3, v0  }
0x32b: {  	v1 =	vmul.u32 $0x3, v37;
	_ =	sdelay $0x1  }
0x32c: {  	v2 =	vmul.u32 $0x3, v38;
	_ =	sdelay $0x2  }
0x32d: {  	v3 =	vld.idx.msk [tilespmem:v0+s29+$0x0], $0xffff  }
0x32e: {  	v39 =	vld.idx.msk [tilespmem:v1+s29+$0x0], $0xffff;
	_ =	sdelay $0x1  }
0x32f: {  	v40 =	vld.idx.msk [tilespmem:v2+s29+$0x0], $0xffff;
	_ =	sdelay $0x2  }
0x330: {  	v3 =	vadd.f32 v39, v3;
	_ =	sdelay $0x1  }
0x331: {  	v41 =	vadd.s32 $0x1, v0;
	v3 =	vadd.f32 v40, v3  }
0x332: {  	v42 =	vadd.s32 $0x1, v1  }
0x333: {  	v3 =	vmul.f32 $3.333333430e-01, v3  }
0x334: {  	v43 =	vadd.s32 $0x1, v2  }
0x335: {  	[tilespmem:$0x16350] =	vst v3  }
0x336: {  	v3 =	vld.idx.msk [tilespmem:v41+s29+$0x0], $0xffff  }
0x337: {  	v44 =	vld.idx.msk [tilespmem:v42+s29+$0x0], $0xffff;
	_ =	sdelay $0x1  }
0x338: {  	v45 =	vld.idx.msk [tilespmem:v43+s29+$0x0], $0xffff;
	_ =	sdelay $0x2  }
0x339: {  	v3 =	vadd.f32 v44, v3;
	_ =	sdelay $0x1  }
0x33a: {  	v0 =	vadd.s32 $0x2, v0;
	v3 =	vadd.f32 v45, v3  }
0x33b: {  	v1 =	vadd.s32 $0x2, v1  }
0x33c: {  	v3 =	vmul.f32 $3.333333430e-01, v3  }
0x33d: {  	v2 =	vadd.s32 $0x2, v2  }
0x33e: {  	[tilespmem:$0x163D0] =	vst v3  }
0x33f: {  	v0 =	vld.idx.msk [tilespmem:v0+s29+$0x0], $0xffff  }
0x340: {  	v1 =	vld.idx.msk [tilespmem:v1+s29+$0x0], $0xffff;
	_ =	sdelay $0x1  }
0x341: {  	v2 =	vld.idx.msk [tilespmem:v2+s29+$0x0], $0xffff;
	_ =	sdelay $0x2  }
0x342: {  	v0 =	vadd.f32 v1, v0;
	_ =	sdelay $0x1  }
0x343: {  	v0 =	vadd.f32 v2, v0;
	_ =	sdelay $0x1  }
0x344: {  	v0 =	vmul.f32 $3.333333430e-01, v0;
	_ =	sdelay $0x1  }
0x345: {  	[tilespmem:$0x16450] =	vst v0  }
0x346: {  	v0 =	vld [tilespmem:s20+$0xBB60]  }
0x347: {  	v46 =	vld [tilespmem:s20+$0xBBE0];
	_ =	sdelay $0x1  }
0x348: {  	v47 =	vld [tilespmem:s20+$0xBC60];
	_ =	sdelay $0x1  }
0x349: {  	v0 =	vmul.u32 $0x3, v0  }
0x34a: {  	v1 =	vmul.u32 $0x3, v46;
	_ =	sdelay $0x1  }
0x34b: {  	v2 =	vmul.u32 $0x3, v47;
	_ =	sdelay $0x2  }
0x34c: {  	v3 =	vld.idx.msk [tilespmem:v0+s29+$0x0], $0xffff  }
0x34d: {  	v48 =	vld.idx.msk [tilespmem:v1+s29+$0x0], $0xffff;
	_ =	sdelay $0x1  }
0x34e: {  	v49 =	vld.idx.msk [tilespmem:v2+s29+$0x0], $0xffff;
	_ =	sdelay $0x2  }
0x34f: {  	v3 =	vadd.f32 v48, v3;
	_ =	sdelay $0x1  }
0x350: {  	v50 =	vadd.s32 $0x1, v0;
	v3 =	vadd.f32 v49, v3  }
0x351: {  	v51 =	vadd.s32 $0x1, v1  }
0x352: {  	v3 =	vmul.f32 $3.333333430e-01, v3  }
0x353: {  	v52 =	vadd.s32 $0x1, v2  }
0x354: {  	[tilespmem:$0x16360] =	vst v3  }
0x355: {  	v3 =	vld.idx.msk [tilespmem:v50+s29+$0x0], $0xffff  }
0x356: {  	v53 =	vld.idx.msk [tilespmem:v51+s29+$0x0], $0xffff;
	_ =	sdelay $0x1  }
0x357: {  	v54 =	vld.idx.msk [tilespmem:v52+s29+$0x0], $0xffff;
	_ =	sdelay $0x2  }
0x358: {  	v3 =	vadd.f32 v53, v3;
	_ =	sdelay $0x1  }
0x359: {  	v0 =	vadd.s32 $0x2, v0;
	v3 =	vadd.f32 v54, v3  }
0x35a: {  	v1 =	vadd.s32 $0x2, v1  }
0x35b: {  	v3 =	vmul.f32 $3.333333430e-01, v3  }
0x35c: {  	v2 =	vadd.s32 $0x2, v2  }
0x35d: {  	[tilespmem:$0x163E0] =	vst v3  }
0x35e: {  	v0 =	vld.idx.msk [tilespmem:v0+s29+$0x0], $0xffff  }
0x35f: {  	v1 =	vld.idx.msk [tilespmem:v1+s29+$0x0], $0xffff;
	_ =	sdelay $0x1  }
0x360: {  	v2 =	vld.idx.msk [tilespmem:v2+s29+$0x0], $0xffff;
	_ =	sdelay $0x2  }
0x361: {  	v0 =	vadd.f32 v1, v0;
	_ =	sdelay $0x1  }
0x362: {  	v0 =	vadd.f32 v2, v0;
	_ =	sdelay $0x1  }
0x363: {  	v0 =	vmul.f32 $3.333333430e-01, v0;
	_ =	sdelay $0x1  }
0x364: {  	[tilespmem:$0x16460] =	vst v0  }
0x365: {  	v0 =	vld [tilespmem:s20+$0xBB70]  }
0x366: {  	v55 =	vld [tilespmem:s20+$0xBBF0];
	_ =	sdelay $0x1  }
0x367: {  	v56 =	vld [tilespmem:s20+$0xBC70];
	_ =	sdelay $0x1  }
0x368: {  	v0 =	vmul.u32 $0x3, v0  }
0x369: {  	v1 =	vmul.u32 $0x3, v55;
	_ =	sdelay $0x1  }
0x36a: {  	v2 =	vmul.u32 $0x3, v56;
	_ =	sdelay $0x2  }
0x36b: {  	v3 =	vld.idx.msk [tilespmem:v0+s29+$0x0], $0xffff  }
0x36c: {  	v57 =	vld.idx.msk [tilespmem:v1+s29+$0x0], $0xffff;
	_ =	sdelay $0x1  }
0x36d: {  	v58 =	vld.idx.msk [tilespmem:v2+s29+$0x0], $0xffff;
	_ =	sdelay $0x2  }
0x36e: {  	v3 =	vadd.f32 v57, v3;
	_ =	sdelay $0x1  }
0x36f: {  	v59 =	vadd.s32 $0x1, v0;
	v3 =	vadd.f32 v58, v3  }
0x370: {  	v60 =	vadd.s32 $0x1, v1  }
0x371: {  	v3 =	vmul.f32 $3.333333430e-01, v3  }
0x372: {  	v61 =	vadd.s32 $0x1, v2  }
0x373: {  	[tilespmem:$0x16370] =	vst v3  }
0x374: {  	v3 =	vld.idx.msk [tilespmem:v59+s29+$0x0], $0xffff  }
0x375: {  	v62 =	vld.idx.msk [tilespmem:v60+s29+$0x0], $0xffff;
	_ =	sdelay $0x1  }
0x376: {  	v63 =	vld.idx.msk [tilespmem:v61+s29+$0x0], $0xffff;
	_ =	sdelay $0x2  }
0x377: {  	v3 =	vadd.f32 v62, v3;
	_ =	sdelay $0x1  }
0x378: {  	v0 =	vadd.s32 $0x2, v0;
	v3 =	vadd.f32 v63, v3  }
0x379: {  	v1 =	vadd.s32 $0x2, v1  }
0x37a: {  	v3 =	vmul.f32 $3.333333430e-01, v3  }
0x37b: {  	v2 =	vadd.s32 $0x2, v2  }
0x37c: {  	[tilespmem:$0x163F0] =	vst v3  }
0x37d: {  	v0 =	vld.idx.msk [tilespmem:v0+s29+$0x0], $0xffff  }
0x37e: {  	v1 =	vld.idx.msk [tilespmem:v1+s29+$0x0], $0xffff;
	_ =	sdelay $0x1  }
0x37f: {  	v2 =	vld.idx.msk [tilespmem:v2+s29+$0x0], $0xffff;
	_ =	sdelay $0x2  }
0x380: {  	v0 =	vadd.f32 v1, v0;
	_ =	sdelay $0x1  }
0x381: {  	v0 =	vadd.f32 v2, v0;
	_ =	sdelay $0x1  }
0x382: {  	s3 =	sld [smem:$0x7E2];
	v0 =	vmul.f32 $3.333333430e-01, v0;
	_ =	sdelay $0x1  }
0x383: {  	s2 =	rddreg [dreg:$0x17];
	[tilespmem:$0x16470] =	vst v0  }
0x384: {  	[hbm4b:s2+s1] =	stream.linear.scatter [tilespmem:s3], [sflag:$0x1], $0x80, $0x38;
	[tilespmem:$0x16500] =	vst v63  }
0x385: {  	_ =	swait.ge [sflag:s28], $0x80  }
0x386: {  	s6 =	sld [smem:$0x7E3]  }
0x387: {  	[sflag:s28] =	ssyncset.done $0x0  }
0x388: {  	s5 =	rddreg [dreg:$0x18];
	[sflag:s28] =	ssyncadd.s32 $0xFFFFFF80  }
0x389: {  	[hbm4b:s5+s1] =	stream.linear.scatter [tilespmem:s6], [sflag:$0x1], $0x80, $0x38;
	[tilespmem:$0x16500] =	vst v63  }
0x38a: {  	_ =	swait.ge [sflag:s28], $0x80  }
0x38b: {  	s8 =	sld [smem:$0x7FD]  }
0x38c: {  	p0 =	sne.s32 s21, $0x1;
	[sflag:s28] =	ssyncset.done $0x0  }
.Ltmp0:
0x38d: {  	s7 =	rddreg [dreg:$0x19];
	[sflag:s28] =	ssyncadd.s32 $0xFFFFFF80;
	(pc) =	sbr.rel @p0 .LBB2_1-.Ltmp0, $4  }
0x38e: {  	[hbm4b:s7+s1] =	stream.linear.scatter [tilespmem:s8], [sflag:$0x1], $0x80, $0x38;
	[tilespmem:$0x16500] =	vst v63  }
0x38f: {  	_ =	swait.ge [sflag:s28], $0x80  }
0x390: {  	[sflag:s28] =	ssyncset.done $0x0  }
0x391: {  	s21 =	sadd.s32 $0xFFFFFFFF, s21;
	[sflag:s28] =	ssyncadd.s32 $0xFFFFFF80  }
0x392: {  	_ =	sfence.sel $0x180000  }
0x393: {  	[bflag:$0x0] =	sbarrier.arrive $0xFFFF  }
0x394: {  	_ =	strace $0x90000047  }
0x395: {  	s0 =	stileid.u32;
	[bflag:$0x2] =	sbarrier.arrive $0xFFFF  }
0x396: {  	p0 =	sne.s32 s0, $0x0;
	s0 =	rddreg [dreg:$0x3]  }
0x397: {  	s0 =	sadd.s32 @!p0 $0x100000, s0  }
0x398: {  	[sflag:s0] =	ssyncadd.tile.s32 @!p0 $0x1;
	_ =	shalt  }
.Lfunc_end2:
_tile_overlayer_lowered:
.L_overlay_start_2:
0x399: {  	(tag) =	ssettag $0x2  }
0x39a: {  	s0 =	rddreg [dreg:$0x0];
	s2 =	stileid.u32  }
0x39b: {  	s1 =	rddreg [dreg:$0x1];
	p0 =	sne.s32 s2, $0x0  }
0x39c: {  	s3 =	rddreg [dreg:$0x2];
	[bflag:$0x3] =	sbarrier.arrive $0xFFFF;
	s2 =	simm.s32 @!p0 $0x1C01  }
0x39d: {  	[timem:s3], [sflag:s2] =	dma.local @!p0 [hbm:s0], s1  }
0x39e: {  	s0 =	simm.s32 @!p0 $0x1  }
0x39f: {  	_ =	swait.ge @!p0 [sflag:s0], s1  }
0x3a0: {  	s1 =	ssub.s32 @!p0 $0x0, s1;
	[sflag:s0] =	ssyncset.done @!p0 $0x0  }
0x3a1: {  	[sflag:s0] =	ssyncadd.s32 @!p0 s1  }
0x3a2: {  	[bflag:$0x3] =	sbarrier.arrive $0xFFFF  }
0x3a3: {  	_ =	shalt  }

</sc_bundles>
